<compile_context>
chip_gen: v7x
topology: tpu7x:2x2x1
jax: 0.10.2.dev20260603
libtpu: 0.0.44.dev20260713+nightly
codegen_flags: <defaults>
</compile_context>

<pallas_src>
import functools

import jax
import jax.numpy as jnp
from jax import lax
from jax.experimental import pallas as pl
from jax.experimental.pallas import tpu as pltpu
from jax.experimental.pallas import tpu_sc as plsc

_CHANNEL_INDICES = tuple(range(64))

_B, _C, _D = 1024, 64, 768


def _coalesce_runs(indices):
    runs = []
    out_start, src_start, length = 0, indices[0], 1
    for pos in range(1, len(indices)):
        if indices[pos] == indices[pos - 1] + 1:
            length += 1
        else:
            runs.append((out_start, src_start, length))
            out_start, src_start, length = pos, indices[pos], 1
    runs.append((out_start, src_start, length))
    return runs


_RUNS = _coalesce_runs(_CHANNEL_INDICES)

_NUM_WORKERS = 32
_ROWS_PER_WORKER = _B // _NUM_WORKERS

_NBUF = 2
_LOOK = 1
_CB = _C
_NCHUNK = _ROWS_PER_WORKER * (_C // _CB)


def _chunk_coords(i):
    per = _C // _CB
    return i // per, (i % per) * _CB


@functools.partial(
    pl.kernel,
    out_type=jax.ShapeDtypeStruct((_B, _C, _D), jnp.float32),
    mesh=plsc.VectorSubcoreMesh(core_axis_name="c", subcore_axis_name="s"),
    scratch_types=[
        pltpu.VMEM((_NBUF, _CB, _D), jnp.float32),
        [pltpu.SemaphoreType.DMA] * _NBUF,
        [pltpu.SemaphoreType.DMA] * _NBUF,
    ],
)
def _sc_gather_copy(x_hbm, out_hbm, buf, in_sems, out_sems):
    wid = lax.axis_index("s") * 2 + lax.axis_index("c")
    base = wid * _ROWS_PER_WORKER

    def load(i):
        row, c0 = _chunk_coords(i)
        s = i % _NBUF
        copies = []
        for out_start, src_start, length in _RUNS:
            lo = max(out_start, c0)
            hi = min(out_start + length, c0 + _CB)
            if lo >= hi:
                continue
            src_lo = src_start + (lo - out_start)
            copies.append(
                pltpu.make_async_copy(
                    x_hbm.at[base + row, pl.ds(src_lo, hi - lo)],
                    buf.at[s, pl.ds(lo - c0, hi - lo)],
                    in_sems[s],
                )
            )
        return copies

    def store(i):
        row, c0 = _chunk_coords(i)
        s = i % _NBUF
        return pltpu.make_async_copy(
            buf.at[s], out_hbm.at[base + row, pl.ds(c0, _CB)], out_sems[s]
        )

    store_waited = set()

    def wait_store(k):
        if 0 <= k < _NCHUNK and k not in store_waited:
            store(k).wait()
            store_waited.add(k)

    for j in range(_LOOK):
        for cpy in load(j):
            cpy.start()
    for i in range(_NCHUNK):
        for cpy in load(i):
            cpy.wait()
        store(i).start()
        nxt = i + _LOOK
        if nxt < _NCHUNK:
            wait_store(nxt - _NBUF)
            for cpy in load(nxt):
                cpy.start()
    for k in range(_NCHUNK):
        wait_store(k)


def kernel(x):
    return _sc_gather_copy(x)

# --- scband reference (transcript-rebuilt; emitter-appended) ---
"""Pipeline reference for scband-connector-3796751089860 (READ-ONLY COPY).

The authoritative reference and input builder live on the scoring server;
editing this copy changes nothing except your own understanding.
"""

import jax, jax.numpy as jnp
import numpy as np

# Mirrors torch Connector.__init__: indices = [input_semantics.index(s) for s in input_semantics]
INPUT_SEMANTICS = ["ch_%d" % i for i in range(64)]
OUTPUT_SEMANTICS = ["ch_%d" % i for i in range(64)]
INDICES = [INPUT_SEMANTICS.index(s) for s in INPUT_SEMANTICS]


def setup_inputs(seed: int = 0) -> dict:
    key = jax.random.key(seed)
    x = jax.random.normal(key, (1024, 64, 768), dtype=jnp.float32)
    return {"x": x}


def reference(x):
    # forward: return x[:, self.indices, :]  -> gather along channel axis
    idx = jnp.asarray(INDICES, dtype=jnp.int32)
    return jnp.take(x, idx, axis=1)

if __name__ == "__main__":
    import jax
    _d = setup_inputs()
    print(jax.jit(kernel)(*tuple(_d.values())))

</pallas_src>

<mosaic_0001>
#map = affine_map<(d0, d1) -> (0, 0, 0)>
module attributes {stable_mosaic.version = 14 : i64} {
  func.func @_sc_gather_copy(%arg0: i32, %arg1: i32, %arg2: memref<1024x64x768xf32, #tpu.memory_space<hbm>>, %arg3: memref<1024x64x768xf32, #tpu.memory_space<hbm>>, %arg4: memref<2x64x768xf32, #tpu.memory_space<vmem>>, %arg5: memref<!tpu.dma_semaphore, #tpu.memory_space<semaphore_mem>>, %arg6: memref<!tpu.dma_semaphore, #tpu.memory_space<semaphore_mem>>, %arg7: memref<!tpu.dma_semaphore, #tpu.memory_space<semaphore_mem>>, %arg8: memref<!tpu.dma_semaphore, #tpu.memory_space<semaphore_mem>>) attributes {dimension_semantics = [#tpu.dimension_semantics<core_parallel>, #tpu.dimension_semantics<subcore_parallel>], iteration_bounds = array<i64: 2, 16>, scalar_prefetch = 0 : i64, scratch_operands = 5 : i64, tpu.core_type = #tpu.core_type<sc_vector_subcore>, window_params = [{transform_indices = #map}, {transform_indices = #map}]} {
    %mul3A = arith.constant 2 : i32
    %mul3A_0 = arith.muli %arg1, %mul3A : i32
    %add3A = arith.addi %mul3A_0, %arg0 : i32
    %mul3A_1 = arith.constant 32 : i32
    %mul3A_2 = arith.muli %add3A, %mul3A_1 : i32
    %add3A_3 = arith.constant 0 : i32
    %add3A_4 = arith.addi %mul3A_2, %add3A_3 : i32
    %dma_start3A = arith.constant 0 : i32
    %dma_start3A_5 = arith.constant 0 : i32
    %dma_start3A_6 = arith.constant 0 : i32
    %dma_start3A_7 = tpu.memref_slice %arg4[%dma_start3A, %dma_start3A_5, %dma_start3A_6] : memref<2x64x768xf32, #tpu.memory_space<vmem>> -> memref<1x64x768xf32, #tpu.memory_space<vmem>>
    %dma_start3A_8 = tpu.memref_squeeze %dma_start3A_7 : memref<1x64x768xf32, #tpu.memory_space<vmem>> -> memref<64x768xf32, #tpu.memory_space<vmem>>
    %dma_start3A_9 = arith.constant 0 : i32
    %dma_start3A_10 = arith.constant 0 : i32
    %dma_start3A_11 = tpu.memref_slice %arg2[%add3A_4, %dma_start3A_9, %dma_start3A_10] : memref<1024x64x768xf32, #tpu.memory_space<hbm>> -> memref<1x64x768xf32, #tpu.memory_space<hbm>>
    %dma_start3A_12 = tpu.memref_squeeze %dma_start3A_11 : memref<1x64x768xf32, #tpu.memory_space<hbm>> -> memref<64x768xf32, #tpu.memory_space<hbm>>
    %dma_start3A_13 = arith.constant 0 : i32
    %dma_start3A_14 = arith.constant 0 : i32
    %dma_start3A_15 = tpu.memref_slice %arg4[%dma_start3A, %dma_start3A_13, %dma_start3A_14] : memref<2x64x768xf32, #tpu.memory_space<vmem>> -> memref<1x64x768xf32, #tpu.memory_space<vmem>>
    %dma_start3A_16 = tpu.memref_squeeze %dma_start3A_15 : memref<1x64x768xf32, #tpu.memory_space<vmem>> -> memref<64x768xf32, #tpu.memory_space<vmem>>
    %dma_start3A_17 = arith.constant 0 : i32
    %dma_start3A_18 = arith.constant 0 : i32
    %dma_start3A_19 = tpu.memref_slice %arg2[%add3A_4, %dma_start3A_17, %dma_start3A_18] : memref<1024x64x768xf32, #tpu.memory_space<hbm>> -> memref<1x64x768xf32, #tpu.memory_space<hbm>>
    %dma_start3A_20 = tpu.memref_squeeze %dma_start3A_19 : memref<1x64x768xf32, #tpu.memory_space<hbm>> -> memref<64x768xf32, #tpu.memory_space<hbm>>
    tpu.enqueue_dma source(%dma_start3A_20 : memref<64x768xf32, #tpu.memory_space<hbm>>) target(%dma_start3A_16 : memref<64x768xf32, #tpu.memory_space<vmem>>) target_semaphore(%arg5 : memref<!tpu.dma_semaphore, #tpu.memory_space<semaphore_mem>>)
    %add3A_21 = arith.constant 0 : i32
    %add3A_22 = arith.addi %mul3A_2, %add3A_21 : i32
    %dma_wait3A = arith.constant 0 : i32
    %dma_wait3A_23 = arith.constant 0 : i32
    %dma_wait3A_24 = arith.constant 0 : i32
    %dma_wait3A_25 = tpu.memref_slice %arg4[%dma_wait3A, %dma_wait3A_23, %dma_wait3A_24] : memref<2x64x768xf32, #tpu.memory_space<vmem>> -> memref<1x64x768xf32, #tpu.memory_space<vmem>>
    %dma_wait3A_26 = tpu.memref_squeeze %dma_wait3A_25 : memref<1x64x768xf32, #tpu.memory_space<vmem>> -> memref<64x768xf32, #tpu.memory_space<vmem>>
    %dma_wait3A_27 = arith.constant 0 : i32
    %dma_wait3A_28 = arith.constant 0 : i32
    %dma_wait3A_29 = tpu.memref_slice %arg2[%add3A_22, %dma_wait3A_27, %dma_wait3A_28] : memref<1024x64x768xf32, #tpu.memory_space<hbm>> -> memref<1x64x768xf32, #tpu.memory_space<hbm>>
    %dma_wait3A_30 = tpu.memref_squeeze %dma_wait3A_29 : memref<1x64x768xf32, #tpu.memory_space<hbm>> -> memref<64x768xf32, #tpu.memory_space<hbm>>
    %dma_wait3A_31 = arith.constant 0 : i32
    %dma_wait3A_32 = arith.constant 0 : i32
    %dma_wait3A_33 = tpu.memref_slice %arg4[%dma_wait3A, %dma_wait3A_31, %dma_wait3A_32] : memref<2x64x768xf32, #tpu.memory_space<vmem>> -> memref<1x64x768xf32, #tpu.memory_space<vmem>>
    %dma_wait3A_34 = tpu.memref_squeeze %dma_wait3A_33 : memref<1x64x768xf32, #tpu.memory_space<vmem>> -> memref<64x768xf32, #tpu.memory_space<vmem>>
    %dma_wait3A_35 = arith.constant 0 : i32
    %dma_wait3A_36 = arith.constant 0 : i32
    %dma_wait3A_37 = tpu.memref_slice %arg2[%add3A_22, %dma_wait3A_35, %dma_wait3A_36] : memref<1024x64x768xf32, #tpu.memory_space<hbm>> -> memref<1x64x768xf32, #tpu.memory_space<hbm>>
    %dma_wait3A_38 = tpu.memref_squeeze %dma_wait3A_37 : memref<1x64x768xf32, #tpu.memory_space<hbm>> -> memref<64x768xf32, #tpu.memory_space<hbm>>
    tpu.wait_dma2 semaphore(%arg5 : memref<!tpu.dma_semaphore, #tpu.memory_space<semaphore_mem>>) src(%dma_wait3A_38 : memref<64x768xf32, #tpu.memory_space<hbm>>) dst(%dma_wait3A_34 : memref<64x768xf32, #tpu.memory_space<vmem>>)
    %add3A_39 = arith.constant 0 : i32
    %add3A_40 = arith.addi %mul3A_2, %add3A_39 : i32
    %dma_start3A_41 = arith.constant 0 : i32
    %dma_start3A_42 = arith.constant 0 : i32
    %dma_start3A_43 = arith.constant 0 : i32
    %dma_start3A_44 = tpu.memref_slice %arg4[%dma_start3A_41, %dma_start3A_42, %dma_start3A_43] : memref<2x64x768xf32, #tpu.memory_space<vmem>> -> memref<1x64x768xf32, #tpu.memory_space<vmem>>
    %dma_start3A_45 = tpu.memref_squeeze %dma_start3A_44 : memref<1x64x768xf32, #tpu.memory_space<vmem>> -> memref<64x768xf32, #tpu.memory_space<vmem>>
    %dma_start3A_46 = arith.constant 0 : i32
    %dma_start3A_47 = arith.constant 0 : i32
    %dma_start3A_48 = tpu.memref_slice %arg3[%add3A_40, %dma_start3A_46, %dma_start3A_47] : memref<1024x64x768xf32, #tpu.memory_space<hbm>> -> memref<1x64x768xf32, #tpu.memory_space<hbm>>
    %dma_start3A_49 = tpu.memref_squeeze %dma_start3A_48 : memref<1x64x768xf32, #tpu.memory_space<hbm>> -> memref<64x768xf32, #tpu.memory_space<hbm>>
    %dma_start3A_50 = arith.constant 0 : i32
    %dma_start3A_51 = arith.constant 0 : i32
    %dma_start3A_52 = tpu.memref_slice %arg3[%add3A_40, %dma_start3A_50, %dma_start3A_51] : memref<1024x64x768xf32, #tpu.memory_space<hbm>> -> memref<1x64x768xf32, #tpu.memory_space<hbm>>
    %dma_start3A_53 = tpu.memref_squeeze %dma_start3A_52 : memref<1x64x768xf32, #tpu.memory_space<hbm>> -> memref<64x768xf32, #tpu.memory_space<hbm>>
    %dma_start3A_54 = arith.constant 0 : i32
    %dma_start3A_55 = arith.constant 0 : i32
    %dma_start3A_56 = tpu.memref_slice %arg4[%dma_start3A_41, %dma_start3A_54, %dma_start3A_55] : memref<2x64x768xf32, #tpu.memory_space<vmem>> -> memref<1x64x768xf32, #tpu.memory_space<vmem>>
    %dma_start3A_57 = tpu.memref_squeeze %dma_start3A_56 : memref<1x64x768xf32, #tpu.memory_space<vmem>> -> memref<64x768xf32, #tpu.memory_space<vmem>>
    tpu.enqueue_dma source(%dma_start3A_57 : memref<64x768xf32, #tpu.memory_space<vmem>>) target(%dma_start3A_53 : memref<64x768xf32, #tpu.memory_space<hbm>>) target_semaphore(%arg7 : memref<!tpu.dma_semaphore, #tpu.memory_space<semaphore_mem>>)
    %add3A_58 = arith.constant 1 : i32
    %add3A_59 = arith.addi %mul3A_2, %add3A_58 : i32
    %dma_start3A_60 = arith.constant 1 : i32
    %dma_start3A_61 = arith.constant 0 : i32
    %dma_start3A_62 = arith.constant 0 : i32
    %dma_start3A_63 = tpu.memref_slice %arg4[%dma_start3A_60, %dma_start3A_61, %dma_start3A_62] : memref<2x64x768xf32, #tpu.memory_space<vmem>> -> memref<1x64x768xf32, #tpu.memory_space<vmem>>
    %dma_start3A_64 = tpu.memref_squeeze %dma_start3A_63 : memref<1x64x768xf32, #tpu.memory_space<vmem>> -> memref<64x768xf32, #tpu.memory_space<vmem>>
    %dma_start3A_65 = arith.constant 0 : i32
    %dma_start3A_66 = arith.constant 0 : i32
    %dma_start3A_67 = tpu.memref_slice %arg2[%add3A_59, %dma_start3A_65, %dma_start3A_66] : memref<1024x64x768xf32, #tpu.memory_space<hbm>> -> memref<1x64x768xf32, #tpu.memory_space<hbm>>
    %dma_start3A_68 = tpu.memref_squeeze %dma_start3A_67 : memref<1x64x768xf32, #tpu.memory_space<hbm>> -> memref<64x768xf32, #tpu.memory_space<hbm>>
    %dma_start3A_69 = arith.constant 0 : i32
    %dma_start3A_70 = arith.constant 0 : i32
    %dma_start3A_71 = tpu.memref_slice %arg4[%dma_start3A_60, %dma_start3A_69, %dma_start3A_70] : memref<2x64x768xf32, #tpu.memory_space<vmem>> -> memref<1x64x768xf32, #tpu.memory_space<vmem>>
    %dma_start3A_72 = tpu.memref_squeeze %dma_start3A_71 : memref<1x64x768xf32, #tpu.memory_space<vmem>> -> memref<64x768xf32, #tpu.memory_space<vmem>>
    %dma_start3A_73 = arith.constant 0 : i32
    %dma_start3A_74 = arith.constant 0 : i32
    %dma_start3A_75 = tpu.memref_slice %arg2[%add3A_59, %dma_start3A_73, %dma_start3A_74] : memref<1024x64x768xf32, #tpu.memory_space<hbm>> -> memref<1x64x768xf32, #tpu.memory_space<hbm>>
    %dma_start3A_76 = tpu.memref_squeeze %dma_start3A_75 : memref<1x64x768xf32, #tpu.memory_space<hbm>> -> memref<64x768xf32, #tpu.memory_space<hbm>>
    tpu.enqueue_dma source(%dma_start3A_76 : memref<64x768xf32, #tpu.memory_space<hbm>>) target(%dma_start3A_72 : memref<64x768xf32, #tpu.memory_space<vmem>>) target_semaphore(%arg6 : memref<!tpu.dma_semaphore, #tpu.memory_space<semaphore_mem>>)
    %add3A_77 = arith.constant 1 : i32
    %add3A_78 = arith.addi %mul3A_2, %add3A_77 : i32
    %dma_wait3A_79 = arith.constant 1 : i32
    %dma_wait3A_80 = arith.constant 0 : i32
    %dma_wait3A_81 = arith.constant 0 : i32
    %dma_wait3A_82 = tpu.memref_slice %arg4[%dma_wait3A_79, %dma_wait3A_80, %dma_wait3A_81] : memref<2x64x768xf32, #tpu.memory_space<vmem>> -> memref<1x64x768xf32, #tpu.memory_space<vmem>>
    %dma_wait3A_83 = tpu.memref_squeeze %dma_wait3A_82 : memref<1x64x768xf32, #tpu.memory_space<vmem>> -> memref<64x768xf32, #tpu.memory_space<vmem>>
    %dma_wait3A_84 = arith.constant 0 : i32
    %dma_wait3A_85 = arith.constant 0 : i32
    %dma_wait3A_86 = tpu.memref_slice %arg2[%add3A_78, %dma_wait3A_84, %dma_wait3A_85] : memref<1024x64x768xf32, #tpu.memory_space<hbm>> -> memref<1x64x768xf32, #tpu.memory_space<hbm>>
    %dma_wait3A_87 = tpu.memref_squeeze %dma_wait3A_86 : memref<1x64x768xf32, #tpu.memory_space<hbm>> -> memref<64x768xf32, #tpu.memory_space<hbm>>
    %dma_wait3A_88 = arith.constant 0 : i32
    %dma_wait3A_89 = arith.constant 0 : i32
    %dma_wait3A_90 = tpu.memref_slice %arg4[%dma_wait3A_79, %dma_wait3A_88, %dma_wait3A_89] : memref<2x64x768xf32, #tpu.memory_space<vmem>> -> memref<1x64x768xf32, #tpu.memory_space<vmem>>
    %dma_wait3A_91 = tpu.memref_squeeze %dma_wait3A_90 : memref<1x64x768xf32, #tpu.memory_space<vmem>> -> memref<64x768xf32, #tpu.memory_space<vmem>>
    %dma_wait3A_92 = arith.constant 0 : i32
    %dma_wait3A_93 = arith.constant 0 : i32
    %dma_wait3A_94 = tpu.memref_slice %arg2[%add3A_78, %dma_wait3A_92, %dma_wait3A_93] : memref<1024x64x768xf32, #tpu.memory_space<hbm>> -> memref<1x64x768xf32, #tpu.memory_space<hbm>>
    %dma_wait3A_95 = tpu.memref_squeeze %dma_wait3A_94 : memref<1x64x768xf32, #tpu.memory_space<hbm>> -> memref<64x768xf32, #tpu.memory_space<hbm>>
    tpu.wait_dma2 semaphore(%arg6 : memref<!tpu.dma_semaphore, #tpu.memory_space<semaphore_mem>>) src(%dma_wait3A_95 : memref<64x768xf32, #tpu.memory_space<hbm>>) dst(%dma_wait3A_91 : memref<64x768xf32, #tpu.memory_space<vmem>>)
    %add3A_96 = arith.constant 1 : i32
    %add3A_97 = arith.addi %mul3A_2, %add3A_96 : i32
    %dma_start3A_98 = arith.constant 1 : i32
    %dma_start3A_99 = arith.constant 0 : i32
    %dma_start3A_100 = arith.constant 0 : i32
    %dma_start3A_101 = tpu.memref_slice %arg4[%dma_start3A_98, %dma_start3A_99, %dma_start3A_100] : memref<2x64x768xf32, #tpu.memory_space<vmem>> -> memref<1x64x768xf32, #tpu.memory_space<vmem>>
    %dma_start3A_102 = tpu.memref_squeeze %dma_start3A_101 : memref<1x64x768xf32, #tpu.memory_space<vmem>> -> memref<64x768xf32, #tpu.memory_space<vmem>>
    %dma_start3A_103 = arith.constant 0 : i32
    %dma_start3A_104 = arith.constant 0 : i32
    %dma_start3A_105 = tpu.memref_slice %arg3[%add3A_97, %dma_start3A_103, %dma_start3A_104] : memref<1024x64x768xf32, #tpu.memory_space<hbm>> -> memref<1x64x768xf32, #tpu.memory_space<hbm>>
    %dma_start3A_106 = tpu.memref_squeeze %dma_start3A_105 : memref<1x64x768xf32, #tpu.memory_space<hbm>> -> memref<64x768xf32, #tpu.memory_space<hbm>>
    %dma_start3A_107 = arith.constant 0 : i32
    %dma_start3A_108 = arith.constant 0 : i32
    %dma_start3A_109 = tpu.memref_slice %arg3[%add3A_97, %dma_start3A_107, %dma_start3A_108] : memref<1024x64x768xf32, #tpu.memory_space<hbm>> -> memref<1x64x768xf32, #tpu.memory_space<hbm>>
    %dma_start3A_110 = tpu.memref_squeeze %dma_start3A_109 : memref<1x64x768xf32, #tpu.memory_space<hbm>> -> memref<64x768xf32, #tpu.memory_space<hbm>>
    %dma_start3A_111 = arith.constant 0 : i32
    %dma_start3A_112 = arith.constant 0 : i32
    %dma_start3A_113 = tpu.memref_slice %arg4[%dma_start3A_98, %dma_start3A_111, %dma_start3A_112] : memref<2x64x768xf32, #tpu.memory_space<vmem>> -> memref<1x64x768xf32, #tpu.memory_space<vmem>>
    %dma_start3A_114 = tpu.memref_squeeze %dma_start3A_113 : memref<1x64x768xf32, #tpu.memory_space<vmem>> -> memref<64x768xf32, #tpu.memory_space<vmem>>
    tpu.enqueue_dma source(%dma_start3A_114 : memref<64x768xf32, #tpu.memory_space<vmem>>) target(%dma_start3A_110 : memref<64x768xf32, #tpu.memory_space<hbm>>) target_semaphore(%arg8 : memref<!tpu.dma_semaphore, #tpu.memory_space<semaphore_mem>>)
    %add3A_115 = arith.constant 0 : i32
    %add3A_116 = arith.addi %mul3A_2, %add3A_115 : i32
    %dma_wait3A_117 = arith.constant 0 : i32
    %dma_wait3A_118 = arith.constant 0 : i32
    %dma_wait3A_119 = arith.constant 0 : i32
    %dma_wait3A_120 = tpu.memref_slice %arg4[%dma_wait3A_117, %dma_wait3A_118, %dma_wait3A_119] : memref<2x64x768xf32, #tpu.memory_space<vmem>> -> memref<1x64x768xf32, #tpu.memory_space<vmem>>
    %dma_wait3A_121 = tpu.memref_squeeze %dma_wait3A_120 : memref<1x64x768xf32, #tpu.memory_space<vmem>> -> memref<64x768xf32, #tpu.memory_space<vmem>>
    %dma_wait3A_122 = arith.constant 0 : i32
    %dma_wait3A_123 = arith.constant 0 : i32
    %dma_wait3A_124 = tpu.memref_slice %arg3[%add3A_116, %dma_wait3A_122, %dma_wait3A_123] : memref<1024x64x768xf32, #tpu.memory_space<hbm>> -> memref<1x64x768xf32, #tpu.memory_space<hbm>>
    %dma_wait3A_125 = tpu.memref_squeeze %dma_wait3A_124 : memref<1x64x768xf32, #tpu.memory_space<hbm>> -> memref<64x768xf32, #tpu.memory_space<hbm>>
    %dma_wait3A_126 = arith.constant 0 : i32
    %dma_wait3A_127 = arith.constant 0 : i32
    %dma_wait3A_128 = tpu.memref_slice %arg3[%add3A_116, %dma_wait3A_126, %dma_wait3A_127] : memref<1024x64x768xf32, #tpu.memory_space<hbm>> -> memref<1x64x768xf32, #tpu.memory_space<hbm>>
    %dma_wait3A_129 = tpu.memref_squeeze %dma_wait3A_128 : memref<1x64x768xf32, #tpu.memory_space<hbm>> -> memref<64x768xf32, #tpu.memory_space<hbm>>
    %dma_wait3A_130 = arith.constant 0 : i32
    %dma_wait3A_131 = arith.constant 0 : i32
    %dma_wait3A_132 = tpu.memref_slice %arg4[%dma_wait3A_117, %dma_wait3A_130, %dma_wait3A_131] : memref<2x64x768xf32, #tpu.memory_space<vmem>> -> memref<1x64x768xf32, #tpu.memory_space<vmem>>
    %dma_wait3A_133 = tpu.memref_squeeze %dma_wait3A_132 : memref<1x64x768xf32, #tpu.memory_space<vmem>> -> memref<64x768xf32, #tpu.memory_space<vmem>>
    tpu.wait_dma2 semaphore(%arg7 : memref<!tpu.dma_semaphore, #tpu.memory_space<semaphore_mem>>) src(%dma_wait3A_133 : memref<64x768xf32, #tpu.memory_space<vmem>>) dst(%dma_wait3A_129 : memref<64x768xf32, #tpu.memory_space<hbm>>)
    %add3A_134 = arith.constant 2 : i32
    %add3A_135 = arith.addi %mul3A_2, %add3A_134 : i32
    %dma_start3A_136 = arith.constant 0 : i32
    %dma_start3A_137 = arith.constant 0 : i32
    %dma_start3A_138 = arith.constant 0 : i32
    %dma_start3A_139 = tpu.memref_slice %arg4[%dma_start3A_136, %dma_start3A_137, %dma_start3A_138] : memref<2x64x768xf32, #tpu.memory_space<vmem>> -> memref<1x64x768xf32, #tpu.memory_space<vmem>>
    %dma_start3A_140 = tpu.memref_squeeze %dma_start3A_139 : memref<1x64x768xf32, #tpu.memory_space<vmem>> -> memref<64x768xf32, #tpu.memory_space<vmem>>
    %dma_start3A_141 = arith.constant 0 : i32
    %dma_start3A_142 = arith.constant 0 : i32
    %dma_start3A_143 = tpu.memref_slice %arg2[%add3A_135, %dma_start3A_141, %dma_start3A_142] : memref<1024x64x768xf32, #tpu.memory_space<hbm>> -> memref<1x64x768xf32, #tpu.memory_space<hbm>>
    %dma_start3A_144 = tpu.memref_squeeze %dma_start3A_143 : memref<1x64x768xf32, #tpu.memory_space<hbm>> -> memref<64x768xf32, #tpu.memory_space<hbm>>
    %dma_start3A_145 = arith.constant 0 : i32
    %dma_start3A_146 = arith.constant 0 : i32
    %dma_start3A_147 = tpu.memref_slice %arg4[%dma_start3A_136, %dma_start3A_145, %dma_start3A_146] : memref<2x64x768xf32, #tpu.memory_space<vmem>> -> memref<1x64x768xf32, #tpu.memory_space<vmem>>
    %dma_start3A_148 = tpu.memref_squeeze %dma_start3A_147 : memref<1x64x768xf32, #tpu.memory_space<vmem>> -> memref<64x768xf32, #tpu.memory_space<vmem>>
    %dma_start3A_149 = arith.constant 0 : i32
    %dma_start3A_150 = arith.constant 0 : i32
    %dma_start3A_151 = tpu.memref_slice %arg2[%add3A_135, %dma_start3A_149, %dma_start3A_150] : memref<1024x64x768xf32, #tpu.memory_space<hbm>> -> memref<1x64x768xf32, #tpu.memory_space<hbm>>
    %dma_start3A_152 = tpu.memref_squeeze %dma_start3A_151 : memref<1x64x768xf32, #tpu.memory_space<hbm>> -> memref<64x768xf32, #tpu.memory_space<hbm>>
    tpu.enqueue_dma source(%dma_start3A_152 : memref<64x768xf32, #tpu.memory_space<hbm>>) target(%dma_start3A_148 : memref<64x768xf32, #tpu.memory_space<vmem>>) target_semaphore(%arg5 : memref<!tpu.dma_semaphore, #tpu.memory_space<semaphore_mem>>)
    %add3A_153 = arith.constant 2 : i32
    %add3A_154 = arith.addi %mul3A_2, %add3A_153 : i32
    %dma_wait3A_155 = arith.constant 0 : i32
    %dma_wait3A_156 = arith.constant 0 : i32
    %dma_wait3A_157 = arith.constant 0 : i32
    %dma_wait3A_158 = tpu.memref_slice %arg4[%dma_wait3A_155, %dma_wait3A_156, %dma_wait3A_157] : memref<2x64x768xf32, #tpu.memory_space<vmem>> -> memref<1x64x768xf32, #tpu.memory_space<vmem>>
    %dma_wait3A_159 = tpu.memref_squeeze %dma_wait3A_158 : memref<1x64x768xf32, #tpu.memory_space<vmem>> -> memref<64x768xf32, #tpu.memory_space<vmem>>
    %dma_wait3A_160 = arith.constant 0 : i32
    %dma_wait3A_161 = arith.constant 0 : i32
    %dma_wait3A_162 = tpu.memref_slice %arg2[%add3A_154, %dma_wait3A_160, %dma_wait3A_161] : memref<1024x64x768xf32, #tpu.memory_space<hbm>> -> memref<1x64x768xf32, #tpu.memory_space<hbm>>
    %dma_wait3A_163 = tpu.memref_squeeze %dma_wait3A_162 : memref<1x64x768xf32, #tpu.memory_space<hbm>> -> memref<64x768xf32, #tpu.memory_space<hbm>>
    %dma_wait3A_164 = arith.constant 0 : i32
    %dma_wait3A_165 = arith.constant 0 : i32
    %dma_wait3A_166 = tpu.memref_slice %arg4[%dma_wait3A_155, %dma_wait3A_164, %dma_wait3A_165] : memref<2x64x768xf32, #tpu.memory_space<vmem>> -> memref<1x64x768xf32, #tpu.memory_space<vmem>>
    %dma_wait3A_167 = tpu.memref_squeeze %dma_wait3A_166 : memref<1x64x768xf32, #tpu.memory_space<vmem>> -> memref<64x768xf32, #tpu.memory_space<vmem>>
    %dma_wait3A_168 = arith.constant 0 : i32
    %dma_wait3A_169 = arith.constant 0 : i32
    %dma_wait3A_170 = tpu.memref_slice %arg2[%add3A_154, %dma_wait3A_168, %dma_wait3A_169] : memref<1024x64x768xf32, #tpu.memory_space<hbm>> -> memref<1x64x768xf32, #tpu.memory_space<hbm>>
    %dma_wait3A_171 = tpu.memref_squeeze %dma_wait3A_170 : memref<1x64x768xf32, #tpu.memory_space<hbm>> -> memref<64x768xf32, #tpu.memory_space<hbm>>
    tpu.wait_dma2 semaphore(%arg5 : memref<!tpu.dma_semaphore, #tpu.memory_space<semaphore_mem>>) src(%dma_wait3A_171 : memref<64x768xf32, #tpu.memory_space<hbm>>) dst(%dma_wait3A_167 : memref<64x768xf32, #tpu.memory_space<vmem>>)
    %add3A_172 = arith.constant 2 : i32
    %add3A_173 = arith.addi %mul3A_2, %add3A_172 : i32
    %dma_start3A_174 = arith.constant 0 : i32
    %dma_start3A_175 = arith.constant 0 : i32
    %dma_start3A_176 = arith.constant 0 : i32
    %dma_start3A_177 = tpu.memref_slice %arg4[%dma_start3A_174, %dma_start3A_175, %dma_start3A_176] : memref<2x64x768xf32, #tpu.memory_space<vmem>> -> memref<1x64x768xf32, #tpu.memory_space<vmem>>
    %dma_start3A_178 = tpu.memref_squeeze %dma_start3A_177 : memref<1x64x768xf32, #tpu.memory_space<vmem>> -> memref<64x768xf32, #tpu.memory_space<vmem>>
    %dma_start3A_179 = arith.constant 0 : i32
    %dma_start3A_180 = arith.constant 0 : i32
    %dma_start3A_181 = tpu.memref_slice %arg3[%add3A_173, %dma_start3A_179, %dma_start3A_180] : memref<1024x64x768xf32, #tpu.memory_space<hbm>> -> memref<1x64x768xf32, #tpu.memory_space<hbm>>
    %dma_start3A_182 = tpu.memref_squeeze %dma_start3A_181 : memref<1x64x768xf32, #tpu.memory_space<hbm>> -> memref<64x768xf32, #tpu.memory_space<hbm>>
    %dma_start3A_183 = arith.constant 0 : i32
    %dma_start3A_184 = arith.constant 0 : i32
    %dma_start3A_185 = tpu.memref_slice %arg3[%add3A_173, %dma_start3A_183, %dma_start3A_184] : memref<1024x64x768xf32, #tpu.memory_space<hbm>> -> memref<1x64x768xf32, #tpu.memory_space<hbm>>
    %dma_start3A_186 = tpu.memref_squeeze %dma_start3A_185 : memref<1x64x768xf32, #tpu.memory_space<hbm>> -> memref<64x768xf32, #tpu.memory_space<hbm>>
    %dma_start3A_187 = arith.constant 0 : i32
    %dma_start3A_188 = arith.constant 0 : i32
    %dma_start3A_189 = tpu.memref_slice %arg4[%dma_start3A_174, %dma_start3A_187, %dma_start3A_188] : memref<2x64x768xf32, #tpu.memory_space<vmem>> -> memref<1x64x768xf32, #tpu.memory_space<vmem>>
    %dma_start3A_190 = tpu.memref_squeeze %dma_start3A_189 : memref<1x64x768xf32, #tpu.memory_space<vmem>> -> memref<64x768xf32, #tpu.memory_space<vmem>>
    tpu.enqueue_dma source(%dma_start3A_190 : memref<64x768xf32, #tpu.memory_space<vmem>>) target(%dma_start3A_186 : memref<64x768xf32, #tpu.memory_space<hbm>>) target_semaphore(%arg7 : memref<!tpu.dma_semaphore, #tpu.memory_space<semaphore_mem>>)
    %add3A_191 = arith.constant 1 : i32
    %add3A_192 = arith.addi %mul3A_2, %add3A_191 : i32
    %dma_wait3A_193 = arith.constant 1 : i32
    %dma_wait3A_194 = arith.constant 0 : i32
    %dma_wait3A_195 = arith.constant 0 : i32
    %dma_wait3A_196 = tpu.memref_slice %arg4[%dma_wait3A_193, %dma_wait3A_194, %dma_wait3A_195] : memref<2x64x768xf32, #tpu.memory_space<vmem>> -> memref<1x64x768xf32, #tpu.memory_space<vmem>>
    %dma_wait3A_197 = tpu.memref_squeeze %dma_wait3A_196 : memref<1x64x768xf32, #tpu.memory_space<vmem>> -> memref<64x768xf32, #tpu.memory_space<vmem>>
    %dma_wait3A_198 = arith.constant 0 : i32
    %dma_wait3A_199 = arith.constant 0 : i32
    %dma_wait3A_200 = tpu.memref_slice %arg3[%add3A_192, %dma_wait3A_198, %dma_wait3A_199] : memref<1024x64x768xf32, #tpu.memory_space<hbm>> -> memref<1x64x768xf32, #tpu.memory_space<hbm>>
    %dma_wait3A_201 = tpu.memref_squeeze %dma_wait3A_200 : memref<1x64x768xf32, #tpu.memory_space<hbm>> -> memref<64x768xf32, #tpu.memory_space<hbm>>
    %dma_wait3A_202 = arith.constant 0 : i32
    %dma_wait3A_203 = arith.constant 0 : i32
    %dma_wait3A_204 = tpu.memref_slice %arg3[%add3A_192, %dma_wait3A_202, %dma_wait3A_203] : memref<1024x64x768xf32, #tpu.memory_space<hbm>> -> memref<1x64x768xf32, #tpu.memory_space<hbm>>
    %dma_wait3A_205 = tpu.memref_squeeze %dma_wait3A_204 : memref<1x64x768xf32, #tpu.memory_space<hbm>> -> memref<64x768xf32, #tpu.memory_space<hbm>>
    %dma_wait3A_206 = arith.constant 0 : i32
    %dma_wait3A_207 = arith.constant 0 : i32
    %dma_wait3A_208 = tpu.memref_slice %arg4[%dma_wait3A_193, %dma_wait3A_206, %dma_wait3A_207] : memref<2x64x768xf32, #tpu.memory_space<vmem>> -> memref<1x64x768xf32, #tpu.memory_space<vmem>>
    %dma_wait3A_209 = tpu.memref_squeeze %dma_wait3A_208 : memref<1x64x768xf32, #tpu.memory_space<vmem>> -> memref<64x768xf32, #tpu.memory_space<vmem>>
    tpu.wait_dma2 semaphore(%arg8 : memref<!tpu.dma_semaphore, #tpu.memory_space<semaphore_mem>>) src(%dma_wait3A_209 : memref<64x768xf32, #tpu.memory_space<vmem>>) dst(%dma_wait3A_205 : memref<64x768xf32, #tpu.memory_space<hbm>>)
    %add3A_210 = arith.constant 3 : i32
    %add3A_211 = arith.addi %mul3A_2, %add3A_210 : i32
    %dma_start3A_212 = arith.constant 1 : i32
    %dma_start3A_213 = arith.constant 0 : i32
    %dma_start3A_214 = arith.constant 0 : i32
    %dma_start3A_215 = tpu.memref_slice %arg4[%dma_start3A_212, %dma_start3A_213, %dma_start3A_214] : memref<2x64x768xf32, #tpu.memory_space<vmem>> -> memref<1x64x768xf32, #tpu.memory_space<vmem>>
    %dma_start3A_216 = tpu.memref_squeeze %dma_start3A_215 : memref<1x64x768xf32, #tpu.memory_space<vmem>> -> memref<64x768xf32, #tpu.memory_space<vmem>>
    %dma_start3A_217 = arith.constant 0 : i32
    %dma_start3A_218 = arith.constant 0 : i32
    %dma_start3A_219 = tpu.memref_slice %arg2[%add3A_211, %dma_start3A_217, %dma_start3A_218] : memref<1024x64x768xf32, #tpu.memory_space<hbm>> -> memref<1x64x768xf32, #tpu.memory_space<hbm>>
    %dma_start3A_220 = tpu.memref_squeeze %dma_start3A_219 : memref<1x64x768xf32, #tpu.memory_space<hbm>> -> memref<64x768xf32, #tpu.memory_space<hbm>>
    %dma_start3A_221 = arith.constant 0 : i32
    %dma_start3A_222 = arith.constant 0 : i32
    %dma_start3A_223 = tpu.memref_slice %arg4[%dma_start3A_212, %dma_start3A_221, %dma_start3A_222] : memref<2x64x768xf32, #tpu.memory_space<vmem>> -> memref<1x64x768xf32, #tpu.memory_space<vmem>>
    %dma_start3A_224 = tpu.memref_squeeze %dma_start3A_223 : memref<1x64x768xf32, #tpu.memory_space<vmem>> -> memref<64x768xf32, #tpu.memory_space<vmem>>
    %dma_start3A_225 = arith.constant 0 : i32
    %dma_start3A_226 = arith.constant 0 : i32
    %dma_start3A_227 = tpu.memref_slice %arg2[%add3A_211, %dma_start3A_225, %dma_start3A_226] : memref<1024x64x768xf32, #tpu.memory_space<hbm>> -> memref<1x64x768xf32, #tpu.memory_space<hbm>>
    %dma_start3A_228 = tpu.memref_squeeze %dma_start3A_227 : memref<1x64x768xf32, #tpu.memory_space<hbm>> -> memref<64x768xf32, #tpu.memory_space<hbm>>
    tpu.enqueue_dma source(%dma_start3A_228 : memref<64x768xf32, #tpu.memory_space<hbm>>) target(%dma_start3A_224 : memref<64x768xf32, #tpu.memory_space<vmem>>) target_semaphore(%arg6 : memref<!tpu.dma_semaphore, #tpu.memory_space<semaphore_mem>>)
    %add3A_229 = arith.constant 3 : i32
    %add3A_230 = arith.addi %mul3A_2, %add3A_229 : i32
    %dma_wait3A_231 = arith.constant 1 : i32
    %dma_wait3A_232 = arith.constant 0 : i32
    %dma_wait3A_233 = arith.constant 0 : i32
    %dma_wait3A_234 = tpu.memref_slice %arg4[%dma_wait3A_231, %dma_wait3A_232, %dma_wait3A_233] : memref<2x64x768xf32, #tpu.memory_space<vmem>> -> memref<1x64x768xf32, #tpu.memory_space<vmem>>
    %dma_wait3A_235 = tpu.memref_squeeze %dma_wait3A_234 : memref<1x64x768xf32, #tpu.memory_space<vmem>> -> memref<64x768xf32, #tpu.memory_space<vmem>>
    %dma_wait3A_236 = arith.constant 0 : i32
    %dma_wait3A_237 = arith.constant 0 : i32
    %dma_wait3A_238 = tpu.memref_slice %arg2[%add3A_230, %dma_wait3A_236, %dma_wait3A_237] : memref<1024x64x768xf32, #tpu.memory_space<hbm>> -> memref<1x64x768xf32, #tpu.memory_space<hbm>>
    %dma_wait3A_239 = tpu.memref_squeeze %dma_wait3A_238 : memref<1x64x768xf32, #tpu.memory_space<hbm>> -> memref<64x768xf32, #tpu.memory_space<hbm>>
    %dma_wait3A_240 = arith.constant 0 : i32
    %dma_wait3A_241 = arith.constant 0 : i32
    %dma_wait3A_242 = tpu.memref_slice %arg4[%dma_wait3A_231, %dma_wait3A_240, %dma_wait3A_241] : memref<2x64x768xf32, #tpu.memory_space<vmem>> -> memref<1x64x768xf32, #tpu.memory_space<vmem>>
    %dma_wait3A_243 = tpu.memref_squeeze %dma_wait3A_242 : memref<1x64x768xf32, #tpu.memory_space<vmem>> -> memref<64x768xf32, #tpu.memory_space<vmem>>
    %dma_wait3A_244 = arith.constant 0 : i32
    %dma_wait3A_245 = arith.constant 0 : i32
    %dma_wait3A_246 = tpu.memref_slice %arg2[%add3A_230, %dma_wait3A_244, %dma_wait3A_245] : memref<1024x64x768xf32, #tpu.memory_space<hbm>> -> memref<1x64x768xf32, #tpu.memory_space<hbm>>
    %dma_wait3A_247 = tpu.memref_squeeze %dma_wait3A_246 : memref<1x64x768xf32, #tpu.memory_space<hbm>> -> memref<64x768xf32, #tpu.memory_space<hbm>>
    tpu.wait_dma2 semaphore(%arg6 : memref<!tpu.dma_semaphore, #tpu.memory_space<semaphore_mem>>) src(%dma_wait3A_247 : memref<64x768xf32, #tpu.memory_space<hbm>>) dst(%dma_wait3A_243 : memref<64x768xf32, #tpu.memory_space<vmem>>)
    %add3A_248 = arith.constant 3 : i32
    %add3A_249 = arith.addi %mul3A_2, %add3A_248 : i32
    %dma_start3A_250 = arith.constant 1 : i32
    %dma_start3A_251 = arith.constant 0 : i32
    %dma_start3A_252 = arith.constant 0 : i32
    %dma_start3A_253 = tpu.memref_slice %arg4[%dma_start3A_250, %dma_start3A_251, %dma_start3A_252] : memref<2x64x768xf32, #tpu.memory_space<vmem>> -> memref<1x64x768xf32, #tpu.memory_space<vmem>>
    %dma_start3A_254 = tpu.memref_squeeze %dma_start3A_253 : memref<1x64x768xf32, #tpu.memory_space<vmem>> -> memref<64x768xf32, #tpu.memory_space<vmem>>
    %dma_start3A_255 = arith.constant 0 : i32
    %dma_start3A_256 = arith.constant 0 : i32
    %dma_start3A_257 = tpu.memref_slice %arg3[%add3A_249, %dma_start3A_255, %dma_start3A_256] : memref<1024x64x768xf32, #tpu.memory_space<hbm>> -> memref<1x64x768xf32, #tpu.memory_space<hbm>>
    %dma_start3A_258 = tpu.memref_squeeze %dma_start3A_257 : memref<1x64x768xf32, #tpu.memory_space<hbm>> -> memref<64x768xf32, #tpu.memory_space<hbm>>
    %dma_start3A_259 = arith.constant 0 : i32
    %dma_start3A_260 = arith.constant 0 : i32
    %dma_start3A_261 = tpu.memref_slice %arg3[%add3A_249, %dma_start3A_259, %dma_start3A_260] : memref<1024x64x768xf32, #tpu.memory_space<hbm>> -> memref<1x64x768xf32, #tpu.memory_space<hbm>>
    %dma_start3A_262 = tpu.memref_squeeze %dma_start3A_261 : memref<1x64x768xf32, #tpu.memory_space<hbm>> -> memref<64x768xf32, #tpu.memory_space<hbm>>
    %dma_start3A_263 = arith.constant 0 : i32
    %dma_start3A_264 = arith.constant 0 : i32
    %dma_start3A_265 = tpu.memref_slice %arg4[%dma_start3A_250, %dma_start3A_263, %dma_start3A_264] : memref<2x64x768xf32, #tpu.memory_space<vmem>> -> memref<1x64x768xf32, #tpu.memory_space<vmem>>
    %dma_start3A_266 = tpu.memref_squeeze %dma_start3A_265 : memref<1x64x768xf32, #tpu.memory_space<vmem>> -> memref<64x768xf32, #tpu.memory_space<vmem>>
    tpu.enqueue_dma source(%dma_start3A_266 : memref<64x768xf32, #tpu.memory_space<vmem>>) target(%dma_start3A_262 : memref<64x768xf32, #tpu.memory_space<hbm>>) target_semaphore(%arg8 : memref<!tpu.dma_semaphore, #tpu.memory_space<semaphore_mem>>)
    %add3A_267 = arith.constant 2 : i32
    %add3A_268 = arith.addi %mul3A_2, %add3A_267 : i32
    %dma_wait3A_269 = arith.constant 0 : i32
    %dma_wait3A_270 = arith.constant 0 : i32
    %dma_wait3A_271 = arith.constant 0 : i32
    %dma_wait3A_272 = tpu.memref_slice %arg4[%dma_wait3A_269, %dma_wait3A_270, %dma_wait3A_271] : memref<2x64x768xf32, #tpu.memory_space<vmem>> -> memref<1x64x768xf32, #tpu.memory_space<vmem>>
    %dma_wait3A_273 = tpu.memref_squeeze %dma_wait3A_272 : memref<1x64x768xf32, #tpu.memory_space<vmem>> -> memref<64x768xf32, #tpu.memory_space<vmem>>
    %dma_wait3A_274 = arith.constant 0 : i32
    %dma_wait3A_275 = arith.constant 0 : i32
    %dma_wait3A_276 = tpu.memref_slice %arg3[%add3A_268, %dma_wait3A_274, %dma_wait3A_275] : memref<1024x64x768xf32, #tpu.memory_space<hbm>> -> memref<1x64x768xf32, #tpu.memory_space<hbm>>
    %dma_wait3A_277 = tpu.memref_squeeze %dma_wait3A_276 : memref<1x64x768xf32, #tpu.memory_space<hbm>> -> memref<64x768xf32, #tpu.memory_space<hbm>>
    %dma_wait3A_278 = arith.constant 0 : i32
    %dma_wait3A_279 = arith.constant 0 : i32
    %dma_wait3A_280 = tpu.memref_slice %arg3[%add3A_268, %dma_wait3A_278, %dma_wait3A_279] : memref<1024x64x768xf32, #tpu.memory_space<hbm>> -> memref<1x64x768xf32, #tpu.memory_space<hbm>>
    %dma_wait3A_281 = tpu.memref_squeeze %dma_wait3A_280 : memref<1x64x768xf32, #tpu.memory_space<hbm>> -> memref<64x768xf32, #tpu.memory_space<hbm>>
    %dma_wait3A_282 = arith.constant 0 : i32
    %dma_wait3A_283 = arith.constant 0 : i32
    %dma_wait3A_284 = tpu.memref_slice %arg4[%dma_wait3A_269, %dma_wait3A_282, %dma_wait3A_283] : memref<2x64x768xf32, #tpu.memory_space<vmem>> -> memref<1x64x768xf32, #tpu.memory_space<vmem>>
    %dma_wait3A_285 = tpu.memref_squeeze %dma_wait3A_284 : memref<1x64x768xf32, #tpu.memory_space<vmem>> -> memref<64x768xf32, #tpu.memory_space<vmem>>
    tpu.wait_dma2 semaphore(%arg7 : memref<!tpu.dma_semaphore, #tpu.memory_space<semaphore_mem>>) src(%dma_wait3A_285 : memref<64x768xf32, #tpu.memory_space<vmem>>) dst(%dma_wait3A_281 : memref<64x768xf32, #tpu.memory_space<hbm>>)
    %add3A_286 = arith.constant 4 : i32
    %add3A_287 = arith.addi %mul3A_2, %add3A_286 : i32
    %dma_start3A_288 = arith.constant 0 : i32
    %dma_start3A_289 = arith.constant 0 : i32
    %dma_start3A_290 = arith.constant 0 : i32
    %dma_start3A_291 = tpu.memref_slice %arg4[%dma_start3A_288, %dma_start3A_289, %dma_start3A_290] : memref<2x64x768xf32, #tpu.memory_space<vmem>> -> memref<1x64x768xf32, #tpu.memory_space<vmem>>
    %dma_start3A_292 = tpu.memref_squeeze %dma_start3A_291 : memref<1x64x768xf32, #tpu.memory_space<vmem>> -> memref<64x768xf32, #tpu.memory_space<vmem>>
    %dma_start3A_293 = arith.constant 0 : i32
    %dma_start3A_294 = arith.constant 0 : i32
    %dma_start3A_295 = tpu.memref_slice %arg2[%add3A_287, %dma_start3A_293, %dma_start3A_294] : memref<1024x64x768xf32, #tpu.memory_space<hbm>> -> memref<1x64x768xf32, #tpu.memory_space<hbm>>
    %dma_start3A_296 = tpu.memref_squeeze %dma_start3A_295 : memref<1x64x768xf32, #tpu.memory_space<hbm>> -> memref<64x768xf32, #tpu.memory_space<hbm>>
    %dma_start3A_297 = arith.constant 0 : i32
    %dma_start3A_298 = arith.constant 0 : i32
    %dma_start3A_299 = tpu.memref_slice %arg4[%dma_start3A_288, %dma_start3A_297, %dma_start3A_298] : memref<2x64x768xf32, #tpu.memory_space<vmem>> -> memref<1x64x768xf32, #tpu.memory_space<vmem>>
    %dma_start3A_300 = tpu.memref_squeeze %dma_start3A_299 : memref<1x64x768xf32, #tpu.memory_space<vmem>> -> memref<64x768xf32, #tpu.memory_space<vmem>>
    %dma_start3A_301 = arith.constant 0 : i32
    %dma_start3A_302 = arith.constant 0 : i32
    %dma_start3A_303 = tpu.memref_slice %arg2[%add3A_287, %dma_start3A_301, %dma_start3A_302] : memref<1024x64x768xf32, #tpu.memory_space<hbm>> -> memref<1x64x768xf32, #tpu.memory_space<hbm>>
    %dma_start3A_304 = tpu.memref_squeeze %dma_start3A_303 : memref<1x64x768xf32, #tpu.memory_space<hbm>> -> memref<64x768xf32, #tpu.memory_space<hbm>>
    tpu.enqueue_dma source(%dma_start3A_304 : memref<64x768xf32, #tpu.memory_space<hbm>>) target(%dma_start3A_300 : memref<64x768xf32, #tpu.memory_space<vmem>>) target_semaphore(%arg5 : memref<!tpu.dma_semaphore, #tpu.memory_space<semaphore_mem>>)
    %add3A_305 = arith.constant 4 : i32
    %add3A_306 = arith.addi %mul3A_2, %add3A_305 : i32
    %dma_wait3A_307 = arith.constant 0 : i32
    %dma_wait3A_308 = arith.constant 0 : i32
    %dma_wait3A_309 = arith.constant 0 : i32
    %dma_wait3A_310 = tpu.memref_slice %arg4[%dma_wait3A_307, %dma_wait3A_308, %dma_wait3A_309] : memref<2x64x768xf32, #tpu.memory_space<vmem>> -> memref<1x64x768xf32, #tpu.memory_space<vmem>>
    %dma_wait3A_311 = tpu.memref_squeeze %dma_wait3A_310 : memref<1x64x768xf32, #tpu.memory_space<vmem>> -> memref<64x768xf32, #tpu.memory_space<vmem>>
    %dma_wait3A_312 = arith.constant 0 : i32
    %dma_wait3A_313 = arith.constant 0 : i32
    %dma_wait3A_314 = tpu.memref_slice %arg2[%add3A_306, %dma_wait3A_312, %dma_wait3A_313] : memref<1024x64x768xf32, #tpu.memory_space<hbm>> -> memref<1x64x768xf32, #tpu.memory_space<hbm>>
    %dma_wait3A_315 = tpu.memref_squeeze %dma_wait3A_314 : memref<1x64x768xf32, #tpu.memory_space<hbm>> -> memref<64x768xf32, #tpu.memory_space<hbm>>
    %dma_wait3A_316 = arith.constant 0 : i32
    %dma_wait3A_317 = arith.constant 0 : i32
    %dma_wait3A_318 = tpu.memref_slice %arg4[%dma_wait3A_307, %dma_wait3A_316, %dma_wait3A_317] : memref<2x64x768xf32, #tpu.memory_space<vmem>> -> memref<1x64x768xf32, #tpu.memory_space<vmem>>
    %dma_wait3A_319 = tpu.memref_squeeze %dma_wait3A_318 : memref<1x64x768xf32, #tpu.memory_space<vmem>> -> memref<64x768xf32, #tpu.memory_space<vmem>>
    %dma_wait3A_320 = arith.constant 0 : i32
    %dma_wait3A_321 = arith.constant 0 : i32
    %dma_wait3A_322 = tpu.memref_slice %arg2[%add3A_306, %dma_wait3A_320, %dma_wait3A_321] : memref<1024x64x768xf32, #tpu.memory_space<hbm>> -> memref<1x64x768xf32, #tpu.memory_space<hbm>>
    %dma_wait3A_323 = tpu.memref_squeeze %dma_wait3A_322 : memref<1x64x768xf32, #tpu.memory_space<hbm>> -> memref<64x768xf32, #tpu.memory_space<hbm>>
    tpu.wait_dma2 semaphore(%arg5 : memref<!tpu.dma_semaphore, #tpu.memory_space<semaphore_mem>>) src(%dma_wait3A_323 : memref<64x768xf32, #tpu.memory_space<hbm>>) dst(%dma_wait3A_319 : memref<64x768xf32, #tpu.memory_space<vmem>>)
    %add3A_324 = arith.constant 4 : i32
    %add3A_325 = arith.addi %mul3A_2, %add3A_324 : i32
    %dma_start3A_326 = arith.constant 0 : i32
    %dma_start3A_327 = arith.constant 0 : i32
    %dma_start3A_328 = arith.constant 0 : i32
    %dma_start3A_329 = tpu.memref_slice %arg4[%dma_start3A_326, %dma_start3A_327, %dma_start3A_328] : memref<2x64x768xf32, #tpu.memory_space<vmem>> -> memref<1x64x768xf32, #tpu.memory_space<vmem>>
    %dma_start3A_330 = tpu.memref_squeeze %dma_start3A_329 : memref<1x64x768xf32, #tpu.memory_space<vmem>> -> memref<64x768xf32, #tpu.memory_space<vmem>>
    %dma_start3A_331 = arith.constant 0 : i32
    %dma_start3A_332 = arith.constant 0 : i32
    %dma_start3A_333 = tpu.memref_slice %arg3[%add3A_325, %dma_start3A_331, %dma_start3A_332] : memref<1024x64x768xf32, #tpu.memory_space<hbm>> -> memref<1x64x768xf32, #tpu.memory_space<hbm>>
    %dma_start3A_334 = tpu.memref_squeeze %dma_start3A_333 : memref<1x64x768xf32, #tpu.memory_space<hbm>> -> memref<64x768xf32, #tpu.memory_space<hbm>>
    %dma_start3A_335 = arith.constant 0 : i32
    %dma_start3A_336 = arith.constant 0 : i32
    %dma_start3A_337 = tpu.memref_slice %arg3[%add3A_325, %dma_start3A_335, %dma_start3A_336] : memref<1024x64x768xf32, #tpu.memory_space<hbm>> -> memref<1x64x768xf32, #tpu.memory_space<hbm>>
    %dma_start3A_338 = tpu.memref_squeeze %dma_start3A_337 : memref<1x64x768xf32, #tpu.memory_space<hbm>> -> memref<64x768xf32, #tpu.memory_space<hbm>>
    %dma_start3A_339 = arith.constant 0 : i32
    %dma_start3A_340 = arith.constant 0 : i32
    %dma_start3A_341 = tpu.memref_slice %arg4[%dma_start3A_326, %dma_start3A_339, %dma_start3A_340] : memref<2x64x768xf32, #tpu.memory_space<vmem>> -> memref<1x64x768xf32, #tpu.memory_space<vmem>>
    %dma_start3A_342 = tpu.memref_squeeze %dma_start3A_341 : memref<1x64x768xf32, #tpu.memory_space<vmem>> -> memref<64x768xf32, #tpu.memory_space<vmem>>
    tpu.enqueue_dma source(%dma_start3A_342 : memref<64x768xf32, #tpu.memory_space<vmem>>) target(%dma_start3A_338 : memref<64x768xf32, #tpu.memory_space<hbm>>) target_semaphore(%arg7 : memref<!tpu.dma_semaphore, #tpu.memory_space<semaphore_mem>>)
    %add3A_343 = arith.constant 3 : i32
    %add3A_344 = arith.addi %mul3A_2, %add3A_343 : i32
    %dma_wait3A_345 = arith.constant 1 : i32
    %dma_wait3A_346 = arith.constant 0 : i32
    %dma_wait3A_347 = arith.constant 0 : i32
    %dma_wait3A_348 = tpu.memref_slice %arg4[%dma_wait3A_345, %dma_wait3A_346, %dma_wait3A_347] : memref<2x64x768xf32, #tpu.memory_space<vmem>> -> memref<1x64x768xf32, #tpu.memory_space<vmem>>
    %dma_wait3A_349 = tpu.memref_squeeze %dma_wait3A_348 : memref<1x64x768xf32, #tpu.memory_space<vmem>> -> memref<64x768xf32, #tpu.memory_space<vmem>>
    %dma_wait3A_350 = arith.constant 0 : i32
    %dma_wait3A_351 = arith.constant 0 : i32
    %dma_wait3A_352 = tpu.memref_slice %arg3[%add3A_344, %dma_wait3A_350, %dma_wait3A_351] : memref<1024x64x768xf32, #tpu.memory_space<hbm>> -> memref<1x64x768xf32, #tpu.memory_space<hbm>>
    %dma_wait3A_353 = tpu.memref_squeeze %dma_wait3A_352 : memref<1x64x768xf32, #tpu.memory_space<hbm>> -> memref<64x768xf32, #tpu.memory_space<hbm>>
    %dma_wait3A_354 = arith.constant 0 : i32
    %dma_wait3A_355 = arith.constant 0 : i32
    %dma_wait3A_356 = tpu.memref_slice %arg3[%add3A_344, %dma_wait3A_354, %dma_wait3A_355] : memref<1024x64x768xf32, #tpu.memory_space<hbm>> -> memref<1x64x768xf32, #tpu.memory_space<hbm>>
    %dma_wait3A_357 = tpu.memref_squeeze %dma_wait3A_356 : memref<1x64x768xf32, #tpu.memory_space<hbm>> -> memref<64x768xf32, #tpu.memory_space<hbm>>
    %dma_wait3A_358 = arith.constant 0 : i32
    %dma_wait3A_359 = arith.constant 0 : i32
    %dma_wait3A_360 = tpu.memref_slice %arg4[%dma_wait3A_345, %dma_wait3A_358, %dma_wait3A_359] : memref<2x64x768xf32, #tpu.memory_space<vmem>> -> memref<1x64x768xf32, #tpu.memory_space<vmem>>
    %dma_wait3A_361 = tpu.memref_squeeze %dma_wait3A_360 : memref<1x64x768xf32, #tpu.memory_space<vmem>> -> memref<64x768xf32, #tpu.memory_space<vmem>>
    tpu.wait_dma2 semaphore(%arg8 : memref<!tpu.dma_semaphore, #tpu.memory_space<semaphore_mem>>) src(%dma_wait3A_361 : memref<64x768xf32, #tpu.memory_space<vmem>>) dst(%dma_wait3A_357 : memref<64x768xf32, #tpu.memory_space<hbm>>)
    %add3A_362 = arith.constant 5 : i32
    %add3A_363 = arith.addi %mul3A_2, %add3A_362 : i32
    %dma_start3A_364 = arith.constant 1 : i32
    %dma_start3A_365 = arith.constant 0 : i32
    %dma_start3A_366 = arith.constant 0 : i32
    %dma_start3A_367 = tpu.memref_slice %arg4[%dma_start3A_364, %dma_start3A_365, %dma_start3A_366] : memref<2x64x768xf32, #tpu.memory_space<vmem>> -> memref<1x64x768xf32, #tpu.memory_space<vmem>>
    %dma_start3A_368 = tpu.memref_squeeze %dma_start3A_367 : memref<1x64x768xf32, #tpu.memory_space<vmem>> -> memref<64x768xf32, #tpu.memory_space<vmem>>
    %dma_start3A_369 = arith.constant 0 : i32
    %dma_start3A_370 = arith.constant 0 : i32
    %dma_start3A_371 = tpu.memref_slice %arg2[%add3A_363, %dma_start3A_369, %dma_start3A_370] : memref<1024x64x768xf32, #tpu.memory_space<hbm>> -> memref<1x64x768xf32, #tpu.memory_space<hbm>>
    %dma_start3A_372 = tpu.memref_squeeze %dma_start3A_371 : memref<1x64x768xf32, #tpu.memory_space<hbm>> -> memref<64x768xf32, #tpu.memory_space<hbm>>
    %dma_start3A_373 = arith.constant 0 : i32
    %dma_start3A_374 = arith.constant 0 : i32
    %dma_start3A_375 = tpu.memref_slice %arg4[%dma_start3A_364, %dma_start3A_373, %dma_start3A_374] : memref<2x64x768xf32, #tpu.memory_space<vmem>> -> memref<1x64x768xf32, #tpu.memory_space<vmem>>
    %dma_start3A_376 = tpu.memref_squeeze %dma_start3A_375 : memref<1x64x768xf32, #tpu.memory_space<vmem>> -> memref<64x768xf32, #tpu.memory_space<vmem>>
    %dma_start3A_377 = arith.constant 0 : i32
    %dma_start3A_378 = arith.constant 0 : i32
    %dma_start3A_379 = tpu.memref_slice %arg2[%add3A_363, %dma_start3A_377, %dma_start3A_378] : memref<1024x64x768xf32, #tpu.memory_space<hbm>> -> memref<1x64x768xf32, #tpu.memory_space<hbm>>
    %dma_start3A_380 = tpu.memref_squeeze %dma_start3A_379 : memref<1x64x768xf32, #tpu.memory_space<hbm>> -> memref<64x768xf32, #tpu.memory_space<hbm>>
    tpu.enqueue_dma source(%dma_start3A_380 : memref<64x768xf32, #tpu.memory_space<hbm>>) target(%dma_start3A_376 : memref<64x768xf32, #tpu.memory_space<vmem>>) target_semaphore(%arg6 : memref<!tpu.dma_semaphore, #tpu.memory_space<semaphore_mem>>)
    %add3A_381 = arith.constant 5 : i32
    %add3A_382 = arith.addi %mul3A_2, %add3A_381 : i32
    %dma_wait3A_383 = arith.constant 1 : i32
    %dma_wait3A_384 = arith.constant 0 : i32
    %dma_wait3A_385 = arith.constant 0 : i32
    %dma_wait3A_386 = tpu.memref_slice %arg4[%dma_wait3A_383, %dma_wait3A_384, %dma_wait3A_385] : memref<2x64x768xf32, #tpu.memory_space<vmem>> -> memref<1x64x768xf32, #tpu.memory_space<vmem>>
    %dma_wait3A_387 = tpu.memref_squeeze %dma_wait3A_386 : memref<1x64x768xf32, #tpu.memory_space<vmem>> -> memref<64x768xf32, #tpu.memory_space<vmem>>
    %dma_wait3A_388 = arith.constant 0 : i32
    %dma_wait3A_389 = arith.constant 0 : i32
    %dma_wait3A_390 = tpu.memref_slice %arg2[%add3A_382, %dma_wait3A_388, %dma_wait3A_389] : memref<1024x64x768xf32, #tpu.memory_space<hbm>> -> memref<1x64x768xf32, #tpu.memory_space<hbm>>
    %dma_wait3A_391 = tpu.memref_squeeze %dma_wait3A_390 : memref<1x64x768xf32, #tpu.memory_space<hbm>> -> memref<64x768xf32, #tpu.memory_space<hbm>>
    %dma_wait3A_392 = arith.constant 0 : i32
    %dma_wait3A_393 = arith.constant 0 : i32
    %dma_wait3A_394 = tpu.memref_slice %arg4[%dma_wait3A_383, %dma_wait3A_392, %dma_wait3A_393] : memref<2x64x768xf32, #tpu.memory_space<vmem>> -> memref<1x64x768xf32, #tpu.memory_space<vmem>>
    %dma_wait3A_395 = tpu.memref_squeeze %dma_wait3A_394 : memref<1x64x768xf32, #tpu.memory_space<vmem>> -> memref<64x768xf32, #tpu.memory_space<vmem>>
    %dma_wait3A_396 = arith.constant 0 : i32
    %dma_wait3A_397 = arith.constant 0 : i32
    %dma_wait3A_398 = tpu.memref_slice %arg2[%add3A_382, %dma_wait3A_396, %dma_wait3A_397] : memref<1024x64x768xf32, #tpu.memory_space<hbm>> -> memref<1x64x768xf32, #tpu.memory_space<hbm>>
    %dma_wait3A_399 = tpu.memref_squeeze %dma_wait3A_398 : memref<1x64x768xf32, #tpu.memory_space<hbm>> -> memref<64x768xf32, #tpu.memory_space<hbm>>
    tpu.wait_dma2 semaphore(%arg6 : memref<!tpu.dma_semaphore, #tpu.memory_space<semaphore_mem>>) src(%dma_wait3A_399 : memref<64x768xf32, #tpu.memory_space<hbm>>) dst(%dma_wait3A_395 : memref<64x768xf32, #tpu.memory_space<vmem>>)
    %add3A_400 = arith.constant 5 : i32
    %add3A_401 = arith.addi %mul3A_2, %add3A_400 : i32
    %dma_start3A_402 = arith.constant 1 : i32
    %dma_start3A_403 = arith.constant 0 : i32
    %dma_start3A_404 = arith.constant 0 : i32
    %dma_start3A_405 = tpu.memref_slice %arg4[%dma_start3A_402, %dma_start3A_403, %dma_start3A_404] : memref<2x64x768xf32, #tpu.memory_space<vmem>> -> memref<1x64x768xf32, #tpu.memory_space<vmem>>
    %dma_start3A_406 = tpu.memref_squeeze %dma_start3A_405 : memref<1x64x768xf32, #tpu.memory_space<vmem>> -> memref<64x768xf32, #tpu.memory_space<vmem>>
    %dma_start3A_407 = arith.constant 0 : i32
    %dma_start3A_408 = arith.constant 0 : i32
    %dma_start3A_409 = tpu.memref_slice %arg3[%add3A_401, %dma_start3A_407, %dma_start3A_408] : memref<1024x64x768xf32, #tpu.memory_space<hbm>> -> memref<1x64x768xf32, #tpu.memory_space<hbm>>
    %dma_start3A_410 = tpu.memref_squeeze %dma_start3A_409 : memref<1x64x768xf32, #tpu.memory_space<hbm>> -> memref<64x768xf32, #tpu.memory_space<hbm>>
    %dma_start3A_411 = arith.constant 0 : i32
    %dma_start3A_412 = arith.constant 0 : i32
    %dma_start3A_413 = tpu.memref_slice %arg3[%add3A_401, %dma_start3A_411, %dma_start3A_412] : memref<1024x64x768xf32, #tpu.memory_space<hbm>> -> memref<1x64x768xf32, #tpu.memory_space<hbm>>
    %dma_start3A_414 = tpu.memref_squeeze %dma_start3A_413 : memref<1x64x768xf32, #tpu.memory_space<hbm>> -> memref<64x768xf32, #tpu.memory_space<hbm>>
    %dma_start3A_415 = arith.constant 0 : i32
    %dma_start3A_416 = arith.constant 0 : i32
    %dma_start3A_417 = tpu.memref_slice %arg4[%dma_start3A_402, %dma_start3A_415, %dma_start3A_416] : memref<2x64x768xf32, #tpu.memory_space<vmem>> -> memref<1x64x768xf32, #tpu.memory_space<vmem>>
    %dma_start3A_418 = tpu.memref_squeeze %dma_start3A_417 : memref<1x64x768xf32, #tpu.memory_space<vmem>> -> memref<64x768xf32, #tpu.memory_space<vmem>>
    tpu.enqueue_dma source(%dma_start3A_418 : memref<64x768xf32, #tpu.memory_space<vmem>>) target(%dma_start3A_414 : memref<64x768xf32, #tpu.memory_space<hbm>>) target_semaphore(%arg8 : memref<!tpu.dma_semaphore, #tpu.memory_space<semaphore_mem>>)
    %add3A_419 = arith.constant 4 : i32
    %add3A_420 = arith.addi %mul3A_2, %add3A_419 : i32
    %dma_wait3A_421 = arith.constant 0 : i32
    %dma_wait3A_422 = arith.constant 0 : i32
    %dma_wait3A_423 = arith.constant 0 : i32
    %dma_wait3A_424 = tpu.memref_slice %arg4[%dma_wait3A_421, %dma_wait3A_422, %dma_wait3A_423] : memref<2x64x768xf32, #tpu.memory_space<vmem>> -> memref<1x64x768xf32, #tpu.memory_space<vmem>>
    %dma_wait3A_425 = tpu.memref_squeeze %dma_wait3A_424 : memref<1x64x768xf32, #tpu.memory_space<vmem>> -> memref<64x768xf32, #tpu.memory_space<vmem>>
    %dma_wait3A_426 = arith.constant 0 : i32
    %dma_wait3A_427 = arith.constant 0 : i32
    %dma_wait3A_428 = tpu.memref_slice %arg3[%add3A_420, %dma_wait3A_426, %dma_wait3A_427] : memref<1024x64x768xf32, #tpu.memory_space<hbm>> -> memref<1x64x768xf32, #tpu.memory_space<hbm>>
    %dma_wait3A_429 = tpu.memref_squeeze %dma_wait3A_428 : memref<1x64x768xf32, #tpu.memory_space<hbm>> -> memref<64x768xf32, #tpu.memory_space<hbm>>
    %dma_wait3A_430 = arith.constant 0 : i32
    %dma_wait3A_431 = arith.constant 0 : i32
    %dma_wait3A_432 = tpu.memref_slice %arg3[%add3A_420, %dma_wait3A_430, %dma_wait3A_431] : memref<1024x64x768xf32, #tpu.memory_space<hbm>> -> memref<1x64x768xf32, #tpu.memory_space<hbm>>
    %dma_wait3A_433 = tpu.memref_squeeze %dma_wait3A_432 : memref<1x64x768xf32, #tpu.memory_space<hbm>> -> memref<64x768xf32, #tpu.memory_space<hbm>>
    %dma_wait3A_434 = arith.constant 0 : i32
    %dma_wait3A_435 = arith.constant 0 : i32
    %dma_wait3A_436 = tpu.memref_slice %arg4[%dma_wait3A_421, %dma_wait3A_434, %dma_wait3A_435] : memref<2x64x768xf32, #tpu.memory_space<vmem>> -> memref<1x64x768xf32, #tpu.memory_space<vmem>>
    %dma_wait3A_437 = tpu.memref_squeeze %dma_wait3A_436 : memref<1x64x768xf32, #tpu.memory_space<vmem>> -> memref<64x768xf32, #tpu.memory_space<vmem>>
    tpu.wait_dma2 semaphore(%arg7 : memref<!tpu.dma_semaphore, #tpu.memory_space<semaphore_mem>>) src(%dma_wait3A_437 : memref<64x768xf32, #tpu.memory_space<vmem>>) dst(%dma_wait3A_433 : memref<64x768xf32, #tpu.memory_space<hbm>>)
    %add3A_438 = arith.constant 6 : i32
    %add3A_439 = arith.addi %mul3A_2, %add3A_438 : i32
    %dma_start3A_440 = arith.constant 0 : i32
    %dma_start3A_441 = arith.constant 0 : i32
    %dma_start3A_442 = arith.constant 0 : i32
    %dma_start3A_443 = tpu.memref_slice %arg4[%dma_start3A_440, %dma_start3A_441, %dma_start3A_442] : memref<2x64x768xf32, #tpu.memory_space<vmem>> -> memref<1x64x768xf32, #tpu.memory_space<vmem>>
    %dma_start3A_444 = tpu.memref_squeeze %dma_start3A_443 : memref<1x64x768xf32, #tpu.memory_space<vmem>> -> memref<64x768xf32, #tpu.memory_space<vmem>>
    %dma_start3A_445 = arith.constant 0 : i32
    %dma_start3A_446 = arith.constant 0 : i32
    %dma_start3A_447 = tpu.memref_slice %arg2[%add3A_439, %dma_start3A_445, %dma_start3A_446] : memref<1024x64x768xf32, #tpu.memory_space<hbm>> -> memref<1x64x768xf32, #tpu.memory_space<hbm>>
    %dma_start3A_448 = tpu.memref_squeeze %dma_start3A_447 : memref<1x64x768xf32, #tpu.memory_space<hbm>> -> memref<64x768xf32, #tpu.memory_space<hbm>>
    %dma_start3A_449 = arith.constant 0 : i32
    %dma_start3A_450 = arith.constant 0 : i32
    %dma_start3A_451 = tpu.memref_slice %arg4[%dma_start3A_440, %dma_start3A_449, %dma_start3A_450] : memref<2x64x768xf32, #tpu.memory_space<vmem>> -> memref<1x64x768xf32, #tpu.memory_space<vmem>>
    %dma_start3A_452 = tpu.memref_squeeze %dma_start3A_451 : memref<1x64x768xf32, #tpu.memory_space<vmem>> -> memref<64x768xf32, #tpu.memory_space<vmem>>
    %dma_start3A_453 = arith.constant 0 : i32
    %dma_start3A_454 = arith.constant 0 : i32
    %dma_start3A_455 = tpu.memref_slice %arg2[%add3A_439, %dma_start3A_453, %dma_start3A_454] : memref<1024x64x768xf32, #tpu.memory_space<hbm>> -> memref<1x64x768xf32, #tpu.memory_space<hbm>>
    %dma_start3A_456 = tpu.memref_squeeze %dma_start3A_455 : memref<1x64x768xf32, #tpu.memory_space<hbm>> -> memref<64x768xf32, #tpu.memory_space<hbm>>
    tpu.enqueue_dma source(%dma_start3A_456 : memref<64x768xf32, #tpu.memory_space<hbm>>) target(%dma_start3A_452 : memref<64x768xf32, #tpu.memory_space<vmem>>) target_semaphore(%arg5 : memref<!tpu.dma_semaphore, #tpu.memory_space<semaphore_mem>>)
    %add3A_457 = arith.constant 6 : i32
    %add3A_458 = arith.addi %mul3A_2, %add3A_457 : i32
    %dma_wait3A_459 = arith.constant 0 : i32
    %dma_wait3A_460 = arith.constant 0 : i32
    %dma_wait3A_461 = arith.constant 0 : i32
    %dma_wait3A_462 = tpu.memref_slice %arg4[%dma_wait3A_459, %dma_wait3A_460, %dma_wait3A_461] : memref<2x64x768xf32, #tpu.memory_space<vmem>> -> memref<1x64x768xf32, #tpu.memory_space<vmem>>
    %dma_wait3A_463 = tpu.memref_squeeze %dma_wait3A_462 : memref<1x64x768xf32, #tpu.memory_space<vmem>> -> memref<64x768xf32, #tpu.memory_space<vmem>>
    %dma_wait3A_464 = arith.constant 0 : i32
    %dma_wait3A_465 = arith.constant 0 : i32
    %dma_wait3A_466 = tpu.memref_slice %arg2[%add3A_458, %dma_wait3A_464, %dma_wait3A_465] : memref<1024x64x768xf32, #tpu.memory_space<hbm>> -> memref<1x64x768xf32, #tpu.memory_space<hbm>>
    %dma_wait3A_467 = tpu.memref_squeeze %dma_wait3A_466 : memref<1x64x768xf32, #tpu.memory_space<hbm>> -> memref<64x768xf32, #tpu.memory_space<hbm>>
    %dma_wait3A_468 = arith.constant 0 : i32
    %dma_wait3A_469 = arith.constant 0 : i32
    %dma_wait3A_470 = tpu.memref_slice %arg4[%dma_wait3A_459, %dma_wait3A_468, %dma_wait3A_469] : memref<2x64x768xf32, #tpu.memory_space<vmem>> -> memref<1x64x768xf32, #tpu.memory_space<vmem>>
    %dma_wait3A_471 = tpu.memref_squeeze %dma_wait3A_470 : memref<1x64x768xf32, #tpu.memory_space<vmem>> -> memref<64x768xf32, #tpu.memory_space<vmem>>
    %dma_wait3A_472 = arith.constant 0 : i32
    %dma_wait3A_473 = arith.constant 0 : i32
    %dma_wait3A_474 = tpu.memref_slice %arg2[%add3A_458, %dma_wait3A_472, %dma_wait3A_473] : memref<1024x64x768xf32, #tpu.memory_space<hbm>> -> memref<1x64x768xf32, #tpu.memory_space<hbm>>
    %dma_wait3A_475 = tpu.memref_squeeze %dma_wait3A_474 : memref<1x64x768xf32, #tpu.memory_space<hbm>> -> memref<64x768xf32, #tpu.memory_space<hbm>>
    tpu.wait_dma2 semaphore(%arg5 : memref<!tpu.dma_semaphore, #tpu.memory_space<semaphore_mem>>) src(%dma_wait3A_475 : memref<64x768xf32, #tpu.memory_space<hbm>>) dst(%dma_wait3A_471 : memref<64x768xf32, #tpu.memory_space<vmem>>)
    %add3A_476 = arith.constant 6 : i32
    %add3A_477 = arith.addi %mul3A_2, %add3A_476 : i32
    %dma_start3A_478 = arith.constant 0 : i32
    %dma_start3A_479 = arith.constant 0 : i32
    %dma_start3A_480 = arith.constant 0 : i32
    %dma_start3A_481 = tpu.memref_slice %arg4[%dma_start3A_478, %dma_start3A_479, %dma_start3A_480] : memref<2x64x768xf32, #tpu.memory_space<vmem>> -> memref<1x64x768xf32, #tpu.memory_space<vmem>>
    %dma_start3A_482 = tpu.memref_squeeze %dma_start3A_481 : memref<1x64x768xf32, #tpu.memory_space<vmem>> -> memref<64x768xf32, #tpu.memory_space<vmem>>
    %dma_start3A_483 = arith.constant 0 : i32
    %dma_start3A_484 = arith.constant 0 : i32
    %dma_start3A_485 = tpu.memref_slice %arg3[%add3A_477, %dma_start3A_483, %dma_start3A_484] : memref<1024x64x768xf32, #tpu.memory_space<hbm>> -> memref<1x64x768xf32, #tpu.memory_space<hbm>>
    %dma_start3A_486 = tpu.memref_squeeze %dma_start3A_485 : memref<1x64x768xf32, #tpu.memory_space<hbm>> -> memref<64x768xf32, #tpu.memory_space<hbm>>
    %dma_start3A_487 = arith.constant 0 : i32
    %dma_start3A_488 = arith.constant 0 : i32
    %dma_start3A_489 = tpu.memref_slice %arg3[%add3A_477, %dma_start3A_487, %dma_start3A_488] : memref<1024x64x768xf32, #tpu.memory_space<hbm>> -> memref<1x64x768xf32, #tpu.memory_space<hbm>>
    %dma_start3A_490 = tpu.memref_squeeze %dma_start3A_489 : memref<1x64x768xf32, #tpu.memory_space<hbm>> -> memref<64x768xf32, #tpu.memory_space<hbm>>
    %dma_start3A_491 = arith.constant 0 : i32
    %dma_start3A_492 = arith.constant 0 : i32
    %dma_start3A_493 = tpu.memref_slice %arg4[%dma_start3A_478, %dma_start3A_491, %dma_start3A_492] : memref<2x64x768xf32, #tpu.memory_space<vmem>> -> memref<1x64x768xf32, #tpu.memory_space<vmem>>
    %dma_start3A_494 = tpu.memref_squeeze %dma_start3A_493 : memref<1x64x768xf32, #tpu.memory_space<vmem>> -> memref<64x768xf32, #tpu.memory_space<vmem>>
    tpu.enqueue_dma source(%dma_start3A_494 : memref<64x768xf32, #tpu.memory_space<vmem>>) target(%dma_start3A_490 : memref<64x768xf32, #tpu.memory_space<hbm>>) target_semaphore(%arg7 : memref<!tpu.dma_semaphore, #tpu.memory_space<semaphore_mem>>)
    %add3A_495 = arith.constant 5 : i32
    %add3A_496 = arith.addi %mul3A_2, %add3A_495 : i32
    %dma_wait3A_497 = arith.constant 1 : i32
    %dma_wait3A_498 = arith.constant 0 : i32
    %dma_wait3A_499 = arith.constant 0 : i32
    %dma_wait3A_500 = tpu.memref_slice %arg4[%dma_wait3A_497, %dma_wait3A_498, %dma_wait3A_499] : memref<2x64x768xf32, #tpu.memory_space<vmem>> -> memref<1x64x768xf32, #tpu.memory_space<vmem>>
    %dma_wait3A_501 = tpu.memref_squeeze %dma_wait3A_500 : memref<1x64x768xf32, #tpu.memory_space<vmem>> -> memref<64x768xf32, #tpu.memory_space<vmem>>
    %dma_wait3A_502 = arith.constant 0 : i32
    %dma_wait3A_503 = arith.constant 0 : i32
    %dma_wait3A_504 = tpu.memref_slice %arg3[%add3A_496, %dma_wait3A_502, %dma_wait3A_503] : memref<1024x64x768xf32, #tpu.memory_space<hbm>> -> memref<1x64x768xf32, #tpu.memory_space<hbm>>
    %dma_wait3A_505 = tpu.memref_squeeze %dma_wait3A_504 : memref<1x64x768xf32, #tpu.memory_space<hbm>> -> memref<64x768xf32, #tpu.memory_space<hbm>>
    %dma_wait3A_506 = arith.constant 0 : i32
    %dma_wait3A_507 = arith.constant 0 : i32
    %dma_wait3A_508 = tpu.memref_slice %arg3[%add3A_496, %dma_wait3A_506, %dma_wait3A_507] : memref<1024x64x768xf32, #tpu.memory_space<hbm>> -> memref<1x64x768xf32, #tpu.memory_space<hbm>>
    %dma_wait3A_509 = tpu.memref_squeeze %dma_wait3A_508 : memref<1x64x768xf32, #tpu.memory_space<hbm>> -> memref<64x768xf32, #tpu.memory_space<hbm>>
    %dma_wait3A_510 = arith.constant 0 : i32
    %dma_wait3A_511 = arith.constant 0 : i32
    %dma_wait3A_512 = tpu.memref_slice %arg4[%dma_wait3A_497, %dma_wait3A_510, %dma_wait3A_511] : memref<2x64x768xf32, #tpu.memory_space<vmem>> -> memref<1x64x768xf32, #tpu.memory_space<vmem>>
    %dma_wait3A_513 = tpu.memref_squeeze %dma_wait3A_512 : memref<1x64x768xf32, #tpu.memory_space<vmem>> -> memref<64x768xf32, #tpu.memory_space<vmem>>
    tpu.wait_dma2 semaphore(%arg8 : memref<!tpu.dma_semaphore, #tpu.memory_space<semaphore_mem>>) src(%dma_wait3A_513 : memref<64x768xf32, #tpu.memory_space<vmem>>) dst(%dma_wait3A_509 : memref<64x768xf32, #tpu.memory_space<hbm>>)
    %add3A_514 = arith.constant 7 : i32
    %add3A_515 = arith.addi %mul3A_2, %add3A_514 : i32
    %dma_start3A_516 = arith.constant 1 : i32
    %dma_start3A_517 = arith.constant 0 : i32
    %dma_start3A_518 = arith.constant 0 : i32
    %dma_start3A_519 = tpu.memref_slice %arg4[%dma_start3A_516, %dma_start3A_517, %dma_start3A_518] : memref<2x64x768xf32, #tpu.memory_space<vmem>> -> memref<1x64x768xf32, #tpu.memory_space<vmem>>
    %dma_start3A_520 = tpu.memref_squeeze %dma_start3A_519 : memref<1x64x768xf32, #tpu.memory_space<vmem>> -> memref<64x768xf32, #tpu.memory_space<vmem>>
    %dma_start3A_521 = arith.constant 0 : i32
    %dma_start3A_522 = arith.constant 0 : i32
    %dma_start3A_523 = tpu.memref_slice %arg2[%add3A_515, %dma_start3A_521, %dma_start3A_522] : memref<1024x64x768xf32, #tpu.memory_space<hbm>> -> memref<1x64x768xf32, #tpu.memory_space<hbm>>
    %dma_start3A_524 = tpu.memref_squeeze %dma_start3A_523 : memref<1x64x768xf32, #tpu.memory_space<hbm>> -> memref<64x768xf32, #tpu.memory_space<hbm>>
    %dma_start3A_525 = arith.constant 0 : i32
    %dma_start3A_526 = arith.constant 0 : i32
    %dma_start3A_527 = tpu.memref_slice %arg4[%dma_start3A_516, %dma_start3A_525, %dma_start3A_526] : memref<2x64x768xf32, #tpu.memory_space<vmem>> -> memref<1x64x768xf32, #tpu.memory_space<vmem>>
    %dma_start3A_528 = tpu.memref_squeeze %dma_start3A_527 : memref<1x64x768xf32, #tpu.memory_space<vmem>> -> memref<64x768xf32, #tpu.memory_space<vmem>>
    %dma_start3A_529 = arith.constant 0 : i32
    %dma_start3A_530 = arith.constant 0 : i32
    %dma_start3A_531 = tpu.memref_slice %arg2[%add3A_515, %dma_start3A_529, %dma_start3A_530] : memref<1024x64x768xf32, #tpu.memory_space<hbm>> -> memref<1x64x768xf32, #tpu.memory_space<hbm>>
    %dma_start3A_532 = tpu.memref_squeeze %dma_start3A_531 : memref<1x64x768xf32, #tpu.memory_space<hbm>> -> memref<64x768xf32, #tpu.memory_space<hbm>>
    tpu.enqueue_dma source(%dma_start3A_532 : memref<64x768xf32, #tpu.memory_space<hbm>>) target(%dma_start3A_528 : memref<64x768xf32, #tpu.memory_space<vmem>>) target_semaphore(%arg6 : memref<!tpu.dma_semaphore, #tpu.memory_space<semaphore_mem>>)
    %add3A_533 = arith.constant 7 : i32
    %add3A_534 = arith.addi %mul3A_2, %add3A_533 : i32
    %dma_wait3A_535 = arith.constant 1 : i32
    %dma_wait3A_536 = arith.constant 0 : i32
    %dma_wait3A_537 = arith.constant 0 : i32
    %dma_wait3A_538 = tpu.memref_slice %arg4[%dma_wait3A_535, %dma_wait3A_536, %dma_wait3A_537] : memref<2x64x768xf32, #tpu.memory_space<vmem>> -> memref<1x64x768xf32, #tpu.memory_space<vmem>>
    %dma_wait3A_539 = tpu.memref_squeeze %dma_wait3A_538 : memref<1x64x768xf32, #tpu.memory_space<vmem>> -> memref<64x768xf32, #tpu.memory_space<vmem>>
    %dma_wait3A_540 = arith.constant 0 : i32
    %dma_wait3A_541 = arith.constant 0 : i32
    %dma_wait3A_542 = tpu.memref_slice %arg2[%add3A_534, %dma_wait3A_540, %dma_wait3A_541] : memref<1024x64x768xf32, #tpu.memory_space<hbm>> -> memref<1x64x768xf32, #tpu.memory_space<hbm>>
    %dma_wait3A_543 = tpu.memref_squeeze %dma_wait3A_542 : memref<1x64x768xf32, #tpu.memory_space<hbm>> -> memref<64x768xf32, #tpu.memory_space<hbm>>
    %dma_wait3A_544 = arith.constant 0 : i32
    %dma_wait3A_545 = arith.constant 0 : i32
    %dma_wait3A_546 = tpu.memref_slice %arg4[%dma_wait3A_535, %dma_wait3A_544, %dma_wait3A_545] : memref<2x64x768xf32, #tpu.memory_space<vmem>> -> memref<1x64x768xf32, #tpu.memory_space<vmem>>
    %dma_wait3A_547 = tpu.memref_squeeze %dma_wait3A_546 : memref<1x64x768xf32, #tpu.memory_space<vmem>> -> memref<64x768xf32, #tpu.memory_space<vmem>>
    %dma_wait3A_548 = arith.constant 0 : i32
    %dma_wait3A_549 = arith.constant 0 : i32
    %dma_wait3A_550 = tpu.memref_slice %arg2[%add3A_534, %dma_wait3A_548, %dma_wait3A_549] : memref<1024x64x768xf32, #tpu.memory_space<hbm>> -> memref<1x64x768xf32, #tpu.memory_space<hbm>>
    %dma_wait3A_551 = tpu.memref_squeeze %dma_wait3A_550 : memref<1x64x768xf32, #tpu.memory_space<hbm>> -> memref<64x768xf32, #tpu.memory_space<hbm>>
    tpu.wait_dma2 semaphore(%arg6 : memref<!tpu.dma_semaphore, #tpu.memory_space<semaphore_mem>>) src(%dma_wait3A_551 : memref<64x768xf32, #tpu.memory_space<hbm>>) dst(%dma_wait3A_547 : memref<64x768xf32, #tpu.memory_space<vmem>>)
    %add3A_552 = arith.constant 7 : i32
    %add3A_553 = arith.addi %mul3A_2, %add3A_552 : i32
    %dma_start3A_554 = arith.constant 1 : i32
    %dma_start3A_555 = arith.constant 0 : i32
    %dma_start3A_556 = arith.constant 0 : i32
    %dma_start3A_557 = tpu.memref_slice %arg4[%dma_start3A_554, %dma_start3A_555, %dma_start3A_556] : memref<2x64x768xf32, #tpu.memory_space<vmem>> -> memref<1x64x768xf32, #tpu.memory_space<vmem>>
    %dma_start3A_558 = tpu.memref_squeeze %dma_start3A_557 : memref<1x64x768xf32, #tpu.memory_space<vmem>> -> memref<64x768xf32, #tpu.memory_space<vmem>>
    %dma_start3A_559 = arith.constant 0 : i32
    %dma_start3A_560 = arith.constant 0 : i32
    %dma_start3A_561 = tpu.memref_slice %arg3[%add3A_553, %dma_start3A_559, %dma_start3A_560] : memref<1024x64x768xf32, #tpu.memory_space<hbm>> -> memref<1x64x768xf32, #tpu.memory_space<hbm>>
    %dma_start3A_562 = tpu.memref_squeeze %dma_start3A_561 : memref<1x64x768xf32, #tpu.memory_space<hbm>> -> memref<64x768xf32, #tpu.memory_space<hbm>>
    %dma_start3A_563 = arith.constant 0 : i32
    %dma_start3A_564 = arith.constant 0 : i32
    %dma_start3A_565 = tpu.memref_slice %arg3[%add3A_553, %dma_start3A_563, %dma_start3A_564] : memref<1024x64x768xf32, #tpu.memory_space<hbm>> -> memref<1x64x768xf32, #tpu.memory_space<hbm>>
    %dma_start3A_566 = tpu.memref_squeeze %dma_start3A_565 : memref<1x64x768xf32, #tpu.memory_space<hbm>> -> memref<64x768xf32, #tpu.memory_space<hbm>>
    %dma_start3A_567 = arith.constant 0 : i32
    %dma_start3A_568 = arith.constant 0 : i32
    %dma_start3A_569 = tpu.memref_slice %arg4[%dma_start3A_554, %dma_start3A_567, %dma_start3A_568] : memref<2x64x768xf32, #tpu.memory_space<vmem>> -> memref<1x64x768xf32, #tpu.memory_space<vmem>>
    %dma_start3A_570 = tpu.memref_squeeze %dma_start3A_569 : memref<1x64x768xf32, #tpu.memory_space<vmem>> -> memref<64x768xf32, #tpu.memory_space<vmem>>
    tpu.enqueue_dma source(%dma_start3A_570 : memref<64x768xf32, #tpu.memory_space<vmem>>) target(%dma_start3A_566 : memref<64x768xf32, #tpu.memory_space<hbm>>) target_semaphore(%arg8 : memref<!tpu.dma_semaphore, #tpu.memory_space<semaphore_mem>>)
    %add3A_571 = arith.constant 6 : i32
    %add3A_572 = arith.addi %mul3A_2, %add3A_571 : i32
    %dma_wait3A_573 = arith.constant 0 : i32
    %dma_wait3A_574 = arith.constant 0 : i32
    %dma_wait3A_575 = arith.constant 0 : i32
    %dma_wait3A_576 = tpu.memref_slice %arg4[%dma_wait3A_573, %dma_wait3A_574, %dma_wait3A_575] : memref<2x64x768xf32, #tpu.memory_space<vmem>> -> memref<1x64x768xf32, #tpu.memory_space<vmem>>
    %dma_wait3A_577 = tpu.memref_squeeze %dma_wait3A_576 : memref<1x64x768xf32, #tpu.memory_space<vmem>> -> memref<64x768xf32, #tpu.memory_space<vmem>>
    %dma_wait3A_578 = arith.constant 0 : i32
    %dma_wait3A_579 = arith.constant 0 : i32
    %dma_wait3A_580 = tpu.memref_slice %arg3[%add3A_572, %dma_wait3A_578, %dma_wait3A_579] : memref<1024x64x768xf32, #tpu.memory_space<hbm>> -> memref<1x64x768xf32, #tpu.memory_space<hbm>>
    %dma_wait3A_581 = tpu.memref_squeeze %dma_wait3A_580 : memref<1x64x768xf32, #tpu.memory_space<hbm>> -> memref<64x768xf32, #tpu.memory_space<hbm>>
    %dma_wait3A_582 = arith.constant 0 : i32
    %dma_wait3A_583 = arith.constant 0 : i32
    %dma_wait3A_584 = tpu.memref_slice %arg3[%add3A_572, %dma_wait3A_582, %dma_wait3A_583] : memref<1024x64x768xf32, #tpu.memory_space<hbm>> -> memref<1x64x768xf32, #tpu.memory_space<hbm>>
    %dma_wait3A_585 = tpu.memref_squeeze %dma_wait3A_584 : memref<1x64x768xf32, #tpu.memory_space<hbm>> -> memref<64x768xf32, #tpu.memory_space<hbm>>
    %dma_wait3A_586 = arith.constant 0 : i32
    %dma_wait3A_587 = arith.constant 0 : i32
    %dma_wait3A_588 = tpu.memref_slice %arg4[%dma_wait3A_573, %dma_wait3A_586, %dma_wait3A_587] : memref<2x64x768xf32, #tpu.memory_space<vmem>> -> memref<1x64x768xf32, #tpu.memory_space<vmem>>
    %dma_wait3A_589 = tpu.memref_squeeze %dma_wait3A_588 : memref<1x64x768xf32, #tpu.memory_space<vmem>> -> memref<64x768xf32, #tpu.memory_space<vmem>>
    tpu.wait_dma2 semaphore(%arg7 : memref<!tpu.dma_semaphore, #tpu.memory_space<semaphore_mem>>) src(%dma_wait3A_589 : memref<64x768xf32, #tpu.memory_space<vmem>>) dst(%dma_wait3A_585 : memref<64x768xf32, #tpu.memory_space<hbm>>)
    %add3A_590 = arith.constant 8 : i32
    %add3A_591 = arith.addi %mul3A_2, %add3A_590 : i32
    %dma_start3A_592 = arith.constant 0 : i32
    %dma_start3A_593 = arith.constant 0 : i32
    %dma_start3A_594 = arith.constant 0 : i32
    %dma_start3A_595 = tpu.memref_slice %arg4[%dma_start3A_592, %dma_start3A_593, %dma_start3A_594] : memref<2x64x768xf32, #tpu.memory_space<vmem>> -> memref<1x64x768xf32, #tpu.memory_space<vmem>>
    %dma_start3A_596 = tpu.memref_squeeze %dma_start3A_595 : memref<1x64x768xf32, #tpu.memory_space<vmem>> -> memref<64x768xf32, #tpu.memory_space<vmem>>
    %dma_start3A_597 = arith.constant 0 : i32
    %dma_start3A_598 = arith.constant 0 : i32
    %dma_start3A_599 = tpu.memref_slice %arg2[%add3A_591, %dma_start3A_597, %dma_start3A_598] : memref<1024x64x768xf32, #tpu.memory_space<hbm>> -> memref<1x64x768xf32, #tpu.memory_space<hbm>>
    %dma_start3A_600 = tpu.memref_squeeze %dma_start3A_599 : memref<1x64x768xf32, #tpu.memory_space<hbm>> -> memref<64x768xf32, #tpu.memory_space<hbm>>
    %dma_start3A_601 = arith.constant 0 : i32
    %dma_start3A_602 = arith.constant 0 : i32
    %dma_start3A_603 = tpu.memref_slice %arg4[%dma_start3A_592, %dma_start3A_601, %dma_start3A_602] : memref<2x64x768xf32, #tpu.memory_space<vmem>> -> memref<1x64x768xf32, #tpu.memory_space<vmem>>
    %dma_start3A_604 = tpu.memref_squeeze %dma_start3A_603 : memref<1x64x768xf32, #tpu.memory_space<vmem>> -> memref<64x768xf32, #tpu.memory_space<vmem>>
    %dma_start3A_605 = arith.constant 0 : i32
    %dma_start3A_606 = arith.constant 0 : i32
    %dma_start3A_607 = tpu.memref_slice %arg2[%add3A_591, %dma_start3A_605, %dma_start3A_606] : memref<1024x64x768xf32, #tpu.memory_space<hbm>> -> memref<1x64x768xf32, #tpu.memory_space<hbm>>
    %dma_start3A_608 = tpu.memref_squeeze %dma_start3A_607 : memref<1x64x768xf32, #tpu.memory_space<hbm>> -> memref<64x768xf32, #tpu.memory_space<hbm>>
    tpu.enqueue_dma source(%dma_start3A_608 : memref<64x768xf32, #tpu.memory_space<hbm>>) target(%dma_start3A_604 : memref<64x768xf32, #tpu.memory_space<vmem>>) target_semaphore(%arg5 : memref<!tpu.dma_semaphore, #tpu.memory_space<semaphore_mem>>)
    %add3A_609 = arith.constant 8 : i32
    %add3A_610 = arith.addi %mul3A_2, %add3A_609 : i32
    %dma_wait3A_611 = arith.constant 0 : i32
    %dma_wait3A_612 = arith.constant 0 : i32
    %dma_wait3A_613 = arith.constant 0 : i32
    %dma_wait3A_614 = tpu.memref_slice %arg4[%dma_wait3A_611, %dma_wait3A_612, %dma_wait3A_613] : memref<2x64x768xf32, #tpu.memory_space<vmem>> -> memref<1x64x768xf32, #tpu.memory_space<vmem>>
    %dma_wait3A_615 = tpu.memref_squeeze %dma_wait3A_614 : memref<1x64x768xf32, #tpu.memory_space<vmem>> -> memref<64x768xf32, #tpu.memory_space<vmem>>
    %dma_wait3A_616 = arith.constant 0 : i32
    %dma_wait3A_617 = arith.constant 0 : i32
    %dma_wait3A_618 = tpu.memref_slice %arg2[%add3A_610, %dma_wait3A_616, %dma_wait3A_617] : memref<1024x64x768xf32, #tpu.memory_space<hbm>> -> memref<1x64x768xf32, #tpu.memory_space<hbm>>
    %dma_wait3A_619 = tpu.memref_squeeze %dma_wait3A_618 : memref<1x64x768xf32, #tpu.memory_space<hbm>> -> memref<64x768xf32, #tpu.memory_space<hbm>>
    %dma_wait3A_620 = arith.constant 0 : i32
    %dma_wait3A_621 = arith.constant 0 : i32
    %dma_wait3A_622 = tpu.memref_slice %arg4[%dma_wait3A_611, %dma_wait3A_620, %dma_wait3A_621] : memref<2x64x768xf32, #tpu.memory_space<vmem>> -> memref<1x64x768xf32, #tpu.memory_space<vmem>>
    %dma_wait3A_623 = tpu.memref_squeeze %dma_wait3A_622 : memref<1x64x768xf32, #tpu.memory_space<vmem>> -> memref<64x768xf32, #tpu.memory_space<vmem>>
    %dma_wait3A_624 = arith.constant 0 : i32
    %dma_wait3A_625 = arith.constant 0 : i32
    %dma_wait3A_626 = tpu.memref_slice %arg2[%add3A_610, %dma_wait3A_624, %dma_wait3A_625] : memref<1024x64x768xf32, #tpu.memory_space<hbm>> -> memref<1x64x768xf32, #tpu.memory_space<hbm>>
    %dma_wait3A_627 = tpu.memref_squeeze %dma_wait3A_626 : memref<1x64x768xf32, #tpu.memory_space<hbm>> -> memref<64x768xf32, #tpu.memory_space<hbm>>
    tpu.wait_dma2 semaphore(%arg5 : memref<!tpu.dma_semaphore, #tpu.memory_space<semaphore_mem>>) src(%dma_wait3A_627 : memref<64x768xf32, #tpu.memory_space<hbm>>) dst(%dma_wait3A_623 : memref<64x768xf32, #tpu.memory_space<vmem>>)
    %add3A_628 = arith.constant 8 : i32
    %add3A_629 = arith.addi %mul3A_2, %add3A_628 : i32
    %dma_start3A_630 = arith.constant 0 : i32
    %dma_start3A_631 = arith.constant 0 : i32
    %dma_start3A_632 = arith.constant 0 : i32
    %dma_start3A_633 = tpu.memref_slice %arg4[%dma_start3A_630, %dma_start3A_631, %dma_start3A_632] : memref<2x64x768xf32, #tpu.memory_space<vmem>> -> memref<1x64x768xf32, #tpu.memory_space<vmem>>
    %dma_start3A_634 = tpu.memref_squeeze %dma_start3A_633 : memref<1x64x768xf32, #tpu.memory_space<vmem>> -> memref<64x768xf32, #tpu.memory_space<vmem>>
    %dma_start3A_635 = arith.constant 0 : i32
    %dma_start3A_636 = arith.constant 0 : i32
    %dma_start3A_637 = tpu.memref_slice %arg3[%add3A_629, %dma_start3A_635, %dma_start3A_636] : memref<1024x64x768xf32, #tpu.memory_space<hbm>> -> memref<1x64x768xf32, #tpu.memory_space<hbm>>
    %dma_start3A_638 = tpu.memref_squeeze %dma_start3A_637 : memref<1x64x768xf32, #tpu.memory_space<hbm>> -> memref<64x768xf32, #tpu.memory_space<hbm>>
    %dma_start3A_639 = arith.constant 0 : i32
    %dma_start3A_640 = arith.constant 0 : i32
    %dma_start3A_641 = tpu.memref_slice %arg3[%add3A_629, %dma_start3A_639, %dma_start3A_640] : memref<1024x64x768xf32, #tpu.memory_space<hbm>> -> memref<1x64x768xf32, #tpu.memory_space<hbm>>
    %dma_start3A_642 = tpu.memref_squeeze %dma_start3A_641 : memref<1x64x768xf32, #tpu.memory_space<hbm>> -> memref<64x768xf32, #tpu.memory_space<hbm>>
    %dma_start3A_643 = arith.constant 0 : i32
    %dma_start3A_644 = arith.constant 0 : i32
    %dma_start3A_645 = tpu.memref_slice %arg4[%dma_start3A_630, %dma_start3A_643, %dma_start3A_644] : memref<2x64x768xf32, #tpu.memory_space<vmem>> -> memref<1x64x768xf32, #tpu.memory_space<vmem>>
    %dma_start3A_646 = tpu.memref_squeeze %dma_start3A_645 : memref<1x64x768xf32, #tpu.memory_space<vmem>> -> memref<64x768xf32, #tpu.memory_space<vmem>>
    tpu.enqueue_dma source(%dma_start3A_646 : memref<64x768xf32, #tpu.memory_space<vmem>>) target(%dma_start3A_642 : memref<64x768xf32, #tpu.memory_space<hbm>>) target_semaphore(%arg7 : memref<!tpu.dma_semaphore, #tpu.memory_space<semaphore_mem>>)
    %add3A_647 = arith.constant 7 : i32
    %add3A_648 = arith.addi %mul3A_2, %add3A_647 : i32
    %dma_wait3A_649 = arith.constant 1 : i32
    %dma_wait3A_650 = arith.constant 0 : i32
    %dma_wait3A_651 = arith.constant 0 : i32
    %dma_wait3A_652 = tpu.memref_slice %arg4[%dma_wait3A_649, %dma_wait3A_650, %dma_wait3A_651] : memref<2x64x768xf32, #tpu.memory_space<vmem>> -> memref<1x64x768xf32, #tpu.memory_space<vmem>>
    %dma_wait3A_653 = tpu.memref_squeeze %dma_wait3A_652 : memref<1x64x768xf32, #tpu.memory_space<vmem>> -> memref<64x768xf32, #tpu.memory_space<vmem>>
    %dma_wait3A_654 = arith.constant 0 : i32
    %dma_wait3A_655 = arith.constant 0 : i32
    %dma_wait3A_656 = tpu.memref_slice %arg3[%add3A_648, %dma_wait3A_654, %dma_wait3A_655] : memref<1024x64x768xf32, #tpu.memory_space<hbm>> -> memref<1x64x768xf32, #tpu.memory_space<hbm>>
    %dma_wait3A_657 = tpu.memref_squeeze %dma_wait3A_656 : memref<1x64x768xf32, #tpu.memory_space<hbm>> -> memref<64x768xf32, #tpu.memory_space<hbm>>
    %dma_wait3A_658 = arith.constant 0 : i32
    %dma_wait3A_659 = arith.constant 0 : i32
    %dma_wait3A_660 = tpu.memref_slice %arg3[%add3A_648, %dma_wait3A_658, %dma_wait3A_659] : memref<1024x64x768xf32, #tpu.memory_space<hbm>> -> memref<1x64x768xf32, #tpu.memory_space<hbm>>
    %dma_wait3A_661 = tpu.memref_squeeze %dma_wait3A_660 : memref<1x64x768xf32, #tpu.memory_space<hbm>> -> memref<64x768xf32, #tpu.memory_space<hbm>>
    %dma_wait3A_662 = arith.constant 0 : i32
    %dma_wait3A_663 = arith.constant 0 : i32
    %dma_wait3A_664 = tpu.memref_slice %arg4[%dma_wait3A_649, %dma_wait3A_662, %dma_wait3A_663] : memref<2x64x768xf32, #tpu.memory_space<vmem>> -> memref<1x64x768xf32, #tpu.memory_space<vmem>>
    %dma_wait3A_665 = tpu.memref_squeeze %dma_wait3A_664 : memref<1x64x768xf32, #tpu.memory_space<vmem>> -> memref<64x768xf32, #tpu.memory_space<vmem>>
    tpu.wait_dma2 semaphore(%arg8 : memref<!tpu.dma_semaphore, #tpu.memory_space<semaphore_mem>>) src(%dma_wait3A_665 : memref<64x768xf32, #tpu.memory_space<vmem>>) dst(%dma_wait3A_661 : memref<64x768xf32, #tpu.memory_space<hbm>>)
    %add3A_666 = arith.constant 9 : i32
    %add3A_667 = arith.addi %mul3A_2, %add3A_666 : i32
    %dma_start3A_668 = arith.constant 1 : i32
    %dma_start3A_669 = arith.constant 0 : i32
    %dma_start3A_670 = arith.constant 0 : i32
    %dma_start3A_671 = tpu.memref_slice %arg4[%dma_start3A_668, %dma_start3A_669, %dma_start3A_670] : memref<2x64x768xf32, #tpu.memory_space<vmem>> -> memref<1x64x768xf32, #tpu.memory_space<vmem>>
    %dma_start3A_672 = tpu.memref_squeeze %dma_start3A_671 : memref<1x64x768xf32, #tpu.memory_space<vmem>> -> memref<64x768xf32, #tpu.memory_space<vmem>>
    %dma_start3A_673 = arith.constant 0 : i32
    %dma_start3A_674 = arith.constant 0 : i32
    %dma_start3A_675 = tpu.memref_slice %arg2[%add3A_667, %dma_start3A_673, %dma_start3A_674] : memref<1024x64x768xf32, #tpu.memory_space<hbm>> -> memref<1x64x768xf32, #tpu.memory_space<hbm>>
    %dma_start3A_676 = tpu.memref_squeeze %dma_start3A_675 : memref<1x64x768xf32, #tpu.memory_space<hbm>> -> memref<64x768xf32, #tpu.memory_space<hbm>>
    %dma_start3A_677 = arith.constant 0 : i32
    %dma_start3A_678 = arith.constant 0 : i32
    %dma_start3A_679 = tpu.memref_slice %arg4[%dma_start3A_668, %dma_start3A_677, %dma_start3A_678] : memref<2x64x768xf32, #tpu.memory_space<vmem>> -> memref<1x64x768xf32, #tpu.memory_space<vmem>>
    %dma_start3A_680 = tpu.memref_squeeze %dma_start3A_679 : memref<1x64x768xf32, #tpu.memory_space<vmem>> -> memref<64x768xf32, #tpu.memory_space<vmem>>
    %dma_start3A_681 = arith.constant 0 : i32
    %dma_start3A_682 = arith.constant 0 : i32
    %dma_start3A_683 = tpu.memref_slice %arg2[%add3A_667, %dma_start3A_681, %dma_start3A_682] : memref<1024x64x768xf32, #tpu.memory_space<hbm>> -> memref<1x64x768xf32, #tpu.memory_space<hbm>>
    %dma_start3A_684 = tpu.memref_squeeze %dma_start3A_683 : memref<1x64x768xf32, #tpu.memory_space<hbm>> -> memref<64x768xf32, #tpu.memory_space<hbm>>
    tpu.enqueue_dma source(%dma_start3A_684 : memref<64x768xf32, #tpu.memory_space<hbm>>) target(%dma_start3A_680 : memref<64x768xf32, #tpu.memory_space<vmem>>) target_semaphore(%arg6 : memref<!tpu.dma_semaphore, #tpu.memory_space<semaphore_mem>>)
    %add3A_685 = arith.constant 9 : i32
    %add3A_686 = arith.addi %mul3A_2, %add3A_685 : i32
    %dma_wait3A_687 = arith.constant 1 : i32
    %dma_wait3A_688 = arith.constant 0 : i32
    %dma_wait3A_689 = arith.constant 0 : i32
    %dma_wait3A_690 = tpu.memref_slice %arg4[%dma_wait3A_687, %dma_wait3A_688, %dma_wait3A_689] : memref<2x64x768xf32, #tpu.memory_space<vmem>> -> memref<1x64x768xf32, #tpu.memory_space<vmem>>
    %dma_wait3A_691 = tpu.memref_squeeze %dma_wait3A_690 : memref<1x64x768xf32, #tpu.memory_space<vmem>> -> memref<64x768xf32, #tpu.memory_space<vmem>>
    %dma_wait3A_692 = arith.constant 0 : i32
    %dma_wait3A_693 = arith.constant 0 : i32
    %dma_wait3A_694 = tpu.memref_slice %arg2[%add3A_686, %dma_wait3A_692, %dma_wait3A_693] : memref<1024x64x768xf32, #tpu.memory_space<hbm>> -> memref<1x64x768xf32, #tpu.memory_space<hbm>>
    %dma_wait3A_695 = tpu.memref_squeeze %dma_wait3A_694 : memref<1x64x768xf32, #tpu.memory_space<hbm>> -> memref<64x768xf32, #tpu.memory_space<hbm>>
    %dma_wait3A_696 = arith.constant 0 : i32
    %dma_wait3A_697 = arith.constant 0 : i32
    %dma_wait3A_698 = tpu.memref_slice %arg4[%dma_wait3A_687, %dma_wait3A_696, %dma_wait3A_697] : memref<2x64x768xf32, #tpu.memory_space<vmem>> -> memref<1x64x768xf32, #tpu.memory_space<vmem>>
    %dma_wait3A_699 = tpu.memref_squeeze %dma_wait3A_698 : memref<1x64x768xf32, #tpu.memory_space<vmem>> -> memref<64x768xf32, #tpu.memory_space<vmem>>
    %dma_wait3A_700 = arith.constant 0 : i32
    %dma_wait3A_701 = arith.constant 0 : i32
    %dma_wait3A_702 = tpu.memref_slice %arg2[%add3A_686, %dma_wait3A_700, %dma_wait3A_701] : memref<1024x64x768xf32, #tpu.memory_space<hbm>> -> memref<1x64x768xf32, #tpu.memory_space<hbm>>
    %dma_wait3A_703 = tpu.memref_squeeze %dma_wait3A_702 : memref<1x64x768xf32, #tpu.memory_space<hbm>> -> memref<64x768xf32, #tpu.memory_space<hbm>>
    tpu.wait_dma2 semaphore(%arg6 : memref<!tpu.dma_semaphore, #tpu.memory_space<semaphore_mem>>) src(%dma_wait3A_703 : memref<64x768xf32, #tpu.memory_space<hbm>>) dst(%dma_wait3A_699 : memref<64x768xf32, #tpu.memory_space<vmem>>)
    %add3A_704 = arith.constant 9 : i32
    %add3A_705 = arith.addi %mul3A_2, %add3A_704 : i32
    %dma_start3A_706 = arith.constant 1 : i32
    %dma_start3A_707 = arith.constant 0 : i32
    %dma_start3A_708 = arith.constant 0 : i32
    %dma_start3A_709 = tpu.memref_slice %arg4[%dma_start3A_706, %dma_start3A_707, %dma_start3A_708] : memref<2x64x768xf32, #tpu.memory_space<vmem>> -> memref<1x64x768xf32, #tpu.memory_space<vmem>>
    %dma_start3A_710 = tpu.memref_squeeze %dma_start3A_709 : memref<1x64x768xf32, #tpu.memory_space<vmem>> -> memref<64x768xf32, #tpu.memory_space<vmem>>
    %dma_start3A_711 = arith.constant 0 : i32
    %dma_start3A_712 = arith.constant 0 : i32
    %dma_start3A_713 = tpu.memref_slice %arg3[%add3A_705, %dma_start3A_711, %dma_start3A_712] : memref<1024x64x768xf32, #tpu.memory_space<hbm>> -> memref<1x64x768xf32, #tpu.memory_space<hbm>>
    %dma_start3A_714 = tpu.memref_squeeze %dma_start3A_713 : memref<1x64x768xf32, #tpu.memory_space<hbm>> -> memref<64x768xf32, #tpu.memory_space<hbm>>
    %dma_start3A_715 = arith.constant 0 : i32
    %dma_start3A_716 = arith.constant 0 : i32
    %dma_start3A_717 = tpu.memref_slice %arg3[%add3A_705, %dma_start3A_715, %dma_start3A_716] : memref<1024x64x768xf32, #tpu.memory_space<hbm>> -> memref<1x64x768xf32, #tpu.memory_space<hbm>>
    %dma_start3A_718 = tpu.memref_squeeze %dma_start3A_717 : memref<1x64x768xf32, #tpu.memory_space<hbm>> -> memref<64x768xf32, #tpu.memory_space<hbm>>
    %dma_start3A_719 = arith.constant 0 : i32
    %dma_start3A_720 = arith.constant 0 : i32
    %dma_start3A_721 = tpu.memref_slice %arg4[%dma_start3A_706, %dma_start3A_719, %dma_start3A_720] : memref<2x64x768xf32, #tpu.memory_space<vmem>> -> memref<1x64x768xf32, #tpu.memory_space<vmem>>
    %dma_start3A_722 = tpu.memref_squeeze %dma_start3A_721 : memref<1x64x768xf32, #tpu.memory_space<vmem>> -> memref<64x768xf32, #tpu.memory_space<vmem>>
    tpu.enqueue_dma source(%dma_start3A_722 : memref<64x768xf32, #tpu.memory_space<vmem>>) target(%dma_start3A_718 : memref<64x768xf32, #tpu.memory_space<hbm>>) target_semaphore(%arg8 : memref<!tpu.dma_semaphore, #tpu.memory_space<semaphore_mem>>)
    %add3A_723 = arith.constant 8 : i32
    %add3A_724 = arith.addi %mul3A_2, %add3A_723 : i32
    %dma_wait3A_725 = arith.constant 0 : i32
    %dma_wait3A_726 = arith.constant 0 : i32
    %dma_wait3A_727 = arith.constant 0 : i32
    %dma_wait3A_728 = tpu.memref_slice %arg4[%dma_wait3A_725, %dma_wait3A_726, %dma_wait3A_727] : memref<2x64x768xf32, #tpu.memory_space<vmem>> -> memref<1x64x768xf32, #tpu.memory_space<vmem>>
    %dma_wait3A_729 = tpu.memref_squeeze %dma_wait3A_728 : memref<1x64x768xf32, #tpu.memory_space<vmem>> -> memref<64x768xf32, #tpu.memory_space<vmem>>
    %dma_wait3A_730 = arith.constant 0 : i32
    %dma_wait3A_731 = arith.constant 0 : i32
    %dma_wait3A_732 = tpu.memref_slice %arg3[%add3A_724, %dma_wait3A_730, %dma_wait3A_731] : memref<1024x64x768xf32, #tpu.memory_space<hbm>> -> memref<1x64x768xf32, #tpu.memory_space<hbm>>
    %dma_wait3A_733 = tpu.memref_squeeze %dma_wait3A_732 : memref<1x64x768xf32, #tpu.memory_space<hbm>> -> memref<64x768xf32, #tpu.memory_space<hbm>>
    %dma_wait3A_734 = arith.constant 0 : i32
    %dma_wait3A_735 = arith.constant 0 : i32
    %dma_wait3A_736 = tpu.memref_slice %arg3[%add3A_724, %dma_wait3A_734, %dma_wait3A_735] : memref<1024x64x768xf32, #tpu.memory_space<hbm>> -> memref<1x64x768xf32, #tpu.memory_space<hbm>>
    %dma_wait3A_737 = tpu.memref_squeeze %dma_wait3A_736 : memref<1x64x768xf32, #tpu.memory_space<hbm>> -> memref<64x768xf32, #tpu.memory_space<hbm>>
    %dma_wait3A_738 = arith.constant 0 : i32
    %dma_wait3A_739 = arith.constant 0 : i32
    %dma_wait3A_740 = tpu.memref_slice %arg4[%dma_wait3A_725, %dma_wait3A_738, %dma_wait3A_739] : memref<2x64x768xf32, #tpu.memory_space<vmem>> -> memref<1x64x768xf32, #tpu.memory_space<vmem>>
    %dma_wait3A_741 = tpu.memref_squeeze %dma_wait3A_740 : memref<1x64x768xf32, #tpu.memory_space<vmem>> -> memref<64x768xf32, #tpu.memory_space<vmem>>
    tpu.wait_dma2 semaphore(%arg7 : memref<!tpu.dma_semaphore, #tpu.memory_space<semaphore_mem>>) src(%dma_wait3A_741 : memref<64x768xf32, #tpu.memory_space<vmem>>) dst(%dma_wait3A_737 : memref<64x768xf32, #tpu.memory_space<hbm>>)
    %add3A_742 = arith.constant 10 : i32
    %add3A_743 = arith.addi %mul3A_2, %add3A_742 : i32
    %dma_start3A_744 = arith.constant 0 : i32
    %dma_start3A_745 = arith.constant 0 : i32
    %dma_start3A_746 = arith.constant 0 : i32
    %dma_start3A_747 = tpu.memref_slice %arg4[%dma_start3A_744, %dma_start3A_745, %dma_start3A_746] : memref<2x64x768xf32, #tpu.memory_space<vmem>> -> memref<1x64x768xf32, #tpu.memory_space<vmem>>
    %dma_start3A_748 = tpu.memref_squeeze %dma_start3A_747 : memref<1x64x768xf32, #tpu.memory_space<vmem>> -> memref<64x768xf32, #tpu.memory_space<vmem>>
    %dma_start3A_749 = arith.constant 0 : i32
    %dma_start3A_750 = arith.constant 0 : i32
    %dma_start3A_751 = tpu.memref_slice %arg2[%add3A_743, %dma_start3A_749, %dma_start3A_750] : memref<1024x64x768xf32, #tpu.memory_space<hbm>> -> memref<1x64x768xf32, #tpu.memory_space<hbm>>
    %dma_start3A_752 = tpu.memref_squeeze %dma_start3A_751 : memref<1x64x768xf32, #tpu.memory_space<hbm>> -> memref<64x768xf32, #tpu.memory_space<hbm>>
    %dma_start3A_753 = arith.constant 0 : i32
    %dma_start3A_754 = arith.constant 0 : i32
    %dma_start3A_755 = tpu.memref_slice %arg4[%dma_start3A_744, %dma_start3A_753, %dma_start3A_754] : memref<2x64x768xf32, #tpu.memory_space<vmem>> -> memref<1x64x768xf32, #tpu.memory_space<vmem>>
    %dma_start3A_756 = tpu.memref_squeeze %dma_start3A_755 : memref<1x64x768xf32, #tpu.memory_space<vmem>> -> memref<64x768xf32, #tpu.memory_space<vmem>>
    %dma_start3A_757 = arith.constant 0 : i32
    %dma_start3A_758 = arith.constant 0 : i32
    %dma_start3A_759 = tpu.memref_slice %arg2[%add3A_743, %dma_start3A_757, %dma_start3A_758] : memref<1024x64x768xf32, #tpu.memory_space<hbm>> -> memref<1x64x768xf32, #tpu.memory_space<hbm>>
    %dma_start3A_760 = tpu.memref_squeeze %dma_start3A_759 : memref<1x64x768xf32, #tpu.memory_space<hbm>> -> memref<64x768xf32, #tpu.memory_space<hbm>>
    tpu.enqueue_dma source(%dma_start3A_760 : memref<64x768xf32, #tpu.memory_space<hbm>>) target(%dma_start3A_756 : memref<64x768xf32, #tpu.memory_space<vmem>>) target_semaphore(%arg5 : memref<!tpu.dma_semaphore, #tpu.memory_space<semaphore_mem>>)
    %add3A_761 = arith.constant 10 : i32
    %add3A_762 = arith.addi %mul3A_2, %add3A_761 : i32
    %dma_wait3A_763 = arith.constant 0 : i32
    %dma_wait3A_764 = arith.constant 0 : i32
    %dma_wait3A_765 = arith.constant 0 : i32
    %dma_wait3A_766 = tpu.memref_slice %arg4[%dma_wait3A_763, %dma_wait3A_764, %dma_wait3A_765] : memref<2x64x768xf32, #tpu.memory_space<vmem>> -> memref<1x64x768xf32, #tpu.memory_space<vmem>>
    %dma_wait3A_767 = tpu.memref_squeeze %dma_wait3A_766 : memref<1x64x768xf32, #tpu.memory_space<vmem>> -> memref<64x768xf32, #tpu.memory_space<vmem>>
    %dma_wait3A_768 = arith.constant 0 : i32
    %dma_wait3A_769 = arith.constant 0 : i32
    %dma_wait3A_770 = tpu.memref_slice %arg2[%add3A_762, %dma_wait3A_768, %dma_wait3A_769] : memref<1024x64x768xf32, #tpu.memory_space<hbm>> -> memref<1x64x768xf32, #tpu.memory_space<hbm>>
    %dma_wait3A_771 = tpu.memref_squeeze %dma_wait3A_770 : memref<1x64x768xf32, #tpu.memory_space<hbm>> -> memref<64x768xf32, #tpu.memory_space<hbm>>
    %dma_wait3A_772 = arith.constant 0 : i32
    %dma_wait3A_773 = arith.constant 0 : i32
    %dma_wait3A_774 = tpu.memref_slice %arg4[%dma_wait3A_763, %dma_wait3A_772, %dma_wait3A_773] : memref<2x64x768xf32, #tpu.memory_space<vmem>> -> memref<1x64x768xf32, #tpu.memory_space<vmem>>
    %dma_wait3A_775 = tpu.memref_squeeze %dma_wait3A_774 : memref<1x64x768xf32, #tpu.memory_space<vmem>> -> memref<64x768xf32, #tpu.memory_space<vmem>>
    %dma_wait3A_776 = arith.constant 0 : i32
    %dma_wait3A_777 = arith.constant 0 : i32
    %dma_wait3A_778 = tpu.memref_slice %arg2[%add3A_762, %dma_wait3A_776, %dma_wait3A_777] : memref<1024x64x768xf32, #tpu.memory_space<hbm>> -> memref<1x64x768xf32, #tpu.memory_space<hbm>>
    %dma_wait3A_779 = tpu.memref_squeeze %dma_wait3A_778 : memref<1x64x768xf32, #tpu.memory_space<hbm>> -> memref<64x768xf32, #tpu.memory_space<hbm>>
    tpu.wait_dma2 semaphore(%arg5 : memref<!tpu.dma_semaphore, #tpu.memory_space<semaphore_mem>>) src(%dma_wait3A_779 : memref<64x768xf32, #tpu.memory_space<hbm>>) dst(%dma_wait3A_775 : memref<64x768xf32, #tpu.memory_space<vmem>>)
    %add3A_780 = arith.constant 10 : i32
    %add3A_781 = arith.addi %mul3A_2, %add3A_780 : i32
    %dma_start3A_782 = arith.constant 0 : i32
    %dma_start3A_783 = arith.constant 0 : i32
    %dma_start3A_784 = arith.constant 0 : i32
    %dma_start3A_785 = tpu.memref_slice %arg4[%dma_start3A_782, %dma_start3A_783, %dma_start3A_784] : memref<2x64x768xf32, #tpu.memory_space<vmem>> -> memref<1x64x768xf32, #tpu.memory_space<vmem>>
    %dma_start3A_786 = tpu.memref_squeeze %dma_start3A_785 : memref<1x64x768xf32, #tpu.memory_space<vmem>> -> memref<64x768xf32, #tpu.memory_space<vmem>>
    %dma_start3A_787 = arith.constant 0 : i32
    %dma_start3A_788 = arith.constant 0 : i32
    %dma_start3A_789 = tpu.memref_slice %arg3[%add3A_781, %dma_start3A_787, %dma_start3A_788] : memref<1024x64x768xf32, #tpu.memory_space<hbm>> -> memref<1x64x768xf32, #tpu.memory_space<hbm>>
    %dma_start3A_790 = tpu.memref_squeeze %dma_start3A_789 : memref<1x64x768xf32, #tpu.memory_space<hbm>> -> memref<64x768xf32, #tpu.memory_space<hbm>>
    %dma_start3A_791 = arith.constant 0 : i32
    %dma_start3A_792 = arith.constant 0 : i32
    %dma_start3A_793 = tpu.memref_slice %arg3[%add3A_781, %dma_start3A_791, %dma_start3A_792] : memref<1024x64x768xf32, #tpu.memory_space<hbm>> -> memref<1x64x768xf32, #tpu.memory_space<hbm>>
    %dma_start3A_794 = tpu.memref_squeeze %dma_start3A_793 : memref<1x64x768xf32, #tpu.memory_space<hbm>> -> memref<64x768xf32, #tpu.memory_space<hbm>>
    %dma_start3A_795 = arith.constant 0 : i32
    %dma_start3A_796 = arith.constant 0 : i32
    %dma_start3A_797 = tpu.memref_slice %arg4[%dma_start3A_782, %dma_start3A_795, %dma_start3A_796] : memref<2x64x768xf32, #tpu.memory_space<vmem>> -> memref<1x64x768xf32, #tpu.memory_space<vmem>>
    %dma_start3A_798 = tpu.memref_squeeze %dma_start3A_797 : memref<1x64x768xf32, #tpu.memory_space<vmem>> -> memref<64x768xf32, #tpu.memory_space<vmem>>
    tpu.enqueue_dma source(%dma_start3A_798 : memref<64x768xf32, #tpu.memory_space<vmem>>) target(%dma_start3A_794 : memref<64x768xf32, #tpu.memory_space<hbm>>) target_semaphore(%arg7 : memref<!tpu.dma_semaphore, #tpu.memory_space<semaphore_mem>>)
    %add3A_799 = arith.constant 9 : i32
    %add3A_800 = arith.addi %mul3A_2, %add3A_799 : i32
    %dma_wait3A_801 = arith.constant 1 : i32
    %dma_wait3A_802 = arith.constant 0 : i32
    %dma_wait3A_803 = arith.constant 0 : i32
    %dma_wait3A_804 = tpu.memref_slice %arg4[%dma_wait3A_801, %dma_wait3A_802, %dma_wait3A_803] : memref<2x64x768xf32, #tpu.memory_space<vmem>> -> memref<1x64x768xf32, #tpu.memory_space<vmem>>
    %dma_wait3A_805 = tpu.memref_squeeze %dma_wait3A_804 : memref<1x64x768xf32, #tpu.memory_space<vmem>> -> memref<64x768xf32, #tpu.memory_space<vmem>>
    %dma_wait3A_806 = arith.constant 0 : i32
    %dma_wait3A_807 = arith.constant 0 : i32
    %dma_wait3A_808 = tpu.memref_slice %arg3[%add3A_800, %dma_wait3A_806, %dma_wait3A_807] : memref<1024x64x768xf32, #tpu.memory_space<hbm>> -> memref<1x64x768xf32, #tpu.memory_space<hbm>>
    %dma_wait3A_809 = tpu.memref_squeeze %dma_wait3A_808 : memref<1x64x768xf32, #tpu.memory_space<hbm>> -> memref<64x768xf32, #tpu.memory_space<hbm>>
    %dma_wait3A_810 = arith.constant 0 : i32
    %dma_wait3A_811 = arith.constant 0 : i32
    %dma_wait3A_812 = tpu.memref_slice %arg3[%add3A_800, %dma_wait3A_810, %dma_wait3A_811] : memref<1024x64x768xf32, #tpu.memory_space<hbm>> -> memref<1x64x768xf32, #tpu.memory_space<hbm>>
    %dma_wait3A_813 = tpu.memref_squeeze %dma_wait3A_812 : memref<1x64x768xf32, #tpu.memory_space<hbm>> -> memref<64x768xf32, #tpu.memory_space<hbm>>
    %dma_wait3A_814 = arith.constant 0 : i32
    %dma_wait3A_815 = arith.constant 0 : i32
    %dma_wait3A_816 = tpu.memref_slice %arg4[%dma_wait3A_801, %dma_wait3A_814, %dma_wait3A_815] : memref<2x64x768xf32, #tpu.memory_space<vmem>> -> memref<1x64x768xf32, #tpu.memory_space<vmem>>
    %dma_wait3A_817 = tpu.memref_squeeze %dma_wait3A_816 : memref<1x64x768xf32, #tpu.memory_space<vmem>> -> memref<64x768xf32, #tpu.memory_space<vmem>>
    tpu.wait_dma2 semaphore(%arg8 : memref<!tpu.dma_semaphore, #tpu.memory_space<semaphore_mem>>) src(%dma_wait3A_817 : memref<64x768xf32, #tpu.memory_space<vmem>>) dst(%dma_wait3A_813 : memref<64x768xf32, #tpu.memory_space<hbm>>)
    %add3A_818 = arith.constant 11 : i32
    %add3A_819 = arith.addi %mul3A_2, %add3A_818 : i32
    %dma_start3A_820 = arith.constant 1 : i32
    %dma_start3A_821 = arith.constant 0 : i32
    %dma_start3A_822 = arith.constant 0 : i32
    %dma_start3A_823 = tpu.memref_slice %arg4[%dma_start3A_820, %dma_start3A_821, %dma_start3A_822] : memref<2x64x768xf32, #tpu.memory_space<vmem>> -> memref<1x64x768xf32, #tpu.memory_space<vmem>>
    %dma_start3A_824 = tpu.memref_squeeze %dma_start3A_823 : memref<1x64x768xf32, #tpu.memory_space<vmem>> -> memref<64x768xf32, #tpu.memory_space<vmem>>
    %dma_start3A_825 = arith.constant 0 : i32
    %dma_start3A_826 = arith.constant 0 : i32
    %dma_start3A_827 = tpu.memref_slice %arg2[%add3A_819, %dma_start3A_825, %dma_start3A_826] : memref<1024x64x768xf32, #tpu.memory_space<hbm>> -> memref<1x64x768xf32, #tpu.memory_space<hbm>>
    %dma_start3A_828 = tpu.memref_squeeze %dma_start3A_827 : memref<1x64x768xf32, #tpu.memory_space<hbm>> -> memref<64x768xf32, #tpu.memory_space<hbm>>
    %dma_start3A_829 = arith.constant 0 : i32
    %dma_start3A_830 = arith.constant 0 : i32
    %dma_start3A_831 = tpu.memref_slice %arg4[%dma_start3A_820, %dma_start3A_829, %dma_start3A_830] : memref<2x64x768xf32, #tpu.memory_space<vmem>> -> memref<1x64x768xf32, #tpu.memory_space<vmem>>
    %dma_start3A_832 = tpu.memref_squeeze %dma_start3A_831 : memref<1x64x768xf32, #tpu.memory_space<vmem>> -> memref<64x768xf32, #tpu.memory_space<vmem>>
    %dma_start3A_833 = arith.constant 0 : i32
    %dma_start3A_834 = arith.constant 0 : i32
    %dma_start3A_835 = tpu.memref_slice %arg2[%add3A_819, %dma_start3A_833, %dma_start3A_834] : memref<1024x64x768xf32, #tpu.memory_space<hbm>> -> memref<1x64x768xf32, #tpu.memory_space<hbm>>
    %dma_start3A_836 = tpu.memref_squeeze %dma_start3A_835 : memref<1x64x768xf32, #tpu.memory_space<hbm>> -> memref<64x768xf32, #tpu.memory_space<hbm>>
    tpu.enqueue_dma source(%dma_start3A_836 : memref<64x768xf32, #tpu.memory_space<hbm>>) target(%dma_start3A_832 : memref<64x768xf32, #tpu.memory_space<vmem>>) target_semaphore(%arg6 : memref<!tpu.dma_semaphore, #tpu.memory_space<semaphore_mem>>)
    %add3A_837 = arith.constant 11 : i32
    %add3A_838 = arith.addi %mul3A_2, %add3A_837 : i32
    %dma_wait3A_839 = arith.constant 1 : i32
    %dma_wait3A_840 = arith.constant 0 : i32
    %dma_wait3A_841 = arith.constant 0 : i32
    %dma_wait3A_842 = tpu.memref_slice %arg4[%dma_wait3A_839, %dma_wait3A_840, %dma_wait3A_841] : memref<2x64x768xf32, #tpu.memory_space<vmem>> -> memref<1x64x768xf32, #tpu.memory_space<vmem>>
    %dma_wait3A_843 = tpu.memref_squeeze %dma_wait3A_842 : memref<1x64x768xf32, #tpu.memory_space<vmem>> -> memref<64x768xf32, #tpu.memory_space<vmem>>
    %dma_wait3A_844 = arith.constant 0 : i32
    %dma_wait3A_845 = arith.constant 0 : i32
    %dma_wait3A_846 = tpu.memref_slice %arg2[%add3A_838, %dma_wait3A_844, %dma_wait3A_845] : memref<1024x64x768xf32, #tpu.memory_space<hbm>> -> memref<1x64x768xf32, #tpu.memory_space<hbm>>
    %dma_wait3A_847 = tpu.memref_squeeze %dma_wait3A_846 : memref<1x64x768xf32, #tpu.memory_space<hbm>> -> memref<64x768xf32, #tpu.memory_space<hbm>>
    %dma_wait3A_848 = arith.constant 0 : i32
    %dma_wait3A_849 = arith.constant 0 : i32
    %dma_wait3A_850 = tpu.memref_slice %arg4[%dma_wait3A_839, %dma_wait3A_848, %dma_wait3A_849] : memref<2x64x768xf32, #tpu.memory_space<vmem>> -> memref<1x64x768xf32, #tpu.memory_space<vmem>>
    %dma_wait3A_851 = tpu.memref_squeeze %dma_wait3A_850 : memref<1x64x768xf32, #tpu.memory_space<vmem>> -> memref<64x768xf32, #tpu.memory_space<vmem>>
    %dma_wait3A_852 = arith.constant 0 : i32
    %dma_wait3A_853 = arith.constant 0 : i32
    %dma_wait3A_854 = tpu.memref_slice %arg2[%add3A_838, %dma_wait3A_852, %dma_wait3A_853] : memref<1024x64x768xf32, #tpu.memory_space<hbm>> -> memref<1x64x768xf32, #tpu.memory_space<hbm>>
    %dma_wait3A_855 = tpu.memref_squeeze %dma_wait3A_854 : memref<1x64x768xf32, #tpu.memory_space<hbm>> -> memref<64x768xf32, #tpu.memory_space<hbm>>
    tpu.wait_dma2 semaphore(%arg6 : memref<!tpu.dma_semaphore, #tpu.memory_space<semaphore_mem>>) src(%dma_wait3A_855 : memref<64x768xf32, #tpu.memory_space<hbm>>) dst(%dma_wait3A_851 : memref<64x768xf32, #tpu.memory_space<vmem>>)
    %add3A_856 = arith.constant 11 : i32
    %add3A_857 = arith.addi %mul3A_2, %add3A_856 : i32
    %dma_start3A_858 = arith.constant 1 : i32
    %dma_start3A_859 = arith.constant 0 : i32
    %dma_start3A_860 = arith.constant 0 : i32
    %dma_start3A_861 = tpu.memref_slice %arg4[%dma_start3A_858, %dma_start3A_859, %dma_start3A_860] : memref<2x64x768xf32, #tpu.memory_space<vmem>> -> memref<1x64x768xf32, #tpu.memory_space<vmem>>
    %dma_start3A_862 = tpu.memref_squeeze %dma_start3A_861 : memref<1x64x768xf32, #tpu.memory_space<vmem>> -> memref<64x768xf32, #tpu.memory_space<vmem>>
    %dma_start3A_863 = arith.constant 0 : i32
    %dma_start3A_864 = arith.constant 0 : i32
    %dma_start3A_865 = tpu.memref_slice %arg3[%add3A_857, %dma_start3A_863, %dma_start3A_864] : memref<1024x64x768xf32, #tpu.memory_space<hbm>> -> memref<1x64x768xf32, #tpu.memory_space<hbm>>
    %dma_start3A_866 = tpu.memref_squeeze %dma_start3A_865 : memref<1x64x768xf32, #tpu.memory_space<hbm>> -> memref<64x768xf32, #tpu.memory_space<hbm>>
    %dma_start3A_867 = arith.constant 0 : i32
    %dma_start3A_868 = arith.constant 0 : i32
    %dma_start3A_869 = tpu.memref_slice %arg3[%add3A_857, %dma_start3A_867, %dma_start3A_868] : memref<1024x64x768xf32, #tpu.memory_space<hbm>> -> memref<1x64x768xf32, #tpu.memory_space<hbm>>
    %dma_start3A_870 = tpu.memref_squeeze %dma_start3A_869 : memref<1x64x768xf32, #tpu.memory_space<hbm>> -> memref<64x768xf32, #tpu.memory_space<hbm>>
    %dma_start3A_871 = arith.constant 0 : i32
    %dma_start3A_872 = arith.constant 0 : i32
    %dma_start3A_873 = tpu.memref_slice %arg4[%dma_start3A_858, %dma_start3A_871, %dma_start3A_872] : memref<2x64x768xf32, #tpu.memory_space<vmem>> -> memref<1x64x768xf32, #tpu.memory_space<vmem>>
    %dma_start3A_874 = tpu.memref_squeeze %dma_start3A_873 : memref<1x64x768xf32, #tpu.memory_space<vmem>> -> memref<64x768xf32, #tpu.memory_space<vmem>>
    tpu.enqueue_dma source(%dma_start3A_874 : memref<64x768xf32, #tpu.memory_space<vmem>>) target(%dma_start3A_870 : memref<64x768xf32, #tpu.memory_space<hbm>>) target_semaphore(%arg8 : memref<!tpu.dma_semaphore, #tpu.memory_space<semaphore_mem>>)
    %add3A_875 = arith.constant 10 : i32
    %add3A_876 = arith.addi %mul3A_2, %add3A_875 : i32
    %dma_wait3A_877 = arith.constant 0 : i32
    %dma_wait3A_878 = arith.constant 0 : i32
    %dma_wait3A_879 = arith.constant 0 : i32
    %dma_wait3A_880 = tpu.memref_slice %arg4[%dma_wait3A_877, %dma_wait3A_878, %dma_wait3A_879] : memref<2x64x768xf32, #tpu.memory_space<vmem>> -> memref<1x64x768xf32, #tpu.memory_space<vmem>>
    %dma_wait3A_881 = tpu.memref_squeeze %dma_wait3A_880 : memref<1x64x768xf32, #tpu.memory_space<vmem>> -> memref<64x768xf32, #tpu.memory_space<vmem>>
    %dma_wait3A_882 = arith.constant 0 : i32
    %dma_wait3A_883 = arith.constant 0 : i32
    %dma_wait3A_884 = tpu.memref_slice %arg3[%add3A_876, %dma_wait3A_882, %dma_wait3A_883] : memref<1024x64x768xf32, #tpu.memory_space<hbm>> -> memref<1x64x768xf32, #tpu.memory_space<hbm>>
    %dma_wait3A_885 = tpu.memref_squeeze %dma_wait3A_884 : memref<1x64x768xf32, #tpu.memory_space<hbm>> -> memref<64x768xf32, #tpu.memory_space<hbm>>
    %dma_wait3A_886 = arith.constant 0 : i32
    %dma_wait3A_887 = arith.constant 0 : i32
    %dma_wait3A_888 = tpu.memref_slice %arg3[%add3A_876, %dma_wait3A_886, %dma_wait3A_887] : memref<1024x64x768xf32, #tpu.memory_space<hbm>> -> memref<1x64x768xf32, #tpu.memory_space<hbm>>
    %dma_wait3A_889 = tpu.memref_squeeze %dma_wait3A_888 : memref<1x64x768xf32, #tpu.memory_space<hbm>> -> memref<64x768xf32, #tpu.memory_space<hbm>>
    %dma_wait3A_890 = arith.constant 0 : i32
    %dma_wait3A_891 = arith.constant 0 : i32
    %dma_wait3A_892 = tpu.memref_slice %arg4[%dma_wait3A_877, %dma_wait3A_890, %dma_wait3A_891] : memref<2x64x768xf32, #tpu.memory_space<vmem>> -> memref<1x64x768xf32, #tpu.memory_space<vmem>>
    %dma_wait3A_893 = tpu.memref_squeeze %dma_wait3A_892 : memref<1x64x768xf32, #tpu.memory_space<vmem>> -> memref<64x768xf32, #tpu.memory_space<vmem>>
    tpu.wait_dma2 semaphore(%arg7 : memref<!tpu.dma_semaphore, #tpu.memory_space<semaphore_mem>>) src(%dma_wait3A_893 : memref<64x768xf32, #tpu.memory_space<vmem>>) dst(%dma_wait3A_889 : memref<64x768xf32, #tpu.memory_space<hbm>>)
    %add3A_894 = arith.constant 12 : i32
    %add3A_895 = arith.addi %mul3A_2, %add3A_894 : i32
    %dma_start3A_896 = arith.constant 0 : i32
    %dma_start3A_897 = arith.constant 0 : i32
    %dma_start3A_898 = arith.constant 0 : i32
    %dma_start3A_899 = tpu.memref_slice %arg4[%dma_start3A_896, %dma_start3A_897, %dma_start3A_898] : memref<2x64x768xf32, #tpu.memory_space<vmem>> -> memref<1x64x768xf32, #tpu.memory_space<vmem>>
    %dma_start3A_900 = tpu.memref_squeeze %dma_start3A_899 : memref<1x64x768xf32, #tpu.memory_space<vmem>> -> memref<64x768xf32, #tpu.memory_space<vmem>>
    %dma_start3A_901 = arith.constant 0 : i32
    %dma_start3A_902 = arith.constant 0 : i32
    %dma_start3A_903 = tpu.memref_slice %arg2[%add3A_895, %dma_start3A_901, %dma_start3A_902] : memref<1024x64x768xf32, #tpu.memory_space<hbm>> -> memref<1x64x768xf32, #tpu.memory_space<hbm>>
    %dma_start3A_904 = tpu.memref_squeeze %dma_start3A_903 : memref<1x64x768xf32, #tpu.memory_space<hbm>> -> memref<64x768xf32, #tpu.memory_space<hbm>>
    %dma_start3A_905 = arith.constant 0 : i32
    %dma_start3A_906 = arith.constant 0 : i32
    %dma_start3A_907 = tpu.memref_slice %arg4[%dma_start3A_896, %dma_start3A_905, %dma_start3A_906] : memref<2x64x768xf32, #tpu.memory_space<vmem>> -> memref<1x64x768xf32, #tpu.memory_space<vmem>>
    %dma_start3A_908 = tpu.memref_squeeze %dma_start3A_907 : memref<1x64x768xf32, #tpu.memory_space<vmem>> -> memref<64x768xf32, #tpu.memory_space<vmem>>
    %dma_start3A_909 = arith.constant 0 : i32
    %dma_start3A_910 = arith.constant 0 : i32
    %dma_start3A_911 = tpu.memref_slice %arg2[%add3A_895, %dma_start3A_909, %dma_start3A_910] : memref<1024x64x768xf32, #tpu.memory_space<hbm>> -> memref<1x64x768xf32, #tpu.memory_space<hbm>>
    %dma_start3A_912 = tpu.memref_squeeze %dma_start3A_911 : memref<1x64x768xf32, #tpu.memory_space<hbm>> -> memref<64x768xf32, #tpu.memory_space<hbm>>
    tpu.enqueue_dma source(%dma_start3A_912 : memref<64x768xf32, #tpu.memory_space<hbm>>) target(%dma_start3A_908 : memref<64x768xf32, #tpu.memory_space<vmem>>) target_semaphore(%arg5 : memref<!tpu.dma_semaphore, #tpu.memory_space<semaphore_mem>>)
    %add3A_913 = arith.constant 12 : i32
    %add3A_914 = arith.addi %mul3A_2, %add3A_913 : i32
    %dma_wait3A_915 = arith.constant 0 : i32
    %dma_wait3A_916 = arith.constant 0 : i32
    %dma_wait3A_917 = arith.constant 0 : i32
    %dma_wait3A_918 = tpu.memref_slice %arg4[%dma_wait3A_915, %dma_wait3A_916, %dma_wait3A_917] : memref<2x64x768xf32, #tpu.memory_space<vmem>> -> memref<1x64x768xf32, #tpu.memory_space<vmem>>
    %dma_wait3A_919 = tpu.memref_squeeze %dma_wait3A_918 : memref<1x64x768xf32, #tpu.memory_space<vmem>> -> memref<64x768xf32, #tpu.memory_space<vmem>>
    %dma_wait3A_920 = arith.constant 0 : i32
    %dma_wait3A_921 = arith.constant 0 : i32
    %dma_wait3A_922 = tpu.memref_slice %arg2[%add3A_914, %dma_wait3A_920, %dma_wait3A_921] : memref<1024x64x768xf32, #tpu.memory_space<hbm>> -> memref<1x64x768xf32, #tpu.memory_space<hbm>>
    %dma_wait3A_923 = tpu.memref_squeeze %dma_wait3A_922 : memref<1x64x768xf32, #tpu.memory_space<hbm>> -> memref<64x768xf32, #tpu.memory_space<hbm>>
    %dma_wait3A_924 = arith.constant 0 : i32
    %dma_wait3A_925 = arith.constant 0 : i32
    %dma_wait3A_926 = tpu.memref_slice %arg4[%dma_wait3A_915, %dma_wait3A_924, %dma_wait3A_925] : memref<2x64x768xf32, #tpu.memory_space<vmem>> -> memref<1x64x768xf32, #tpu.memory_space<vmem>>
    %dma_wait3A_927 = tpu.memref_squeeze %dma_wait3A_926 : memref<1x64x768xf32, #tpu.memory_space<vmem>> -> memref<64x768xf32, #tpu.memory_space<vmem>>
    %dma_wait3A_928 = arith.constant 0 : i32
    %dma_wait3A_929 = arith.constant 0 : i32
    %dma_wait3A_930 = tpu.memref_slice %arg2[%add3A_914, %dma_wait3A_928, %dma_wait3A_929] : memref<1024x64x768xf32, #tpu.memory_space<hbm>> -> memref<1x64x768xf32, #tpu.memory_space<hbm>>
    %dma_wait3A_931 = tpu.memref_squeeze %dma_wait3A_930 : memref<1x64x768xf32, #tpu.memory_space<hbm>> -> memref<64x768xf32, #tpu.memory_space<hbm>>
    tpu.wait_dma2 semaphore(%arg5 : memref<!tpu.dma_semaphore, #tpu.memory_space<semaphore_mem>>) src(%dma_wait3A_931 : memref<64x768xf32, #tpu.memory_space<hbm>>) dst(%dma_wait3A_927 : memref<64x768xf32, #tpu.memory_space<vmem>>)
    %add3A_932 = arith.constant 12 : i32
    %add3A_933 = arith.addi %mul3A_2, %add3A_932 : i32
    %dma_start3A_934 = arith.constant 0 : i32
    %dma_start3A_935 = arith.constant 0 : i32
    %dma_start3A_936 = arith.constant 0 : i32
    %dma_start3A_937 = tpu.memref_slice %arg4[%dma_start3A_934, %dma_start3A_935, %dma_start3A_936] : memref<2x64x768xf32, #tpu.memory_space<vmem>> -> memref<1x64x768xf32, #tpu.memory_space<vmem>>
    %dma_start3A_938 = tpu.memref_squeeze %dma_start3A_937 : memref<1x64x768xf32, #tpu.memory_space<vmem>> -> memref<64x768xf32, #tpu.memory_space<vmem>>
    %dma_start3A_939 = arith.constant 0 : i32
    %dma_start3A_940 = arith.constant 0 : i32
    %dma_start3A_941 = tpu.memref_slice %arg3[%add3A_933, %dma_start3A_939, %dma_start3A_940] : memref<1024x64x768xf32, #tpu.memory_space<hbm>> -> memref<1x64x768xf32, #tpu.memory_space<hbm>>
    %dma_start3A_942 = tpu.memref_squeeze %dma_start3A_941 : memref<1x64x768xf32, #tpu.memory_space<hbm>> -> memref<64x768xf32, #tpu.memory_space<hbm>>
    %dma_start3A_943 = arith.constant 0 : i32
    %dma_start3A_944 = arith.constant 0 : i32
    %dma_start3A_945 = tpu.memref_slice %arg3[%add3A_933, %dma_start3A_943, %dma_start3A_944] : memref<1024x64x768xf32, #tpu.memory_space<hbm>> -> memref<1x64x768xf32, #tpu.memory_space<hbm>>
    %dma_start3A_946 = tpu.memref_squeeze %dma_start3A_945 : memref<1x64x768xf32, #tpu.memory_space<hbm>> -> memref<64x768xf32, #tpu.memory_space<hbm>>
    %dma_start3A_947 = arith.constant 0 : i32
    %dma_start3A_948 = arith.constant 0 : i32
    %dma_start3A_949 = tpu.memref_slice %arg4[%dma_start3A_934, %dma_start3A_947, %dma_start3A_948] : memref<2x64x768xf32, #tpu.memory_space<vmem>> -> memref<1x64x768xf32, #tpu.memory_space<vmem>>
    %dma_start3A_950 = tpu.memref_squeeze %dma_start3A_949 : memref<1x64x768xf32, #tpu.memory_space<vmem>> -> memref<64x768xf32, #tpu.memory_space<vmem>>
    tpu.enqueue_dma source(%dma_start3A_950 : memref<64x768xf32, #tpu.memory_space<vmem>>) target(%dma_start3A_946 : memref<64x768xf32, #tpu.memory_space<hbm>>) target_semaphore(%arg7 : memref<!tpu.dma_semaphore, #tpu.memory_space<semaphore_mem>>)
    %add3A_951 = arith.constant 11 : i32
    %add3A_952 = arith.addi %mul3A_2, %add3A_951 : i32
    %dma_wait3A_953 = arith.constant 1 : i32
    %dma_wait3A_954 = arith.constant 0 : i32
    %dma_wait3A_955 = arith.constant 0 : i32
    %dma_wait3A_956 = tpu.memref_slice %arg4[%dma_wait3A_953, %dma_wait3A_954, %dma_wait3A_955] : memref<2x64x768xf32, #tpu.memory_space<vmem>> -> memref<1x64x768xf32, #tpu.memory_space<vmem>>
    %dma_wait3A_957 = tpu.memref_squeeze %dma_wait3A_956 : memref<1x64x768xf32, #tpu.memory_space<vmem>> -> memref<64x768xf32, #tpu.memory_space<vmem>>
    %dma_wait3A_958 = arith.constant 0 : i32
    %dma_wait3A_959 = arith.constant 0 : i32
    %dma_wait3A_960 = tpu.memref_slice %arg3[%add3A_952, %dma_wait3A_958, %dma_wait3A_959] : memref<1024x64x768xf32, #tpu.memory_space<hbm>> -> memref<1x64x768xf32, #tpu.memory_space<hbm>>
    %dma_wait3A_961 = tpu.memref_squeeze %dma_wait3A_960 : memref<1x64x768xf32, #tpu.memory_space<hbm>> -> memref<64x768xf32, #tpu.memory_space<hbm>>
    %dma_wait3A_962 = arith.constant 0 : i32
    %dma_wait3A_963 = arith.constant 0 : i32
    %dma_wait3A_964 = tpu.memref_slice %arg3[%add3A_952, %dma_wait3A_962, %dma_wait3A_963] : memref<1024x64x768xf32, #tpu.memory_space<hbm>> -> memref<1x64x768xf32, #tpu.memory_space<hbm>>
    %dma_wait3A_965 = tpu.memref_squeeze %dma_wait3A_964 : memref<1x64x768xf32, #tpu.memory_space<hbm>> -> memref<64x768xf32, #tpu.memory_space<hbm>>
    %dma_wait3A_966 = arith.constant 0 : i32
    %dma_wait3A_967 = arith.constant 0 : i32
    %dma_wait3A_968 = tpu.memref_slice %arg4[%dma_wait3A_953, %dma_wait3A_966, %dma_wait3A_967] : memref<2x64x768xf32, #tpu.memory_space<vmem>> -> memref<1x64x768xf32, #tpu.memory_space<vmem>>
    %dma_wait3A_969 = tpu.memref_squeeze %dma_wait3A_968 : memref<1x64x768xf32, #tpu.memory_space<vmem>> -> memref<64x768xf32, #tpu.memory_space<vmem>>
    tpu.wait_dma2 semaphore(%arg8 : memref<!tpu.dma_semaphore, #tpu.memory_space<semaphore_mem>>) src(%dma_wait3A_969 : memref<64x768xf32, #tpu.memory_space<vmem>>) dst(%dma_wait3A_965 : memref<64x768xf32, #tpu.memory_space<hbm>>)
    %add3A_970 = arith.constant 13 : i32
    %add3A_971 = arith.addi %mul3A_2, %add3A_970 : i32
    %dma_start3A_972 = arith.constant 1 : i32
    %dma_start3A_973 = arith.constant 0 : i32
    %dma_start3A_974 = arith.constant 0 : i32
    %dma_start3A_975 = tpu.memref_slice %arg4[%dma_start3A_972, %dma_start3A_973, %dma_start3A_974] : memref<2x64x768xf32, #tpu.memory_space<vmem>> -> memref<1x64x768xf32, #tpu.memory_space<vmem>>
    %dma_start3A_976 = tpu.memref_squeeze %dma_start3A_975 : memref<1x64x768xf32, #tpu.memory_space<vmem>> -> memref<64x768xf32, #tpu.memory_space<vmem>>
    %dma_start3A_977 = arith.constant 0 : i32
    %dma_start3A_978 = arith.constant 0 : i32
    %dma_start3A_979 = tpu.memref_slice %arg2[%add3A_971, %dma_start3A_977, %dma_start3A_978] : memref<1024x64x768xf32, #tpu.memory_space<hbm>> -> memref<1x64x768xf32, #tpu.memory_space<hbm>>
    %dma_start3A_980 = tpu.memref_squeeze %dma_start3A_979 : memref<1x64x768xf32, #tpu.memory_space<hbm>> -> memref<64x768xf32, #tpu.memory_space<hbm>>
    %dma_start3A_981 = arith.constant 0 : i32
    %dma_start3A_982 = arith.constant 0 : i32
    %dma_start3A_983 = tpu.memref_slice %arg4[%dma_start3A_972, %dma_start3A_981, %dma_start3A_982] : memref<2x64x768xf32, #tpu.memory_space<vmem>> -> memref<1x64x768xf32, #tpu.memory_space<vmem>>
    %dma_start3A_984 = tpu.memref_squeeze %dma_start3A_983 : memref<1x64x768xf32, #tpu.memory_space<vmem>> -> memref<64x768xf32, #tpu.memory_space<vmem>>
    %dma_start3A_985 = arith.constant 0 : i32
    %dma_start3A_986 = arith.constant 0 : i32
    %dma_start3A_987 = tpu.memref_slice %arg2[%add3A_971, %dma_start3A_985, %dma_start3A_986] : memref<1024x64x768xf32, #tpu.memory_space<hbm>> -> memref<1x64x768xf32, #tpu.memory_space<hbm>>
    %dma_start3A_988 = tpu.memref_squeeze %dma_start3A_987 : memref<1x64x768xf32, #tpu.memory_space<hbm>> -> memref<64x768xf32, #tpu.memory_space<hbm>>
    tpu.enqueue_dma source(%dma_start3A_988 : memref<64x768xf32, #tpu.memory_space<hbm>>) target(%dma_start3A_984 : memref<64x768xf32, #tpu.memory_space<vmem>>) target_semaphore(%arg6 : memref<!tpu.dma_semaphore, #tpu.memory_space<semaphore_mem>>)
    %add3A_989 = arith.constant 13 : i32
    %add3A_990 = arith.addi %mul3A_2, %add3A_989 : i32
    %dma_wait3A_991 = arith.constant 1 : i32
    %dma_wait3A_992 = arith.constant 0 : i32
    %dma_wait3A_993 = arith.constant 0 : i32
    %dma_wait3A_994 = tpu.memref_slice %arg4[%dma_wait3A_991, %dma_wait3A_992, %dma_wait3A_993] : memref<2x64x768xf32, #tpu.memory_space<vmem>> -> memref<1x64x768xf32, #tpu.memory_space<vmem>>
    %dma_wait3A_995 = tpu.memref_squeeze %dma_wait3A_994 : memref<1x64x768xf32, #tpu.memory_space<vmem>> -> memref<64x768xf32, #tpu.memory_space<vmem>>
    %dma_wait3A_996 = arith.constant 0 : i32
    %dma_wait3A_997 = arith.constant 0 : i32
    %dma_wait3A_998 = tpu.memref_slice %arg2[%add3A_990, %dma_wait3A_996, %dma_wait3A_997] : memref<1024x64x768xf32, #tpu.memory_space<hbm>> -> memref<1x64x768xf32, #tpu.memory_space<hbm>>
    %dma_wait3A_999 = tpu.memref_squeeze %dma_wait3A_998 : memref<1x64x768xf32, #tpu.memory_space<hbm>> -> memref<64x768xf32, #tpu.memory_space<hbm>>
    %dma_wait3A_1000 = arith.constant 0 : i32
    %dma_wait3A_1001 = arith.constant 0 : i32
    %dma_wait3A_1002 = tpu.memref_slice %arg4[%dma_wait3A_991, %dma_wait3A_1000, %dma_wait3A_1001] : memref<2x64x768xf32, #tpu.memory_space<vmem>> -> memref<1x64x768xf32, #tpu.memory_space<vmem>>
    %dma_wait3A_1003 = tpu.memref_squeeze %dma_wait3A_1002 : memref<1x64x768xf32, #tpu.memory_space<vmem>> -> memref<64x768xf32, #tpu.memory_space<vmem>>
    %dma_wait3A_1004 = arith.constant 0 : i32
    %dma_wait3A_1005 = arith.constant 0 : i32
    %dma_wait3A_1006 = tpu.memref_slice %arg2[%add3A_990, %dma_wait3A_1004, %dma_wait3A_1005] : memref<1024x64x768xf32, #tpu.memory_space<hbm>> -> memref<1x64x768xf32, #tpu.memory_space<hbm>>
    %dma_wait3A_1007 = tpu.memref_squeeze %dma_wait3A_1006 : memref<1x64x768xf32, #tpu.memory_space<hbm>> -> memref<64x768xf32, #tpu.memory_space<hbm>>
    tpu.wait_dma2 semaphore(%arg6 : memref<!tpu.dma_semaphore, #tpu.memory_space<semaphore_mem>>) src(%dma_wait3A_1007 : memref<64x768xf32, #tpu.memory_space<hbm>>) dst(%dma_wait3A_1003 : memref<64x768xf32, #tpu.memory_space<vmem>>)
    %add3A_1008 = arith.constant 13 : i32
    %add3A_1009 = arith.addi %mul3A_2, %add3A_1008 : i32
    %dma_start3A_1010 = arith.constant 1 : i32
    %dma_start3A_1011 = arith.constant 0 : i32
    %dma_start3A_1012 = arith.constant 0 : i32
    %dma_start3A_1013 = tpu.memref_slice %arg4[%dma_start3A_1010, %dma_start3A_1011, %dma_start3A_1012] : memref<2x64x768xf32, #tpu.memory_space<vmem>> -> memref<1x64x768xf32, #tpu.memory_space<vmem>>
    %dma_start3A_1014 = tpu.memref_squeeze %dma_start3A_1013 : memref<1x64x768xf32, #tpu.memory_space<vmem>> -> memref<64x768xf32, #tpu.memory_space<vmem>>
    %dma_start3A_1015 = arith.constant 0 : i32
    %dma_start3A_1016 = arith.constant 0 : i32
    %dma_start3A_1017 = tpu.memref_slice %arg3[%add3A_1009, %dma_start3A_1015, %dma_start3A_1016] : memref<1024x64x768xf32, #tpu.memory_space<hbm>> -> memref<1x64x768xf32, #tpu.memory_space<hbm>>
    %dma_start3A_1018 = tpu.memref_squeeze %dma_start3A_1017 : memref<1x64x768xf32, #tpu.memory_space<hbm>> -> memref<64x768xf32, #tpu.memory_space<hbm>>
    %dma_start3A_1019 = arith.constant 0 : i32
    %dma_start3A_1020 = arith.constant 0 : i32
    %dma_start3A_1021 = tpu.memref_slice %arg3[%add3A_1009, %dma_start3A_1019, %dma_start3A_1020] : memref<1024x64x768xf32, #tpu.memory_space<hbm>> -> memref<1x64x768xf32, #tpu.memory_space<hbm>>
    %dma_start3A_1022 = tpu.memref_squeeze %dma_start3A_1021 : memref<1x64x768xf32, #tpu.memory_space<hbm>> -> memref<64x768xf32, #tpu.memory_space<hbm>>
    %dma_start3A_1023 = arith.constant 0 : i32
    %dma_start3A_1024 = arith.constant 0 : i32
    %dma_start3A_1025 = tpu.memref_slice %arg4[%dma_start3A_1010, %dma_start3A_1023, %dma_start3A_1024] : memref<2x64x768xf32, #tpu.memory_space<vmem>> -> memref<1x64x768xf32, #tpu.memory_space<vmem>>
    %dma_start3A_1026 = tpu.memref_squeeze %dma_start3A_1025 : memref<1x64x768xf32, #tpu.memory_space<vmem>> -> memref<64x768xf32, #tpu.memory_space<vmem>>
    tpu.enqueue_dma source(%dma_start3A_1026 : memref<64x768xf32, #tpu.memory_space<vmem>>) target(%dma_start3A_1022 : memref<64x768xf32, #tpu.memory_space<hbm>>) target_semaphore(%arg8 : memref<!tpu.dma_semaphore, #tpu.memory_space<semaphore_mem>>)
    %add3A_1027 = arith.constant 12 : i32
    %add3A_1028 = arith.addi %mul3A_2, %add3A_1027 : i32
    %dma_wait3A_1029 = arith.constant 0 : i32
    %dma_wait3A_1030 = arith.constant 0 : i32
    %dma_wait3A_1031 = arith.constant 0 : i32
    %dma_wait3A_1032 = tpu.memref_slice %arg4[%dma_wait3A_1029, %dma_wait3A_1030, %dma_wait3A_1031] : memref<2x64x768xf32, #tpu.memory_space<vmem>> -> memref<1x64x768xf32, #tpu.memory_space<vmem>>
    %dma_wait3A_1033 = tpu.memref_squeeze %dma_wait3A_1032 : memref<1x64x768xf32, #tpu.memory_space<vmem>> -> memref<64x768xf32, #tpu.memory_space<vmem>>
    %dma_wait3A_1034 = arith.constant 0 : i32
    %dma_wait3A_1035 = arith.constant 0 : i32
    %dma_wait3A_1036 = tpu.memref_slice %arg3[%add3A_1028, %dma_wait3A_1034, %dma_wait3A_1035] : memref<1024x64x768xf32, #tpu.memory_space<hbm>> -> memref<1x64x768xf32, #tpu.memory_space<hbm>>
    %dma_wait3A_1037 = tpu.memref_squeeze %dma_wait3A_1036 : memref<1x64x768xf32, #tpu.memory_space<hbm>> -> memref<64x768xf32, #tpu.memory_space<hbm>>
    %dma_wait3A_1038 = arith.constant 0 : i32
    %dma_wait3A_1039 = arith.constant 0 : i32
    %dma_wait3A_1040 = tpu.memref_slice %arg3[%add3A_1028, %dma_wait3A_1038, %dma_wait3A_1039] : memref<1024x64x768xf32, #tpu.memory_space<hbm>> -> memref<1x64x768xf32, #tpu.memory_space<hbm>>
    %dma_wait3A_1041 = tpu.memref_squeeze %dma_wait3A_1040 : memref<1x64x768xf32, #tpu.memory_space<hbm>> -> memref<64x768xf32, #tpu.memory_space<hbm>>
    %dma_wait3A_1042 = arith.constant 0 : i32
    %dma_wait3A_1043 = arith.constant 0 : i32
    %dma_wait3A_1044 = tpu.memref_slice %arg4[%dma_wait3A_1029, %dma_wait3A_1042, %dma_wait3A_1043] : memref<2x64x768xf32, #tpu.memory_space<vmem>> -> memref<1x64x768xf32, #tpu.memory_space<vmem>>
    %dma_wait3A_1045 = tpu.memref_squeeze %dma_wait3A_1044 : memref<1x64x768xf32, #tpu.memory_space<vmem>> -> memref<64x768xf32, #tpu.memory_space<vmem>>
    tpu.wait_dma2 semaphore(%arg7 : memref<!tpu.dma_semaphore, #tpu.memory_space<semaphore_mem>>) src(%dma_wait3A_1045 : memref<64x768xf32, #tpu.memory_space<vmem>>) dst(%dma_wait3A_1041 : memref<64x768xf32, #tpu.memory_space<hbm>>)
    %add3A_1046 = arith.constant 14 : i32
    %add3A_1047 = arith.addi %mul3A_2, %add3A_1046 : i32
    %dma_start3A_1048 = arith.constant 0 : i32
    %dma_start3A_1049 = arith.constant 0 : i32
    %dma_start3A_1050 = arith.constant 0 : i32
    %dma_start3A_1051 = tpu.memref_slice %arg4[%dma_start3A_1048, %dma_start3A_1049, %dma_start3A_1050] : memref<2x64x768xf32, #tpu.memory_space<vmem>> -> memref<1x64x768xf32, #tpu.memory_space<vmem>>
    %dma_start3A_1052 = tpu.memref_squeeze %dma_start3A_1051 : memref<1x64x768xf32, #tpu.memory_space<vmem>> -> memref<64x768xf32, #tpu.memory_space<vmem>>
    %dma_start3A_1053 = arith.constant 0 : i32
    %dma_start3A_1054 = arith.constant 0 : i32
    %dma_start3A_1055 = tpu.memref_slice %arg2[%add3A_1047, %dma_start3A_1053, %dma_start3A_1054] : memref<1024x64x768xf32, #tpu.memory_space<hbm>> -> memref<1x64x768xf32, #tpu.memory_space<hbm>>
    %dma_start3A_1056 = tpu.memref_squeeze %dma_start3A_1055 : memref<1x64x768xf32, #tpu.memory_space<hbm>> -> memref<64x768xf32, #tpu.memory_space<hbm>>
    %dma_start3A_1057 = arith.constant 0 : i32
    %dma_start3A_1058 = arith.constant 0 : i32
    %dma_start3A_1059 = tpu.memref_slice %arg4[%dma_start3A_1048, %dma_start3A_1057, %dma_start3A_1058] : memref<2x64x768xf32, #tpu.memory_space<vmem>> -> memref<1x64x768xf32, #tpu.memory_space<vmem>>
    %dma_start3A_1060 = tpu.memref_squeeze %dma_start3A_1059 : memref<1x64x768xf32, #tpu.memory_space<vmem>> -> memref<64x768xf32, #tpu.memory_space<vmem>>
    %dma_start3A_1061 = arith.constant 0 : i32
    %dma_start3A_1062 = arith.constant 0 : i32
    %dma_start3A_1063 = tpu.memref_slice %arg2[%add3A_1047, %dma_start3A_1061, %dma_start3A_1062] : memref<1024x64x768xf32, #tpu.memory_space<hbm>> -> memref<1x64x768xf32, #tpu.memory_space<hbm>>
    %dma_start3A_1064 = tpu.memref_squeeze %dma_start3A_1063 : memref<1x64x768xf32, #tpu.memory_space<hbm>> -> memref<64x768xf32, #tpu.memory_space<hbm>>
    tpu.enqueue_dma source(%dma_start3A_1064 : memref<64x768xf32, #tpu.memory_space<hbm>>) target(%dma_start3A_1060 : memref<64x768xf32, #tpu.memory_space<vmem>>) target_semaphore(%arg5 : memref<!tpu.dma_semaphore, #tpu.memory_space<semaphore_mem>>)
    %add3A_1065 = arith.constant 14 : i32
    %add3A_1066 = arith.addi %mul3A_2, %add3A_1065 : i32
    %dma_wait3A_1067 = arith.constant 0 : i32
    %dma_wait3A_1068 = arith.constant 0 : i32
    %dma_wait3A_1069 = arith.constant 0 : i32
    %dma_wait3A_1070 = tpu.memref_slice %arg4[%dma_wait3A_1067, %dma_wait3A_1068, %dma_wait3A_1069] : memref<2x64x768xf32, #tpu.memory_space<vmem>> -> memref<1x64x768xf32, #tpu.memory_space<vmem>>
    %dma_wait3A_1071 = tpu.memref_squeeze %dma_wait3A_1070 : memref<1x64x768xf32, #tpu.memory_space<vmem>> -> memref<64x768xf32, #tpu.memory_space<vmem>>
    %dma_wait3A_1072 = arith.constant 0 : i32
    %dma_wait3A_1073 = arith.constant 0 : i32
    %dma_wait3A_1074 = tpu.memref_slice %arg2[%add3A_1066, %dma_wait3A_1072, %dma_wait3A_1073] : memref<1024x64x768xf32, #tpu.memory_space<hbm>> -> memref<1x64x768xf32, #tpu.memory_space<hbm>>
    %dma_wait3A_1075 = tpu.memref_squeeze %dma_wait3A_1074 : memref<1x64x768xf32, #tpu.memory_space<hbm>> -> memref<64x768xf32, #tpu.memory_space<hbm>>
    %dma_wait3A_1076 = arith.constant 0 : i32
    %dma_wait3A_1077 = arith.constant 0 : i32
    %dma_wait3A_1078 = tpu.memref_slice %arg4[%dma_wait3A_1067, %dma_wait3A_1076, %dma_wait3A_1077] : memref<2x64x768xf32, #tpu.memory_space<vmem>> -> memref<1x64x768xf32, #tpu.memory_space<vmem>>
    %dma_wait3A_1079 = tpu.memref_squeeze %dma_wait3A_1078 : memref<1x64x768xf32, #tpu.memory_space<vmem>> -> memref<64x768xf32, #tpu.memory_space<vmem>>
    %dma_wait3A_1080 = arith.constant 0 : i32
    %dma_wait3A_1081 = arith.constant 0 : i32
    %dma_wait3A_1082 = tpu.memref_slice %arg2[%add3A_1066, %dma_wait3A_1080, %dma_wait3A_1081] : memref<1024x64x768xf32, #tpu.memory_space<hbm>> -> memref<1x64x768xf32, #tpu.memory_space<hbm>>
    %dma_wait3A_1083 = tpu.memref_squeeze %dma_wait3A_1082 : memref<1x64x768xf32, #tpu.memory_space<hbm>> -> memref<64x768xf32, #tpu.memory_space<hbm>>
    tpu.wait_dma2 semaphore(%arg5 : memref<!tpu.dma_semaphore, #tpu.memory_space<semaphore_mem>>) src(%dma_wait3A_1083 : memref<64x768xf32, #tpu.memory_space<hbm>>) dst(%dma_wait3A_1079 : memref<64x768xf32, #tpu.memory_space<vmem>>)
    %add3A_1084 = arith.constant 14 : i32
    %add3A_1085 = arith.addi %mul3A_2, %add3A_1084 : i32
    %dma_start3A_1086 = arith.constant 0 : i32
    %dma_start3A_1087 = arith.constant 0 : i32
    %dma_start3A_1088 = arith.constant 0 : i32
    %dma_start3A_1089 = tpu.memref_slice %arg4[%dma_start3A_1086, %dma_start3A_1087, %dma_start3A_1088] : memref<2x64x768xf32, #tpu.memory_space<vmem>> -> memref<1x64x768xf32, #tpu.memory_space<vmem>>
    %dma_start3A_1090 = tpu.memref_squeeze %dma_start3A_1089 : memref<1x64x768xf32, #tpu.memory_space<vmem>> -> memref<64x768xf32, #tpu.memory_space<vmem>>
    %dma_start3A_1091 = arith.constant 0 : i32
    %dma_start3A_1092 = arith.constant 0 : i32
    %dma_start3A_1093 = tpu.memref_slice %arg3[%add3A_1085, %dma_start3A_1091, %dma_start3A_1092] : memref<1024x64x768xf32, #tpu.memory_space<hbm>> -> memref<1x64x768xf32, #tpu.memory_space<hbm>>
    %dma_start3A_1094 = tpu.memref_squeeze %dma_start3A_1093 : memref<1x64x768xf32, #tpu.memory_space<hbm>> -> memref<64x768xf32, #tpu.memory_space<hbm>>
    %dma_start3A_1095 = arith.constant 0 : i32
    %dma_start3A_1096 = arith.constant 0 : i32
    %dma_start3A_1097 = tpu.memref_slice %arg3[%add3A_1085, %dma_start3A_1095, %dma_start3A_1096] : memref<1024x64x768xf32, #tpu.memory_space<hbm>> -> memref<1x64x768xf32, #tpu.memory_space<hbm>>
    %dma_start3A_1098 = tpu.memref_squeeze %dma_start3A_1097 : memref<1x64x768xf32, #tpu.memory_space<hbm>> -> memref<64x768xf32, #tpu.memory_space<hbm>>
    %dma_start3A_1099 = arith.constant 0 : i32
    %dma_start3A_1100 = arith.constant 0 : i32
    %dma_start3A_1101 = tpu.memref_slice %arg4[%dma_start3A_1086, %dma_start3A_1099, %dma_start3A_1100] : memref<2x64x768xf32, #tpu.memory_space<vmem>> -> memref<1x64x768xf32, #tpu.memory_space<vmem>>
    %dma_start3A_1102 = tpu.memref_squeeze %dma_start3A_1101 : memref<1x64x768xf32, #tpu.memory_space<vmem>> -> memref<64x768xf32, #tpu.memory_space<vmem>>
    tpu.enqueue_dma source(%dma_start3A_1102 : memref<64x768xf32, #tpu.memory_space<vmem>>) target(%dma_start3A_1098 : memref<64x768xf32, #tpu.memory_space<hbm>>) target_semaphore(%arg7 : memref<!tpu.dma_semaphore, #tpu.memory_space<semaphore_mem>>)
    %add3A_1103 = arith.constant 13 : i32
    %add3A_1104 = arith.addi %mul3A_2, %add3A_1103 : i32
    %dma_wait3A_1105 = arith.constant 1 : i32
    %dma_wait3A_1106 = arith.constant 0 : i32
    %dma_wait3A_1107 = arith.constant 0 : i32
    %dma_wait3A_1108 = tpu.memref_slice %arg4[%dma_wait3A_1105, %dma_wait3A_1106, %dma_wait3A_1107] : memref<2x64x768xf32, #tpu.memory_space<vmem>> -> memref<1x64x768xf32, #tpu.memory_space<vmem>>
    %dma_wait3A_1109 = tpu.memref_squeeze %dma_wait3A_1108 : memref<1x64x768xf32, #tpu.memory_space<vmem>> -> memref<64x768xf32, #tpu.memory_space<vmem>>
    %dma_wait3A_1110 = arith.constant 0 : i32
    %dma_wait3A_1111 = arith.constant 0 : i32
    %dma_wait3A_1112 = tpu.memref_slice %arg3[%add3A_1104, %dma_wait3A_1110, %dma_wait3A_1111] : memref<1024x64x768xf32, #tpu.memory_space<hbm>> -> memref<1x64x768xf32, #tpu.memory_space<hbm>>
    %dma_wait3A_1113 = tpu.memref_squeeze %dma_wait3A_1112 : memref<1x64x768xf32, #tpu.memory_space<hbm>> -> memref<64x768xf32, #tpu.memory_space<hbm>>
    %dma_wait3A_1114 = arith.constant 0 : i32
    %dma_wait3A_1115 = arith.constant 0 : i32
    %dma_wait3A_1116 = tpu.memref_slice %arg3[%add3A_1104, %dma_wait3A_1114, %dma_wait3A_1115] : memref<1024x64x768xf32, #tpu.memory_space<hbm>> -> memref<1x64x768xf32, #tpu.memory_space<hbm>>
    %dma_wait3A_1117 = tpu.memref_squeeze %dma_wait3A_1116 : memref<1x64x768xf32, #tpu.memory_space<hbm>> -> memref<64x768xf32, #tpu.memory_space<hbm>>
    %dma_wait3A_1118 = arith.constant 0 : i32
    %dma_wait3A_1119 = arith.constant 0 : i32
    %dma_wait3A_1120 = tpu.memref_slice %arg4[%dma_wait3A_1105, %dma_wait3A_1118, %dma_wait3A_1119] : memref<2x64x768xf32, #tpu.memory_space<vmem>> -> memref<1x64x768xf32, #tpu.memory_space<vmem>>
    %dma_wait3A_1121 = tpu.memref_squeeze %dma_wait3A_1120 : memref<1x64x768xf32, #tpu.memory_space<vmem>> -> memref<64x768xf32, #tpu.memory_space<vmem>>
    tpu.wait_dma2 semaphore(%arg8 : memref<!tpu.dma_semaphore, #tpu.memory_space<semaphore_mem>>) src(%dma_wait3A_1121 : memref<64x768xf32, #tpu.memory_space<vmem>>) dst(%dma_wait3A_1117 : memref<64x768xf32, #tpu.memory_space<hbm>>)
    %add3A_1122 = arith.constant 15 : i32
    %add3A_1123 = arith.addi %mul3A_2, %add3A_1122 : i32
    %dma_start3A_1124 = arith.constant 1 : i32
    %dma_start3A_1125 = arith.constant 0 : i32
    %dma_start3A_1126 = arith.constant 0 : i32
    %dma_start3A_1127 = tpu.memref_slice %arg4[%dma_start3A_1124, %dma_start3A_1125, %dma_start3A_1126] : memref<2x64x768xf32, #tpu.memory_space<vmem>> -> memref<1x64x768xf32, #tpu.memory_space<vmem>>
    %dma_start3A_1128 = tpu.memref_squeeze %dma_start3A_1127 : memref<1x64x768xf32, #tpu.memory_space<vmem>> -> memref<64x768xf32, #tpu.memory_space<vmem>>
    %dma_start3A_1129 = arith.constant 0 : i32
    %dma_start3A_1130 = arith.constant 0 : i32
    %dma_start3A_1131 = tpu.memref_slice %arg2[%add3A_1123, %dma_start3A_1129, %dma_start3A_1130] : memref<1024x64x768xf32, #tpu.memory_space<hbm>> -> memref<1x64x768xf32, #tpu.memory_space<hbm>>
    %dma_start3A_1132 = tpu.memref_squeeze %dma_start3A_1131 : memref<1x64x768xf32, #tpu.memory_space<hbm>> -> memref<64x768xf32, #tpu.memory_space<hbm>>
    %dma_start3A_1133 = arith.constant 0 : i32
    %dma_start3A_1134 = arith.constant 0 : i32
    %dma_start3A_1135 = tpu.memref_slice %arg4[%dma_start3A_1124, %dma_start3A_1133, %dma_start3A_1134] : memref<2x64x768xf32, #tpu.memory_space<vmem>> -> memref<1x64x768xf32, #tpu.memory_space<vmem>>
    %dma_start3A_1136 = tpu.memref_squeeze %dma_start3A_1135 : memref<1x64x768xf32, #tpu.memory_space<vmem>> -> memref<64x768xf32, #tpu.memory_space<vmem>>
    %dma_start3A_1137 = arith.constant 0 : i32
    %dma_start3A_1138 = arith.constant 0 : i32
    %dma_start3A_1139 = tpu.memref_slice %arg2[%add3A_1123, %dma_start3A_1137, %dma_start3A_1138] : memref<1024x64x768xf32, #tpu.memory_space<hbm>> -> memref<1x64x768xf32, #tpu.memory_space<hbm>>
    %dma_start3A_1140 = tpu.memref_squeeze %dma_start3A_1139 : memref<1x64x768xf32, #tpu.memory_space<hbm>> -> memref<64x768xf32, #tpu.memory_space<hbm>>
    tpu.enqueue_dma source(%dma_start3A_1140 : memref<64x768xf32, #tpu.memory_space<hbm>>) target(%dma_start3A_1136 : memref<64x768xf32, #tpu.memory_space<vmem>>) target_semaphore(%arg6 : memref<!tpu.dma_semaphore, #tpu.memory_space<semaphore_mem>>)
    %add3A_1141 = arith.constant 15 : i32
    %add3A_1142 = arith.addi %mul3A_2, %add3A_1141 : i32
    %dma_wait3A_1143 = arith.constant 1 : i32
    %dma_wait3A_1144 = arith.constant 0 : i32
    %dma_wait3A_1145 = arith.constant 0 : i32
    %dma_wait3A_1146 = tpu.memref_slice %arg4[%dma_wait3A_1143, %dma_wait3A_1144, %dma_wait3A_1145] : memref<2x64x768xf32, #tpu.memory_space<vmem>> -> memref<1x64x768xf32, #tpu.memory_space<vmem>>
    %dma_wait3A_1147 = tpu.memref_squeeze %dma_wait3A_1146 : memref<1x64x768xf32, #tpu.memory_space<vmem>> -> memref<64x768xf32, #tpu.memory_space<vmem>>
    %dma_wait3A_1148 = arith.constant 0 : i32
    %dma_wait3A_1149 = arith.constant 0 : i32
    %dma_wait3A_1150 = tpu.memref_slice %arg2[%add3A_1142, %dma_wait3A_1148, %dma_wait3A_1149] : memref<1024x64x768xf32, #tpu.memory_space<hbm>> -> memref<1x64x768xf32, #tpu.memory_space<hbm>>
    %dma_wait3A_1151 = tpu.memref_squeeze %dma_wait3A_1150 : memref<1x64x768xf32, #tpu.memory_space<hbm>> -> memref<64x768xf32, #tpu.memory_space<hbm>>
    %dma_wait3A_1152 = arith.constant 0 : i32
    %dma_wait3A_1153 = arith.constant 0 : i32
    %dma_wait3A_1154 = tpu.memref_slice %arg4[%dma_wait3A_1143, %dma_wait3A_1152, %dma_wait3A_1153] : memref<2x64x768xf32, #tpu.memory_space<vmem>> -> memref<1x64x768xf32, #tpu.memory_space<vmem>>
    %dma_wait3A_1155 = tpu.memref_squeeze %dma_wait3A_1154 : memref<1x64x768xf32, #tpu.memory_space<vmem>> -> memref<64x768xf32, #tpu.memory_space<vmem>>
    %dma_wait3A_1156 = arith.constant 0 : i32
    %dma_wait3A_1157 = arith.constant 0 : i32
    %dma_wait3A_1158 = tpu.memref_slice %arg2[%add3A_1142, %dma_wait3A_1156, %dma_wait3A_1157] : memref<1024x64x768xf32, #tpu.memory_space<hbm>> -> memref<1x64x768xf32, #tpu.memory_space<hbm>>
    %dma_wait3A_1159 = tpu.memref_squeeze %dma_wait3A_1158 : memref<1x64x768xf32, #tpu.memory_space<hbm>> -> memref<64x768xf32, #tpu.memory_space<hbm>>
    tpu.wait_dma2 semaphore(%arg6 : memref<!tpu.dma_semaphore, #tpu.memory_space<semaphore_mem>>) src(%dma_wait3A_1159 : memref<64x768xf32, #tpu.memory_space<hbm>>) dst(%dma_wait3A_1155 : memref<64x768xf32, #tpu.memory_space<vmem>>)
    %add3A_1160 = arith.constant 15 : i32
    %add3A_1161 = arith.addi %mul3A_2, %add3A_1160 : i32
    %dma_start3A_1162 = arith.constant 1 : i32
    %dma_start3A_1163 = arith.constant 0 : i32
    %dma_start3A_1164 = arith.constant 0 : i32
    %dma_start3A_1165 = tpu.memref_slice %arg4[%dma_start3A_1162, %dma_start3A_1163, %dma_start3A_1164] : memref<2x64x768xf32, #tpu.memory_space<vmem>> -> memref<1x64x768xf32, #tpu.memory_space<vmem>>
    %dma_start3A_1166 = tpu.memref_squeeze %dma_start3A_1165 : memref<1x64x768xf32, #tpu.memory_space<vmem>> -> memref<64x768xf32, #tpu.memory_space<vmem>>
    %dma_start3A_1167 = arith.constant 0 : i32
    %dma_start3A_1168 = arith.constant 0 : i32
    %dma_start3A_1169 = tpu.memref_slice %arg3[%add3A_1161, %dma_start3A_1167, %dma_start3A_1168] : memref<1024x64x768xf32, #tpu.memory_space<hbm>> -> memref<1x64x768xf32, #tpu.memory_space<hbm>>
    %dma_start3A_1170 = tpu.memref_squeeze %dma_start3A_1169 : memref<1x64x768xf32, #tpu.memory_space<hbm>> -> memref<64x768xf32, #tpu.memory_space<hbm>>
    %dma_start3A_1171 = arith.constant 0 : i32
    %dma_start3A_1172 = arith.constant 0 : i32
    %dma_start3A_1173 = tpu.memref_slice %arg3[%add3A_1161, %dma_start3A_1171, %dma_start3A_1172] : memref<1024x64x768xf32, #tpu.memory_space<hbm>> -> memref<1x64x768xf32, #tpu.memory_space<hbm>>
    %dma_start3A_1174 = tpu.memref_squeeze %dma_start3A_1173 : memref<1x64x768xf32, #tpu.memory_space<hbm>> -> memref<64x768xf32, #tpu.memory_space<hbm>>
    %dma_start3A_1175 = arith.constant 0 : i32
    %dma_start3A_1176 = arith.constant 0 : i32
    %dma_start3A_1177 = tpu.memref_slice %arg4[%dma_start3A_1162, %dma_start3A_1175, %dma_start3A_1176] : memref<2x64x768xf32, #tpu.memory_space<vmem>> -> memref<1x64x768xf32, #tpu.memory_space<vmem>>
    %dma_start3A_1178 = tpu.memref_squeeze %dma_start3A_1177 : memref<1x64x768xf32, #tpu.memory_space<vmem>> -> memref<64x768xf32, #tpu.memory_space<vmem>>
    tpu.enqueue_dma source(%dma_start3A_1178 : memref<64x768xf32, #tpu.memory_space<vmem>>) target(%dma_start3A_1174 : memref<64x768xf32, #tpu.memory_space<hbm>>) target_semaphore(%arg8 : memref<!tpu.dma_semaphore, #tpu.memory_space<semaphore_mem>>)
    %add3A_1179 = arith.constant 14 : i32
    %add3A_1180 = arith.addi %mul3A_2, %add3A_1179 : i32
    %dma_wait3A_1181 = arith.constant 0 : i32
    %dma_wait3A_1182 = arith.constant 0 : i32
    %dma_wait3A_1183 = arith.constant 0 : i32
    %dma_wait3A_1184 = tpu.memref_slice %arg4[%dma_wait3A_1181, %dma_wait3A_1182, %dma_wait3A_1183] : memref<2x64x768xf32, #tpu.memory_space<vmem>> -> memref<1x64x768xf32, #tpu.memory_space<vmem>>
    %dma_wait3A_1185 = tpu.memref_squeeze %dma_wait3A_1184 : memref<1x64x768xf32, #tpu.memory_space<vmem>> -> memref<64x768xf32, #tpu.memory_space<vmem>>
    %dma_wait3A_1186 = arith.constant 0 : i32
    %dma_wait3A_1187 = arith.constant 0 : i32
    %dma_wait3A_1188 = tpu.memref_slice %arg3[%add3A_1180, %dma_wait3A_1186, %dma_wait3A_1187] : memref<1024x64x768xf32, #tpu.memory_space<hbm>> -> memref<1x64x768xf32, #tpu.memory_space<hbm>>
    %dma_wait3A_1189 = tpu.memref_squeeze %dma_wait3A_1188 : memref<1x64x768xf32, #tpu.memory_space<hbm>> -> memref<64x768xf32, #tpu.memory_space<hbm>>
    %dma_wait3A_1190 = arith.constant 0 : i32
    %dma_wait3A_1191 = arith.constant 0 : i32
    %dma_wait3A_1192 = tpu.memref_slice %arg3[%add3A_1180, %dma_wait3A_1190, %dma_wait3A_1191] : memref<1024x64x768xf32, #tpu.memory_space<hbm>> -> memref<1x64x768xf32, #tpu.memory_space<hbm>>
    %dma_wait3A_1193 = tpu.memref_squeeze %dma_wait3A_1192 : memref<1x64x768xf32, #tpu.memory_space<hbm>> -> memref<64x768xf32, #tpu.memory_space<hbm>>
    %dma_wait3A_1194 = arith.constant 0 : i32
    %dma_wait3A_1195 = arith.constant 0 : i32
    %dma_wait3A_1196 = tpu.memref_slice %arg4[%dma_wait3A_1181, %dma_wait3A_1194, %dma_wait3A_1195] : memref<2x64x768xf32, #tpu.memory_space<vmem>> -> memref<1x64x768xf32, #tpu.memory_space<vmem>>
    %dma_wait3A_1197 = tpu.memref_squeeze %dma_wait3A_1196 : memref<1x64x768xf32, #tpu.memory_space<vmem>> -> memref<64x768xf32, #tpu.memory_space<vmem>>
    tpu.wait_dma2 semaphore(%arg7 : memref<!tpu.dma_semaphore, #tpu.memory_space<semaphore_mem>>) src(%dma_wait3A_1197 : memref<64x768xf32, #tpu.memory_space<vmem>>) dst(%dma_wait3A_1193 : memref<64x768xf32, #tpu.memory_space<hbm>>)
    %add3A_1198 = arith.constant 16 : i32
    %add3A_1199 = arith.addi %mul3A_2, %add3A_1198 : i32
    %dma_start3A_1200 = arith.constant 0 : i32
    %dma_start3A_1201 = arith.constant 0 : i32
    %dma_start3A_1202 = arith.constant 0 : i32
    %dma_start3A_1203 = tpu.memref_slice %arg4[%dma_start3A_1200, %dma_start3A_1201, %dma_start3A_1202] : memref<2x64x768xf32, #tpu.memory_space<vmem>> -> memref<1x64x768xf32, #tpu.memory_space<vmem>>
    %dma_start3A_1204 = tpu.memref_squeeze %dma_start3A_1203 : memref<1x64x768xf32, #tpu.memory_space<vmem>> -> memref<64x768xf32, #tpu.memory_space<vmem>>
    %dma_start3A_1205 = arith.constant 0 : i32
    %dma_start3A_1206 = arith.constant 0 : i32
    %dma_start3A_1207 = tpu.memref_slice %arg2[%add3A_1199, %dma_start3A_1205, %dma_start3A_1206] : memref<1024x64x768xf32, #tpu.memory_space<hbm>> -> memref<1x64x768xf32, #tpu.memory_space<hbm>>
    %dma_start3A_1208 = tpu.memref_squeeze %dma_start3A_1207 : memref<1x64x768xf32, #tpu.memory_space<hbm>> -> memref<64x768xf32, #tpu.memory_space<hbm>>
    %dma_start3A_1209 = arith.constant 0 : i32
    %dma_start3A_1210 = arith.constant 0 : i32
    %dma_start3A_1211 = tpu.memref_slice %arg4[%dma_start3A_1200, %dma_start3A_1209, %dma_start3A_1210] : memref<2x64x768xf32, #tpu.memory_space<vmem>> -> memref<1x64x768xf32, #tpu.memory_space<vmem>>
    %dma_start3A_1212 = tpu.memref_squeeze %dma_start3A_1211 : memref<1x64x768xf32, #tpu.memory_space<vmem>> -> memref<64x768xf32, #tpu.memory_space<vmem>>
    %dma_start3A_1213 = arith.constant 0 : i32
    %dma_start3A_1214 = arith.constant 0 : i32
    %dma_start3A_1215 = tpu.memref_slice %arg2[%add3A_1199, %dma_start3A_1213, %dma_start3A_1214] : memref<1024x64x768xf32, #tpu.memory_space<hbm>> -> memref<1x64x768xf32, #tpu.memory_space<hbm>>
    %dma_start3A_1216 = tpu.memref_squeeze %dma_start3A_1215 : memref<1x64x768xf32, #tpu.memory_space<hbm>> -> memref<64x768xf32, #tpu.memory_space<hbm>>
    tpu.enqueue_dma source(%dma_start3A_1216 : memref<64x768xf32, #tpu.memory_space<hbm>>) target(%dma_start3A_1212 : memref<64x768xf32, #tpu.memory_space<vmem>>) target_semaphore(%arg5 : memref<!tpu.dma_semaphore, #tpu.memory_space<semaphore_mem>>)
    %add3A_1217 = arith.constant 16 : i32
    %add3A_1218 = arith.addi %mul3A_2, %add3A_1217 : i32
    %dma_wait3A_1219 = arith.constant 0 : i32
    %dma_wait3A_1220 = arith.constant 0 : i32
    %dma_wait3A_1221 = arith.constant 0 : i32
    %dma_wait3A_1222 = tpu.memref_slice %arg4[%dma_wait3A_1219, %dma_wait3A_1220, %dma_wait3A_1221] : memref<2x64x768xf32, #tpu.memory_space<vmem>> -> memref<1x64x768xf32, #tpu.memory_space<vmem>>
    %dma_wait3A_1223 = tpu.memref_squeeze %dma_wait3A_1222 : memref<1x64x768xf32, #tpu.memory_space<vmem>> -> memref<64x768xf32, #tpu.memory_space<vmem>>
    %dma_wait3A_1224 = arith.constant 0 : i32
    %dma_wait3A_1225 = arith.constant 0 : i32
    %dma_wait3A_1226 = tpu.memref_slice %arg2[%add3A_1218, %dma_wait3A_1224, %dma_wait3A_1225] : memref<1024x64x768xf32, #tpu.memory_space<hbm>> -> memref<1x64x768xf32, #tpu.memory_space<hbm>>
    %dma_wait3A_1227 = tpu.memref_squeeze %dma_wait3A_1226 : memref<1x64x768xf32, #tpu.memory_space<hbm>> -> memref<64x768xf32, #tpu.memory_space<hbm>>
    %dma_wait3A_1228 = arith.constant 0 : i32
    %dma_wait3A_1229 = arith.constant 0 : i32
    %dma_wait3A_1230 = tpu.memref_slice %arg4[%dma_wait3A_1219, %dma_wait3A_1228, %dma_wait3A_1229] : memref<2x64x768xf32, #tpu.memory_space<vmem>> -> memref<1x64x768xf32, #tpu.memory_space<vmem>>
    %dma_wait3A_1231 = tpu.memref_squeeze %dma_wait3A_1230 : memref<1x64x768xf32, #tpu.memory_space<vmem>> -> memref<64x768xf32, #tpu.memory_space<vmem>>
    %dma_wait3A_1232 = arith.constant 0 : i32
    %dma_wait3A_1233 = arith.constant 0 : i32
    %dma_wait3A_1234 = tpu.memref_slice %arg2[%add3A_1218, %dma_wait3A_1232, %dma_wait3A_1233] : memref<1024x64x768xf32, #tpu.memory_space<hbm>> -> memref<1x64x768xf32, #tpu.memory_space<hbm>>
    %dma_wait3A_1235 = tpu.memref_squeeze %dma_wait3A_1234 : memref<1x64x768xf32, #tpu.memory_space<hbm>> -> memref<64x768xf32, #tpu.memory_space<hbm>>
    tpu.wait_dma2 semaphore(%arg5 : memref<!tpu.dma_semaphore, #tpu.memory_space<semaphore_mem>>) src(%dma_wait3A_1235 : memref<64x768xf32, #tpu.memory_space<hbm>>) dst(%dma_wait3A_1231 : memref<64x768xf32, #tpu.memory_space<vmem>>)
    %add3A_1236 = arith.constant 16 : i32
    %add3A_1237 = arith.addi %mul3A_2, %add3A_1236 : i32
    %dma_start3A_1238 = arith.constant 0 : i32
    %dma_start3A_1239 = arith.constant 0 : i32
    %dma_start3A_1240 = arith.constant 0 : i32
    %dma_start3A_1241 = tpu.memref_slice %arg4[%dma_start3A_1238, %dma_start3A_1239, %dma_start3A_1240] : memref<2x64x768xf32, #tpu.memory_space<vmem>> -> memref<1x64x768xf32, #tpu.memory_space<vmem>>
    %dma_start3A_1242 = tpu.memref_squeeze %dma_start3A_1241 : memref<1x64x768xf32, #tpu.memory_space<vmem>> -> memref<64x768xf32, #tpu.memory_space<vmem>>
    %dma_start3A_1243 = arith.constant 0 : i32
    %dma_start3A_1244 = arith.constant 0 : i32
    %dma_start3A_1245 = tpu.memref_slice %arg3[%add3A_1237, %dma_start3A_1243, %dma_start3A_1244] : memref<1024x64x768xf32, #tpu.memory_space<hbm>> -> memref<1x64x768xf32, #tpu.memory_space<hbm>>
    %dma_start3A_1246 = tpu.memref_squeeze %dma_start3A_1245 : memref<1x64x768xf32, #tpu.memory_space<hbm>> -> memref<64x768xf32, #tpu.memory_space<hbm>>
    %dma_start3A_1247 = arith.constant 0 : i32
    %dma_start3A_1248 = arith.constant 0 : i32
    %dma_start3A_1249 = tpu.memref_slice %arg3[%add3A_1237, %dma_start3A_1247, %dma_start3A_1248] : memref<1024x64x768xf32, #tpu.memory_space<hbm>> -> memref<1x64x768xf32, #tpu.memory_space<hbm>>
    %dma_start3A_1250 = tpu.memref_squeeze %dma_start3A_1249 : memref<1x64x768xf32, #tpu.memory_space<hbm>> -> memref<64x768xf32, #tpu.memory_space<hbm>>
    %dma_start3A_1251 = arith.constant 0 : i32
    %dma_start3A_1252 = arith.constant 0 : i32
    %dma_start3A_1253 = tpu.memref_slice %arg4[%dma_start3A_1238, %dma_start3A_1251, %dma_start3A_1252] : memref<2x64x768xf32, #tpu.memory_space<vmem>> -> memref<1x64x768xf32, #tpu.memory_space<vmem>>
    %dma_start3A_1254 = tpu.memref_squeeze %dma_start3A_1253 : memref<1x64x768xf32, #tpu.memory_space<vmem>> -> memref<64x768xf32, #tpu.memory_space<vmem>>
    tpu.enqueue_dma source(%dma_start3A_1254 : memref<64x768xf32, #tpu.memory_space<vmem>>) target(%dma_start3A_1250 : memref<64x768xf32, #tpu.memory_space<hbm>>) target_semaphore(%arg7 : memref<!tpu.dma_semaphore, #tpu.memory_space<semaphore_mem>>)
    %add3A_1255 = arith.constant 15 : i32
    %add3A_1256 = arith.addi %mul3A_2, %add3A_1255 : i32
    %dma_wait3A_1257 = arith.constant 1 : i32
    %dma_wait3A_1258 = arith.constant 0 : i32
    %dma_wait3A_1259 = arith.constant 0 : i32
    %dma_wait3A_1260 = tpu.memref_slice %arg4[%dma_wait3A_1257, %dma_wait3A_1258, %dma_wait3A_1259] : memref<2x64x768xf32, #tpu.memory_space<vmem>> -> memref<1x64x768xf32, #tpu.memory_space<vmem>>
    %dma_wait3A_1261 = tpu.memref_squeeze %dma_wait3A_1260 : memref<1x64x768xf32, #tpu.memory_space<vmem>> -> memref<64x768xf32, #tpu.memory_space<vmem>>
    %dma_wait3A_1262 = arith.constant 0 : i32
    %dma_wait3A_1263 = arith.constant 0 : i32
    %dma_wait3A_1264 = tpu.memref_slice %arg3[%add3A_1256, %dma_wait3A_1262, %dma_wait3A_1263] : memref<1024x64x768xf32, #tpu.memory_space<hbm>> -> memref<1x64x768xf32, #tpu.memory_space<hbm>>
    %dma_wait3A_1265 = tpu.memref_squeeze %dma_wait3A_1264 : memref<1x64x768xf32, #tpu.memory_space<hbm>> -> memref<64x768xf32, #tpu.memory_space<hbm>>
    %dma_wait3A_1266 = arith.constant 0 : i32
    %dma_wait3A_1267 = arith.constant 0 : i32
    %dma_wait3A_1268 = tpu.memref_slice %arg3[%add3A_1256, %dma_wait3A_1266, %dma_wait3A_1267] : memref<1024x64x768xf32, #tpu.memory_space<hbm>> -> memref<1x64x768xf32, #tpu.memory_space<hbm>>
    %dma_wait3A_1269 = tpu.memref_squeeze %dma_wait3A_1268 : memref<1x64x768xf32, #tpu.memory_space<hbm>> -> memref<64x768xf32, #tpu.memory_space<hbm>>
    %dma_wait3A_1270 = arith.constant 0 : i32
    %dma_wait3A_1271 = arith.constant 0 : i32
    %dma_wait3A_1272 = tpu.memref_slice %arg4[%dma_wait3A_1257, %dma_wait3A_1270, %dma_wait3A_1271] : memref<2x64x768xf32, #tpu.memory_space<vmem>> -> memref<1x64x768xf32, #tpu.memory_space<vmem>>
    %dma_wait3A_1273 = tpu.memref_squeeze %dma_wait3A_1272 : memref<1x64x768xf32, #tpu.memory_space<vmem>> -> memref<64x768xf32, #tpu.memory_space<vmem>>
    tpu.wait_dma2 semaphore(%arg8 : memref<!tpu.dma_semaphore, #tpu.memory_space<semaphore_mem>>) src(%dma_wait3A_1273 : memref<64x768xf32, #tpu.memory_space<vmem>>) dst(%dma_wait3A_1269 : memref<64x768xf32, #tpu.memory_space<hbm>>)
    %add3A_1274 = arith.constant 17 : i32
    %add3A_1275 = arith.addi %mul3A_2, %add3A_1274 : i32
    %dma_start3A_1276 = arith.constant 1 : i32
    %dma_start3A_1277 = arith.constant 0 : i32
    %dma_start3A_1278 = arith.constant 0 : i32
    %dma_start3A_1279 = tpu.memref_slice %arg4[%dma_start3A_1276, %dma_start3A_1277, %dma_start3A_1278] : memref<2x64x768xf32, #tpu.memory_space<vmem>> -> memref<1x64x768xf32, #tpu.memory_space<vmem>>
    %dma_start3A_1280 = tpu.memref_squeeze %dma_start3A_1279 : memref<1x64x768xf32, #tpu.memory_space<vmem>> -> memref<64x768xf32, #tpu.memory_space<vmem>>
    %dma_start3A_1281 = arith.constant 0 : i32
    %dma_start3A_1282 = arith.constant 0 : i32
    %dma_start3A_1283 = tpu.memref_slice %arg2[%add3A_1275, %dma_start3A_1281, %dma_start3A_1282] : memref<1024x64x768xf32, #tpu.memory_space<hbm>> -> memref<1x64x768xf32, #tpu.memory_space<hbm>>
    %dma_start3A_1284 = tpu.memref_squeeze %dma_start3A_1283 : memref<1x64x768xf32, #tpu.memory_space<hbm>> -> memref<64x768xf32, #tpu.memory_space<hbm>>
    %dma_start3A_1285 = arith.constant 0 : i32
    %dma_start3A_1286 = arith.constant 0 : i32
    %dma_start3A_1287 = tpu.memref_slice %arg4[%dma_start3A_1276, %dma_start3A_1285, %dma_start3A_1286] : memref<2x64x768xf32, #tpu.memory_space<vmem>> -> memref<1x64x768xf32, #tpu.memory_space<vmem>>
    %dma_start3A_1288 = tpu.memref_squeeze %dma_start3A_1287 : memref<1x64x768xf32, #tpu.memory_space<vmem>> -> memref<64x768xf32, #tpu.memory_space<vmem>>
    %dma_start3A_1289 = arith.constant 0 : i32
    %dma_start3A_1290 = arith.constant 0 : i32
    %dma_start3A_1291 = tpu.memref_slice %arg2[%add3A_1275, %dma_start3A_1289, %dma_start3A_1290] : memref<1024x64x768xf32, #tpu.memory_space<hbm>> -> memref<1x64x768xf32, #tpu.memory_space<hbm>>
    %dma_start3A_1292 = tpu.memref_squeeze %dma_start3A_1291 : memref<1x64x768xf32, #tpu.memory_space<hbm>> -> memref<64x768xf32, #tpu.memory_space<hbm>>
    tpu.enqueue_dma source(%dma_start3A_1292 : memref<64x768xf32, #tpu.memory_space<hbm>>) target(%dma_start3A_1288 : memref<64x768xf32, #tpu.memory_space<vmem>>) target_semaphore(%arg6 : memref<!tpu.dma_semaphore, #tpu.memory_space<semaphore_mem>>)
    %add3A_1293 = arith.constant 17 : i32
    %add3A_1294 = arith.addi %mul3A_2, %add3A_1293 : i32
    %dma_wait3A_1295 = arith.constant 1 : i32
    %dma_wait3A_1296 = arith.constant 0 : i32
    %dma_wait3A_1297 = arith.constant 0 : i32
    %dma_wait3A_1298 = tpu.memref_slice %arg4[%dma_wait3A_1295, %dma_wait3A_1296, %dma_wait3A_1297] : memref<2x64x768xf32, #tpu.memory_space<vmem>> -> memref<1x64x768xf32, #tpu.memory_space<vmem>>
    %dma_wait3A_1299 = tpu.memref_squeeze %dma_wait3A_1298 : memref<1x64x768xf32, #tpu.memory_space<vmem>> -> memref<64x768xf32, #tpu.memory_space<vmem>>
    %dma_wait3A_1300 = arith.constant 0 : i32
    %dma_wait3A_1301 = arith.constant 0 : i32
    %dma_wait3A_1302 = tpu.memref_slice %arg2[%add3A_1294, %dma_wait3A_1300, %dma_wait3A_1301] : memref<1024x64x768xf32, #tpu.memory_space<hbm>> -> memref<1x64x768xf32, #tpu.memory_space<hbm>>
    %dma_wait3A_1303 = tpu.memref_squeeze %dma_wait3A_1302 : memref<1x64x768xf32, #tpu.memory_space<hbm>> -> memref<64x768xf32, #tpu.memory_space<hbm>>
    %dma_wait3A_1304 = arith.constant 0 : i32
    %dma_wait3A_1305 = arith.constant 0 : i32
    %dma_wait3A_1306 = tpu.memref_slice %arg4[%dma_wait3A_1295, %dma_wait3A_1304, %dma_wait3A_1305] : memref<2x64x768xf32, #tpu.memory_space<vmem>> -> memref<1x64x768xf32, #tpu.memory_space<vmem>>
    %dma_wait3A_1307 = tpu.memref_squeeze %dma_wait3A_1306 : memref<1x64x768xf32, #tpu.memory_space<vmem>> -> memref<64x768xf32, #tpu.memory_space<vmem>>
    %dma_wait3A_1308 = arith.constant 0 : i32
    %dma_wait3A_1309 = arith.constant 0 : i32
    %dma_wait3A_1310 = tpu.memref_slice %arg2[%add3A_1294, %dma_wait3A_1308, %dma_wait3A_1309] : memref<1024x64x768xf32, #tpu.memory_space<hbm>> -> memref<1x64x768xf32, #tpu.memory_space<hbm>>
    %dma_wait3A_1311 = tpu.memref_squeeze %dma_wait3A_1310 : memref<1x64x768xf32, #tpu.memory_space<hbm>> -> memref<64x768xf32, #tpu.memory_space<hbm>>
    tpu.wait_dma2 semaphore(%arg6 : memref<!tpu.dma_semaphore, #tpu.memory_space<semaphore_mem>>) src(%dma_wait3A_1311 : memref<64x768xf32, #tpu.memory_space<hbm>>) dst(%dma_wait3A_1307 : memref<64x768xf32, #tpu.memory_space<vmem>>)
    %add3A_1312 = arith.constant 17 : i32
    %add3A_1313 = arith.addi %mul3A_2, %add3A_1312 : i32
    %dma_start3A_1314 = arith.constant 1 : i32
    %dma_start3A_1315 = arith.constant 0 : i32
    %dma_start3A_1316 = arith.constant 0 : i32
    %dma_start3A_1317 = tpu.memref_slice %arg4[%dma_start3A_1314, %dma_start3A_1315, %dma_start3A_1316] : memref<2x64x768xf32, #tpu.memory_space<vmem>> -> memref<1x64x768xf32, #tpu.memory_space<vmem>>
    %dma_start3A_1318 = tpu.memref_squeeze %dma_start3A_1317 : memref<1x64x768xf32, #tpu.memory_space<vmem>> -> memref<64x768xf32, #tpu.memory_space<vmem>>
    %dma_start3A_1319 = arith.constant 0 : i32
    %dma_start3A_1320 = arith.constant 0 : i32
    %dma_start3A_1321 = tpu.memref_slice %arg3[%add3A_1313, %dma_start3A_1319, %dma_start3A_1320] : memref<1024x64x768xf32, #tpu.memory_space<hbm>> -> memref<1x64x768xf32, #tpu.memory_space<hbm>>
    %dma_start3A_1322 = tpu.memref_squeeze %dma_start3A_1321 : memref<1x64x768xf32, #tpu.memory_space<hbm>> -> memref<64x768xf32, #tpu.memory_space<hbm>>
    %dma_start3A_1323 = arith.constant 0 : i32
    %dma_start3A_1324 = arith.constant 0 : i32
    %dma_start3A_1325 = tpu.memref_slice %arg3[%add3A_1313, %dma_start3A_1323, %dma_start3A_1324] : memref<1024x64x768xf32, #tpu.memory_space<hbm>> -> memref<1x64x768xf32, #tpu.memory_space<hbm>>
    %dma_start3A_1326 = tpu.memref_squeeze %dma_start3A_1325 : memref<1x64x768xf32, #tpu.memory_space<hbm>> -> memref<64x768xf32, #tpu.memory_space<hbm>>
    %dma_start3A_1327 = arith.constant 0 : i32
    %dma_start3A_1328 = arith.constant 0 : i32
    %dma_start3A_1329 = tpu.memref_slice %arg4[%dma_start3A_1314, %dma_start3A_1327, %dma_start3A_1328] : memref<2x64x768xf32, #tpu.memory_space<vmem>> -> memref<1x64x768xf32, #tpu.memory_space<vmem>>
    %dma_start3A_1330 = tpu.memref_squeeze %dma_start3A_1329 : memref<1x64x768xf32, #tpu.memory_space<vmem>> -> memref<64x768xf32, #tpu.memory_space<vmem>>
    tpu.enqueue_dma source(%dma_start3A_1330 : memref<64x768xf32, #tpu.memory_space<vmem>>) target(%dma_start3A_1326 : memref<64x768xf32, #tpu.memory_space<hbm>>) target_semaphore(%arg8 : memref<!tpu.dma_semaphore, #tpu.memory_space<semaphore_mem>>)
    %add3A_1331 = arith.constant 16 : i32
    %add3A_1332 = arith.addi %mul3A_2, %add3A_1331 : i32
    %dma_wait3A_1333 = arith.constant 0 : i32
    %dma_wait3A_1334 = arith.constant 0 : i32
    %dma_wait3A_1335 = arith.constant 0 : i32
    %dma_wait3A_1336 = tpu.memref_slice %arg4[%dma_wait3A_1333, %dma_wait3A_1334, %dma_wait3A_1335] : memref<2x64x768xf32, #tpu.memory_space<vmem>> -> memref<1x64x768xf32, #tpu.memory_space<vmem>>
    %dma_wait3A_1337 = tpu.memref_squeeze %dma_wait3A_1336 : memref<1x64x768xf32, #tpu.memory_space<vmem>> -> memref<64x768xf32, #tpu.memory_space<vmem>>
    %dma_wait3A_1338 = arith.constant 0 : i32
    %dma_wait3A_1339 = arith.constant 0 : i32
    %dma_wait3A_1340 = tpu.memref_slice %arg3[%add3A_1332, %dma_wait3A_1338, %dma_wait3A_1339] : memref<1024x64x768xf32, #tpu.memory_space<hbm>> -> memref<1x64x768xf32, #tpu.memory_space<hbm>>
    %dma_wait3A_1341 = tpu.memref_squeeze %dma_wait3A_1340 : memref<1x64x768xf32, #tpu.memory_space<hbm>> -> memref<64x768xf32, #tpu.memory_space<hbm>>
    %dma_wait3A_1342 = arith.constant 0 : i32
    %dma_wait3A_1343 = arith.constant 0 : i32
    %dma_wait3A_1344 = tpu.memref_slice %arg3[%add3A_1332, %dma_wait3A_1342, %dma_wait3A_1343] : memref<1024x64x768xf32, #tpu.memory_space<hbm>> -> memref<1x64x768xf32, #tpu.memory_space<hbm>>
    %dma_wait3A_1345 = tpu.memref_squeeze %dma_wait3A_1344 : memref<1x64x768xf32, #tpu.memory_space<hbm>> -> memref<64x768xf32, #tpu.memory_space<hbm>>
    %dma_wait3A_1346 = arith.constant 0 : i32
    %dma_wait3A_1347 = arith.constant 0 : i32
    %dma_wait3A_1348 = tpu.memref_slice %arg4[%dma_wait3A_1333, %dma_wait3A_1346, %dma_wait3A_1347] : memref<2x64x768xf32, #tpu.memory_space<vmem>> -> memref<1x64x768xf32, #tpu.memory_space<vmem>>
    %dma_wait3A_1349 = tpu.memref_squeeze %dma_wait3A_1348 : memref<1x64x768xf32, #tpu.memory_space<vmem>> -> memref<64x768xf32, #tpu.memory_space<vmem>>
    tpu.wait_dma2 semaphore(%arg7 : memref<!tpu.dma_semaphore, #tpu.memory_space<semaphore_mem>>) src(%dma_wait3A_1349 : memref<64x768xf32, #tpu.memory_space<vmem>>) dst(%dma_wait3A_1345 : memref<64x768xf32, #tpu.memory_space<hbm>>)
    %add3A_1350 = arith.constant 18 : i32
    %add3A_1351 = arith.addi %mul3A_2, %add3A_1350 : i32
    %dma_start3A_1352 = arith.constant 0 : i32
    %dma_start3A_1353 = arith.constant 0 : i32
    %dma_start3A_1354 = arith.constant 0 : i32
    %dma_start3A_1355 = tpu.memref_slice %arg4[%dma_start3A_1352, %dma_start3A_1353, %dma_start3A_1354] : memref<2x64x768xf32, #tpu.memory_space<vmem>> -> memref<1x64x768xf32, #tpu.memory_space<vmem>>
    %dma_start3A_1356 = tpu.memref_squeeze %dma_start3A_1355 : memref<1x64x768xf32, #tpu.memory_space<vmem>> -> memref<64x768xf32, #tpu.memory_space<vmem>>
    %dma_start3A_1357 = arith.constant 0 : i32
    %dma_start3A_1358 = arith.constant 0 : i32
    %dma_start3A_1359 = tpu.memref_slice %arg2[%add3A_1351, %dma_start3A_1357, %dma_start3A_1358] : memref<1024x64x768xf32, #tpu.memory_space<hbm>> -> memref<1x64x768xf32, #tpu.memory_space<hbm>>
    %dma_start3A_1360 = tpu.memref_squeeze %dma_start3A_1359 : memref<1x64x768xf32, #tpu.memory_space<hbm>> -> memref<64x768xf32, #tpu.memory_space<hbm>>
    %dma_start3A_1361 = arith.constant 0 : i32
    %dma_start3A_1362 = arith.constant 0 : i32
    %dma_start3A_1363 = tpu.memref_slice %arg4[%dma_start3A_1352, %dma_start3A_1361, %dma_start3A_1362] : memref<2x64x768xf32, #tpu.memory_space<vmem>> -> memref<1x64x768xf32, #tpu.memory_space<vmem>>
    %dma_start3A_1364 = tpu.memref_squeeze %dma_start3A_1363 : memref<1x64x768xf32, #tpu.memory_space<vmem>> -> memref<64x768xf32, #tpu.memory_space<vmem>>
    %dma_start3A_1365 = arith.constant 0 : i32
    %dma_start3A_1366 = arith.constant 0 : i32
    %dma_start3A_1367 = tpu.memref_slice %arg2[%add3A_1351, %dma_start3A_1365, %dma_start3A_1366] : memref<1024x64x768xf32, #tpu.memory_space<hbm>> -> memref<1x64x768xf32, #tpu.memory_space<hbm>>
    %dma_start3A_1368 = tpu.memref_squeeze %dma_start3A_1367 : memref<1x64x768xf32, #tpu.memory_space<hbm>> -> memref<64x768xf32, #tpu.memory_space<hbm>>
    tpu.enqueue_dma source(%dma_start3A_1368 : memref<64x768xf32, #tpu.memory_space<hbm>>) target(%dma_start3A_1364 : memref<64x768xf32, #tpu.memory_space<vmem>>) target_semaphore(%arg5 : memref<!tpu.dma_semaphore, #tpu.memory_space<semaphore_mem>>)
    %add3A_1369 = arith.constant 18 : i32
    %add3A_1370 = arith.addi %mul3A_2, %add3A_1369 : i32
    %dma_wait3A_1371 = arith.constant 0 : i32
    %dma_wait3A_1372 = arith.constant 0 : i32
    %dma_wait3A_1373 = arith.constant 0 : i32
    %dma_wait3A_1374 = tpu.memref_slice %arg4[%dma_wait3A_1371, %dma_wait3A_1372, %dma_wait3A_1373] : memref<2x64x768xf32, #tpu.memory_space<vmem>> -> memref<1x64x768xf32, #tpu.memory_space<vmem>>
    %dma_wait3A_1375 = tpu.memref_squeeze %dma_wait3A_1374 : memref<1x64x768xf32, #tpu.memory_space<vmem>> -> memref<64x768xf32, #tpu.memory_space<vmem>>
    %dma_wait3A_1376 = arith.constant 0 : i32
    %dma_wait3A_1377 = arith.constant 0 : i32
    %dma_wait3A_1378 = tpu.memref_slice %arg2[%add3A_1370, %dma_wait3A_1376, %dma_wait3A_1377] : memref<1024x64x768xf32, #tpu.memory_space<hbm>> -> memref<1x64x768xf32, #tpu.memory_space<hbm>>
    %dma_wait3A_1379 = tpu.memref_squeeze %dma_wait3A_1378 : memref<1x64x768xf32, #tpu.memory_space<hbm>> -> memref<64x768xf32, #tpu.memory_space<hbm>>
    %dma_wait3A_1380 = arith.constant 0 : i32
    %dma_wait3A_1381 = arith.constant 0 : i32
    %dma_wait3A_1382 = tpu.memref_slice %arg4[%dma_wait3A_1371, %dma_wait3A_1380, %dma_wait3A_1381] : memref<2x64x768xf32, #tpu.memory_space<vmem>> -> memref<1x64x768xf32, #tpu.memory_space<vmem>>
    %dma_wait3A_1383 = tpu.memref_squeeze %dma_wait3A_1382 : memref<1x64x768xf32, #tpu.memory_space<vmem>> -> memref<64x768xf32, #tpu.memory_space<vmem>>
    %dma_wait3A_1384 = arith.constant 0 : i32
    %dma_wait3A_1385 = arith.constant 0 : i32
    %dma_wait3A_1386 = tpu.memref_slice %arg2[%add3A_1370, %dma_wait3A_1384, %dma_wait3A_1385] : memref<1024x64x768xf32, #tpu.memory_space<hbm>> -> memref<1x64x768xf32, #tpu.memory_space<hbm>>
    %dma_wait3A_1387 = tpu.memref_squeeze %dma_wait3A_1386 : memref<1x64x768xf32, #tpu.memory_space<hbm>> -> memref<64x768xf32, #tpu.memory_space<hbm>>
    tpu.wait_dma2 semaphore(%arg5 : memref<!tpu.dma_semaphore, #tpu.memory_space<semaphore_mem>>) src(%dma_wait3A_1387 : memref<64x768xf32, #tpu.memory_space<hbm>>) dst(%dma_wait3A_1383 : memref<64x768xf32, #tpu.memory_space<vmem>>)
    %add3A_1388 = arith.constant 18 : i32
    %add3A_1389 = arith.addi %mul3A_2, %add3A_1388 : i32
    %dma_start3A_1390 = arith.constant 0 : i32
    %dma_start3A_1391 = arith.constant 0 : i32
    %dma_start3A_1392 = arith.constant 0 : i32
    %dma_start3A_1393 = tpu.memref_slice %arg4[%dma_start3A_1390, %dma_start3A_1391, %dma_start3A_1392] : memref<2x64x768xf32, #tpu.memory_space<vmem>> -> memref<1x64x768xf32, #tpu.memory_space<vmem>>
    %dma_start3A_1394 = tpu.memref_squeeze %dma_start3A_1393 : memref<1x64x768xf32, #tpu.memory_space<vmem>> -> memref<64x768xf32, #tpu.memory_space<vmem>>
    %dma_start3A_1395 = arith.constant 0 : i32
    %dma_start3A_1396 = arith.constant 0 : i32
    %dma_start3A_1397 = tpu.memref_slice %arg3[%add3A_1389, %dma_start3A_1395, %dma_start3A_1396] : memref<1024x64x768xf32, #tpu.memory_space<hbm>> -> memref<1x64x768xf32, #tpu.memory_space<hbm>>
    %dma_start3A_1398 = tpu.memref_squeeze %dma_start3A_1397 : memref<1x64x768xf32, #tpu.memory_space<hbm>> -> memref<64x768xf32, #tpu.memory_space<hbm>>
    %dma_start3A_1399 = arith.constant 0 : i32
    %dma_start3A_1400 = arith.constant 0 : i32
    %dma_start3A_1401 = tpu.memref_slice %arg3[%add3A_1389, %dma_start3A_1399, %dma_start3A_1400] : memref<1024x64x768xf32, #tpu.memory_space<hbm>> -> memref<1x64x768xf32, #tpu.memory_space<hbm>>
    %dma_start3A_1402 = tpu.memref_squeeze %dma_start3A_1401 : memref<1x64x768xf32, #tpu.memory_space<hbm>> -> memref<64x768xf32, #tpu.memory_space<hbm>>
    %dma_start3A_1403 = arith.constant 0 : i32
    %dma_start3A_1404 = arith.constant 0 : i32
    %dma_start3A_1405 = tpu.memref_slice %arg4[%dma_start3A_1390, %dma_start3A_1403, %dma_start3A_1404] : memref<2x64x768xf32, #tpu.memory_space<vmem>> -> memref<1x64x768xf32, #tpu.memory_space<vmem>>
    %dma_start3A_1406 = tpu.memref_squeeze %dma_start3A_1405 : memref<1x64x768xf32, #tpu.memory_space<vmem>> -> memref<64x768xf32, #tpu.memory_space<vmem>>
    tpu.enqueue_dma source(%dma_start3A_1406 : memref<64x768xf32, #tpu.memory_space<vmem>>) target(%dma_start3A_1402 : memref<64x768xf32, #tpu.memory_space<hbm>>) target_semaphore(%arg7 : memref<!tpu.dma_semaphore, #tpu.memory_space<semaphore_mem>>)
    %add3A_1407 = arith.constant 17 : i32
    %add3A_1408 = arith.addi %mul3A_2, %add3A_1407 : i32
    %dma_wait3A_1409 = arith.constant 1 : i32
    %dma_wait3A_1410 = arith.constant 0 : i32
    %dma_wait3A_1411 = arith.constant 0 : i32
    %dma_wait3A_1412 = tpu.memref_slice %arg4[%dma_wait3A_1409, %dma_wait3A_1410, %dma_wait3A_1411] : memref<2x64x768xf32, #tpu.memory_space<vmem>> -> memref<1x64x768xf32, #tpu.memory_space<vmem>>
    %dma_wait3A_1413 = tpu.memref_squeeze %dma_wait3A_1412 : memref<1x64x768xf32, #tpu.memory_space<vmem>> -> memref<64x768xf32, #tpu.memory_space<vmem>>
    %dma_wait3A_1414 = arith.constant 0 : i32
    %dma_wait3A_1415 = arith.constant 0 : i32
    %dma_wait3A_1416 = tpu.memref_slice %arg3[%add3A_1408, %dma_wait3A_1414, %dma_wait3A_1415] : memref<1024x64x768xf32, #tpu.memory_space<hbm>> -> memref<1x64x768xf32, #tpu.memory_space<hbm>>
    %dma_wait3A_1417 = tpu.memref_squeeze %dma_wait3A_1416 : memref<1x64x768xf32, #tpu.memory_space<hbm>> -> memref<64x768xf32, #tpu.memory_space<hbm>>
    %dma_wait3A_1418 = arith.constant 0 : i32
    %dma_wait3A_1419 = arith.constant 0 : i32
    %dma_wait3A_1420 = tpu.memref_slice %arg3[%add3A_1408, %dma_wait3A_1418, %dma_wait3A_1419] : memref<1024x64x768xf32, #tpu.memory_space<hbm>> -> memref<1x64x768xf32, #tpu.memory_space<hbm>>
    %dma_wait3A_1421 = tpu.memref_squeeze %dma_wait3A_1420 : memref<1x64x768xf32, #tpu.memory_space<hbm>> -> memref<64x768xf32, #tpu.memory_space<hbm>>
    %dma_wait3A_1422 = arith.constant 0 : i32
    %dma_wait3A_1423 = arith.constant 0 : i32
    %dma_wait3A_1424 = tpu.memref_slice %arg4[%dma_wait3A_1409, %dma_wait3A_1422, %dma_wait3A_1423] : memref<2x64x768xf32, #tpu.memory_space<vmem>> -> memref<1x64x768xf32, #tpu.memory_space<vmem>>
    %dma_wait3A_1425 = tpu.memref_squeeze %dma_wait3A_1424 : memref<1x64x768xf32, #tpu.memory_space<vmem>> -> memref<64x768xf32, #tpu.memory_space<vmem>>
    tpu.wait_dma2 semaphore(%arg8 : memref<!tpu.dma_semaphore, #tpu.memory_space<semaphore_mem>>) src(%dma_wait3A_1425 : memref<64x768xf32, #tpu.memory_space<vmem>>) dst(%dma_wait3A_1421 : memref<64x768xf32, #tpu.memory_space<hbm>>)
    %add3A_1426 = arith.constant 19 : i32
    %add3A_1427 = arith.addi %mul3A_2, %add3A_1426 : i32
    %dma_start3A_1428 = arith.constant 1 : i32
    %dma_start3A_1429 = arith.constant 0 : i32
    %dma_start3A_1430 = arith.constant 0 : i32
    %dma_start3A_1431 = tpu.memref_slice %arg4[%dma_start3A_1428, %dma_start3A_1429, %dma_start3A_1430] : memref<2x64x768xf32, #tpu.memory_space<vmem>> -> memref<1x64x768xf32, #tpu.memory_space<vmem>>
    %dma_start3A_1432 = tpu.memref_squeeze %dma_start3A_1431 : memref<1x64x768xf32, #tpu.memory_space<vmem>> -> memref<64x768xf32, #tpu.memory_space<vmem>>
    %dma_start3A_1433 = arith.constant 0 : i32
    %dma_start3A_1434 = arith.constant 0 : i32
    %dma_start3A_1435 = tpu.memref_slice %arg2[%add3A_1427, %dma_start3A_1433, %dma_start3A_1434] : memref<1024x64x768xf32, #tpu.memory_space<hbm>> -> memref<1x64x768xf32, #tpu.memory_space<hbm>>
    %dma_start3A_1436 = tpu.memref_squeeze %dma_start3A_1435 : memref<1x64x768xf32, #tpu.memory_space<hbm>> -> memref<64x768xf32, #tpu.memory_space<hbm>>
    %dma_start3A_1437 = arith.constant 0 : i32
    %dma_start3A_1438 = arith.constant 0 : i32
    %dma_start3A_1439 = tpu.memref_slice %arg4[%dma_start3A_1428, %dma_start3A_1437, %dma_start3A_1438] : memref<2x64x768xf32, #tpu.memory_space<vmem>> -> memref<1x64x768xf32, #tpu.memory_space<vmem>>
    %dma_start3A_1440 = tpu.memref_squeeze %dma_start3A_1439 : memref<1x64x768xf32, #tpu.memory_space<vmem>> -> memref<64x768xf32, #tpu.memory_space<vmem>>
    %dma_start3A_1441 = arith.constant 0 : i32
    %dma_start3A_1442 = arith.constant 0 : i32
    %dma_start3A_1443 = tpu.memref_slice %arg2[%add3A_1427, %dma_start3A_1441, %dma_start3A_1442] : memref<1024x64x768xf32, #tpu.memory_space<hbm>> -> memref<1x64x768xf32, #tpu.memory_space<hbm>>
    %dma_start3A_1444 = tpu.memref_squeeze %dma_start3A_1443 : memref<1x64x768xf32, #tpu.memory_space<hbm>> -> memref<64x768xf32, #tpu.memory_space<hbm>>
    tpu.enqueue_dma source(%dma_start3A_1444 : memref<64x768xf32, #tpu.memory_space<hbm>>) target(%dma_start3A_1440 : memref<64x768xf32, #tpu.memory_space<vmem>>) target_semaphore(%arg6 : memref<!tpu.dma_semaphore, #tpu.memory_space<semaphore_mem>>)
    %add3A_1445 = arith.constant 19 : i32
    %add3A_1446 = arith.addi %mul3A_2, %add3A_1445 : i32
    %dma_wait3A_1447 = arith.constant 1 : i32
    %dma_wait3A_1448 = arith.constant 0 : i32
    %dma_wait3A_1449 = arith.constant 0 : i32
    %dma_wait3A_1450 = tpu.memref_slice %arg4[%dma_wait3A_1447, %dma_wait3A_1448, %dma_wait3A_1449] : memref<2x64x768xf32, #tpu.memory_space<vmem>> -> memref<1x64x768xf32, #tpu.memory_space<vmem>>
    %dma_wait3A_1451 = tpu.memref_squeeze %dma_wait3A_1450 : memref<1x64x768xf32, #tpu.memory_space<vmem>> -> memref<64x768xf32, #tpu.memory_space<vmem>>
    %dma_wait3A_1452 = arith.constant 0 : i32
    %dma_wait3A_1453 = arith.constant 0 : i32
    %dma_wait3A_1454 = tpu.memref_slice %arg2[%add3A_1446, %dma_wait3A_1452, %dma_wait3A_1453] : memref<1024x64x768xf32, #tpu.memory_space<hbm>> -> memref<1x64x768xf32, #tpu.memory_space<hbm>>
    %dma_wait3A_1455 = tpu.memref_squeeze %dma_wait3A_1454 : memref<1x64x768xf32, #tpu.memory_space<hbm>> -> memref<64x768xf32, #tpu.memory_space<hbm>>
    %dma_wait3A_1456 = arith.constant 0 : i32
    %dma_wait3A_1457 = arith.constant 0 : i32
    %dma_wait3A_1458 = tpu.memref_slice %arg4[%dma_wait3A_1447, %dma_wait3A_1456, %dma_wait3A_1457] : memref<2x64x768xf32, #tpu.memory_space<vmem>> -> memref<1x64x768xf32, #tpu.memory_space<vmem>>
    %dma_wait3A_1459 = tpu.memref_squeeze %dma_wait3A_1458 : memref<1x64x768xf32, #tpu.memory_space<vmem>> -> memref<64x768xf32, #tpu.memory_space<vmem>>
    %dma_wait3A_1460 = arith.constant 0 : i32
    %dma_wait3A_1461 = arith.constant 0 : i32
    %dma_wait3A_1462 = tpu.memref_slice %arg2[%add3A_1446, %dma_wait3A_1460, %dma_wait3A_1461] : memref<1024x64x768xf32, #tpu.memory_space<hbm>> -> memref<1x64x768xf32, #tpu.memory_space<hbm>>
    %dma_wait3A_1463 = tpu.memref_squeeze %dma_wait3A_1462 : memref<1x64x768xf32, #tpu.memory_space<hbm>> -> memref<64x768xf32, #tpu.memory_space<hbm>>
    tpu.wait_dma2 semaphore(%arg6 : memref<!tpu.dma_semaphore, #tpu.memory_space<semaphore_mem>>) src(%dma_wait3A_1463 : memref<64x768xf32, #tpu.memory_space<hbm>>) dst(%dma_wait3A_1459 : memref<64x768xf32, #tpu.memory_space<vmem>>)
    %add3A_1464 = arith.constant 19 : i32
    %add3A_1465 = arith.addi %mul3A_2, %add3A_1464 : i32
    %dma_start3A_1466 = arith.constant 1 : i32
    %dma_start3A_1467 = arith.constant 0 : i32
    %dma_start3A_1468 = arith.constant 0 : i32
    %dma_start3A_1469 = tpu.memref_slice %arg4[%dma_start3A_1466, %dma_start3A_1467, %dma_start3A_1468] : memref<2x64x768xf32, #tpu.memory_space<vmem>> -> memref<1x64x768xf32, #tpu.memory_space<vmem>>
    %dma_start3A_1470 = tpu.memref_squeeze %dma_start3A_1469 : memref<1x64x768xf32, #tpu.memory_space<vmem>> -> memref<64x768xf32, #tpu.memory_space<vmem>>
    %dma_start3A_1471 = arith.constant 0 : i32
    %dma_start3A_1472 = arith.constant 0 : i32
    %dma_start3A_1473 = tpu.memref_slice %arg3[%add3A_1465, %dma_start3A_1471, %dma_start3A_1472] : memref<1024x64x768xf32, #tpu.memory_space<hbm>> -> memref<1x64x768xf32, #tpu.memory_space<hbm>>
    %dma_start3A_1474 = tpu.memref_squeeze %dma_start3A_1473 : memref<1x64x768xf32, #tpu.memory_space<hbm>> -> memref<64x768xf32, #tpu.memory_space<hbm>>
    %dma_start3A_1475 = arith.constant 0 : i32
    %dma_start3A_1476 = arith.constant 0 : i32
    %dma_start3A_1477 = tpu.memref_slice %arg3[%add3A_1465, %dma_start3A_1475, %dma_start3A_1476] : memref<1024x64x768xf32, #tpu.memory_space<hbm>> -> memref<1x64x768xf32, #tpu.memory_space<hbm>>
    %dma_start3A_1478 = tpu.memref_squeeze %dma_start3A_1477 : memref<1x64x768xf32, #tpu.memory_space<hbm>> -> memref<64x768xf32, #tpu.memory_space<hbm>>
    %dma_start3A_1479 = arith.constant 0 : i32
    %dma_start3A_1480 = arith.constant 0 : i32
    %dma_start3A_1481 = tpu.memref_slice %arg4[%dma_start3A_1466, %dma_start3A_1479, %dma_start3A_1480] : memref<2x64x768xf32, #tpu.memory_space<vmem>> -> memref<1x64x768xf32, #tpu.memory_space<vmem>>
    %dma_start3A_1482 = tpu.memref_squeeze %dma_start3A_1481 : memref<1x64x768xf32, #tpu.memory_space<vmem>> -> memref<64x768xf32, #tpu.memory_space<vmem>>
    tpu.enqueue_dma source(%dma_start3A_1482 : memref<64x768xf32, #tpu.memory_space<vmem>>) target(%dma_start3A_1478 : memref<64x768xf32, #tpu.memory_space<hbm>>) target_semaphore(%arg8 : memref<!tpu.dma_semaphore, #tpu.memory_space<semaphore_mem>>)
    %add3A_1483 = arith.constant 18 : i32
    %add3A_1484 = arith.addi %mul3A_2, %add3A_1483 : i32
    %dma_wait3A_1485 = arith.constant 0 : i32
    %dma_wait3A_1486 = arith.constant 0 : i32
    %dma_wait3A_1487 = arith.constant 0 : i32
    %dma_wait3A_1488 = tpu.memref_slice %arg4[%dma_wait3A_1485, %dma_wait3A_1486, %dma_wait3A_1487] : memref<2x64x768xf32, #tpu.memory_space<vmem>> -> memref<1x64x768xf32, #tpu.memory_space<vmem>>
    %dma_wait3A_1489 = tpu.memref_squeeze %dma_wait3A_1488 : memref<1x64x768xf32, #tpu.memory_space<vmem>> -> memref<64x768xf32, #tpu.memory_space<vmem>>
    %dma_wait3A_1490 = arith.constant 0 : i32
    %dma_wait3A_1491 = arith.constant 0 : i32
    %dma_wait3A_1492 = tpu.memref_slice %arg3[%add3A_1484, %dma_wait3A_1490, %dma_wait3A_1491] : memref<1024x64x768xf32, #tpu.memory_space<hbm>> -> memref<1x64x768xf32, #tpu.memory_space<hbm>>
    %dma_wait3A_1493 = tpu.memref_squeeze %dma_wait3A_1492 : memref<1x64x768xf32, #tpu.memory_space<hbm>> -> memref<64x768xf32, #tpu.memory_space<hbm>>
    %dma_wait3A_1494 = arith.constant 0 : i32
    %dma_wait3A_1495 = arith.constant 0 : i32
    %dma_wait3A_1496 = tpu.memref_slice %arg3[%add3A_1484, %dma_wait3A_1494, %dma_wait3A_1495] : memref<1024x64x768xf32, #tpu.memory_space<hbm>> -> memref<1x64x768xf32, #tpu.memory_space<hbm>>
    %dma_wait3A_1497 = tpu.memref_squeeze %dma_wait3A_1496 : memref<1x64x768xf32, #tpu.memory_space<hbm>> -> memref<64x768xf32, #tpu.memory_space<hbm>>
    %dma_wait3A_1498 = arith.constant 0 : i32
    %dma_wait3A_1499 = arith.constant 0 : i32
    %dma_wait3A_1500 = tpu.memref_slice %arg4[%dma_wait3A_1485, %dma_wait3A_1498, %dma_wait3A_1499] : memref<2x64x768xf32, #tpu.memory_space<vmem>> -> memref<1x64x768xf32, #tpu.memory_space<vmem>>
    %dma_wait3A_1501 = tpu.memref_squeeze %dma_wait3A_1500 : memref<1x64x768xf32, #tpu.memory_space<vmem>> -> memref<64x768xf32, #tpu.memory_space<vmem>>
    tpu.wait_dma2 semaphore(%arg7 : memref<!tpu.dma_semaphore, #tpu.memory_space<semaphore_mem>>) src(%dma_wait3A_1501 : memref<64x768xf32, #tpu.memory_space<vmem>>) dst(%dma_wait3A_1497 : memref<64x768xf32, #tpu.memory_space<hbm>>)
    %add3A_1502 = arith.constant 20 : i32
    %add3A_1503 = arith.addi %mul3A_2, %add3A_1502 : i32
    %dma_start3A_1504 = arith.constant 0 : i32
    %dma_start3A_1505 = arith.constant 0 : i32
    %dma_start3A_1506 = arith.constant 0 : i32
    %dma_start3A_1507 = tpu.memref_slice %arg4[%dma_start3A_1504, %dma_start3A_1505, %dma_start3A_1506] : memref<2x64x768xf32, #tpu.memory_space<vmem>> -> memref<1x64x768xf32, #tpu.memory_space<vmem>>
    %dma_start3A_1508 = tpu.memref_squeeze %dma_start3A_1507 : memref<1x64x768xf32, #tpu.memory_space<vmem>> -> memref<64x768xf32, #tpu.memory_space<vmem>>
    %dma_start3A_1509 = arith.constant 0 : i32
    %dma_start3A_1510 = arith.constant 0 : i32
    %dma_start3A_1511 = tpu.memref_slice %arg2[%add3A_1503, %dma_start3A_1509, %dma_start3A_1510] : memref<1024x64x768xf32, #tpu.memory_space<hbm>> -> memref<1x64x768xf32, #tpu.memory_space<hbm>>
    %dma_start3A_1512 = tpu.memref_squeeze %dma_start3A_1511 : memref<1x64x768xf32, #tpu.memory_space<hbm>> -> memref<64x768xf32, #tpu.memory_space<hbm>>
    %dma_start3A_1513 = arith.constant 0 : i32
    %dma_start3A_1514 = arith.constant 0 : i32
    %dma_start3A_1515 = tpu.memref_slice %arg4[%dma_start3A_1504, %dma_start3A_1513, %dma_start3A_1514] : memref<2x64x768xf32, #tpu.memory_space<vmem>> -> memref<1x64x768xf32, #tpu.memory_space<vmem>>
    %dma_start3A_1516 = tpu.memref_squeeze %dma_start3A_1515 : memref<1x64x768xf32, #tpu.memory_space<vmem>> -> memref<64x768xf32, #tpu.memory_space<vmem>>
    %dma_start3A_1517 = arith.constant 0 : i32
    %dma_start3A_1518 = arith.constant 0 : i32
    %dma_start3A_1519 = tpu.memref_slice %arg2[%add3A_1503, %dma_start3A_1517, %dma_start3A_1518] : memref<1024x64x768xf32, #tpu.memory_space<hbm>> -> memref<1x64x768xf32, #tpu.memory_space<hbm>>
    %dma_start3A_1520 = tpu.memref_squeeze %dma_start3A_1519 : memref<1x64x768xf32, #tpu.memory_space<hbm>> -> memref<64x768xf32, #tpu.memory_space<hbm>>
    tpu.enqueue_dma source(%dma_start3A_1520 : memref<64x768xf32, #tpu.memory_space<hbm>>) target(%dma_start3A_1516 : memref<64x768xf32, #tpu.memory_space<vmem>>) target_semaphore(%arg5 : memref<!tpu.dma_semaphore, #tpu.memory_space<semaphore_mem>>)
    %add3A_1521 = arith.constant 20 : i32
    %add3A_1522 = arith.addi %mul3A_2, %add3A_1521 : i32
    %dma_wait3A_1523 = arith.constant 0 : i32
    %dma_wait3A_1524 = arith.constant 0 : i32
    %dma_wait3A_1525 = arith.constant 0 : i32
    %dma_wait3A_1526 = tpu.memref_slice %arg4[%dma_wait3A_1523, %dma_wait3A_1524, %dma_wait3A_1525] : memref<2x64x768xf32, #tpu.memory_space<vmem>> -> memref<1x64x768xf32, #tpu.memory_space<vmem>>
    %dma_wait3A_1527 = tpu.memref_squeeze %dma_wait3A_1526 : memref<1x64x768xf32, #tpu.memory_space<vmem>> -> memref<64x768xf32, #tpu.memory_space<vmem>>
    %dma_wait3A_1528 = arith.constant 0 : i32
    %dma_wait3A_1529 = arith.constant 0 : i32
    %dma_wait3A_1530 = tpu.memref_slice %arg2[%add3A_1522, %dma_wait3A_1528, %dma_wait3A_1529] : memref<1024x64x768xf32, #tpu.memory_space<hbm>> -> memref<1x64x768xf32, #tpu.memory_space<hbm>>
    %dma_wait3A_1531 = tpu.memref_squeeze %dma_wait3A_1530 : memref<1x64x768xf32, #tpu.memory_space<hbm>> -> memref<64x768xf32, #tpu.memory_space<hbm>>
    %dma_wait3A_1532 = arith.constant 0 : i32
    %dma_wait3A_1533 = arith.constant 0 : i32
    %dma_wait3A_1534 = tpu.memref_slice %arg4[%dma_wait3A_1523, %dma_wait3A_1532, %dma_wait3A_1533] : memref<2x64x768xf32, #tpu.memory_space<vmem>> -> memref<1x64x768xf32, #tpu.memory_space<vmem>>
    %dma_wait3A_1535 = tpu.memref_squeeze %dma_wait3A_1534 : memref<1x64x768xf32, #tpu.memory_space<vmem>> -> memref<64x768xf32, #tpu.memory_space<vmem>>
    %dma_wait3A_1536 = arith.constant 0 : i32
    %dma_wait3A_1537 = arith.constant 0 : i32
    %dma_wait3A_1538 = tpu.memref_slice %arg2[%add3A_1522, %dma_wait3A_1536, %dma_wait3A_1537] : memref<1024x64x768xf32, #tpu.memory_space<hbm>> -> memref<1x64x768xf32, #tpu.memory_space<hbm>>
    %dma_wait3A_1539 = tpu.memref_squeeze %dma_wait3A_1538 : memref<1x64x768xf32, #tpu.memory_space<hbm>> -> memref<64x768xf32, #tpu.memory_space<hbm>>
    tpu.wait_dma2 semaphore(%arg5 : memref<!tpu.dma_semaphore, #tpu.memory_space<semaphore_mem>>) src(%dma_wait3A_1539 : memref<64x768xf32, #tpu.memory_space<hbm>>) dst(%dma_wait3A_1535 : memref<64x768xf32, #tpu.memory_space<vmem>>)
    %add3A_1540 = arith.constant 20 : i32
    %add3A_1541 = arith.addi %mul3A_2, %add3A_1540 : i32
    %dma_start3A_1542 = arith.constant 0 : i32
    %dma_start3A_1543 = arith.constant 0 : i32
    %dma_start3A_1544 = arith.constant 0 : i32
    %dma_start3A_1545 = tpu.memref_slice %arg4[%dma_start3A_1542, %dma_start3A_1543, %dma_start3A_1544] : memref<2x64x768xf32, #tpu.memory_space<vmem>> -> memref<1x64x768xf32, #tpu.memory_space<vmem>>
    %dma_start3A_1546 = tpu.memref_squeeze %dma_start3A_1545 : memref<1x64x768xf32, #tpu.memory_space<vmem>> -> memref<64x768xf32, #tpu.memory_space<vmem>>
    %dma_start3A_1547 = arith.constant 0 : i32
    %dma_start3A_1548 = arith.constant 0 : i32
    %dma_start3A_1549 = tpu.memref_slice %arg3[%add3A_1541, %dma_start3A_1547, %dma_start3A_1548] : memref<1024x64x768xf32, #tpu.memory_space<hbm>> -> memref<1x64x768xf32, #tpu.memory_space<hbm>>
    %dma_start3A_1550 = tpu.memref_squeeze %dma_start3A_1549 : memref<1x64x768xf32, #tpu.memory_space<hbm>> -> memref<64x768xf32, #tpu.memory_space<hbm>>
    %dma_start3A_1551 = arith.constant 0 : i32
    %dma_start3A_1552 = arith.constant 0 : i32
    %dma_start3A_1553 = tpu.memref_slice %arg3[%add3A_1541, %dma_start3A_1551, %dma_start3A_1552] : memref<1024x64x768xf32, #tpu.memory_space<hbm>> -> memref<1x64x768xf32, #tpu.memory_space<hbm>>
    %dma_start3A_1554 = tpu.memref_squeeze %dma_start3A_1553 : memref<1x64x768xf32, #tpu.memory_space<hbm>> -> memref<64x768xf32, #tpu.memory_space<hbm>>
    %dma_start3A_1555 = arith.constant 0 : i32
    %dma_start3A_1556 = arith.constant 0 : i32
    %dma_start3A_1557 = tpu.memref_slice %arg4[%dma_start3A_1542, %dma_start3A_1555, %dma_start3A_1556] : memref<2x64x768xf32, #tpu.memory_space<vmem>> -> memref<1x64x768xf32, #tpu.memory_space<vmem>>
    %dma_start3A_1558 = tpu.memref_squeeze %dma_start3A_1557 : memref<1x64x768xf32, #tpu.memory_space<vmem>> -> memref<64x768xf32, #tpu.memory_space<vmem>>
    tpu.enqueue_dma source(%dma_start3A_1558 : memref<64x768xf32, #tpu.memory_space<vmem>>) target(%dma_start3A_1554 : memref<64x768xf32, #tpu.memory_space<hbm>>) target_semaphore(%arg7 : memref<!tpu.dma_semaphore, #tpu.memory_space<semaphore_mem>>)
    %add3A_1559 = arith.constant 19 : i32
    %add3A_1560 = arith.addi %mul3A_2, %add3A_1559 : i32
    %dma_wait3A_1561 = arith.constant 1 : i32
    %dma_wait3A_1562 = arith.constant 0 : i32
    %dma_wait3A_1563 = arith.constant 0 : i32
    %dma_wait3A_1564 = tpu.memref_slice %arg4[%dma_wait3A_1561, %dma_wait3A_1562, %dma_wait3A_1563] : memref<2x64x768xf32, #tpu.memory_space<vmem>> -> memref<1x64x768xf32, #tpu.memory_space<vmem>>
    %dma_wait3A_1565 = tpu.memref_squeeze %dma_wait3A_1564 : memref<1x64x768xf32, #tpu.memory_space<vmem>> -> memref<64x768xf32, #tpu.memory_space<vmem>>
    %dma_wait3A_1566 = arith.constant 0 : i32
    %dma_wait3A_1567 = arith.constant 0 : i32
    %dma_wait3A_1568 = tpu.memref_slice %arg3[%add3A_1560, %dma_wait3A_1566, %dma_wait3A_1567] : memref<1024x64x768xf32, #tpu.memory_space<hbm>> -> memref<1x64x768xf32, #tpu.memory_space<hbm>>
    %dma_wait3A_1569 = tpu.memref_squeeze %dma_wait3A_1568 : memref<1x64x768xf32, #tpu.memory_space<hbm>> -> memref<64x768xf32, #tpu.memory_space<hbm>>
    %dma_wait3A_1570 = arith.constant 0 : i32
    %dma_wait3A_1571 = arith.constant 0 : i32
    %dma_wait3A_1572 = tpu.memref_slice %arg3[%add3A_1560, %dma_wait3A_1570, %dma_wait3A_1571] : memref<1024x64x768xf32, #tpu.memory_space<hbm>> -> memref<1x64x768xf32, #tpu.memory_space<hbm>>
    %dma_wait3A_1573 = tpu.memref_squeeze %dma_wait3A_1572 : memref<1x64x768xf32, #tpu.memory_space<hbm>> -> memref<64x768xf32, #tpu.memory_space<hbm>>
    %dma_wait3A_1574 = arith.constant 0 : i32
    %dma_wait3A_1575 = arith.constant 0 : i32
    %dma_wait3A_1576 = tpu.memref_slice %arg4[%dma_wait3A_1561, %dma_wait3A_1574, %dma_wait3A_1575] : memref<2x64x768xf32, #tpu.memory_space<vmem>> -> memref<1x64x768xf32, #tpu.memory_space<vmem>>
    %dma_wait3A_1577 = tpu.memref_squeeze %dma_wait3A_1576 : memref<1x64x768xf32, #tpu.memory_space<vmem>> -> memref<64x768xf32, #tpu.memory_space<vmem>>
    tpu.wait_dma2 semaphore(%arg8 : memref<!tpu.dma_semaphore, #tpu.memory_space<semaphore_mem>>) src(%dma_wait3A_1577 : memref<64x768xf32, #tpu.memory_space<vmem>>) dst(%dma_wait3A_1573 : memref<64x768xf32, #tpu.memory_space<hbm>>)
    %add3A_1578 = arith.constant 21 : i32
    %add3A_1579 = arith.addi %mul3A_2, %add3A_1578 : i32
    %dma_start3A_1580 = arith.constant 1 : i32
    %dma_start3A_1581 = arith.constant 0 : i32
    %dma_start3A_1582 = arith.constant 0 : i32
    %dma_start3A_1583 = tpu.memref_slice %arg4[%dma_start3A_1580, %dma_start3A_1581, %dma_start3A_1582] : memref<2x64x768xf32, #tpu.memory_space<vmem>> -> memref<1x64x768xf32, #tpu.memory_space<vmem>>
    %dma_start3A_1584 = tpu.memref_squeeze %dma_start3A_1583 : memref<1x64x768xf32, #tpu.memory_space<vmem>> -> memref<64x768xf32, #tpu.memory_space<vmem>>
    %dma_start3A_1585 = arith.constant 0 : i32
    %dma_start3A_1586 = arith.constant 0 : i32
    %dma_start3A_1587 = tpu.memref_slice %arg2[%add3A_1579, %dma_start3A_1585, %dma_start3A_1586] : memref<1024x64x768xf32, #tpu.memory_space<hbm>> -> memref<1x64x768xf32, #tpu.memory_space<hbm>>
    %dma_start3A_1588 = tpu.memref_squeeze %dma_start3A_1587 : memref<1x64x768xf32, #tpu.memory_space<hbm>> -> memref<64x768xf32, #tpu.memory_space<hbm>>
    %dma_start3A_1589 = arith.constant 0 : i32
    %dma_start3A_1590 = arith.constant 0 : i32
    %dma_start3A_1591 = tpu.memref_slice %arg4[%dma_start3A_1580, %dma_start3A_1589, %dma_start3A_1590] : memref<2x64x768xf32, #tpu.memory_space<vmem>> -> memref<1x64x768xf32, #tpu.memory_space<vmem>>
    %dma_start3A_1592 = tpu.memref_squeeze %dma_start3A_1591 : memref<1x64x768xf32, #tpu.memory_space<vmem>> -> memref<64x768xf32, #tpu.memory_space<vmem>>
    %dma_start3A_1593 = arith.constant 0 : i32
    %dma_start3A_1594 = arith.constant 0 : i32
    %dma_start3A_1595 = tpu.memref_slice %arg2[%add3A_1579, %dma_start3A_1593, %dma_start3A_1594] : memref<1024x64x768xf32, #tpu.memory_space<hbm>> -> memref<1x64x768xf32, #tpu.memory_space<hbm>>
    %dma_start3A_1596 = tpu.memref_squeeze %dma_start3A_1595 : memref<1x64x768xf32, #tpu.memory_space<hbm>> -> memref<64x768xf32, #tpu.memory_space<hbm>>
    tpu.enqueue_dma source(%dma_start3A_1596 : memref<64x768xf32, #tpu.memory_space<hbm>>) target(%dma_start3A_1592 : memref<64x768xf32, #tpu.memory_space<vmem>>) target_semaphore(%arg6 : memref<!tpu.dma_semaphore, #tpu.memory_space<semaphore_mem>>)
    %add3A_1597 = arith.constant 21 : i32
    %add3A_1598 = arith.addi %mul3A_2, %add3A_1597 : i32
    %dma_wait3A_1599 = arith.constant 1 : i32
    %dma_wait3A_1600 = arith.constant 0 : i32
    %dma_wait3A_1601 = arith.constant 0 : i32
    %dma_wait3A_1602 = tpu.memref_slice %arg4[%dma_wait3A_1599, %dma_wait3A_1600, %dma_wait3A_1601] : memref<2x64x768xf32, #tpu.memory_space<vmem>> -> memref<1x64x768xf32, #tpu.memory_space<vmem>>
    %dma_wait3A_1603 = tpu.memref_squeeze %dma_wait3A_1602 : memref<1x64x768xf32, #tpu.memory_space<vmem>> -> memref<64x768xf32, #tpu.memory_space<vmem>>
    %dma_wait3A_1604 = arith.constant 0 : i32
    %dma_wait3A_1605 = arith.constant 0 : i32
    %dma_wait3A_1606 = tpu.memref_slice %arg2[%add3A_1598, %dma_wait3A_1604, %dma_wait3A_1605] : memref<1024x64x768xf32, #tpu.memory_space<hbm>> -> memref<1x64x768xf32, #tpu.memory_space<hbm>>
    %dma_wait3A_1607 = tpu.memref_squeeze %dma_wait3A_1606 : memref<1x64x768xf32, #tpu.memory_space<hbm>> -> memref<64x768xf32, #tpu.memory_space<hbm>>
    %dma_wait3A_1608 = arith.constant 0 : i32
    %dma_wait3A_1609 = arith.constant 0 : i32
    %dma_wait3A_1610 = tpu.memref_slice %arg4[%dma_wait3A_1599, %dma_wait3A_1608, %dma_wait3A_1609] : memref<2x64x768xf32, #tpu.memory_space<vmem>> -> memref<1x64x768xf32, #tpu.memory_space<vmem>>
    %dma_wait3A_1611 = tpu.memref_squeeze %dma_wait3A_1610 : memref<1x64x768xf32, #tpu.memory_space<vmem>> -> memref<64x768xf32, #tpu.memory_space<vmem>>
    %dma_wait3A_1612 = arith.constant 0 : i32
    %dma_wait3A_1613 = arith.constant 0 : i32
    %dma_wait3A_1614 = tpu.memref_slice %arg2[%add3A_1598, %dma_wait3A_1612, %dma_wait3A_1613] : memref<1024x64x768xf32, #tpu.memory_space<hbm>> -> memref<1x64x768xf32, #tpu.memory_space<hbm>>
    %dma_wait3A_1615 = tpu.memref_squeeze %dma_wait3A_1614 : memref<1x64x768xf32, #tpu.memory_space<hbm>> -> memref<64x768xf32, #tpu.memory_space<hbm>>
    tpu.wait_dma2 semaphore(%arg6 : memref<!tpu.dma_semaphore, #tpu.memory_space<semaphore_mem>>) src(%dma_wait3A_1615 : memref<64x768xf32, #tpu.memory_space<hbm>>) dst(%dma_wait3A_1611 : memref<64x768xf32, #tpu.memory_space<vmem>>)
    %add3A_1616 = arith.constant 21 : i32
    %add3A_1617 = arith.addi %mul3A_2, %add3A_1616 : i32
    %dma_start3A_1618 = arith.constant 1 : i32
    %dma_start3A_1619 = arith.constant 0 : i32
    %dma_start3A_1620 = arith.constant 0 : i32
    %dma_start3A_1621 = tpu.memref_slice %arg4[%dma_start3A_1618, %dma_start3A_1619, %dma_start3A_1620] : memref<2x64x768xf32, #tpu.memory_space<vmem>> -> memref<1x64x768xf32, #tpu.memory_space<vmem>>
    %dma_start3A_1622 = tpu.memref_squeeze %dma_start3A_1621 : memref<1x64x768xf32, #tpu.memory_space<vmem>> -> memref<64x768xf32, #tpu.memory_space<vmem>>
    %dma_start3A_1623 = arith.constant 0 : i32
    %dma_start3A_1624 = arith.constant 0 : i32
    %dma_start3A_1625 = tpu.memref_slice %arg3[%add3A_1617, %dma_start3A_1623, %dma_start3A_1624] : memref<1024x64x768xf32, #tpu.memory_space<hbm>> -> memref<1x64x768xf32, #tpu.memory_space<hbm>>
    %dma_start3A_1626 = tpu.memref_squeeze %dma_start3A_1625 : memref<1x64x768xf32, #tpu.memory_space<hbm>> -> memref<64x768xf32, #tpu.memory_space<hbm>>
    %dma_start3A_1627 = arith.constant 0 : i32
    %dma_start3A_1628 = arith.constant 0 : i32
    %dma_start3A_1629 = tpu.memref_slice %arg3[%add3A_1617, %dma_start3A_1627, %dma_start3A_1628] : memref<1024x64x768xf32, #tpu.memory_space<hbm>> -> memref<1x64x768xf32, #tpu.memory_space<hbm>>
    %dma_start3A_1630 = tpu.memref_squeeze %dma_start3A_1629 : memref<1x64x768xf32, #tpu.memory_space<hbm>> -> memref<64x768xf32, #tpu.memory_space<hbm>>
    %dma_start3A_1631 = arith.constant 0 : i32
    %dma_start3A_1632 = arith.constant 0 : i32
    %dma_start3A_1633 = tpu.memref_slice %arg4[%dma_start3A_1618, %dma_start3A_1631, %dma_start3A_1632] : memref<2x64x768xf32, #tpu.memory_space<vmem>> -> memref<1x64x768xf32, #tpu.memory_space<vmem>>
    %dma_start3A_1634 = tpu.memref_squeeze %dma_start3A_1633 : memref<1x64x768xf32, #tpu.memory_space<vmem>> -> memref<64x768xf32, #tpu.memory_space<vmem>>
    tpu.enqueue_dma source(%dma_start3A_1634 : memref<64x768xf32, #tpu.memory_space<vmem>>) target(%dma_start3A_1630 : memref<64x768xf32, #tpu.memory_space<hbm>>) target_semaphore(%arg8 : memref<!tpu.dma_semaphore, #tpu.memory_space<semaphore_mem>>)
    %add3A_1635 = arith.constant 20 : i32
    %add3A_1636 = arith.addi %mul3A_2, %add3A_1635 : i32
    %dma_wait3A_1637 = arith.constant 0 : i32
    %dma_wait3A_1638 = arith.constant 0 : i32
    %dma_wait3A_1639 = arith.constant 0 : i32
    %dma_wait3A_1640 = tpu.memref_slice %arg4[%dma_wait3A_1637, %dma_wait3A_1638, %dma_wait3A_1639] : memref<2x64x768xf32, #tpu.memory_space<vmem>> -> memref<1x64x768xf32, #tpu.memory_space<vmem>>
    %dma_wait3A_1641 = tpu.memref_squeeze %dma_wait3A_1640 : memref<1x64x768xf32, #tpu.memory_space<vmem>> -> memref<64x768xf32, #tpu.memory_space<vmem>>
    %dma_wait3A_1642 = arith.constant 0 : i32
    %dma_wait3A_1643 = arith.constant 0 : i32
    %dma_wait3A_1644 = tpu.memref_slice %arg3[%add3A_1636, %dma_wait3A_1642, %dma_wait3A_1643] : memref<1024x64x768xf32, #tpu.memory_space<hbm>> -> memref<1x64x768xf32, #tpu.memory_space<hbm>>
    %dma_wait3A_1645 = tpu.memref_squeeze %dma_wait3A_1644 : memref<1x64x768xf32, #tpu.memory_space<hbm>> -> memref<64x768xf32, #tpu.memory_space<hbm>>
    %dma_wait3A_1646 = arith.constant 0 : i32
    %dma_wait3A_1647 = arith.constant 0 : i32
    %dma_wait3A_1648 = tpu.memref_slice %arg3[%add3A_1636, %dma_wait3A_1646, %dma_wait3A_1647] : memref<1024x64x768xf32, #tpu.memory_space<hbm>> -> memref<1x64x768xf32, #tpu.memory_space<hbm>>
    %dma_wait3A_1649 = tpu.memref_squeeze %dma_wait3A_1648 : memref<1x64x768xf32, #tpu.memory_space<hbm>> -> memref<64x768xf32, #tpu.memory_space<hbm>>
    %dma_wait3A_1650 = arith.constant 0 : i32
    %dma_wait3A_1651 = arith.constant 0 : i32
    %dma_wait3A_1652 = tpu.memref_slice %arg4[%dma_wait3A_1637, %dma_wait3A_1650, %dma_wait3A_1651] : memref<2x64x768xf32, #tpu.memory_space<vmem>> -> memref<1x64x768xf32, #tpu.memory_space<vmem>>
    %dma_wait3A_1653 = tpu.memref_squeeze %dma_wait3A_1652 : memref<1x64x768xf32, #tpu.memory_space<vmem>> -> memref<64x768xf32, #tpu.memory_space<vmem>>
    tpu.wait_dma2 semaphore(%arg7 : memref<!tpu.dma_semaphore, #tpu.memory_space<semaphore_mem>>) src(%dma_wait3A_1653 : memref<64x768xf32, #tpu.memory_space<vmem>>) dst(%dma_wait3A_1649 : memref<64x768xf32, #tpu.memory_space<hbm>>)
    %add3A_1654 = arith.constant 22 : i32
    %add3A_1655 = arith.addi %mul3A_2, %add3A_1654 : i32
    %dma_start3A_1656 = arith.constant 0 : i32
    %dma_start3A_1657 = arith.constant 0 : i32
    %dma_start3A_1658 = arith.constant 0 : i32
    %dma_start3A_1659 = tpu.memref_slice %arg4[%dma_start3A_1656, %dma_start3A_1657, %dma_start3A_1658] : memref<2x64x768xf32, #tpu.memory_space<vmem>> -> memref<1x64x768xf32, #tpu.memory_space<vmem>>
    %dma_start3A_1660 = tpu.memref_squeeze %dma_start3A_1659 : memref<1x64x768xf32, #tpu.memory_space<vmem>> -> memref<64x768xf32, #tpu.memory_space<vmem>>
    %dma_start3A_1661 = arith.constant 0 : i32
    %dma_start3A_1662 = arith.constant 0 : i32
    %dma_start3A_1663 = tpu.memref_slice %arg2[%add3A_1655, %dma_start3A_1661, %dma_start3A_1662] : memref<1024x64x768xf32, #tpu.memory_space<hbm>> -> memref<1x64x768xf32, #tpu.memory_space<hbm>>
    %dma_start3A_1664 = tpu.memref_squeeze %dma_start3A_1663 : memref<1x64x768xf32, #tpu.memory_space<hbm>> -> memref<64x768xf32, #tpu.memory_space<hbm>>
    %dma_start3A_1665 = arith.constant 0 : i32
    %dma_start3A_1666 = arith.constant 0 : i32
    %dma_start3A_1667 = tpu.memref_slice %arg4[%dma_start3A_1656, %dma_start3A_1665, %dma_start3A_1666] : memref<2x64x768xf32, #tpu.memory_space<vmem>> -> memref<1x64x768xf32, #tpu.memory_space<vmem>>
    %dma_start3A_1668 = tpu.memref_squeeze %dma_start3A_1667 : memref<1x64x768xf32, #tpu.memory_space<vmem>> -> memref<64x768xf32, #tpu.memory_space<vmem>>
    %dma_start3A_1669 = arith.constant 0 : i32
    %dma_start3A_1670 = arith.constant 0 : i32
    %dma_start3A_1671 = tpu.memref_slice %arg2[%add3A_1655, %dma_start3A_1669, %dma_start3A_1670] : memref<1024x64x768xf32, #tpu.memory_space<hbm>> -> memref<1x64x768xf32, #tpu.memory_space<hbm>>
    %dma_start3A_1672 = tpu.memref_squeeze %dma_start3A_1671 : memref<1x64x768xf32, #tpu.memory_space<hbm>> -> memref<64x768xf32, #tpu.memory_space<hbm>>
    tpu.enqueue_dma source(%dma_start3A_1672 : memref<64x768xf32, #tpu.memory_space<hbm>>) target(%dma_start3A_1668 : memref<64x768xf32, #tpu.memory_space<vmem>>) target_semaphore(%arg5 : memref<!tpu.dma_semaphore, #tpu.memory_space<semaphore_mem>>)
    %add3A_1673 = arith.constant 22 : i32
    %add3A_1674 = arith.addi %mul3A_2, %add3A_1673 : i32
    %dma_wait3A_1675 = arith.constant 0 : i32
    %dma_wait3A_1676 = arith.constant 0 : i32
    %dma_wait3A_1677 = arith.constant 0 : i32
    %dma_wait3A_1678 = tpu.memref_slice %arg4[%dma_wait3A_1675, %dma_wait3A_1676, %dma_wait3A_1677] : memref<2x64x768xf32, #tpu.memory_space<vmem>> -> memref<1x64x768xf32, #tpu.memory_space<vmem>>
    %dma_wait3A_1679 = tpu.memref_squeeze %dma_wait3A_1678 : memref<1x64x768xf32, #tpu.memory_space<vmem>> -> memref<64x768xf32, #tpu.memory_space<vmem>>
    %dma_wait3A_1680 = arith.constant 0 : i32
    %dma_wait3A_1681 = arith.constant 0 : i32
    %dma_wait3A_1682 = tpu.memref_slice %arg2[%add3A_1674, %dma_wait3A_1680, %dma_wait3A_1681] : memref<1024x64x768xf32, #tpu.memory_space<hbm>> -> memref<1x64x768xf32, #tpu.memory_space<hbm>>
    %dma_wait3A_1683 = tpu.memref_squeeze %dma_wait3A_1682 : memref<1x64x768xf32, #tpu.memory_space<hbm>> -> memref<64x768xf32, #tpu.memory_space<hbm>>
    %dma_wait3A_1684 = arith.constant 0 : i32
    %dma_wait3A_1685 = arith.constant 0 : i32
    %dma_wait3A_1686 = tpu.memref_slice %arg4[%dma_wait3A_1675, %dma_wait3A_1684, %dma_wait3A_1685] : memref<2x64x768xf32, #tpu.memory_space<vmem>> -> memref<1x64x768xf32, #tpu.memory_space<vmem>>
    %dma_wait3A_1687 = tpu.memref_squeeze %dma_wait3A_1686 : memref<1x64x768xf32, #tpu.memory_space<vmem>> -> memref<64x768xf32, #tpu.memory_space<vmem>>
    %dma_wait3A_1688 = arith.constant 0 : i32
    %dma_wait3A_1689 = arith.constant 0 : i32
    %dma_wait3A_1690 = tpu.memref_slice %arg2[%add3A_1674, %dma_wait3A_1688, %dma_wait3A_1689] : memref<1024x64x768xf32, #tpu.memory_space<hbm>> -> memref<1x64x768xf32, #tpu.memory_space<hbm>>
    %dma_wait3A_1691 = tpu.memref_squeeze %dma_wait3A_1690 : memref<1x64x768xf32, #tpu.memory_space<hbm>> -> memref<64x768xf32, #tpu.memory_space<hbm>>
    tpu.wait_dma2 semaphore(%arg5 : memref<!tpu.dma_semaphore, #tpu.memory_space<semaphore_mem>>) src(%dma_wait3A_1691 : memref<64x768xf32, #tpu.memory_space<hbm>>) dst(%dma_wait3A_1687 : memref<64x768xf32, #tpu.memory_space<vmem>>)
    %add3A_1692 = arith.constant 22 : i32
    %add3A_1693 = arith.addi %mul3A_2, %add3A_1692 : i32
    %dma_start3A_1694 = arith.constant 0 : i32
    %dma_start3A_1695 = arith.constant 0 : i32
    %dma_start3A_1696 = arith.constant 0 : i32
    %dma_start3A_1697 = tpu.memref_slice %arg4[%dma_start3A_1694, %dma_start3A_1695, %dma_start3A_1696] : memref<2x64x768xf32, #tpu.memory_space<vmem>> -> memref<1x64x768xf32, #tpu.memory_space<vmem>>
    %dma_start3A_1698 = tpu.memref_squeeze %dma_start3A_1697 : memref<1x64x768xf32, #tpu.memory_space<vmem>> -> memref<64x768xf32, #tpu.memory_space<vmem>>
    %dma_start3A_1699 = arith.constant 0 : i32
    %dma_start3A_1700 = arith.constant 0 : i32
    %dma_start3A_1701 = tpu.memref_slice %arg3[%add3A_1693, %dma_start3A_1699, %dma_start3A_1700] : memref<1024x64x768xf32, #tpu.memory_space<hbm>> -> memref<1x64x768xf32, #tpu.memory_space<hbm>>
    %dma_start3A_1702 = tpu.memref_squeeze %dma_start3A_1701 : memref<1x64x768xf32, #tpu.memory_space<hbm>> -> memref<64x768xf32, #tpu.memory_space<hbm>>
    %dma_start3A_1703 = arith.constant 0 : i32
    %dma_start3A_1704 = arith.constant 0 : i32
    %dma_start3A_1705 = tpu.memref_slice %arg3[%add3A_1693, %dma_start3A_1703, %dma_start3A_1704] : memref<1024x64x768xf32, #tpu.memory_space<hbm>> -> memref<1x64x768xf32, #tpu.memory_space<hbm>>
    %dma_start3A_1706 = tpu.memref_squeeze %dma_start3A_1705 : memref<1x64x768xf32, #tpu.memory_space<hbm>> -> memref<64x768xf32, #tpu.memory_space<hbm>>
    %dma_start3A_1707 = arith.constant 0 : i32
    %dma_start3A_1708 = arith.constant 0 : i32
    %dma_start3A_1709 = tpu.memref_slice %arg4[%dma_start3A_1694, %dma_start3A_1707, %dma_start3A_1708] : memref<2x64x768xf32, #tpu.memory_space<vmem>> -> memref<1x64x768xf32, #tpu.memory_space<vmem>>
    %dma_start3A_1710 = tpu.memref_squeeze %dma_start3A_1709 : memref<1x64x768xf32, #tpu.memory_space<vmem>> -> memref<64x768xf32, #tpu.memory_space<vmem>>
    tpu.enqueue_dma source(%dma_start3A_1710 : memref<64x768xf32, #tpu.memory_space<vmem>>) target(%dma_start3A_1706 : memref<64x768xf32, #tpu.memory_space<hbm>>) target_semaphore(%arg7 : memref<!tpu.dma_semaphore, #tpu.memory_space<semaphore_mem>>)
    %add3A_1711 = arith.constant 21 : i32
    %add3A_1712 = arith.addi %mul3A_2, %add3A_1711 : i32
    %dma_wait3A_1713 = arith.constant 1 : i32
    %dma_wait3A_1714 = arith.constant 0 : i32
    %dma_wait3A_1715 = arith.constant 0 : i32
    %dma_wait3A_1716 = tpu.memref_slice %arg4[%dma_wait3A_1713, %dma_wait3A_1714, %dma_wait3A_1715] : memref<2x64x768xf32, #tpu.memory_space<vmem>> -> memref<1x64x768xf32, #tpu.memory_space<vmem>>
    %dma_wait3A_1717 = tpu.memref_squeeze %dma_wait3A_1716 : memref<1x64x768xf32, #tpu.memory_space<vmem>> -> memref<64x768xf32, #tpu.memory_space<vmem>>
    %dma_wait3A_1718 = arith.constant 0 : i32
    %dma_wait3A_1719 = arith.constant 0 : i32
    %dma_wait3A_1720 = tpu.memref_slice %arg3[%add3A_1712, %dma_wait3A_1718, %dma_wait3A_1719] : memref<1024x64x768xf32, #tpu.memory_space<hbm>> -> memref<1x64x768xf32, #tpu.memory_space<hbm>>
    %dma_wait3A_1721 = tpu.memref_squeeze %dma_wait3A_1720 : memref<1x64x768xf32, #tpu.memory_space<hbm>> -> memref<64x768xf32, #tpu.memory_space<hbm>>
    %dma_wait3A_1722 = arith.constant 0 : i32
    %dma_wait3A_1723 = arith.constant 0 : i32
    %dma_wait3A_1724 = tpu.memref_slice %arg3[%add3A_1712, %dma_wait3A_1722, %dma_wait3A_1723] : memref<1024x64x768xf32, #tpu.memory_space<hbm>> -> memref<1x64x768xf32, #tpu.memory_space<hbm>>
    %dma_wait3A_1725 = tpu.memref_squeeze %dma_wait3A_1724 : memref<1x64x768xf32, #tpu.memory_space<hbm>> -> memref<64x768xf32, #tpu.memory_space<hbm>>
    %dma_wait3A_1726 = arith.constant 0 : i32
    %dma_wait3A_1727 = arith.constant 0 : i32
    %dma_wait3A_1728 = tpu.memref_slice %arg4[%dma_wait3A_1713, %dma_wait3A_1726, %dma_wait3A_1727] : memref<2x64x768xf32, #tpu.memory_space<vmem>> -> memref<1x64x768xf32, #tpu.memory_space<vmem>>
    %dma_wait3A_1729 = tpu.memref_squeeze %dma_wait3A_1728 : memref<1x64x768xf32, #tpu.memory_space<vmem>> -> memref<64x768xf32, #tpu.memory_space<vmem>>
    tpu.wait_dma2 semaphore(%arg8 : memref<!tpu.dma_semaphore, #tpu.memory_space<semaphore_mem>>) src(%dma_wait3A_1729 : memref<64x768xf32, #tpu.memory_space<vmem>>) dst(%dma_wait3A_1725 : memref<64x768xf32, #tpu.memory_space<hbm>>)
    %add3A_1730 = arith.constant 23 : i32
    %add3A_1731 = arith.addi %mul3A_2, %add3A_1730 : i32
    %dma_start3A_1732 = arith.constant 1 : i32
    %dma_start3A_1733 = arith.constant 0 : i32
    %dma_start3A_1734 = arith.constant 0 : i32
    %dma_start3A_1735 = tpu.memref_slice %arg4[%dma_start3A_1732, %dma_start3A_1733, %dma_start3A_1734] : memref<2x64x768xf32, #tpu.memory_space<vmem>> -> memref<1x64x768xf32, #tpu.memory_space<vmem>>
    %dma_start3A_1736 = tpu.memref_squeeze %dma_start3A_1735 : memref<1x64x768xf32, #tpu.memory_space<vmem>> -> memref<64x768xf32, #tpu.memory_space<vmem>>
    %dma_start3A_1737 = arith.constant 0 : i32
    %dma_start3A_1738 = arith.constant 0 : i32
    %dma_start3A_1739 = tpu.memref_slice %arg2[%add3A_1731, %dma_start3A_1737, %dma_start3A_1738] : memref<1024x64x768xf32, #tpu.memory_space<hbm>> -> memref<1x64x768xf32, #tpu.memory_space<hbm>>
    %dma_start3A_1740 = tpu.memref_squeeze %dma_start3A_1739 : memref<1x64x768xf32, #tpu.memory_space<hbm>> -> memref<64x768xf32, #tpu.memory_space<hbm>>
    %dma_start3A_1741 = arith.constant 0 : i32
    %dma_start3A_1742 = arith.constant 0 : i32
    %dma_start3A_1743 = tpu.memref_slice %arg4[%dma_start3A_1732, %dma_start3A_1741, %dma_start3A_1742] : memref<2x64x768xf32, #tpu.memory_space<vmem>> -> memref<1x64x768xf32, #tpu.memory_space<vmem>>
    %dma_start3A_1744 = tpu.memref_squeeze %dma_start3A_1743 : memref<1x64x768xf32, #tpu.memory_space<vmem>> -> memref<64x768xf32, #tpu.memory_space<vmem>>
    %dma_start3A_1745 = arith.constant 0 : i32
    %dma_start3A_1746 = arith.constant 0 : i32
    %dma_start3A_1747 = tpu.memref_slice %arg2[%add3A_1731, %dma_start3A_1745, %dma_start3A_1746] : memref<1024x64x768xf32, #tpu.memory_space<hbm>> -> memref<1x64x768xf32, #tpu.memory_space<hbm>>
    %dma_start3A_1748 = tpu.memref_squeeze %dma_start3A_1747 : memref<1x64x768xf32, #tpu.memory_space<hbm>> -> memref<64x768xf32, #tpu.memory_space<hbm>>
    tpu.enqueue_dma source(%dma_start3A_1748 : memref<64x768xf32, #tpu.memory_space<hbm>>) target(%dma_start3A_1744 : memref<64x768xf32, #tpu.memory_space<vmem>>) target_semaphore(%arg6 : memref<!tpu.dma_semaphore, #tpu.memory_space<semaphore_mem>>)
    %add3A_1749 = arith.constant 23 : i32
    %add3A_1750 = arith.addi %mul3A_2, %add3A_1749 : i32
    %dma_wait3A_1751 = arith.constant 1 : i32
    %dma_wait3A_1752 = arith.constant 0 : i32
    %dma_wait3A_1753 = arith.constant 0 : i32
    %dma_wait3A_1754 = tpu.memref_slice %arg4[%dma_wait3A_1751, %dma_wait3A_1752, %dma_wait3A_1753] : memref<2x64x768xf32, #tpu.memory_space<vmem>> -> memref<1x64x768xf32, #tpu.memory_space<vmem>>
    %dma_wait3A_1755 = tpu.memref_squeeze %dma_wait3A_1754 : memref<1x64x768xf32, #tpu.memory_space<vmem>> -> memref<64x768xf32, #tpu.memory_space<vmem>>
    %dma_wait3A_1756 = arith.constant 0 : i32
    %dma_wait3A_1757 = arith.constant 0 : i32
    %dma_wait3A_1758 = tpu.memref_slice %arg2[%add3A_1750, %dma_wait3A_1756, %dma_wait3A_1757] : memref<1024x64x768xf32, #tpu.memory_space<hbm>> -> memref<1x64x768xf32, #tpu.memory_space<hbm>>
    %dma_wait3A_1759 = tpu.memref_squeeze %dma_wait3A_1758 : memref<1x64x768xf32, #tpu.memory_space<hbm>> -> memref<64x768xf32, #tpu.memory_space<hbm>>
    %dma_wait3A_1760 = arith.constant 0 : i32
    %dma_wait3A_1761 = arith.constant 0 : i32
    %dma_wait3A_1762 = tpu.memref_slice %arg4[%dma_wait3A_1751, %dma_wait3A_1760, %dma_wait3A_1761] : memref<2x64x768xf32, #tpu.memory_space<vmem>> -> memref<1x64x768xf32, #tpu.memory_space<vmem>>
    %dma_wait3A_1763 = tpu.memref_squeeze %dma_wait3A_1762 : memref<1x64x768xf32, #tpu.memory_space<vmem>> -> memref<64x768xf32, #tpu.memory_space<vmem>>
    %dma_wait3A_1764 = arith.constant 0 : i32
    %dma_wait3A_1765 = arith.constant 0 : i32
    %dma_wait3A_1766 = tpu.memref_slice %arg2[%add3A_1750, %dma_wait3A_1764, %dma_wait3A_1765] : memref<1024x64x768xf32, #tpu.memory_space<hbm>> -> memref<1x64x768xf32, #tpu.memory_space<hbm>>
    %dma_wait3A_1767 = tpu.memref_squeeze %dma_wait3A_1766 : memref<1x64x768xf32, #tpu.memory_space<hbm>> -> memref<64x768xf32, #tpu.memory_space<hbm>>
    tpu.wait_dma2 semaphore(%arg6 : memref<!tpu.dma_semaphore, #tpu.memory_space<semaphore_mem>>) src(%dma_wait3A_1767 : memref<64x768xf32, #tpu.memory_space<hbm>>) dst(%dma_wait3A_1763 : memref<64x768xf32, #tpu.memory_space<vmem>>)
    %add3A_1768 = arith.constant 23 : i32
    %add3A_1769 = arith.addi %mul3A_2, %add3A_1768 : i32
    %dma_start3A_1770 = arith.constant 1 : i32
    %dma_start3A_1771 = arith.constant 0 : i32
    %dma_start3A_1772 = arith.constant 0 : i32
    %dma_start3A_1773 = tpu.memref_slice %arg4[%dma_start3A_1770, %dma_start3A_1771, %dma_start3A_1772] : memref<2x64x768xf32, #tpu.memory_space<vmem>> -> memref<1x64x768xf32, #tpu.memory_space<vmem>>
    %dma_start3A_1774 = tpu.memref_squeeze %dma_start3A_1773 : memref<1x64x768xf32, #tpu.memory_space<vmem>> -> memref<64x768xf32, #tpu.memory_space<vmem>>
    %dma_start3A_1775 = arith.constant 0 : i32
    %dma_start3A_1776 = arith.constant 0 : i32
    %dma_start3A_1777 = tpu.memref_slice %arg3[%add3A_1769, %dma_start3A_1775, %dma_start3A_1776] : memref<1024x64x768xf32, #tpu.memory_space<hbm>> -> memref<1x64x768xf32, #tpu.memory_space<hbm>>
    %dma_start3A_1778 = tpu.memref_squeeze %dma_start3A_1777 : memref<1x64x768xf32, #tpu.memory_space<hbm>> -> memref<64x768xf32, #tpu.memory_space<hbm>>
    %dma_start3A_1779 = arith.constant 0 : i32
    %dma_start3A_1780 = arith.constant 0 : i32
    %dma_start3A_1781 = tpu.memref_slice %arg3[%add3A_1769, %dma_start3A_1779, %dma_start3A_1780] : memref<1024x64x768xf32, #tpu.memory_space<hbm>> -> memref<1x64x768xf32, #tpu.memory_space<hbm>>
    %dma_start3A_1782 = tpu.memref_squeeze %dma_start3A_1781 : memref<1x64x768xf32, #tpu.memory_space<hbm>> -> memref<64x768xf32, #tpu.memory_space<hbm>>
    %dma_start3A_1783 = arith.constant 0 : i32
    %dma_start3A_1784 = arith.constant 0 : i32
    %dma_start3A_1785 = tpu.memref_slice %arg4[%dma_start3A_1770, %dma_start3A_1783, %dma_start3A_1784] : memref<2x64x768xf32, #tpu.memory_space<vmem>> -> memref<1x64x768xf32, #tpu.memory_space<vmem>>
    %dma_start3A_1786 = tpu.memref_squeeze %dma_start3A_1785 : memref<1x64x768xf32, #tpu.memory_space<vmem>> -> memref<64x768xf32, #tpu.memory_space<vmem>>
    tpu.enqueue_dma source(%dma_start3A_1786 : memref<64x768xf32, #tpu.memory_space<vmem>>) target(%dma_start3A_1782 : memref<64x768xf32, #tpu.memory_space<hbm>>) target_semaphore(%arg8 : memref<!tpu.dma_semaphore, #tpu.memory_space<semaphore_mem>>)
    %add3A_1787 = arith.constant 22 : i32
    %add3A_1788 = arith.addi %mul3A_2, %add3A_1787 : i32
    %dma_wait3A_1789 = arith.constant 0 : i32
    %dma_wait3A_1790 = arith.constant 0 : i32
    %dma_wait3A_1791 = arith.constant 0 : i32
    %dma_wait3A_1792 = tpu.memref_slice %arg4[%dma_wait3A_1789, %dma_wait3A_1790, %dma_wait3A_1791] : memref<2x64x768xf32, #tpu.memory_space<vmem>> -> memref<1x64x768xf32, #tpu.memory_space<vmem>>
    %dma_wait3A_1793 = tpu.memref_squeeze %dma_wait3A_1792 : memref<1x64x768xf32, #tpu.memory_space<vmem>> -> memref<64x768xf32, #tpu.memory_space<vmem>>
    %dma_wait3A_1794 = arith.constant 0 : i32
    %dma_wait3A_1795 = arith.constant 0 : i32
    %dma_wait3A_1796 = tpu.memref_slice %arg3[%add3A_1788, %dma_wait3A_1794, %dma_wait3A_1795] : memref<1024x64x768xf32, #tpu.memory_space<hbm>> -> memref<1x64x768xf32, #tpu.memory_space<hbm>>
    %dma_wait3A_1797 = tpu.memref_squeeze %dma_wait3A_1796 : memref<1x64x768xf32, #tpu.memory_space<hbm>> -> memref<64x768xf32, #tpu.memory_space<hbm>>
    %dma_wait3A_1798 = arith.constant 0 : i32
    %dma_wait3A_1799 = arith.constant 0 : i32
    %dma_wait3A_1800 = tpu.memref_slice %arg3[%add3A_1788, %dma_wait3A_1798, %dma_wait3A_1799] : memref<1024x64x768xf32, #tpu.memory_space<hbm>> -> memref<1x64x768xf32, #tpu.memory_space<hbm>>
    %dma_wait3A_1801 = tpu.memref_squeeze %dma_wait3A_1800 : memref<1x64x768xf32, #tpu.memory_space<hbm>> -> memref<64x768xf32, #tpu.memory_space<hbm>>
    %dma_wait3A_1802 = arith.constant 0 : i32
    %dma_wait3A_1803 = arith.constant 0 : i32
    %dma_wait3A_1804 = tpu.memref_slice %arg4[%dma_wait3A_1789, %dma_wait3A_1802, %dma_wait3A_1803] : memref<2x64x768xf32, #tpu.memory_space<vmem>> -> memref<1x64x768xf32, #tpu.memory_space<vmem>>
    %dma_wait3A_1805 = tpu.memref_squeeze %dma_wait3A_1804 : memref<1x64x768xf32, #tpu.memory_space<vmem>> -> memref<64x768xf32, #tpu.memory_space<vmem>>
    tpu.wait_dma2 semaphore(%arg7 : memref<!tpu.dma_semaphore, #tpu.memory_space<semaphore_mem>>) src(%dma_wait3A_1805 : memref<64x768xf32, #tpu.memory_space<vmem>>) dst(%dma_wait3A_1801 : memref<64x768xf32, #tpu.memory_space<hbm>>)
    %add3A_1806 = arith.constant 24 : i32
    %add3A_1807 = arith.addi %mul3A_2, %add3A_1806 : i32
    %dma_start3A_1808 = arith.constant 0 : i32
    %dma_start3A_1809 = arith.constant 0 : i32
    %dma_start3A_1810 = arith.constant 0 : i32
    %dma_start3A_1811 = tpu.memref_slice %arg4[%dma_start3A_1808, %dma_start3A_1809, %dma_start3A_1810] : memref<2x64x768xf32, #tpu.memory_space<vmem>> -> memref<1x64x768xf32, #tpu.memory_space<vmem>>
    %dma_start3A_1812 = tpu.memref_squeeze %dma_start3A_1811 : memref<1x64x768xf32, #tpu.memory_space<vmem>> -> memref<64x768xf32, #tpu.memory_space<vmem>>
    %dma_start3A_1813 = arith.constant 0 : i32
    %dma_start3A_1814 = arith.constant 0 : i32
    %dma_start3A_1815 = tpu.memref_slice %arg2[%add3A_1807, %dma_start3A_1813, %dma_start3A_1814] : memref<1024x64x768xf32, #tpu.memory_space<hbm>> -> memref<1x64x768xf32, #tpu.memory_space<hbm>>
    %dma_start3A_1816 = tpu.memref_squeeze %dma_start3A_1815 : memref<1x64x768xf32, #tpu.memory_space<hbm>> -> memref<64x768xf32, #tpu.memory_space<hbm>>
    %dma_start3A_1817 = arith.constant 0 : i32
    %dma_start3A_1818 = arith.constant 0 : i32
    %dma_start3A_1819 = tpu.memref_slice %arg4[%dma_start3A_1808, %dma_start3A_1817, %dma_start3A_1818] : memref<2x64x768xf32, #tpu.memory_space<vmem>> -> memref<1x64x768xf32, #tpu.memory_space<vmem>>
    %dma_start3A_1820 = tpu.memref_squeeze %dma_start3A_1819 : memref<1x64x768xf32, #tpu.memory_space<vmem>> -> memref<64x768xf32, #tpu.memory_space<vmem>>
    %dma_start3A_1821 = arith.constant 0 : i32
    %dma_start3A_1822 = arith.constant 0 : i32
    %dma_start3A_1823 = tpu.memref_slice %arg2[%add3A_1807, %dma_start3A_1821, %dma_start3A_1822] : memref<1024x64x768xf32, #tpu.memory_space<hbm>> -> memref<1x64x768xf32, #tpu.memory_space<hbm>>
    %dma_start3A_1824 = tpu.memref_squeeze %dma_start3A_1823 : memref<1x64x768xf32, #tpu.memory_space<hbm>> -> memref<64x768xf32, #tpu.memory_space<hbm>>
    tpu.enqueue_dma source(%dma_start3A_1824 : memref<64x768xf32, #tpu.memory_space<hbm>>) target(%dma_start3A_1820 : memref<64x768xf32, #tpu.memory_space<vmem>>) target_semaphore(%arg5 : memref<!tpu.dma_semaphore, #tpu.memory_space<semaphore_mem>>)
    %add3A_1825 = arith.constant 24 : i32
    %add3A_1826 = arith.addi %mul3A_2, %add3A_1825 : i32
    %dma_wait3A_1827 = arith.constant 0 : i32
    %dma_wait3A_1828 = arith.constant 0 : i32
    %dma_wait3A_1829 = arith.constant 0 : i32
    %dma_wait3A_1830 = tpu.memref_slice %arg4[%dma_wait3A_1827, %dma_wait3A_1828, %dma_wait3A_1829] : memref<2x64x768xf32, #tpu.memory_space<vmem>> -> memref<1x64x768xf32, #tpu.memory_space<vmem>>
    %dma_wait3A_1831 = tpu.memref_squeeze %dma_wait3A_1830 : memref<1x64x768xf32, #tpu.memory_space<vmem>> -> memref<64x768xf32, #tpu.memory_space<vmem>>
    %dma_wait3A_1832 = arith.constant 0 : i32
    %dma_wait3A_1833 = arith.constant 0 : i32
    %dma_wait3A_1834 = tpu.memref_slice %arg2[%add3A_1826, %dma_wait3A_1832, %dma_wait3A_1833] : memref<1024x64x768xf32, #tpu.memory_space<hbm>> -> memref<1x64x768xf32, #tpu.memory_space<hbm>>
    %dma_wait3A_1835 = tpu.memref_squeeze %dma_wait3A_1834 : memref<1x64x768xf32, #tpu.memory_space<hbm>> -> memref<64x768xf32, #tpu.memory_space<hbm>>
    %dma_wait3A_1836 = arith.constant 0 : i32
    %dma_wait3A_1837 = arith.constant 0 : i32
    %dma_wait3A_1838 = tpu.memref_slice %arg4[%dma_wait3A_1827, %dma_wait3A_1836, %dma_wait3A_1837] : memref<2x64x768xf32, #tpu.memory_space<vmem>> -> memref<1x64x768xf32, #tpu.memory_space<vmem>>
    %dma_wait3A_1839 = tpu.memref_squeeze %dma_wait3A_1838 : memref<1x64x768xf32, #tpu.memory_space<vmem>> -> memref<64x768xf32, #tpu.memory_space<vmem>>
    %dma_wait3A_1840 = arith.constant 0 : i32
    %dma_wait3A_1841 = arith.constant 0 : i32
    %dma_wait3A_1842 = tpu.memref_slice %arg2[%add3A_1826, %dma_wait3A_1840, %dma_wait3A_1841] : memref<1024x64x768xf32, #tpu.memory_space<hbm>> -> memref<1x64x768xf32, #tpu.memory_space<hbm>>
    %dma_wait3A_1843 = tpu.memref_squeeze %dma_wait3A_1842 : memref<1x64x768xf32, #tpu.memory_space<hbm>> -> memref<64x768xf32, #tpu.memory_space<hbm>>
    tpu.wait_dma2 semaphore(%arg5 : memref<!tpu.dma_semaphore, #tpu.memory_space<semaphore_mem>>) src(%dma_wait3A_1843 : memref<64x768xf32, #tpu.memory_space<hbm>>) dst(%dma_wait3A_1839 : memref<64x768xf32, #tpu.memory_space<vmem>>)
    %add3A_1844 = arith.constant 24 : i32
    %add3A_1845 = arith.addi %mul3A_2, %add3A_1844 : i32
    %dma_start3A_1846 = arith.constant 0 : i32
    %dma_start3A_1847 = arith.constant 0 : i32
    %dma_start3A_1848 = arith.constant 0 : i32
    %dma_start3A_1849 = tpu.memref_slice %arg4[%dma_start3A_1846, %dma_start3A_1847, %dma_start3A_1848] : memref<2x64x768xf32, #tpu.memory_space<vmem>> -> memref<1x64x768xf32, #tpu.memory_space<vmem>>
    %dma_start3A_1850 = tpu.memref_squeeze %dma_start3A_1849 : memref<1x64x768xf32, #tpu.memory_space<vmem>> -> memref<64x768xf32, #tpu.memory_space<vmem>>
    %dma_start3A_1851 = arith.constant 0 : i32
    %dma_start3A_1852 = arith.constant 0 : i32
    %dma_start3A_1853 = tpu.memref_slice %arg3[%add3A_1845, %dma_start3A_1851, %dma_start3A_1852] : memref<1024x64x768xf32, #tpu.memory_space<hbm>> -> memref<1x64x768xf32, #tpu.memory_space<hbm>>
    %dma_start3A_1854 = tpu.memref_squeeze %dma_start3A_1853 : memref<1x64x768xf32, #tpu.memory_space<hbm>> -> memref<64x768xf32, #tpu.memory_space<hbm>>
    %dma_start3A_1855 = arith.constant 0 : i32
    %dma_start3A_1856 = arith.constant 0 : i32
    %dma_start3A_1857 = tpu.memref_slice %arg3[%add3A_1845, %dma_start3A_1855, %dma_start3A_1856] : memref<1024x64x768xf32, #tpu.memory_space<hbm>> -> memref<1x64x768xf32, #tpu.memory_space<hbm>>
    %dma_start3A_1858 = tpu.memref_squeeze %dma_start3A_1857 : memref<1x64x768xf32, #tpu.memory_space<hbm>> -> memref<64x768xf32, #tpu.memory_space<hbm>>
    %dma_start3A_1859 = arith.constant 0 : i32
    %dma_start3A_1860 = arith.constant 0 : i32
    %dma_start3A_1861 = tpu.memref_slice %arg4[%dma_start3A_1846, %dma_start3A_1859, %dma_start3A_1860] : memref<2x64x768xf32, #tpu.memory_space<vmem>> -> memref<1x64x768xf32, #tpu.memory_space<vmem>>
    %dma_start3A_1862 = tpu.memref_squeeze %dma_start3A_1861 : memref<1x64x768xf32, #tpu.memory_space<vmem>> -> memref<64x768xf32, #tpu.memory_space<vmem>>
    tpu.enqueue_dma source(%dma_start3A_1862 : memref<64x768xf32, #tpu.memory_space<vmem>>) target(%dma_start3A_1858 : memref<64x768xf32, #tpu.memory_space<hbm>>) target_semaphore(%arg7 : memref<!tpu.dma_semaphore, #tpu.memory_space<semaphore_mem>>)
    %add3A_1863 = arith.constant 23 : i32
    %add3A_1864 = arith.addi %mul3A_2, %add3A_1863 : i32
    %dma_wait3A_1865 = arith.constant 1 : i32
    %dma_wait3A_1866 = arith.constant 0 : i32
    %dma_wait3A_1867 = arith.constant 0 : i32
    %dma_wait3A_1868 = tpu.memref_slice %arg4[%dma_wait3A_1865, %dma_wait3A_1866, %dma_wait3A_1867] : memref<2x64x768xf32, #tpu.memory_space<vmem>> -> memref<1x64x768xf32, #tpu.memory_space<vmem>>
    %dma_wait3A_1869 = tpu.memref_squeeze %dma_wait3A_1868 : memref<1x64x768xf32, #tpu.memory_space<vmem>> -> memref<64x768xf32, #tpu.memory_space<vmem>>
    %dma_wait3A_1870 = arith.constant 0 : i32
    %dma_wait3A_1871 = arith.constant 0 : i32
    %dma_wait3A_1872 = tpu.memref_slice %arg3[%add3A_1864, %dma_wait3A_1870, %dma_wait3A_1871] : memref<1024x64x768xf32, #tpu.memory_space<hbm>> -> memref<1x64x768xf32, #tpu.memory_space<hbm>>
    %dma_wait3A_1873 = tpu.memref_squeeze %dma_wait3A_1872 : memref<1x64x768xf32, #tpu.memory_space<hbm>> -> memref<64x768xf32, #tpu.memory_space<hbm>>
    %dma_wait3A_1874 = arith.constant 0 : i32
    %dma_wait3A_1875 = arith.constant 0 : i32
    %dma_wait3A_1876 = tpu.memref_slice %arg3[%add3A_1864, %dma_wait3A_1874, %dma_wait3A_1875] : memref<1024x64x768xf32, #tpu.memory_space<hbm>> -> memref<1x64x768xf32, #tpu.memory_space<hbm>>
    %dma_wait3A_1877 = tpu.memref_squeeze %dma_wait3A_1876 : memref<1x64x768xf32, #tpu.memory_space<hbm>> -> memref<64x768xf32, #tpu.memory_space<hbm>>
    %dma_wait3A_1878 = arith.constant 0 : i32
    %dma_wait3A_1879 = arith.constant 0 : i32
    %dma_wait3A_1880 = tpu.memref_slice %arg4[%dma_wait3A_1865, %dma_wait3A_1878, %dma_wait3A_1879] : memref<2x64x768xf32, #tpu.memory_space<vmem>> -> memref<1x64x768xf32, #tpu.memory_space<vmem>>
    %dma_wait3A_1881 = tpu.memref_squeeze %dma_wait3A_1880 : memref<1x64x768xf32, #tpu.memory_space<vmem>> -> memref<64x768xf32, #tpu.memory_space<vmem>>
    tpu.wait_dma2 semaphore(%arg8 : memref<!tpu.dma_semaphore, #tpu.memory_space<semaphore_mem>>) src(%dma_wait3A_1881 : memref<64x768xf32, #tpu.memory_space<vmem>>) dst(%dma_wait3A_1877 : memref<64x768xf32, #tpu.memory_space<hbm>>)
    %add3A_1882 = arith.constant 25 : i32
    %add3A_1883 = arith.addi %mul3A_2, %add3A_1882 : i32
    %dma_start3A_1884 = arith.constant 1 : i32
    %dma_start3A_1885 = arith.constant 0 : i32
    %dma_start3A_1886 = arith.constant 0 : i32
    %dma_start3A_1887 = tpu.memref_slice %arg4[%dma_start3A_1884, %dma_start3A_1885, %dma_start3A_1886] : memref<2x64x768xf32, #tpu.memory_space<vmem>> -> memref<1x64x768xf32, #tpu.memory_space<vmem>>
    %dma_start3A_1888 = tpu.memref_squeeze %dma_start3A_1887 : memref<1x64x768xf32, #tpu.memory_space<vmem>> -> memref<64x768xf32, #tpu.memory_space<vmem>>
    %dma_start3A_1889 = arith.constant 0 : i32
    %dma_start3A_1890 = arith.constant 0 : i32
    %dma_start3A_1891 = tpu.memref_slice %arg2[%add3A_1883, %dma_start3A_1889, %dma_start3A_1890] : memref<1024x64x768xf32, #tpu.memory_space<hbm>> -> memref<1x64x768xf32, #tpu.memory_space<hbm>>
    %dma_start3A_1892 = tpu.memref_squeeze %dma_start3A_1891 : memref<1x64x768xf32, #tpu.memory_space<hbm>> -> memref<64x768xf32, #tpu.memory_space<hbm>>
    %dma_start3A_1893 = arith.constant 0 : i32
    %dma_start3A_1894 = arith.constant 0 : i32
    %dma_start3A_1895 = tpu.memref_slice %arg4[%dma_start3A_1884, %dma_start3A_1893, %dma_start3A_1894] : memref<2x64x768xf32, #tpu.memory_space<vmem>> -> memref<1x64x768xf32, #tpu.memory_space<vmem>>
    %dma_start3A_1896 = tpu.memref_squeeze %dma_start3A_1895 : memref<1x64x768xf32, #tpu.memory_space<vmem>> -> memref<64x768xf32, #tpu.memory_space<vmem>>
    %dma_start3A_1897 = arith.constant 0 : i32
    %dma_start3A_1898 = arith.constant 0 : i32
    %dma_start3A_1899 = tpu.memref_slice %arg2[%add3A_1883, %dma_start3A_1897, %dma_start3A_1898] : memref<1024x64x768xf32, #tpu.memory_space<hbm>> -> memref<1x64x768xf32, #tpu.memory_space<hbm>>
    %dma_start3A_1900 = tpu.memref_squeeze %dma_start3A_1899 : memref<1x64x768xf32, #tpu.memory_space<hbm>> -> memref<64x768xf32, #tpu.memory_space<hbm>>
    tpu.enqueue_dma source(%dma_start3A_1900 : memref<64x768xf32, #tpu.memory_space<hbm>>) target(%dma_start3A_1896 : memref<64x768xf32, #tpu.memory_space<vmem>>) target_semaphore(%arg6 : memref<!tpu.dma_semaphore, #tpu.memory_space<semaphore_mem>>)
    %add3A_1901 = arith.constant 25 : i32
    %add3A_1902 = arith.addi %mul3A_2, %add3A_1901 : i32
    %dma_wait3A_1903 = arith.constant 1 : i32
    %dma_wait3A_1904 = arith.constant 0 : i32
    %dma_wait3A_1905 = arith.constant 0 : i32
    %dma_wait3A_1906 = tpu.memref_slice %arg4[%dma_wait3A_1903, %dma_wait3A_1904, %dma_wait3A_1905] : memref<2x64x768xf32, #tpu.memory_space<vmem>> -> memref<1x64x768xf32, #tpu.memory_space<vmem>>
    %dma_wait3A_1907 = tpu.memref_squeeze %dma_wait3A_1906 : memref<1x64x768xf32, #tpu.memory_space<vmem>> -> memref<64x768xf32, #tpu.memory_space<vmem>>
    %dma_wait3A_1908 = arith.constant 0 : i32
    %dma_wait3A_1909 = arith.constant 0 : i32
    %dma_wait3A_1910 = tpu.memref_slice %arg2[%add3A_1902, %dma_wait3A_1908, %dma_wait3A_1909] : memref<1024x64x768xf32, #tpu.memory_space<hbm>> -> memref<1x64x768xf32, #tpu.memory_space<hbm>>
    %dma_wait3A_1911 = tpu.memref_squeeze %dma_wait3A_1910 : memref<1x64x768xf32, #tpu.memory_space<hbm>> -> memref<64x768xf32, #tpu.memory_space<hbm>>
    %dma_wait3A_1912 = arith.constant 0 : i32
    %dma_wait3A_1913 = arith.constant 0 : i32
    %dma_wait3A_1914 = tpu.memref_slice %arg4[%dma_wait3A_1903, %dma_wait3A_1912, %dma_wait3A_1913] : memref<2x64x768xf32, #tpu.memory_space<vmem>> -> memref<1x64x768xf32, #tpu.memory_space<vmem>>
    %dma_wait3A_1915 = tpu.memref_squeeze %dma_wait3A_1914 : memref<1x64x768xf32, #tpu.memory_space<vmem>> -> memref<64x768xf32, #tpu.memory_space<vmem>>
    %dma_wait3A_1916 = arith.constant 0 : i32
    %dma_wait3A_1917 = arith.constant 0 : i32
    %dma_wait3A_1918 = tpu.memref_slice %arg2[%add3A_1902, %dma_wait3A_1916, %dma_wait3A_1917] : memref<1024x64x768xf32, #tpu.memory_space<hbm>> -> memref<1x64x768xf32, #tpu.memory_space<hbm>>
    %dma_wait3A_1919 = tpu.memref_squeeze %dma_wait3A_1918 : memref<1x64x768xf32, #tpu.memory_space<hbm>> -> memref<64x768xf32, #tpu.memory_space<hbm>>
    tpu.wait_dma2 semaphore(%arg6 : memref<!tpu.dma_semaphore, #tpu.memory_space<semaphore_mem>>) src(%dma_wait3A_1919 : memref<64x768xf32, #tpu.memory_space<hbm>>) dst(%dma_wait3A_1915 : memref<64x768xf32, #tpu.memory_space<vmem>>)
    %add3A_1920 = arith.constant 25 : i32
    %add3A_1921 = arith.addi %mul3A_2, %add3A_1920 : i32
    %dma_start3A_1922 = arith.constant 1 : i32
    %dma_start3A_1923 = arith.constant 0 : i32
    %dma_start3A_1924 = arith.constant 0 : i32
    %dma_start3A_1925 = tpu.memref_slice %arg4[%dma_start3A_1922, %dma_start3A_1923, %dma_start3A_1924] : memref<2x64x768xf32, #tpu.memory_space<vmem>> -> memref<1x64x768xf32, #tpu.memory_space<vmem>>
    %dma_start3A_1926 = tpu.memref_squeeze %dma_start3A_1925 : memref<1x64x768xf32, #tpu.memory_space<vmem>> -> memref<64x768xf32, #tpu.memory_space<vmem>>
    %dma_start3A_1927 = arith.constant 0 : i32
    %dma_start3A_1928 = arith.constant 0 : i32
    %dma_start3A_1929 = tpu.memref_slice %arg3[%add3A_1921, %dma_start3A_1927, %dma_start3A_1928] : memref<1024x64x768xf32, #tpu.memory_space<hbm>> -> memref<1x64x768xf32, #tpu.memory_space<hbm>>
    %dma_start3A_1930 = tpu.memref_squeeze %dma_start3A_1929 : memref<1x64x768xf32, #tpu.memory_space<hbm>> -> memref<64x768xf32, #tpu.memory_space<hbm>>
    %dma_start3A_1931 = arith.constant 0 : i32
    %dma_start3A_1932 = arith.constant 0 : i32
    %dma_start3A_1933 = tpu.memref_slice %arg3[%add3A_1921, %dma_start3A_1931, %dma_start3A_1932] : memref<1024x64x768xf32, #tpu.memory_space<hbm>> -> memref<1x64x768xf32, #tpu.memory_space<hbm>>
    %dma_start3A_1934 = tpu.memref_squeeze %dma_start3A_1933 : memref<1x64x768xf32, #tpu.memory_space<hbm>> -> memref<64x768xf32, #tpu.memory_space<hbm>>
    %dma_start3A_1935 = arith.constant 0 : i32
    %dma_start3A_1936 = arith.constant 0 : i32
    %dma_start3A_1937 = tpu.memref_slice %arg4[%dma_start3A_1922, %dma_start3A_1935, %dma_start3A_1936] : memref<2x64x768xf32, #tpu.memory_space<vmem>> -> memref<1x64x768xf32, #tpu.memory_space<vmem>>
    %dma_start3A_1938 = tpu.memref_squeeze %dma_start3A_1937 : memref<1x64x768xf32, #tpu.memory_space<vmem>> -> memref<64x768xf32, #tpu.memory_space<vmem>>
    tpu.enqueue_dma source(%dma_start3A_1938 : memref<64x768xf32, #tpu.memory_space<vmem>>) target(%dma_start3A_1934 : memref<64x768xf32, #tpu.memory_space<hbm>>) target_semaphore(%arg8 : memref<!tpu.dma_semaphore, #tpu.memory_space<semaphore_mem>>)
    %add3A_1939 = arith.constant 24 : i32
    %add3A_1940 = arith.addi %mul3A_2, %add3A_1939 : i32
    %dma_wait3A_1941 = arith.constant 0 : i32
    %dma_wait3A_1942 = arith.constant 0 : i32
    %dma_wait3A_1943 = arith.constant 0 : i32
    %dma_wait3A_1944 = tpu.memref_slice %arg4[%dma_wait3A_1941, %dma_wait3A_1942, %dma_wait3A_1943] : memref<2x64x768xf32, #tpu.memory_space<vmem>> -> memref<1x64x768xf32, #tpu.memory_space<vmem>>
    %dma_wait3A_1945 = tpu.memref_squeeze %dma_wait3A_1944 : memref<1x64x768xf32, #tpu.memory_space<vmem>> -> memref<64x768xf32, #tpu.memory_space<vmem>>
    %dma_wait3A_1946 = arith.constant 0 : i32
    %dma_wait3A_1947 = arith.constant 0 : i32
    %dma_wait3A_1948 = tpu.memref_slice %arg3[%add3A_1940, %dma_wait3A_1946, %dma_wait3A_1947] : memref<1024x64x768xf32, #tpu.memory_space<hbm>> -> memref<1x64x768xf32, #tpu.memory_space<hbm>>
    %dma_wait3A_1949 = tpu.memref_squeeze %dma_wait3A_1948 : memref<1x64x768xf32, #tpu.memory_space<hbm>> -> memref<64x768xf32, #tpu.memory_space<hbm>>
    %dma_wait3A_1950 = arith.constant 0 : i32
    %dma_wait3A_1951 = arith.constant 0 : i32
    %dma_wait3A_1952 = tpu.memref_slice %arg3[%add3A_1940, %dma_wait3A_1950, %dma_wait3A_1951] : memref<1024x64x768xf32, #tpu.memory_space<hbm>> -> memref<1x64x768xf32, #tpu.memory_space<hbm>>
    %dma_wait3A_1953 = tpu.memref_squeeze %dma_wait3A_1952 : memref<1x64x768xf32, #tpu.memory_space<hbm>> -> memref<64x768xf32, #tpu.memory_space<hbm>>
    %dma_wait3A_1954 = arith.constant 0 : i32
    %dma_wait3A_1955 = arith.constant 0 : i32
    %dma_wait3A_1956 = tpu.memref_slice %arg4[%dma_wait3A_1941, %dma_wait3A_1954, %dma_wait3A_1955] : memref<2x64x768xf32, #tpu.memory_space<vmem>> -> memref<1x64x768xf32, #tpu.memory_space<vmem>>
    %dma_wait3A_1957 = tpu.memref_squeeze %dma_wait3A_1956 : memref<1x64x768xf32, #tpu.memory_space<vmem>> -> memref<64x768xf32, #tpu.memory_space<vmem>>
    tpu.wait_dma2 semaphore(%arg7 : memref<!tpu.dma_semaphore, #tpu.memory_space<semaphore_mem>>) src(%dma_wait3A_1957 : memref<64x768xf32, #tpu.memory_space<vmem>>) dst(%dma_wait3A_1953 : memref<64x768xf32, #tpu.memory_space<hbm>>)
    %add3A_1958 = arith.constant 26 : i32
    %add3A_1959 = arith.addi %mul3A_2, %add3A_1958 : i32
    %dma_start3A_1960 = arith.constant 0 : i32
    %dma_start3A_1961 = arith.constant 0 : i32
    %dma_start3A_1962 = arith.constant 0 : i32
    %dma_start3A_1963 = tpu.memref_slice %arg4[%dma_start3A_1960, %dma_start3A_1961, %dma_start3A_1962] : memref<2x64x768xf32, #tpu.memory_space<vmem>> -> memref<1x64x768xf32, #tpu.memory_space<vmem>>
    %dma_start3A_1964 = tpu.memref_squeeze %dma_start3A_1963 : memref<1x64x768xf32, #tpu.memory_space<vmem>> -> memref<64x768xf32, #tpu.memory_space<vmem>>
    %dma_start3A_1965 = arith.constant 0 : i32
    %dma_start3A_1966 = arith.constant 0 : i32
    %dma_start3A_1967 = tpu.memref_slice %arg2[%add3A_1959, %dma_start3A_1965, %dma_start3A_1966] : memref<1024x64x768xf32, #tpu.memory_space<hbm>> -> memref<1x64x768xf32, #tpu.memory_space<hbm>>
    %dma_start3A_1968 = tpu.memref_squeeze %dma_start3A_1967 : memref<1x64x768xf32, #tpu.memory_space<hbm>> -> memref<64x768xf32, #tpu.memory_space<hbm>>
    %dma_start3A_1969 = arith.constant 0 : i32
    %dma_start3A_1970 = arith.constant 0 : i32
    %dma_start3A_1971 = tpu.memref_slice %arg4[%dma_start3A_1960, %dma_start3A_1969, %dma_start3A_1970] : memref<2x64x768xf32, #tpu.memory_space<vmem>> -> memref<1x64x768xf32, #tpu.memory_space<vmem>>
    %dma_start3A_1972 = tpu.memref_squeeze %dma_start3A_1971 : memref<1x64x768xf32, #tpu.memory_space<vmem>> -> memref<64x768xf32, #tpu.memory_space<vmem>>
    %dma_start3A_1973 = arith.constant 0 : i32
    %dma_start3A_1974 = arith.constant 0 : i32
    %dma_start3A_1975 = tpu.memref_slice %arg2[%add3A_1959, %dma_start3A_1973, %dma_start3A_1974] : memref<1024x64x768xf32, #tpu.memory_space<hbm>> -> memref<1x64x768xf32, #tpu.memory_space<hbm>>
    %dma_start3A_1976 = tpu.memref_squeeze %dma_start3A_1975 : memref<1x64x768xf32, #tpu.memory_space<hbm>> -> memref<64x768xf32, #tpu.memory_space<hbm>>
    tpu.enqueue_dma source(%dma_start3A_1976 : memref<64x768xf32, #tpu.memory_space<hbm>>) target(%dma_start3A_1972 : memref<64x768xf32, #tpu.memory_space<vmem>>) target_semaphore(%arg5 : memref<!tpu.dma_semaphore, #tpu.memory_space<semaphore_mem>>)
    %add3A_1977 = arith.constant 26 : i32
    %add3A_1978 = arith.addi %mul3A_2, %add3A_1977 : i32
    %dma_wait3A_1979 = arith.constant 0 : i32
    %dma_wait3A_1980 = arith.constant 0 : i32
    %dma_wait3A_1981 = arith.constant 0 : i32
    %dma_wait3A_1982 = tpu.memref_slice %arg4[%dma_wait3A_1979, %dma_wait3A_1980, %dma_wait3A_1981] : memref<2x64x768xf32, #tpu.memory_space<vmem>> -> memref<1x64x768xf32, #tpu.memory_space<vmem>>
    %dma_wait3A_1983 = tpu.memref_squeeze %dma_wait3A_1982 : memref<1x64x768xf32, #tpu.memory_space<vmem>> -> memref<64x768xf32, #tpu.memory_space<vmem>>
    %dma_wait3A_1984 = arith.constant 0 : i32
    %dma_wait3A_1985 = arith.constant 0 : i32
    %dma_wait3A_1986 = tpu.memref_slice %arg2[%add3A_1978, %dma_wait3A_1984, %dma_wait3A_1985] : memref<1024x64x768xf32, #tpu.memory_space<hbm>> -> memref<1x64x768xf32, #tpu.memory_space<hbm>>
    %dma_wait3A_1987 = tpu.memref_squeeze %dma_wait3A_1986 : memref<1x64x768xf32, #tpu.memory_space<hbm>> -> memref<64x768xf32, #tpu.memory_space<hbm>>
    %dma_wait3A_1988 = arith.constant 0 : i32
    %dma_wait3A_1989 = arith.constant 0 : i32
    %dma_wait3A_1990 = tpu.memref_slice %arg4[%dma_wait3A_1979, %dma_wait3A_1988, %dma_wait3A_1989] : memref<2x64x768xf32, #tpu.memory_space<vmem>> -> memref<1x64x768xf32, #tpu.memory_space<vmem>>
    %dma_wait3A_1991 = tpu.memref_squeeze %dma_wait3A_1990 : memref<1x64x768xf32, #tpu.memory_space<vmem>> -> memref<64x768xf32, #tpu.memory_space<vmem>>
    %dma_wait3A_1992 = arith.constant 0 : i32
    %dma_wait3A_1993 = arith.constant 0 : i32
    %dma_wait3A_1994 = tpu.memref_slice %arg2[%add3A_1978, %dma_wait3A_1992, %dma_wait3A_1993] : memref<1024x64x768xf32, #tpu.memory_space<hbm>> -> memref<1x64x768xf32, #tpu.memory_space<hbm>>
    %dma_wait3A_1995 = tpu.memref_squeeze %dma_wait3A_1994 : memref<1x64x768xf32, #tpu.memory_space<hbm>> -> memref<64x768xf32, #tpu.memory_space<hbm>>
    tpu.wait_dma2 semaphore(%arg5 : memref<!tpu.dma_semaphore, #tpu.memory_space<semaphore_mem>>) src(%dma_wait3A_1995 : memref<64x768xf32, #tpu.memory_space<hbm>>) dst(%dma_wait3A_1991 : memref<64x768xf32, #tpu.memory_space<vmem>>)
    %add3A_1996 = arith.constant 26 : i32
    %add3A_1997 = arith.addi %mul3A_2, %add3A_1996 : i32
    %dma_start3A_1998 = arith.constant 0 : i32
    %dma_start3A_1999 = arith.constant 0 : i32
    %dma_start3A_2000 = arith.constant 0 : i32
    %dma_start3A_2001 = tpu.memref_slice %arg4[%dma_start3A_1998, %dma_start3A_1999, %dma_start3A_2000] : memref<2x64x768xf32, #tpu.memory_space<vmem>> -> memref<1x64x768xf32, #tpu.memory_space<vmem>>
    %dma_start3A_2002 = tpu.memref_squeeze %dma_start3A_2001 : memref<1x64x768xf32, #tpu.memory_space<vmem>> -> memref<64x768xf32, #tpu.memory_space<vmem>>
    %dma_start3A_2003 = arith.constant 0 : i32
    %dma_start3A_2004 = arith.constant 0 : i32
    %dma_start3A_2005 = tpu.memref_slice %arg3[%add3A_1997, %dma_start3A_2003, %dma_start3A_2004] : memref<1024x64x768xf32, #tpu.memory_space<hbm>> -> memref<1x64x768xf32, #tpu.memory_space<hbm>>
    %dma_start3A_2006 = tpu.memref_squeeze %dma_start3A_2005 : memref<1x64x768xf32, #tpu.memory_space<hbm>> -> memref<64x768xf32, #tpu.memory_space<hbm>>
    %dma_start3A_2007 = arith.constant 0 : i32
    %dma_start3A_2008 = arith.constant 0 : i32
    %dma_start3A_2009 = tpu.memref_slice %arg3[%add3A_1997, %dma_start3A_2007, %dma_start3A_2008] : memref<1024x64x768xf32, #tpu.memory_space<hbm>> -> memref<1x64x768xf32, #tpu.memory_space<hbm>>
    %dma_start3A_2010 = tpu.memref_squeeze %dma_start3A_2009 : memref<1x64x768xf32, #tpu.memory_space<hbm>> -> memref<64x768xf32, #tpu.memory_space<hbm>>
    %dma_start3A_2011 = arith.constant 0 : i32
    %dma_start3A_2012 = arith.constant 0 : i32
    %dma_start3A_2013 = tpu.memref_slice %arg4[%dma_start3A_1998, %dma_start3A_2011, %dma_start3A_2012] : memref<2x64x768xf32, #tpu.memory_space<vmem>> -> memref<1x64x768xf32, #tpu.memory_space<vmem>>
    %dma_start3A_2014 = tpu.memref_squeeze %dma_start3A_2013 : memref<1x64x768xf32, #tpu.memory_space<vmem>> -> memref<64x768xf32, #tpu.memory_space<vmem>>
    tpu.enqueue_dma source(%dma_start3A_2014 : memref<64x768xf32, #tpu.memory_space<vmem>>) target(%dma_start3A_2010 : memref<64x768xf32, #tpu.memory_space<hbm>>) target_semaphore(%arg7 : memref<!tpu.dma_semaphore, #tpu.memory_space<semaphore_mem>>)
    %add3A_2015 = arith.constant 25 : i32
    %add3A_2016 = arith.addi %mul3A_2, %add3A_2015 : i32
    %dma_wait3A_2017 = arith.constant 1 : i32
    %dma_wait3A_2018 = arith.constant 0 : i32
    %dma_wait3A_2019 = arith.constant 0 : i32
    %dma_wait3A_2020 = tpu.memref_slice %arg4[%dma_wait3A_2017, %dma_wait3A_2018, %dma_wait3A_2019] : memref<2x64x768xf32, #tpu.memory_space<vmem>> -> memref<1x64x768xf32, #tpu.memory_space<vmem>>
    %dma_wait3A_2021 = tpu.memref_squeeze %dma_wait3A_2020 : memref<1x64x768xf32, #tpu.memory_space<vmem>> -> memref<64x768xf32, #tpu.memory_space<vmem>>
    %dma_wait3A_2022 = arith.constant 0 : i32
    %dma_wait3A_2023 = arith.constant 0 : i32
    %dma_wait3A_2024 = tpu.memref_slice %arg3[%add3A_2016, %dma_wait3A_2022, %dma_wait3A_2023] : memref<1024x64x768xf32, #tpu.memory_space<hbm>> -> memref<1x64x768xf32, #tpu.memory_space<hbm>>
    %dma_wait3A_2025 = tpu.memref_squeeze %dma_wait3A_2024 : memref<1x64x768xf32, #tpu.memory_space<hbm>> -> memref<64x768xf32, #tpu.memory_space<hbm>>
    %dma_wait3A_2026 = arith.constant 0 : i32
    %dma_wait3A_2027 = arith.constant 0 : i32
    %dma_wait3A_2028 = tpu.memref_slice %arg3[%add3A_2016, %dma_wait3A_2026, %dma_wait3A_2027] : memref<1024x64x768xf32, #tpu.memory_space<hbm>> -> memref<1x64x768xf32, #tpu.memory_space<hbm>>
    %dma_wait3A_2029 = tpu.memref_squeeze %dma_wait3A_2028 : memref<1x64x768xf32, #tpu.memory_space<hbm>> -> memref<64x768xf32, #tpu.memory_space<hbm>>
    %dma_wait3A_2030 = arith.constant 0 : i32
    %dma_wait3A_2031 = arith.constant 0 : i32
    %dma_wait3A_2032 = tpu.memref_slice %arg4[%dma_wait3A_2017, %dma_wait3A_2030, %dma_wait3A_2031] : memref<2x64x768xf32, #tpu.memory_space<vmem>> -> memref<1x64x768xf32, #tpu.memory_space<vmem>>
    %dma_wait3A_2033 = tpu.memref_squeeze %dma_wait3A_2032 : memref<1x64x768xf32, #tpu.memory_space<vmem>> -> memref<64x768xf32, #tpu.memory_space<vmem>>
    tpu.wait_dma2 semaphore(%arg8 : memref<!tpu.dma_semaphore, #tpu.memory_space<semaphore_mem>>) src(%dma_wait3A_2033 : memref<64x768xf32, #tpu.memory_space<vmem>>) dst(%dma_wait3A_2029 : memref<64x768xf32, #tpu.memory_space<hbm>>)
    %add3A_2034 = arith.constant 27 : i32
    %add3A_2035 = arith.addi %mul3A_2, %add3A_2034 : i32
    %dma_start3A_2036 = arith.constant 1 : i32
    %dma_start3A_2037 = arith.constant 0 : i32
    %dma_start3A_2038 = arith.constant 0 : i32
    %dma_start3A_2039 = tpu.memref_slice %arg4[%dma_start3A_2036, %dma_start3A_2037, %dma_start3A_2038] : memref<2x64x768xf32, #tpu.memory_space<vmem>> -> memref<1x64x768xf32, #tpu.memory_space<vmem>>
    %dma_start3A_2040 = tpu.memref_squeeze %dma_start3A_2039 : memref<1x64x768xf32, #tpu.memory_space<vmem>> -> memref<64x768xf32, #tpu.memory_space<vmem>>
    %dma_start3A_2041 = arith.constant 0 : i32
    %dma_start3A_2042 = arith.constant 0 : i32
    %dma_start3A_2043 = tpu.memref_slice %arg2[%add3A_2035, %dma_start3A_2041, %dma_start3A_2042] : memref<1024x64x768xf32, #tpu.memory_space<hbm>> -> memref<1x64x768xf32, #tpu.memory_space<hbm>>
    %dma_start3A_2044 = tpu.memref_squeeze %dma_start3A_2043 : memref<1x64x768xf32, #tpu.memory_space<hbm>> -> memref<64x768xf32, #tpu.memory_space<hbm>>
    %dma_start3A_2045 = arith.constant 0 : i32
    %dma_start3A_2046 = arith.constant 0 : i32
    %dma_start3A_2047 = tpu.memref_slice %arg4[%dma_start3A_2036, %dma_start3A_2045, %dma_start3A_2046] : memref<2x64x768xf32, #tpu.memory_space<vmem>> -> memref<1x64x768xf32, #tpu.memory_space<vmem>>
    %dma_start3A_2048 = tpu.memref_squeeze %dma_start3A_2047 : memref<1x64x768xf32, #tpu.memory_space<vmem>> -> memref<64x768xf32, #tpu.memory_space<vmem>>
    %dma_start3A_2049 = arith.constant 0 : i32
    %dma_start3A_2050 = arith.constant 0 : i32
    %dma_start3A_2051 = tpu.memref_slice %arg2[%add3A_2035, %dma_start3A_2049, %dma_start3A_2050] : memref<1024x64x768xf32, #tpu.memory_space<hbm>> -> memref<1x64x768xf32, #tpu.memory_space<hbm>>
    %dma_start3A_2052 = tpu.memref_squeeze %dma_start3A_2051 : memref<1x64x768xf32, #tpu.memory_space<hbm>> -> memref<64x768xf32, #tpu.memory_space<hbm>>
    tpu.enqueue_dma source(%dma_start3A_2052 : memref<64x768xf32, #tpu.memory_space<hbm>>) target(%dma_start3A_2048 : memref<64x768xf32, #tpu.memory_space<vmem>>) target_semaphore(%arg6 : memref<!tpu.dma_semaphore, #tpu.memory_space<semaphore_mem>>)
    %add3A_2053 = arith.constant 27 : i32
    %add3A_2054 = arith.addi %mul3A_2, %add3A_2053 : i32
    %dma_wait3A_2055 = arith.constant 1 : i32
    %dma_wait3A_2056 = arith.constant 0 : i32
    %dma_wait3A_2057 = arith.constant 0 : i32
    %dma_wait3A_2058 = tpu.memref_slice %arg4[%dma_wait3A_2055, %dma_wait3A_2056, %dma_wait3A_2057] : memref<2x64x768xf32, #tpu.memory_space<vmem>> -> memref<1x64x768xf32, #tpu.memory_space<vmem>>
    %dma_wait3A_2059 = tpu.memref_squeeze %dma_wait3A_2058 : memref<1x64x768xf32, #tpu.memory_space<vmem>> -> memref<64x768xf32, #tpu.memory_space<vmem>>
    %dma_wait3A_2060 = arith.constant 0 : i32
    %dma_wait3A_2061 = arith.constant 0 : i32
    %dma_wait3A_2062 = tpu.memref_slice %arg2[%add3A_2054, %dma_wait3A_2060, %dma_wait3A_2061] : memref<1024x64x768xf32, #tpu.memory_space<hbm>> -> memref<1x64x768xf32, #tpu.memory_space<hbm>>
    %dma_wait3A_2063 = tpu.memref_squeeze %dma_wait3A_2062 : memref<1x64x768xf32, #tpu.memory_space<hbm>> -> memref<64x768xf32, #tpu.memory_space<hbm>>
    %dma_wait3A_2064 = arith.constant 0 : i32
    %dma_wait3A_2065 = arith.constant 0 : i32
    %dma_wait3A_2066 = tpu.memref_slice %arg4[%dma_wait3A_2055, %dma_wait3A_2064, %dma_wait3A_2065] : memref<2x64x768xf32, #tpu.memory_space<vmem>> -> memref<1x64x768xf32, #tpu.memory_space<vmem>>
    %dma_wait3A_2067 = tpu.memref_squeeze %dma_wait3A_2066 : memref<1x64x768xf32, #tpu.memory_space<vmem>> -> memref<64x768xf32, #tpu.memory_space<vmem>>
    %dma_wait3A_2068 = arith.constant 0 : i32
    %dma_wait3A_2069 = arith.constant 0 : i32
    %dma_wait3A_2070 = tpu.memref_slice %arg2[%add3A_2054, %dma_wait3A_2068, %dma_wait3A_2069] : memref<1024x64x768xf32, #tpu.memory_space<hbm>> -> memref<1x64x768xf32, #tpu.memory_space<hbm>>
    %dma_wait3A_2071 = tpu.memref_squeeze %dma_wait3A_2070 : memref<1x64x768xf32, #tpu.memory_space<hbm>> -> memref<64x768xf32, #tpu.memory_space<hbm>>
    tpu.wait_dma2 semaphore(%arg6 : memref<!tpu.dma_semaphore, #tpu.memory_space<semaphore_mem>>) src(%dma_wait3A_2071 : memref<64x768xf32, #tpu.memory_space<hbm>>) dst(%dma_wait3A_2067 : memref<64x768xf32, #tpu.memory_space<vmem>>)
    %add3A_2072 = arith.constant 27 : i32
    %add3A_2073 = arith.addi %mul3A_2, %add3A_2072 : i32
    %dma_start3A_2074 = arith.constant 1 : i32
    %dma_start3A_2075 = arith.constant 0 : i32
    %dma_start3A_2076 = arith.constant 0 : i32
    %dma_start3A_2077 = tpu.memref_slice %arg4[%dma_start3A_2074, %dma_start3A_2075, %dma_start3A_2076] : memref<2x64x768xf32, #tpu.memory_space<vmem>> -> memref<1x64x768xf32, #tpu.memory_space<vmem>>
    %dma_start3A_2078 = tpu.memref_squeeze %dma_start3A_2077 : memref<1x64x768xf32, #tpu.memory_space<vmem>> -> memref<64x768xf32, #tpu.memory_space<vmem>>
    %dma_start3A_2079 = arith.constant 0 : i32
    %dma_start3A_2080 = arith.constant 0 : i32
    %dma_start3A_2081 = tpu.memref_slice %arg3[%add3A_2073, %dma_start3A_2079, %dma_start3A_2080] : memref<1024x64x768xf32, #tpu.memory_space<hbm>> -> memref<1x64x768xf32, #tpu.memory_space<hbm>>
    %dma_start3A_2082 = tpu.memref_squeeze %dma_start3A_2081 : memref<1x64x768xf32, #tpu.memory_space<hbm>> -> memref<64x768xf32, #tpu.memory_space<hbm>>
    %dma_start3A_2083 = arith.constant 0 : i32
    %dma_start3A_2084 = arith.constant 0 : i32
    %dma_start3A_2085 = tpu.memref_slice %arg3[%add3A_2073, %dma_start3A_2083, %dma_start3A_2084] : memref<1024x64x768xf32, #tpu.memory_space<hbm>> -> memref<1x64x768xf32, #tpu.memory_space<hbm>>
    %dma_start3A_2086 = tpu.memref_squeeze %dma_start3A_2085 : memref<1x64x768xf32, #tpu.memory_space<hbm>> -> memref<64x768xf32, #tpu.memory_space<hbm>>
    %dma_start3A_2087 = arith.constant 0 : i32
    %dma_start3A_2088 = arith.constant 0 : i32
    %dma_start3A_2089 = tpu.memref_slice %arg4[%dma_start3A_2074, %dma_start3A_2087, %dma_start3A_2088] : memref<2x64x768xf32, #tpu.memory_space<vmem>> -> memref<1x64x768xf32, #tpu.memory_space<vmem>>
    %dma_start3A_2090 = tpu.memref_squeeze %dma_start3A_2089 : memref<1x64x768xf32, #tpu.memory_space<vmem>> -> memref<64x768xf32, #tpu.memory_space<vmem>>
    tpu.enqueue_dma source(%dma_start3A_2090 : memref<64x768xf32, #tpu.memory_space<vmem>>) target(%dma_start3A_2086 : memref<64x768xf32, #tpu.memory_space<hbm>>) target_semaphore(%arg8 : memref<!tpu.dma_semaphore, #tpu.memory_space<semaphore_mem>>)
    %add3A_2091 = arith.constant 26 : i32
    %add3A_2092 = arith.addi %mul3A_2, %add3A_2091 : i32
    %dma_wait3A_2093 = arith.constant 0 : i32
    %dma_wait3A_2094 = arith.constant 0 : i32
    %dma_wait3A_2095 = arith.constant 0 : i32
    %dma_wait3A_2096 = tpu.memref_slice %arg4[%dma_wait3A_2093, %dma_wait3A_2094, %dma_wait3A_2095] : memref<2x64x768xf32, #tpu.memory_space<vmem>> -> memref<1x64x768xf32, #tpu.memory_space<vmem>>
    %dma_wait3A_2097 = tpu.memref_squeeze %dma_wait3A_2096 : memref<1x64x768xf32, #tpu.memory_space<vmem>> -> memref<64x768xf32, #tpu.memory_space<vmem>>
    %dma_wait3A_2098 = arith.constant 0 : i32
    %dma_wait3A_2099 = arith.constant 0 : i32
    %dma_wait3A_2100 = tpu.memref_slice %arg3[%add3A_2092, %dma_wait3A_2098, %dma_wait3A_2099] : memref<1024x64x768xf32, #tpu.memory_space<hbm>> -> memref<1x64x768xf32, #tpu.memory_space<hbm>>
    %dma_wait3A_2101 = tpu.memref_squeeze %dma_wait3A_2100 : memref<1x64x768xf32, #tpu.memory_space<hbm>> -> memref<64x768xf32, #tpu.memory_space<hbm>>
    %dma_wait3A_2102 = arith.constant 0 : i32
    %dma_wait3A_2103 = arith.constant 0 : i32
    %dma_wait3A_2104 = tpu.memref_slice %arg3[%add3A_2092, %dma_wait3A_2102, %dma_wait3A_2103] : memref<1024x64x768xf32, #tpu.memory_space<hbm>> -> memref<1x64x768xf32, #tpu.memory_space<hbm>>
    %dma_wait3A_2105 = tpu.memref_squeeze %dma_wait3A_2104 : memref<1x64x768xf32, #tpu.memory_space<hbm>> -> memref<64x768xf32, #tpu.memory_space<hbm>>
    %dma_wait3A_2106 = arith.constant 0 : i32
    %dma_wait3A_2107 = arith.constant 0 : i32
    %dma_wait3A_2108 = tpu.memref_slice %arg4[%dma_wait3A_2093, %dma_wait3A_2106, %dma_wait3A_2107] : memref<2x64x768xf32, #tpu.memory_space<vmem>> -> memref<1x64x768xf32, #tpu.memory_space<vmem>>
    %dma_wait3A_2109 = tpu.memref_squeeze %dma_wait3A_2108 : memref<1x64x768xf32, #tpu.memory_space<vmem>> -> memref<64x768xf32, #tpu.memory_space<vmem>>
    tpu.wait_dma2 semaphore(%arg7 : memref<!tpu.dma_semaphore, #tpu.memory_space<semaphore_mem>>) src(%dma_wait3A_2109 : memref<64x768xf32, #tpu.memory_space<vmem>>) dst(%dma_wait3A_2105 : memref<64x768xf32, #tpu.memory_space<hbm>>)
    %add3A_2110 = arith.constant 28 : i32
    %add3A_2111 = arith.addi %mul3A_2, %add3A_2110 : i32
    %dma_start3A_2112 = arith.constant 0 : i32
    %dma_start3A_2113 = arith.constant 0 : i32
    %dma_start3A_2114 = arith.constant 0 : i32
    %dma_start3A_2115 = tpu.memref_slice %arg4[%dma_start3A_2112, %dma_start3A_2113, %dma_start3A_2114] : memref<2x64x768xf32, #tpu.memory_space<vmem>> -> memref<1x64x768xf32, #tpu.memory_space<vmem>>
    %dma_start3A_2116 = tpu.memref_squeeze %dma_start3A_2115 : memref<1x64x768xf32, #tpu.memory_space<vmem>> -> memref<64x768xf32, #tpu.memory_space<vmem>>
    %dma_start3A_2117 = arith.constant 0 : i32
    %dma_start3A_2118 = arith.constant 0 : i32
    %dma_start3A_2119 = tpu.memref_slice %arg2[%add3A_2111, %dma_start3A_2117, %dma_start3A_2118] : memref<1024x64x768xf32, #tpu.memory_space<hbm>> -> memref<1x64x768xf32, #tpu.memory_space<hbm>>
    %dma_start3A_2120 = tpu.memref_squeeze %dma_start3A_2119 : memref<1x64x768xf32, #tpu.memory_space<hbm>> -> memref<64x768xf32, #tpu.memory_space<hbm>>
    %dma_start3A_2121 = arith.constant 0 : i32
    %dma_start3A_2122 = arith.constant 0 : i32
    %dma_start3A_2123 = tpu.memref_slice %arg4[%dma_start3A_2112, %dma_start3A_2121, %dma_start3A_2122] : memref<2x64x768xf32, #tpu.memory_space<vmem>> -> memref<1x64x768xf32, #tpu.memory_space<vmem>>
    %dma_start3A_2124 = tpu.memref_squeeze %dma_start3A_2123 : memref<1x64x768xf32, #tpu.memory_space<vmem>> -> memref<64x768xf32, #tpu.memory_space<vmem>>
    %dma_start3A_2125 = arith.constant 0 : i32
    %dma_start3A_2126 = arith.constant 0 : i32
    %dma_start3A_2127 = tpu.memref_slice %arg2[%add3A_2111, %dma_start3A_2125, %dma_start3A_2126] : memref<1024x64x768xf32, #tpu.memory_space<hbm>> -> memref<1x64x768xf32, #tpu.memory_space<hbm>>
    %dma_start3A_2128 = tpu.memref_squeeze %dma_start3A_2127 : memref<1x64x768xf32, #tpu.memory_space<hbm>> -> memref<64x768xf32, #tpu.memory_space<hbm>>
    tpu.enqueue_dma source(%dma_start3A_2128 : memref<64x768xf32, #tpu.memory_space<hbm>>) target(%dma_start3A_2124 : memref<64x768xf32, #tpu.memory_space<vmem>>) target_semaphore(%arg5 : memref<!tpu.dma_semaphore, #tpu.memory_space<semaphore_mem>>)
    %add3A_2129 = arith.constant 28 : i32
    %add3A_2130 = arith.addi %mul3A_2, %add3A_2129 : i32
    %dma_wait3A_2131 = arith.constant 0 : i32
    %dma_wait3A_2132 = arith.constant 0 : i32
    %dma_wait3A_2133 = arith.constant 0 : i32
    %dma_wait3A_2134 = tpu.memref_slice %arg4[%dma_wait3A_2131, %dma_wait3A_2132, %dma_wait3A_2133] : memref<2x64x768xf32, #tpu.memory_space<vmem>> -> memref<1x64x768xf32, #tpu.memory_space<vmem>>
    %dma_wait3A_2135 = tpu.memref_squeeze %dma_wait3A_2134 : memref<1x64x768xf32, #tpu.memory_space<vmem>> -> memref<64x768xf32, #tpu.memory_space<vmem>>
    %dma_wait3A_2136 = arith.constant 0 : i32
    %dma_wait3A_2137 = arith.constant 0 : i32
    %dma_wait3A_2138 = tpu.memref_slice %arg2[%add3A_2130, %dma_wait3A_2136, %dma_wait3A_2137] : memref<1024x64x768xf32, #tpu.memory_space<hbm>> -> memref<1x64x768xf32, #tpu.memory_space<hbm>>
    %dma_wait3A_2139 = tpu.memref_squeeze %dma_wait3A_2138 : memref<1x64x768xf32, #tpu.memory_space<hbm>> -> memref<64x768xf32, #tpu.memory_space<hbm>>
    %dma_wait3A_2140 = arith.constant 0 : i32
    %dma_wait3A_2141 = arith.constant 0 : i32
    %dma_wait3A_2142 = tpu.memref_slice %arg4[%dma_wait3A_2131, %dma_wait3A_2140, %dma_wait3A_2141] : memref<2x64x768xf32, #tpu.memory_space<vmem>> -> memref<1x64x768xf32, #tpu.memory_space<vmem>>
    %dma_wait3A_2143 = tpu.memref_squeeze %dma_wait3A_2142 : memref<1x64x768xf32, #tpu.memory_space<vmem>> -> memref<64x768xf32, #tpu.memory_space<vmem>>
    %dma_wait3A_2144 = arith.constant 0 : i32
    %dma_wait3A_2145 = arith.constant 0 : i32
    %dma_wait3A_2146 = tpu.memref_slice %arg2[%add3A_2130, %dma_wait3A_2144, %dma_wait3A_2145] : memref<1024x64x768xf32, #tpu.memory_space<hbm>> -> memref<1x64x768xf32, #tpu.memory_space<hbm>>
    %dma_wait3A_2147 = tpu.memref_squeeze %dma_wait3A_2146 : memref<1x64x768xf32, #tpu.memory_space<hbm>> -> memref<64x768xf32, #tpu.memory_space<hbm>>
    tpu.wait_dma2 semaphore(%arg5 : memref<!tpu.dma_semaphore, #tpu.memory_space<semaphore_mem>>) src(%dma_wait3A_2147 : memref<64x768xf32, #tpu.memory_space<hbm>>) dst(%dma_wait3A_2143 : memref<64x768xf32, #tpu.memory_space<vmem>>)
    %add3A_2148 = arith.constant 28 : i32
    %add3A_2149 = arith.addi %mul3A_2, %add3A_2148 : i32
    %dma_start3A_2150 = arith.constant 0 : i32
    %dma_start3A_2151 = arith.constant 0 : i32
    %dma_start3A_2152 = arith.constant 0 : i32
    %dma_start3A_2153 = tpu.memref_slice %arg4[%dma_start3A_2150, %dma_start3A_2151, %dma_start3A_2152] : memref<2x64x768xf32, #tpu.memory_space<vmem>> -> memref<1x64x768xf32, #tpu.memory_space<vmem>>
    %dma_start3A_2154 = tpu.memref_squeeze %dma_start3A_2153 : memref<1x64x768xf32, #tpu.memory_space<vmem>> -> memref<64x768xf32, #tpu.memory_space<vmem>>
    %dma_start3A_2155 = arith.constant 0 : i32
    %dma_start3A_2156 = arith.constant 0 : i32
    %dma_start3A_2157 = tpu.memref_slice %arg3[%add3A_2149, %dma_start3A_2155, %dma_start3A_2156] : memref<1024x64x768xf32, #tpu.memory_space<hbm>> -> memref<1x64x768xf32, #tpu.memory_space<hbm>>
    %dma_start3A_2158 = tpu.memref_squeeze %dma_start3A_2157 : memref<1x64x768xf32, #tpu.memory_space<hbm>> -> memref<64x768xf32, #tpu.memory_space<hbm>>
    %dma_start3A_2159 = arith.constant 0 : i32
    %dma_start3A_2160 = arith.constant 0 : i32
    %dma_start3A_2161 = tpu.memref_slice %arg3[%add3A_2149, %dma_start3A_2159, %dma_start3A_2160] : memref<1024x64x768xf32, #tpu.memory_space<hbm>> -> memref<1x64x768xf32, #tpu.memory_space<hbm>>
    %dma_start3A_2162 = tpu.memref_squeeze %dma_start3A_2161 : memref<1x64x768xf32, #tpu.memory_space<hbm>> -> memref<64x768xf32, #tpu.memory_space<hbm>>
    %dma_start3A_2163 = arith.constant 0 : i32
    %dma_start3A_2164 = arith.constant 0 : i32
    %dma_start3A_2165 = tpu.memref_slice %arg4[%dma_start3A_2150, %dma_start3A_2163, %dma_start3A_2164] : memref<2x64x768xf32, #tpu.memory_space<vmem>> -> memref<1x64x768xf32, #tpu.memory_space<vmem>>
    %dma_start3A_2166 = tpu.memref_squeeze %dma_start3A_2165 : memref<1x64x768xf32, #tpu.memory_space<vmem>> -> memref<64x768xf32, #tpu.memory_space<vmem>>
    tpu.enqueue_dma source(%dma_start3A_2166 : memref<64x768xf32, #tpu.memory_space<vmem>>) target(%dma_start3A_2162 : memref<64x768xf32, #tpu.memory_space<hbm>>) target_semaphore(%arg7 : memref<!tpu.dma_semaphore, #tpu.memory_space<semaphore_mem>>)
    %add3A_2167 = arith.constant 27 : i32
    %add3A_2168 = arith.addi %mul3A_2, %add3A_2167 : i32
    %dma_wait3A_2169 = arith.constant 1 : i32
    %dma_wait3A_2170 = arith.constant 0 : i32
    %dma_wait3A_2171 = arith.constant 0 : i32
    %dma_wait3A_2172 = tpu.memref_slice %arg4[%dma_wait3A_2169, %dma_wait3A_2170, %dma_wait3A_2171] : memref<2x64x768xf32, #tpu.memory_space<vmem>> -> memref<1x64x768xf32, #tpu.memory_space<vmem>>
    %dma_wait3A_2173 = tpu.memref_squeeze %dma_wait3A_2172 : memref<1x64x768xf32, #tpu.memory_space<vmem>> -> memref<64x768xf32, #tpu.memory_space<vmem>>
    %dma_wait3A_2174 = arith.constant 0 : i32
    %dma_wait3A_2175 = arith.constant 0 : i32
    %dma_wait3A_2176 = tpu.memref_slice %arg3[%add3A_2168, %dma_wait3A_2174, %dma_wait3A_2175] : memref<1024x64x768xf32, #tpu.memory_space<hbm>> -> memref<1x64x768xf32, #tpu.memory_space<hbm>>
    %dma_wait3A_2177 = tpu.memref_squeeze %dma_wait3A_2176 : memref<1x64x768xf32, #tpu.memory_space<hbm>> -> memref<64x768xf32, #tpu.memory_space<hbm>>
    %dma_wait3A_2178 = arith.constant 0 : i32
    %dma_wait3A_2179 = arith.constant 0 : i32
    %dma_wait3A_2180 = tpu.memref_slice %arg3[%add3A_2168, %dma_wait3A_2178, %dma_wait3A_2179] : memref<1024x64x768xf32, #tpu.memory_space<hbm>> -> memref<1x64x768xf32, #tpu.memory_space<hbm>>
    %dma_wait3A_2181 = tpu.memref_squeeze %dma_wait3A_2180 : memref<1x64x768xf32, #tpu.memory_space<hbm>> -> memref<64x768xf32, #tpu.memory_space<hbm>>
    %dma_wait3A_2182 = arith.constant 0 : i32
    %dma_wait3A_2183 = arith.constant 0 : i32
    %dma_wait3A_2184 = tpu.memref_slice %arg4[%dma_wait3A_2169, %dma_wait3A_2182, %dma_wait3A_2183] : memref<2x64x768xf32, #tpu.memory_space<vmem>> -> memref<1x64x768xf32, #tpu.memory_space<vmem>>
    %dma_wait3A_2185 = tpu.memref_squeeze %dma_wait3A_2184 : memref<1x64x768xf32, #tpu.memory_space<vmem>> -> memref<64x768xf32, #tpu.memory_space<vmem>>
    tpu.wait_dma2 semaphore(%arg8 : memref<!tpu.dma_semaphore, #tpu.memory_space<semaphore_mem>>) src(%dma_wait3A_2185 : memref<64x768xf32, #tpu.memory_space<vmem>>) dst(%dma_wait3A_2181 : memref<64x768xf32, #tpu.memory_space<hbm>>)
    %add3A_2186 = arith.constant 29 : i32
    %add3A_2187 = arith.addi %mul3A_2, %add3A_2186 : i32
    %dma_start3A_2188 = arith.constant 1 : i32
    %dma_start3A_2189 = arith.constant 0 : i32
    %dma_start3A_2190 = arith.constant 0 : i32
    %dma_start3A_2191 = tpu.memref_slice %arg4[%dma_start3A_2188, %dma_start3A_2189, %dma_start3A_2190] : memref<2x64x768xf32, #tpu.memory_space<vmem>> -> memref<1x64x768xf32, #tpu.memory_space<vmem>>
    %dma_start3A_2192 = tpu.memref_squeeze %dma_start3A_2191 : memref<1x64x768xf32, #tpu.memory_space<vmem>> -> memref<64x768xf32, #tpu.memory_space<vmem>>
    %dma_start3A_2193 = arith.constant 0 : i32
    %dma_start3A_2194 = arith.constant 0 : i32
    %dma_start3A_2195 = tpu.memref_slice %arg2[%add3A_2187, %dma_start3A_2193, %dma_start3A_2194] : memref<1024x64x768xf32, #tpu.memory_space<hbm>> -> memref<1x64x768xf32, #tpu.memory_space<hbm>>
    %dma_start3A_2196 = tpu.memref_squeeze %dma_start3A_2195 : memref<1x64x768xf32, #tpu.memory_space<hbm>> -> memref<64x768xf32, #tpu.memory_space<hbm>>
    %dma_start3A_2197 = arith.constant 0 : i32
    %dma_start3A_2198 = arith.constant 0 : i32
    %dma_start3A_2199 = tpu.memref_slice %arg4[%dma_start3A_2188, %dma_start3A_2197, %dma_start3A_2198] : memref<2x64x768xf32, #tpu.memory_space<vmem>> -> memref<1x64x768xf32, #tpu.memory_space<vmem>>
    %dma_start3A_2200 = tpu.memref_squeeze %dma_start3A_2199 : memref<1x64x768xf32, #tpu.memory_space<vmem>> -> memref<64x768xf32, #tpu.memory_space<vmem>>
    %dma_start3A_2201 = arith.constant 0 : i32
    %dma_start3A_2202 = arith.constant 0 : i32
    %dma_start3A_2203 = tpu.memref_slice %arg2[%add3A_2187, %dma_start3A_2201, %dma_start3A_2202] : memref<1024x64x768xf32, #tpu.memory_space<hbm>> -> memref<1x64x768xf32, #tpu.memory_space<hbm>>
    %dma_start3A_2204 = tpu.memref_squeeze %dma_start3A_2203 : memref<1x64x768xf32, #tpu.memory_space<hbm>> -> memref<64x768xf32, #tpu.memory_space<hbm>>
    tpu.enqueue_dma source(%dma_start3A_2204 : memref<64x768xf32, #tpu.memory_space<hbm>>) target(%dma_start3A_2200 : memref<64x768xf32, #tpu.memory_space<vmem>>) target_semaphore(%arg6 : memref<!tpu.dma_semaphore, #tpu.memory_space<semaphore_mem>>)
    %add3A_2205 = arith.constant 29 : i32
    %add3A_2206 = arith.addi %mul3A_2, %add3A_2205 : i32
    %dma_wait3A_2207 = arith.constant 1 : i32
    %dma_wait3A_2208 = arith.constant 0 : i32
    %dma_wait3A_2209 = arith.constant 0 : i32
    %dma_wait3A_2210 = tpu.memref_slice %arg4[%dma_wait3A_2207, %dma_wait3A_2208, %dma_wait3A_2209] : memref<2x64x768xf32, #tpu.memory_space<vmem>> -> memref<1x64x768xf32, #tpu.memory_space<vmem>>
    %dma_wait3A_2211 = tpu.memref_squeeze %dma_wait3A_2210 : memref<1x64x768xf32, #tpu.memory_space<vmem>> -> memref<64x768xf32, #tpu.memory_space<vmem>>
    %dma_wait3A_2212 = arith.constant 0 : i32
    %dma_wait3A_2213 = arith.constant 0 : i32
    %dma_wait3A_2214 = tpu.memref_slice %arg2[%add3A_2206, %dma_wait3A_2212, %dma_wait3A_2213] : memref<1024x64x768xf32, #tpu.memory_space<hbm>> -> memref<1x64x768xf32, #tpu.memory_space<hbm>>
    %dma_wait3A_2215 = tpu.memref_squeeze %dma_wait3A_2214 : memref<1x64x768xf32, #tpu.memory_space<hbm>> -> memref<64x768xf32, #tpu.memory_space<hbm>>
    %dma_wait3A_2216 = arith.constant 0 : i32
    %dma_wait3A_2217 = arith.constant 0 : i32
    %dma_wait3A_2218 = tpu.memref_slice %arg4[%dma_wait3A_2207, %dma_wait3A_2216, %dma_wait3A_2217] : memref<2x64x768xf32, #tpu.memory_space<vmem>> -> memref<1x64x768xf32, #tpu.memory_space<vmem>>
    %dma_wait3A_2219 = tpu.memref_squeeze %dma_wait3A_2218 : memref<1x64x768xf32, #tpu.memory_space<vmem>> -> memref<64x768xf32, #tpu.memory_space<vmem>>
    %dma_wait3A_2220 = arith.constant 0 : i32
    %dma_wait3A_2221 = arith.constant 0 : i32
    %dma_wait3A_2222 = tpu.memref_slice %arg2[%add3A_2206, %dma_wait3A_2220, %dma_wait3A_2221] : memref<1024x64x768xf32, #tpu.memory_space<hbm>> -> memref<1x64x768xf32, #tpu.memory_space<hbm>>
    %dma_wait3A_2223 = tpu.memref_squeeze %dma_wait3A_2222 : memref<1x64x768xf32, #tpu.memory_space<hbm>> -> memref<64x768xf32, #tpu.memory_space<hbm>>
    tpu.wait_dma2 semaphore(%arg6 : memref<!tpu.dma_semaphore, #tpu.memory_space<semaphore_mem>>) src(%dma_wait3A_2223 : memref<64x768xf32, #tpu.memory_space<hbm>>) dst(%dma_wait3A_2219 : memref<64x768xf32, #tpu.memory_space<vmem>>)
    %add3A_2224 = arith.constant 29 : i32
    %add3A_2225 = arith.addi %mul3A_2, %add3A_2224 : i32
    %dma_start3A_2226 = arith.constant 1 : i32
    %dma_start3A_2227 = arith.constant 0 : i32
    %dma_start3A_2228 = arith.constant 0 : i32
    %dma_start3A_2229 = tpu.memref_slice %arg4[%dma_start3A_2226, %dma_start3A_2227, %dma_start3A_2228] : memref<2x64x768xf32, #tpu.memory_space<vmem>> -> memref<1x64x768xf32, #tpu.memory_space<vmem>>
    %dma_start3A_2230 = tpu.memref_squeeze %dma_start3A_2229 : memref<1x64x768xf32, #tpu.memory_space<vmem>> -> memref<64x768xf32, #tpu.memory_space<vmem>>
    %dma_start3A_2231 = arith.constant 0 : i32
    %dma_start3A_2232 = arith.constant 0 : i32
    %dma_start3A_2233 = tpu.memref_slice %arg3[%add3A_2225, %dma_start3A_2231, %dma_start3A_2232] : memref<1024x64x768xf32, #tpu.memory_space<hbm>> -> memref<1x64x768xf32, #tpu.memory_space<hbm>>
    %dma_start3A_2234 = tpu.memref_squeeze %dma_start3A_2233 : memref<1x64x768xf32, #tpu.memory_space<hbm>> -> memref<64x768xf32, #tpu.memory_space<hbm>>
    %dma_start3A_2235 = arith.constant 0 : i32
    %dma_start3A_2236 = arith.constant 0 : i32
    %dma_start3A_2237 = tpu.memref_slice %arg3[%add3A_2225, %dma_start3A_2235, %dma_start3A_2236] : memref<1024x64x768xf32, #tpu.memory_space<hbm>> -> memref<1x64x768xf32, #tpu.memory_space<hbm>>
    %dma_start3A_2238 = tpu.memref_squeeze %dma_start3A_2237 : memref<1x64x768xf32, #tpu.memory_space<hbm>> -> memref<64x768xf32, #tpu.memory_space<hbm>>
    %dma_start3A_2239 = arith.constant 0 : i32
    %dma_start3A_2240 = arith.constant 0 : i32
    %dma_start3A_2241 = tpu.memref_slice %arg4[%dma_start3A_2226, %dma_start3A_2239, %dma_start3A_2240] : memref<2x64x768xf32, #tpu.memory_space<vmem>> -> memref<1x64x768xf32, #tpu.memory_space<vmem>>
    %dma_start3A_2242 = tpu.memref_squeeze %dma_start3A_2241 : memref<1x64x768xf32, #tpu.memory_space<vmem>> -> memref<64x768xf32, #tpu.memory_space<vmem>>
    tpu.enqueue_dma source(%dma_start3A_2242 : memref<64x768xf32, #tpu.memory_space<vmem>>) target(%dma_start3A_2238 : memref<64x768xf32, #tpu.memory_space<hbm>>) target_semaphore(%arg8 : memref<!tpu.dma_semaphore, #tpu.memory_space<semaphore_mem>>)
    %add3A_2243 = arith.constant 28 : i32
    %add3A_2244 = arith.addi %mul3A_2, %add3A_2243 : i32
    %dma_wait3A_2245 = arith.constant 0 : i32
    %dma_wait3A_2246 = arith.constant 0 : i32
    %dma_wait3A_2247 = arith.constant 0 : i32
    %dma_wait3A_2248 = tpu.memref_slice %arg4[%dma_wait3A_2245, %dma_wait3A_2246, %dma_wait3A_2247] : memref<2x64x768xf32, #tpu.memory_space<vmem>> -> memref<1x64x768xf32, #tpu.memory_space<vmem>>
    %dma_wait3A_2249 = tpu.memref_squeeze %dma_wait3A_2248 : memref<1x64x768xf32, #tpu.memory_space<vmem>> -> memref<64x768xf32, #tpu.memory_space<vmem>>
    %dma_wait3A_2250 = arith.constant 0 : i32
    %dma_wait3A_2251 = arith.constant 0 : i32
    %dma_wait3A_2252 = tpu.memref_slice %arg3[%add3A_2244, %dma_wait3A_2250, %dma_wait3A_2251] : memref<1024x64x768xf32, #tpu.memory_space<hbm>> -> memref<1x64x768xf32, #tpu.memory_space<hbm>>
    %dma_wait3A_2253 = tpu.memref_squeeze %dma_wait3A_2252 : memref<1x64x768xf32, #tpu.memory_space<hbm>> -> memref<64x768xf32, #tpu.memory_space<hbm>>
    %dma_wait3A_2254 = arith.constant 0 : i32
    %dma_wait3A_2255 = arith.constant 0 : i32
    %dma_wait3A_2256 = tpu.memref_slice %arg3[%add3A_2244, %dma_wait3A_2254, %dma_wait3A_2255] : memref<1024x64x768xf32, #tpu.memory_space<hbm>> -> memref<1x64x768xf32, #tpu.memory_space<hbm>>
    %dma_wait3A_2257 = tpu.memref_squeeze %dma_wait3A_2256 : memref<1x64x768xf32, #tpu.memory_space<hbm>> -> memref<64x768xf32, #tpu.memory_space<hbm>>
    %dma_wait3A_2258 = arith.constant 0 : i32
    %dma_wait3A_2259 = arith.constant 0 : i32
    %dma_wait3A_2260 = tpu.memref_slice %arg4[%dma_wait3A_2245, %dma_wait3A_2258, %dma_wait3A_2259] : memref<2x64x768xf32, #tpu.memory_space<vmem>> -> memref<1x64x768xf32, #tpu.memory_space<vmem>>
    %dma_wait3A_2261 = tpu.memref_squeeze %dma_wait3A_2260 : memref<1x64x768xf32, #tpu.memory_space<vmem>> -> memref<64x768xf32, #tpu.memory_space<vmem>>
    tpu.wait_dma2 semaphore(%arg7 : memref<!tpu.dma_semaphore, #tpu.memory_space<semaphore_mem>>) src(%dma_wait3A_2261 : memref<64x768xf32, #tpu.memory_space<vmem>>) dst(%dma_wait3A_2257 : memref<64x768xf32, #tpu.memory_space<hbm>>)
    %add3A_2262 = arith.constant 30 : i32
    %add3A_2263 = arith.addi %mul3A_2, %add3A_2262 : i32
    %dma_start3A_2264 = arith.constant 0 : i32
    %dma_start3A_2265 = arith.constant 0 : i32
    %dma_start3A_2266 = arith.constant 0 : i32
    %dma_start3A_2267 = tpu.memref_slice %arg4[%dma_start3A_2264, %dma_start3A_2265, %dma_start3A_2266] : memref<2x64x768xf32, #tpu.memory_space<vmem>> -> memref<1x64x768xf32, #tpu.memory_space<vmem>>
    %dma_start3A_2268 = tpu.memref_squeeze %dma_start3A_2267 : memref<1x64x768xf32, #tpu.memory_space<vmem>> -> memref<64x768xf32, #tpu.memory_space<vmem>>
    %dma_start3A_2269 = arith.constant 0 : i32
    %dma_start3A_2270 = arith.constant 0 : i32
    %dma_start3A_2271 = tpu.memref_slice %arg2[%add3A_2263, %dma_start3A_2269, %dma_start3A_2270] : memref<1024x64x768xf32, #tpu.memory_space<hbm>> -> memref<1x64x768xf32, #tpu.memory_space<hbm>>
    %dma_start3A_2272 = tpu.memref_squeeze %dma_start3A_2271 : memref<1x64x768xf32, #tpu.memory_space<hbm>> -> memref<64x768xf32, #tpu.memory_space<hbm>>
    %dma_start3A_2273 = arith.constant 0 : i32
    %dma_start3A_2274 = arith.constant 0 : i32
    %dma_start3A_2275 = tpu.memref_slice %arg4[%dma_start3A_2264, %dma_start3A_2273, %dma_start3A_2274] : memref<2x64x768xf32, #tpu.memory_space<vmem>> -> memref<1x64x768xf32, #tpu.memory_space<vmem>>
    %dma_start3A_2276 = tpu.memref_squeeze %dma_start3A_2275 : memref<1x64x768xf32, #tpu.memory_space<vmem>> -> memref<64x768xf32, #tpu.memory_space<vmem>>
    %dma_start3A_2277 = arith.constant 0 : i32
    %dma_start3A_2278 = arith.constant 0 : i32
    %dma_start3A_2279 = tpu.memref_slice %arg2[%add3A_2263, %dma_start3A_2277, %dma_start3A_2278] : memref<1024x64x768xf32, #tpu.memory_space<hbm>> -> memref<1x64x768xf32, #tpu.memory_space<hbm>>
    %dma_start3A_2280 = tpu.memref_squeeze %dma_start3A_2279 : memref<1x64x768xf32, #tpu.memory_space<hbm>> -> memref<64x768xf32, #tpu.memory_space<hbm>>
    tpu.enqueue_dma source(%dma_start3A_2280 : memref<64x768xf32, #tpu.memory_space<hbm>>) target(%dma_start3A_2276 : memref<64x768xf32, #tpu.memory_space<vmem>>) target_semaphore(%arg5 : memref<!tpu.dma_semaphore, #tpu.memory_space<semaphore_mem>>)
    %add3A_2281 = arith.constant 30 : i32
    %add3A_2282 = arith.addi %mul3A_2, %add3A_2281 : i32
    %dma_wait3A_2283 = arith.constant 0 : i32
    %dma_wait3A_2284 = arith.constant 0 : i32
    %dma_wait3A_2285 = arith.constant 0 : i32
    %dma_wait3A_2286 = tpu.memref_slice %arg4[%dma_wait3A_2283, %dma_wait3A_2284, %dma_wait3A_2285] : memref<2x64x768xf32, #tpu.memory_space<vmem>> -> memref<1x64x768xf32, #tpu.memory_space<vmem>>
    %dma_wait3A_2287 = tpu.memref_squeeze %dma_wait3A_2286 : memref<1x64x768xf32, #tpu.memory_space<vmem>> -> memref<64x768xf32, #tpu.memory_space<vmem>>
    %dma_wait3A_2288 = arith.constant 0 : i32
    %dma_wait3A_2289 = arith.constant 0 : i32
    %dma_wait3A_2290 = tpu.memref_slice %arg2[%add3A_2282, %dma_wait3A_2288, %dma_wait3A_2289] : memref<1024x64x768xf32, #tpu.memory_space<hbm>> -> memref<1x64x768xf32, #tpu.memory_space<hbm>>
    %dma_wait3A_2291 = tpu.memref_squeeze %dma_wait3A_2290 : memref<1x64x768xf32, #tpu.memory_space<hbm>> -> memref<64x768xf32, #tpu.memory_space<hbm>>
    %dma_wait3A_2292 = arith.constant 0 : i32
    %dma_wait3A_2293 = arith.constant 0 : i32
    %dma_wait3A_2294 = tpu.memref_slice %arg4[%dma_wait3A_2283, %dma_wait3A_2292, %dma_wait3A_2293] : memref<2x64x768xf32, #tpu.memory_space<vmem>> -> memref<1x64x768xf32, #tpu.memory_space<vmem>>
    %dma_wait3A_2295 = tpu.memref_squeeze %dma_wait3A_2294 : memref<1x64x768xf32, #tpu.memory_space<vmem>> -> memref<64x768xf32, #tpu.memory_space<vmem>>
    %dma_wait3A_2296 = arith.constant 0 : i32
    %dma_wait3A_2297 = arith.constant 0 : i32
    %dma_wait3A_2298 = tpu.memref_slice %arg2[%add3A_2282, %dma_wait3A_2296, %dma_wait3A_2297] : memref<1024x64x768xf32, #tpu.memory_space<hbm>> -> memref<1x64x768xf32, #tpu.memory_space<hbm>>
    %dma_wait3A_2299 = tpu.memref_squeeze %dma_wait3A_2298 : memref<1x64x768xf32, #tpu.memory_space<hbm>> -> memref<64x768xf32, #tpu.memory_space<hbm>>
    tpu.wait_dma2 semaphore(%arg5 : memref<!tpu.dma_semaphore, #tpu.memory_space<semaphore_mem>>) src(%dma_wait3A_2299 : memref<64x768xf32, #tpu.memory_space<hbm>>) dst(%dma_wait3A_2295 : memref<64x768xf32, #tpu.memory_space<vmem>>)
    %add3A_2300 = arith.constant 30 : i32
    %add3A_2301 = arith.addi %mul3A_2, %add3A_2300 : i32
    %dma_start3A_2302 = arith.constant 0 : i32
    %dma_start3A_2303 = arith.constant 0 : i32
    %dma_start3A_2304 = arith.constant 0 : i32
    %dma_start3A_2305 = tpu.memref_slice %arg4[%dma_start3A_2302, %dma_start3A_2303, %dma_start3A_2304] : memref<2x64x768xf32, #tpu.memory_space<vmem>> -> memref<1x64x768xf32, #tpu.memory_space<vmem>>
    %dma_start3A_2306 = tpu.memref_squeeze %dma_start3A_2305 : memref<1x64x768xf32, #tpu.memory_space<vmem>> -> memref<64x768xf32, #tpu.memory_space<vmem>>
    %dma_start3A_2307 = arith.constant 0 : i32
    %dma_start3A_2308 = arith.constant 0 : i32
    %dma_start3A_2309 = tpu.memref_slice %arg3[%add3A_2301, %dma_start3A_2307, %dma_start3A_2308] : memref<1024x64x768xf32, #tpu.memory_space<hbm>> -> memref<1x64x768xf32, #tpu.memory_space<hbm>>
    %dma_start3A_2310 = tpu.memref_squeeze %dma_start3A_2309 : memref<1x64x768xf32, #tpu.memory_space<hbm>> -> memref<64x768xf32, #tpu.memory_space<hbm>>
    %dma_start3A_2311 = arith.constant 0 : i32
    %dma_start3A_2312 = arith.constant 0 : i32
    %dma_start3A_2313 = tpu.memref_slice %arg3[%add3A_2301, %dma_start3A_2311, %dma_start3A_2312] : memref<1024x64x768xf32, #tpu.memory_space<hbm>> -> memref<1x64x768xf32, #tpu.memory_space<hbm>>
    %dma_start3A_2314 = tpu.memref_squeeze %dma_start3A_2313 : memref<1x64x768xf32, #tpu.memory_space<hbm>> -> memref<64x768xf32, #tpu.memory_space<hbm>>
    %dma_start3A_2315 = arith.constant 0 : i32
    %dma_start3A_2316 = arith.constant 0 : i32
    %dma_start3A_2317 = tpu.memref_slice %arg4[%dma_start3A_2302, %dma_start3A_2315, %dma_start3A_2316] : memref<2x64x768xf32, #tpu.memory_space<vmem>> -> memref<1x64x768xf32, #tpu.memory_space<vmem>>
    %dma_start3A_2318 = tpu.memref_squeeze %dma_start3A_2317 : memref<1x64x768xf32, #tpu.memory_space<vmem>> -> memref<64x768xf32, #tpu.memory_space<vmem>>
    tpu.enqueue_dma source(%dma_start3A_2318 : memref<64x768xf32, #tpu.memory_space<vmem>>) target(%dma_start3A_2314 : memref<64x768xf32, #tpu.memory_space<hbm>>) target_semaphore(%arg7 : memref<!tpu.dma_semaphore, #tpu.memory_space<semaphore_mem>>)
    %add3A_2319 = arith.constant 29 : i32
    %add3A_2320 = arith.addi %mul3A_2, %add3A_2319 : i32
    %dma_wait3A_2321 = arith.constant 1 : i32
    %dma_wait3A_2322 = arith.constant 0 : i32
    %dma_wait3A_2323 = arith.constant 0 : i32
    %dma_wait3A_2324 = tpu.memref_slice %arg4[%dma_wait3A_2321, %dma_wait3A_2322, %dma_wait3A_2323] : memref<2x64x768xf32, #tpu.memory_space<vmem>> -> memref<1x64x768xf32, #tpu.memory_space<vmem>>
    %dma_wait3A_2325 = tpu.memref_squeeze %dma_wait3A_2324 : memref<1x64x768xf32, #tpu.memory_space<vmem>> -> memref<64x768xf32, #tpu.memory_space<vmem>>
    %dma_wait3A_2326 = arith.constant 0 : i32
    %dma_wait3A_2327 = arith.constant 0 : i32
    %dma_wait3A_2328 = tpu.memref_slice %arg3[%add3A_2320, %dma_wait3A_2326, %dma_wait3A_2327] : memref<1024x64x768xf32, #tpu.memory_space<hbm>> -> memref<1x64x768xf32, #tpu.memory_space<hbm>>
    %dma_wait3A_2329 = tpu.memref_squeeze %dma_wait3A_2328 : memref<1x64x768xf32, #tpu.memory_space<hbm>> -> memref<64x768xf32, #tpu.memory_space<hbm>>
    %dma_wait3A_2330 = arith.constant 0 : i32
    %dma_wait3A_2331 = arith.constant 0 : i32
    %dma_wait3A_2332 = tpu.memref_slice %arg3[%add3A_2320, %dma_wait3A_2330, %dma_wait3A_2331] : memref<1024x64x768xf32, #tpu.memory_space<hbm>> -> memref<1x64x768xf32, #tpu.memory_space<hbm>>
    %dma_wait3A_2333 = tpu.memref_squeeze %dma_wait3A_2332 : memref<1x64x768xf32, #tpu.memory_space<hbm>> -> memref<64x768xf32, #tpu.memory_space<hbm>>
    %dma_wait3A_2334 = arith.constant 0 : i32
    %dma_wait3A_2335 = arith.constant 0 : i32
    %dma_wait3A_2336 = tpu.memref_slice %arg4[%dma_wait3A_2321, %dma_wait3A_2334, %dma_wait3A_2335] : memref<2x64x768xf32, #tpu.memory_space<vmem>> -> memref<1x64x768xf32, #tpu.memory_space<vmem>>
    %dma_wait3A_2337 = tpu.memref_squeeze %dma_wait3A_2336 : memref<1x64x768xf32, #tpu.memory_space<vmem>> -> memref<64x768xf32, #tpu.memory_space<vmem>>
    tpu.wait_dma2 semaphore(%arg8 : memref<!tpu.dma_semaphore, #tpu.memory_space<semaphore_mem>>) src(%dma_wait3A_2337 : memref<64x768xf32, #tpu.memory_space<vmem>>) dst(%dma_wait3A_2333 : memref<64x768xf32, #tpu.memory_space<hbm>>)
    %add3A_2338 = arith.constant 31 : i32
    %add3A_2339 = arith.addi %mul3A_2, %add3A_2338 : i32
    %dma_start3A_2340 = arith.constant 1 : i32
    %dma_start3A_2341 = arith.constant 0 : i32
    %dma_start3A_2342 = arith.constant 0 : i32
    %dma_start3A_2343 = tpu.memref_slice %arg4[%dma_start3A_2340, %dma_start3A_2341, %dma_start3A_2342] : memref<2x64x768xf32, #tpu.memory_space<vmem>> -> memref<1x64x768xf32, #tpu.memory_space<vmem>>
    %dma_start3A_2344 = tpu.memref_squeeze %dma_start3A_2343 : memref<1x64x768xf32, #tpu.memory_space<vmem>> -> memref<64x768xf32, #tpu.memory_space<vmem>>
    %dma_start3A_2345 = arith.constant 0 : i32
    %dma_start3A_2346 = arith.constant 0 : i32
    %dma_start3A_2347 = tpu.memref_slice %arg2[%add3A_2339, %dma_start3A_2345, %dma_start3A_2346] : memref<1024x64x768xf32, #tpu.memory_space<hbm>> -> memref<1x64x768xf32, #tpu.memory_space<hbm>>
    %dma_start3A_2348 = tpu.memref_squeeze %dma_start3A_2347 : memref<1x64x768xf32, #tpu.memory_space<hbm>> -> memref<64x768xf32, #tpu.memory_space<hbm>>
    %dma_start3A_2349 = arith.constant 0 : i32
    %dma_start3A_2350 = arith.constant 0 : i32
    %dma_start3A_2351 = tpu.memref_slice %arg4[%dma_start3A_2340, %dma_start3A_2349, %dma_start3A_2350] : memref<2x64x768xf32, #tpu.memory_space<vmem>> -> memref<1x64x768xf32, #tpu.memory_space<vmem>>
    %dma_start3A_2352 = tpu.memref_squeeze %dma_start3A_2351 : memref<1x64x768xf32, #tpu.memory_space<vmem>> -> memref<64x768xf32, #tpu.memory_space<vmem>>
    %dma_start3A_2353 = arith.constant 0 : i32
    %dma_start3A_2354 = arith.constant 0 : i32
    %dma_start3A_2355 = tpu.memref_slice %arg2[%add3A_2339, %dma_start3A_2353, %dma_start3A_2354] : memref<1024x64x768xf32, #tpu.memory_space<hbm>> -> memref<1x64x768xf32, #tpu.memory_space<hbm>>
    %dma_start3A_2356 = tpu.memref_squeeze %dma_start3A_2355 : memref<1x64x768xf32, #tpu.memory_space<hbm>> -> memref<64x768xf32, #tpu.memory_space<hbm>>
    tpu.enqueue_dma source(%dma_start3A_2356 : memref<64x768xf32, #tpu.memory_space<hbm>>) target(%dma_start3A_2352 : memref<64x768xf32, #tpu.memory_space<vmem>>) target_semaphore(%arg6 : memref<!tpu.dma_semaphore, #tpu.memory_space<semaphore_mem>>)
    %add3A_2357 = arith.constant 31 : i32
    %add3A_2358 = arith.addi %mul3A_2, %add3A_2357 : i32
    %dma_wait3A_2359 = arith.constant 1 : i32
    %dma_wait3A_2360 = arith.constant 0 : i32
    %dma_wait3A_2361 = arith.constant 0 : i32
    %dma_wait3A_2362 = tpu.memref_slice %arg4[%dma_wait3A_2359, %dma_wait3A_2360, %dma_wait3A_2361] : memref<2x64x768xf32, #tpu.memory_space<vmem>> -> memref<1x64x768xf32, #tpu.memory_space<vmem>>
    %dma_wait3A_2363 = tpu.memref_squeeze %dma_wait3A_2362 : memref<1x64x768xf32, #tpu.memory_space<vmem>> -> memref<64x768xf32, #tpu.memory_space<vmem>>
    %dma_wait3A_2364 = arith.constant 0 : i32
    %dma_wait3A_2365 = arith.constant 0 : i32
    %dma_wait3A_2366 = tpu.memref_slice %arg2[%add3A_2358, %dma_wait3A_2364, %dma_wait3A_2365] : memref<1024x64x768xf32, #tpu.memory_space<hbm>> -> memref<1x64x768xf32, #tpu.memory_space<hbm>>
    %dma_wait3A_2367 = tpu.memref_squeeze %dma_wait3A_2366 : memref<1x64x768xf32, #tpu.memory_space<hbm>> -> memref<64x768xf32, #tpu.memory_space<hbm>>
    %dma_wait3A_2368 = arith.constant 0 : i32
    %dma_wait3A_2369 = arith.constant 0 : i32
    %dma_wait3A_2370 = tpu.memref_slice %arg4[%dma_wait3A_2359, %dma_wait3A_2368, %dma_wait3A_2369] : memref<2x64x768xf32, #tpu.memory_space<vmem>> -> memref<1x64x768xf32, #tpu.memory_space<vmem>>
    %dma_wait3A_2371 = tpu.memref_squeeze %dma_wait3A_2370 : memref<1x64x768xf32, #tpu.memory_space<vmem>> -> memref<64x768xf32, #tpu.memory_space<vmem>>
    %dma_wait3A_2372 = arith.constant 0 : i32
    %dma_wait3A_2373 = arith.constant 0 : i32
    %dma_wait3A_2374 = tpu.memref_slice %arg2[%add3A_2358, %dma_wait3A_2372, %dma_wait3A_2373] : memref<1024x64x768xf32, #tpu.memory_space<hbm>> -> memref<1x64x768xf32, #tpu.memory_space<hbm>>
    %dma_wait3A_2375 = tpu.memref_squeeze %dma_wait3A_2374 : memref<1x64x768xf32, #tpu.memory_space<hbm>> -> memref<64x768xf32, #tpu.memory_space<hbm>>
    tpu.wait_dma2 semaphore(%arg6 : memref<!tpu.dma_semaphore, #tpu.memory_space<semaphore_mem>>) src(%dma_wait3A_2375 : memref<64x768xf32, #tpu.memory_space<hbm>>) dst(%dma_wait3A_2371 : memref<64x768xf32, #tpu.memory_space<vmem>>)
    %add3A_2376 = arith.constant 31 : i32
    %add3A_2377 = arith.addi %mul3A_2, %add3A_2376 : i32
    %dma_start3A_2378 = arith.constant 1 : i32
    %dma_start3A_2379 = arith.constant 0 : i32
    %dma_start3A_2380 = arith.constant 0 : i32
    %dma_start3A_2381 = tpu.memref_slice %arg4[%dma_start3A_2378, %dma_start3A_2379, %dma_start3A_2380] : memref<2x64x768xf32, #tpu.memory_space<vmem>> -> memref<1x64x768xf32, #tpu.memory_space<vmem>>
    %dma_start3A_2382 = tpu.memref_squeeze %dma_start3A_2381 : memref<1x64x768xf32, #tpu.memory_space<vmem>> -> memref<64x768xf32, #tpu.memory_space<vmem>>
    %dma_start3A_2383 = arith.constant 0 : i32
    %dma_start3A_2384 = arith.constant 0 : i32
    %dma_start3A_2385 = tpu.memref_slice %arg3[%add3A_2377, %dma_start3A_2383, %dma_start3A_2384] : memref<1024x64x768xf32, #tpu.memory_space<hbm>> -> memref<1x64x768xf32, #tpu.memory_space<hbm>>
    %dma_start3A_2386 = tpu.memref_squeeze %dma_start3A_2385 : memref<1x64x768xf32, #tpu.memory_space<hbm>> -> memref<64x768xf32, #tpu.memory_space<hbm>>
    %dma_start3A_2387 = arith.constant 0 : i32
    %dma_start3A_2388 = arith.constant 0 : i32
    %dma_start3A_2389 = tpu.memref_slice %arg3[%add3A_2377, %dma_start3A_2387, %dma_start3A_2388] : memref<1024x64x768xf32, #tpu.memory_space<hbm>> -> memref<1x64x768xf32, #tpu.memory_space<hbm>>
    %dma_start3A_2390 = tpu.memref_squeeze %dma_start3A_2389 : memref<1x64x768xf32, #tpu.memory_space<hbm>> -> memref<64x768xf32, #tpu.memory_space<hbm>>
    %dma_start3A_2391 = arith.constant 0 : i32
    %dma_start3A_2392 = arith.constant 0 : i32
    %dma_start3A_2393 = tpu.memref_slice %arg4[%dma_start3A_2378, %dma_start3A_2391, %dma_start3A_2392] : memref<2x64x768xf32, #tpu.memory_space<vmem>> -> memref<1x64x768xf32, #tpu.memory_space<vmem>>
    %dma_start3A_2394 = tpu.memref_squeeze %dma_start3A_2393 : memref<1x64x768xf32, #tpu.memory_space<vmem>> -> memref<64x768xf32, #tpu.memory_space<vmem>>
    tpu.enqueue_dma source(%dma_start3A_2394 : memref<64x768xf32, #tpu.memory_space<vmem>>) target(%dma_start3A_2390 : memref<64x768xf32, #tpu.memory_space<hbm>>) target_semaphore(%arg8 : memref<!tpu.dma_semaphore, #tpu.memory_space<semaphore_mem>>)
    %add3A_2395 = arith.constant 30 : i32
    %add3A_2396 = arith.addi %mul3A_2, %add3A_2395 : i32
    %dma_wait3A_2397 = arith.constant 0 : i32
    %dma_wait3A_2398 = arith.constant 0 : i32
    %dma_wait3A_2399 = arith.constant 0 : i32
    %dma_wait3A_2400 = tpu.memref_slice %arg4[%dma_wait3A_2397, %dma_wait3A_2398, %dma_wait3A_2399] : memref<2x64x768xf32, #tpu.memory_space<vmem>> -> memref<1x64x768xf32, #tpu.memory_space<vmem>>
    %dma_wait3A_2401 = tpu.memref_squeeze %dma_wait3A_2400 : memref<1x64x768xf32, #tpu.memory_space<vmem>> -> memref<64x768xf32, #tpu.memory_space<vmem>>
    %dma_wait3A_2402 = arith.constant 0 : i32
    %dma_wait3A_2403 = arith.constant 0 : i32
    %dma_wait3A_2404 = tpu.memref_slice %arg3[%add3A_2396, %dma_wait3A_2402, %dma_wait3A_2403] : memref<1024x64x768xf32, #tpu.memory_space<hbm>> -> memref<1x64x768xf32, #tpu.memory_space<hbm>>
    %dma_wait3A_2405 = tpu.memref_squeeze %dma_wait3A_2404 : memref<1x64x768xf32, #tpu.memory_space<hbm>> -> memref<64x768xf32, #tpu.memory_space<hbm>>
    %dma_wait3A_2406 = arith.constant 0 : i32
    %dma_wait3A_2407 = arith.constant 0 : i32
    %dma_wait3A_2408 = tpu.memref_slice %arg3[%add3A_2396, %dma_wait3A_2406, %dma_wait3A_2407] : memref<1024x64x768xf32, #tpu.memory_space<hbm>> -> memref<1x64x768xf32, #tpu.memory_space<hbm>>
    %dma_wait3A_2409 = tpu.memref_squeeze %dma_wait3A_2408 : memref<1x64x768xf32, #tpu.memory_space<hbm>> -> memref<64x768xf32, #tpu.memory_space<hbm>>
    %dma_wait3A_2410 = arith.constant 0 : i32
    %dma_wait3A_2411 = arith.constant 0 : i32
    %dma_wait3A_2412 = tpu.memref_slice %arg4[%dma_wait3A_2397, %dma_wait3A_2410, %dma_wait3A_2411] : memref<2x64x768xf32, #tpu.memory_space<vmem>> -> memref<1x64x768xf32, #tpu.memory_space<vmem>>
    %dma_wait3A_2413 = tpu.memref_squeeze %dma_wait3A_2412 : memref<1x64x768xf32, #tpu.memory_space<vmem>> -> memref<64x768xf32, #tpu.memory_space<vmem>>
    tpu.wait_dma2 semaphore(%arg7 : memref<!tpu.dma_semaphore, #tpu.memory_space<semaphore_mem>>) src(%dma_wait3A_2413 : memref<64x768xf32, #tpu.memory_space<vmem>>) dst(%dma_wait3A_2409 : memref<64x768xf32, #tpu.memory_space<hbm>>)
    %add3A_2414 = arith.constant 31 : i32
    %add3A_2415 = arith.addi %mul3A_2, %add3A_2414 : i32
    %dma_wait3A_2416 = arith.constant 1 : i32
    %dma_wait3A_2417 = arith.constant 0 : i32
    %dma_wait3A_2418 = arith.constant 0 : i32
    %dma_wait3A_2419 = tpu.memref_slice %arg4[%dma_wait3A_2416, %dma_wait3A_2417, %dma_wait3A_2418] : memref<2x64x768xf32, #tpu.memory_space<vmem>> -> memref<1x64x768xf32, #tpu.memory_space<vmem>>
    %dma_wait3A_2420 = tpu.memref_squeeze %dma_wait3A_2419 : memref<1x64x768xf32, #tpu.memory_space<vmem>> -> memref<64x768xf32, #tpu.memory_space<vmem>>
    %dma_wait3A_2421 = arith.constant 0 : i32
    %dma_wait3A_2422 = arith.constant 0 : i32
    %dma_wait3A_2423 = tpu.memref_slice %arg3[%add3A_2415, %dma_wait3A_2421, %dma_wait3A_2422] : memref<1024x64x768xf32, #tpu.memory_space<hbm>> -> memref<1x64x768xf32, #tpu.memory_space<hbm>>
    %dma_wait3A_2424 = tpu.memref_squeeze %dma_wait3A_2423 : memref<1x64x768xf32, #tpu.memory_space<hbm>> -> memref<64x768xf32, #tpu.memory_space<hbm>>
    %dma_wait3A_2425 = arith.constant 0 : i32
    %dma_wait3A_2426 = arith.constant 0 : i32
    %dma_wait3A_2427 = tpu.memref_slice %arg3[%add3A_2415, %dma_wait3A_2425, %dma_wait3A_2426] : memref<1024x64x768xf32, #tpu.memory_space<hbm>> -> memref<1x64x768xf32, #tpu.memory_space<hbm>>
    %dma_wait3A_2428 = tpu.memref_squeeze %dma_wait3A_2427 : memref<1x64x768xf32, #tpu.memory_space<hbm>> -> memref<64x768xf32, #tpu.memory_space<hbm>>
    %dma_wait3A_2429 = arith.constant 0 : i32
    %dma_wait3A_2430 = arith.constant 0 : i32
    %dma_wait3A_2431 = tpu.memref_slice %arg4[%dma_wait3A_2416, %dma_wait3A_2429, %dma_wait3A_2430] : memref<2x64x768xf32, #tpu.memory_space<vmem>> -> memref<1x64x768xf32, #tpu.memory_space<vmem>>
    %dma_wait3A_2432 = tpu.memref_squeeze %dma_wait3A_2431 : memref<1x64x768xf32, #tpu.memory_space<vmem>> -> memref<64x768xf32, #tpu.memory_space<vmem>>
    tpu.wait_dma2 semaphore(%arg8 : memref<!tpu.dma_semaphore, #tpu.memory_space<semaphore_mem>>) src(%dma_wait3A_2432 : memref<64x768xf32, #tpu.memory_space<vmem>>) dst(%dma_wait3A_2428 : memref<64x768xf32, #tpu.memory_space<hbm>>)
    return
  }
}

</mosaic_0001>

<sc_bundles>
// kernel: kernel.3.cloned.1.call-start
scs
__scs_entry_jumppad:
0x0: {  	(pc) =	sbr.rel $0x88, $3  }
0x1: {  	(tag) =	ssettag $0x0;
	lr =	simm.s32 $0x1  }
0x2: {  	[smem:$0x3FA0] =	sst lr;
	_ =	strace $0xD0000000  }
0x3: {  	_ = 	snop  }
0x4: {  	_ = 	snop  }
0x5: {  	_ = 	snop  }
0x6: {  	_ = 	snop  }
0x7: {  	_ = 	snop  }
__scs_overlays_trampoline_lowered:
0x8: {  	[smem:$0x3FAF] =	sst s0  }
0x9: {  	[smem:$0x3FB0] =	sst s1  }
0xa: {  	[smem:$0x3FB1] =	sst s2  }
0xb: {  	[smem:$0x3FB2] =	sst s3  }
0xc: {  	[smem:$0x3FB3] =	sst s4  }
0xd: {  	[smem:$0x3FB4] =	sst s5  }
0xe: {  	[smem:$0x3FB5] =	sst s6  }
0xf: {  	[smem:$0x3FB6] =	sst s7  }
0x10: {  	[smem:$0x3FB7] =	sst s8  }
0x11: {  	[smem:$0x3FB8] =	sst s9;
	s0 =	simm.s32 @!p0 $0x0  }
0x12: {  	s1 =	sld [smem:$0x3F9E];
	s0 =	simm.s32 @p0 $0x1  }
0x13: {  	[smem:$0x3FB9] =	sst s0;
	s0 =	simm.s32 @!p1 $0x0  }
0x14: {  	s2 =	sld [smem:$0x3F9D];
	s0 =	simm.s32 @p1 $0x1  }
0x15: {  	[smem:$0x3FBA] =	sst s0;
	s0 =	simm.s32 @!p2 $0x0  }
0x16: {  	s3 =	sld [smem:$0x3FDB];
	s0 =	simm.s32 @p2 $0x1  }
0x17: {  	s4 =	simm.s32 $0x1BF5;
	[smem:$0x3FBC] =	sst s0  }
0x18: {  	s0 =	sld [smem:$0x3F9F];
	_ =	swait.ge [sflag:s4], $0x0  }
0x19: {  	s7 =	sld [smem:$0x3FA0]  }
0x1a: {  	s8 =	sadd.s32 $0xFFFFE003, lr  }
0x1b: {  	s9 =	sadd.s32 $0xFFFFFEF7, lr;
	s5 =	simm.s32 $0xFFFFFFFF;
	p2 =	slt.u32 s8, $0xFFFFF086  }
0x1c: {  	p1 =	slt.u32 s9, $0xF7A;
	s5 =	simm.s32 @!p2 $0x0  }
0x1d: {  	s5 =	simm.s32 @p1 $0x1;
	p0 =	seq.s32 s7, s2  }
0x1e: {  	s7 =	smul.u32 @!p0 $0xF7A, s2;
	p2 =	seq.s32 @!p0 s5, $0x0  }
0x1f: {  	s9 =	smul.u32 $0xF7A, s1;
	s8 =	simm.s32 @!p0 $0x1BF5;
	p2 =	por !p2, p0  }
0x20: {  	[sflag:s8] =	ssyncset.s32 @!p0 $0xFFFFF086;
	s6 =	sadd.s32 @!p0 s3, s7;
	s7 =	simm.s32 @!p0 $0x108  }
0x21: {  	s3 =	sadd.s32 s3, s9;
	s6 =	sadd.s32 @!p0 $0x88, s6;
	s7 =	simm.s32 @p2 $0x1082  }
0x22: {  	[simem:s7], [sflag:s8] =	dma.local @!p0 [hbm:s6], $0xF7A  }
0x23: {  	s9 =	sor.u32 $0xD0000000, s2;
	s6 =	simm.s32 $0x108;
	_ =	swait.ge @!p0 [sflag:s8], $0x0  }
0x24: {  	s3 =	sadd.s32 $0x88, s3;
	s6 =	simm.s32 @!p1 $0x1082;
	[sflag:s4] =	ssyncset.s32 $0xFFFFF086  }
0x25: {  	[simem:s6], [sflag:s4] =	dma.local [hbm:s3], $0xF7A  }
0x26: {  	[smem:$0x3FA0] =	sst s1;
	(tag) =	ssettag s2;
	_ =	strace s9  }
0x27: {  	s1 =	sld [smem:$0x3FB0]  }
0x28: {  	s2 =	sld [smem:$0x3FB1]  }
0x29: {  	s4 =	sld [smem:$0x3FB3]  }
0x2a: {  	p0 =	seq.s32 s5, $0x0;
	s5 =	sld [smem:$0x3FB4]  }
0x2b: {  	s6 =	sld [smem:$0x3FB5]  }
0x2c: {  	s7 =	sld [smem:$0x3FB6]  }
0x2d: {  	s3 =	simm.s32 $0x108;
	s8 =	sld [smem:$0x3FB7]  }
0x2e: {  	s3 =	simm.s32 @!p0 $0x1082;
	s9 =	sld [smem:$0x3FB8]  }
0x2f: {  	lr =	sadd.s32 s0, s3;
	s0 =	sld [smem:$0x3FAF]  }
0x30: {  	s3 =	sld [smem:$0x3FB2]  }
0x31: {  	[smem:$0x3FBB] =	sst s10  }
0x32: {  	s10 =	sld [smem:$0x3FB9];
	_ =	sdelay $0x3  }
0x33: {  	p0 =	seq.s32 s10, $0x1;
	s10 =	sld [smem:$0x3FBB];
	_ =	sdelay $0x3  }
0x34: {  	[smem:$0x3FBB] =	sst s10  }
0x35: {  	s10 =	sld [smem:$0x3FBA];
	_ =	sdelay $0x3  }
0x36: {  	p1 =	seq.s32 s10, $0x1;
	s10 =	sld [smem:$0x3FBB];
	_ =	sdelay $0x3  }
0x37: {  	[smem:$0x3FBB] =	sst s10  }
0x38: {  	s10 =	sld [smem:$0x3FBC]  }
0x39: {  	_ = 	snop;
	(pc) =	sbr.ind lr, $3  }
0x3a: {  	_ = 	snop  }
0x3b: {  	_ = 	snop  }
0x3c: {  	p2 =	seq.s32 s10, $0x1;
	s10 =	sld [smem:$0x3FBB]  }
0x3d: {  	_ =	shalt  }
0x3e: {  	_ =	shalt  }
0x3f: {  	_ =	shalt  }
0x40: {  	_ =	shalt  }
0x41: {  	_ =	shalt  }
0x42: {  	_ =	shalt  }
0x43: {  	_ =	shalt  }
0x44: {  	_ =	shalt  }
0x45: {  	_ =	shalt  }
0x46: {  	_ =	shalt  }
0x47: {  	_ =	shalt  }
0x48: {  	_ =	shalt  }
0x49: {  	_ =	shalt  }
0x4a: {  	_ =	shalt  }
0x4b: {  	_ =	shalt  }
0x4c: {  	_ =	shalt  }
0x4d: {  	_ =	shalt  }
0x4e: {  	_ =	shalt  }
0x4f: {  	_ =	shalt  }
0x50: {  	_ =	shalt  }
0x51: {  	_ =	shalt  }
0x52: {  	_ =	shalt  }
0x53: {  	_ =	shalt  }
0x54: {  	_ =	shalt  }
0x55: {  	_ =	shalt  }
0x56: {  	_ =	shalt  }
0x57: {  	_ =	shalt  }
0x58: {  	_ =	shalt  }
0x59: {  	_ =	shalt  }
0x5a: {  	_ =	shalt  }
0x5b: {  	_ =	shalt  }
0x5c: {  	_ =	shalt  }
0x5d: {  	_ =	shalt  }
0x5e: {  	_ =	shalt  }
0x5f: {  	_ =	shalt  }
0x60: {  	_ =	shalt  }
0x61: {  	_ =	shalt  }
0x62: {  	_ =	shalt  }
0x63: {  	_ =	shalt  }
0x64: {  	_ =	shalt  }
0x65: {  	_ =	shalt  }
0x66: {  	_ =	shalt  }
0x67: {  	_ =	shalt  }
0x68: {  	_ =	shalt  }
0x69: {  	_ =	shalt  }
0x6a: {  	_ =	shalt  }
0x6b: {  	_ =	shalt  }
0x6c: {  	_ =	shalt  }
0x6d: {  	_ =	shalt  }
0x6e: {  	_ =	shalt  }
0x6f: {  	_ =	shalt  }
0x70: {  	_ =	shalt  }
0x71: {  	_ =	shalt  }
0x72: {  	_ =	shalt  }
0x73: {  	_ =	shalt  }
0x74: {  	_ =	shalt  }
0x75: {  	_ =	shalt  }
0x76: {  	_ =	shalt  }
0x77: {  	_ =	shalt  }
0x78: {  	_ =	shalt  }
0x79: {  	_ =	shalt  }
0x7a: {  	_ =	shalt  }
0x7b: {  	_ =	shalt  }
0x7c: {  	_ =	shalt  }
0x7d: {  	_ =	shalt  }
0x7e: {  	_ =	shalt  }
0x7f: {  	_ =	shalt  }
0x80: {  	_ =	shalt  }
0x81: {  	_ =	shalt  }
0x82: {  	_ =	shalt  }
0x83: {  	_ =	shalt  }
0x84: {  	_ =	shalt  }
0x85: {  	_ =	shalt  }
0x86: {  	_ =	shalt  }
0x87: {  	_ =	shalt  }
.Lfunc_end0:
.L_simem_size_0:
called_computation_lowered:
.L_overlay_start_0:
0x88: {  	s2 =	sld [smem:$0x3FD9]  }
0x89: {  	s3 =	sld [smem:$0x3FFE];
	_ =	sdelay $0x1  }
0x8a: {  	s1 =	srdreg.scid  }
0x8b: {  	s0 =	sand.u32 $0x1, s1  }
0x8c: {  	s18 =	sshll.u32 s0, $0xA;
	s2 =	sadd.s32 s3, s2  }
0x8d: {  	s2 =	sadd.s32 s2, s18  }
0x8e: {  	[smem:$0x3FC7] =	sst s2  }
0x8f: {  	_ = 	snop  }
0x90: {  	s2 =	sld [smem:$0x3FC9]  }
0x91: {  	s19 =	sld [smem:$0x3FD0];
	(tm) =	ssettm $0x1  }
0x92: {  	s4 =	sld [smem:$0x3FFB];
	_ =	sdelay $0x3  }
0x93: {  	_ =	strace s4  }
0x94: {  	s4 =	sld [smem:$0x3FFC];
	_ =	sdelay $0x3  }
0x95: {  	_ =	strace s4  }
0x96: {  	s4 =	sld [smem:$0x3FFD];
	_ =	sdelay $0x3  }
0x97: {  	_ =	strace s4  }
0x98: {  	_ =	strace $0x8FFFFFFF  }
0x99: {  	s20 =	sld [smem:$0x3FDB];
	_ =	sdelay $0x1  }
0x9a: {  	s5 =	simm.s32 $_scs_section_size  }
0x9b: {  	s6 =	simm.s32 $_size__tile_overlayer_lowered;
	s7 =	simm.s32 $_tile_overlayer_lowered  }
0x9c: {  	s23 =	simm.s32 $0x1BFF;
	s22 =	sshll.u32 s7, $0x1;
	s4 =	sadd.s32 s5, s20  }
0x9d: {  	s8 =	simm.s32 $0x0;
	s21 =	sshll.u32 s6, $0x1;
	s6 =	sadd.s32 s22, s4  }
0x9e: {  	[timem:s8], [sflag:s23] =	dma.local [hbm:s6], s21  }
0x9f: {  	_ =	swait.ge [sflag:s23], s21  }
0xa0: {  	s5 =	ssub.s32 $0x0, s21;
	[sflag:s23] =	ssyncset.done $0x0  }
0xa1: {  	[sflag:s23] =	ssyncadd.s32 s5;
	_ =	sdelay $0x1  }
0xa2: {  	s24 =	simm.s32 $0x1B8B  }
0xa3: {  	_ =	swait.ge [sflag:s24], $0x1  }
0xa4: {  	[sflag:s24] =	ssyncset.done $0x0  }
0xa5: {  	s25 =	simm.s32 $0x1B8E;
	[sflag:s24] =	ssyncadd.s32 $0xFFFFFFFF  }
0xa6: {  	s26 =	simm.s32 $execute0_lowered;
	[smem:$0x3FD2] =	sst s25  }
0xa7: {  	s5 =	sshll.u32 s26, $0x1;
	_ =	strace $0x80000046;
	[dreg:$0x1] =	wrdreg $0xFFFFFFFF  }
0xa8: {  	s28 =	simm.s32 $_size_execute0_lowered;
	s4 =	sadd.s32 s4, s5;
	[dreg:$0x0] =	wrdreg $0x0  }
0xa9: {  	s5 =	sshll.u32 s28, $0x1;
	[dreg:$0x2] =	wrdreg s4  }
0xaa: {  	[dreg:$0x3] =	wrdreg s5  }
0xab: {  	[dreg:$0x4] =	wrdreg $0xC0  }
0xac: {  	_ =	task [dreg:s8], $0x5FFFF  }
0xad: {  	[dreg:$0x1] =	wrdreg $0xFFFFFFFF  }
0xae: {  	[dreg:$0x0] =	wrdreg $0x60  }
0xaf: {  	[dreg:$0x2] =	wrdreg s2  }
0xb0: {  	[dreg:$0x3] =	wrdreg s19  }
0xb1: {  	[dreg:$0x4] =	wrdreg $0x9  }
0xb2: {  	_ =	task.clear_ibuf [dreg:s8], $0x5FFFF;
	_ =	strace $0x90000046  }
0xb3: {  	s29 =	simm.s32 $0x9;
	_ =	strace $0x80000048  }
0xb4: {  	_ =	swait.ge [sflag:s29], $0x1  }
0xb5: {  	[sflag:s29] =	ssyncadd.s32 $0xFFFFFFFF  }
0xb6: {  	_ =	strace $0x90000048  }
0xb7: {  	_ =	sfence  }
0xb8: {  	s30 =	sld [smem:$0x0];
	_ =	sdelay $0x2  }
0xb9: {  	s31 =	sshll.u32 s1, $0xD;
	s1 =	sshrl.u32 s1, $0x2  }
0xba: {  	s3 =	sand.u32 $0x4000, s31;
	s1 =	sadd.s32 s1, s30  }
0xbb: {  	s0 =	sor.u32 s3, s0;
	s1 =	sshll.u32 s1, $0x11  }
0xbc: {  	s0 =	sor.u32 s1, s0  }
0xbd: {  	s0 =	sadd.s32 $0x8F2B, s0  }
0xbe: {  	[sflag:s0] =	ssyncadd.remote.s32 $0x1  }
0xbf: {  	_ =	sfence.sel $0xFFFF  }
0xc0: {  	[dreg:$0x0] =	wrdreg $0xFFFFFFFF;
	(pc) =	sbr.abs _section_cstart, $3  }
0xc1: {  	[dreg:$0x1] =	wrdreg $0xFFFFFFFF  }
0xc2: {  	_ =	task.clear_ibuf [dreg:s8], $0x2FFFF;
	_ =	strace $0x9FFFFFFF  }
0xc3: {  	(tm) =	ssettm $0x7FFFFFFF  }
tec
execute0_lowered:
.L_overlay_start_1:
0x0: {  	(tag) =	ssettag $0x1  }
0x1: {  	s0 =	srdreg.scid  }
0x2: {  	s2 =	stileid.u32;
	s4 =	sand.u32 $0x1, s0  }
0x3: {  	s8 =	sshll.u32 s2, $0x6;
	s9 =	sshll.u32 s4, $0x5  }
0x4: {  	s0 =	sor.u32 s9, s8  }
0x5: {  	s1 =	rddreg [dreg:$0x0];
	s2 =	simm.s32 $0x0;
	s5 =	smul.u32 $0x1800, s0  }
0x6: {  	[smem:$0x7FF] =	sst s2  }
0x7: {  	s3 =	rddreg [dreg:$0x1];
	_ =	strace $0x80000047;
	s6 =	sadd.s32 s1, s5  }
0x8: {  	s10 =	sadd.s32 s3, s5;
	s7 =	sor.u32 $0x1800, s5;
	[dreg:$0x3] =	wrdreg s6  }
0x9: {  	[dreg:$0x4] =	wrdreg s10;
	s11 =	sadd.s32 s1, s7  }
0xa: {  	s13 =	sor.u32 $0x3000, s5;
	s12 =	sadd.s32 s3, s7;
	[dreg:$0x5] =	wrdreg s11  }
0xb: {  	s14 =	sadd.s32 s1, s13;
	[dreg:$0x6] =	wrdreg s12  }
0xc: {  	s16 =	sor.u32 $0x4800, s5;
	s15 =	sadd.s32 s3, s13;
	[dreg:$0x7] =	wrdreg s14  }
0xd: {  	s17 =	sadd.s32 s1, s16;
	[dreg:$0x8] =	wrdreg s15  }
0xe: {  	s19 =	sor.u32 $0x6000, s5;
	s18 =	sadd.s32 s3, s16;
	[dreg:$0x9] =	wrdreg s17  }
0xf: {  	s20 =	sadd.s32 s1, s19;
	[dreg:$0xa] =	wrdreg s18  }
0x10: {  	s22 =	sor.u32 $0x7800, s5;
	s21 =	sadd.s32 s3, s19;
	[dreg:$0xb] =	wrdreg s20  }
0x11: {  	s23 =	sadd.s32 s1, s22;
	[dreg:$0xc] =	wrdreg s21  }
0x12: {  	s25 =	sor.u32 $0x9000, s5;
	s24 =	sadd.s32 s3, s22;
	[dreg:$0xd] =	wrdreg s23  }
0x13: {  	s26 =	sadd.s32 s1, s25;
	[dreg:$0xe] =	wrdreg s24  }
0x14: {  	s8 =	sor.u32 $0xA800, s5;
	s7 =	sadd.s32 s3, s25;
	[dreg:$0xf] =	wrdreg s26  }
0x15: {  	s0 =	smul.u32 $0xC000, s0;
	s9 =	sadd.s32 s1, s8;
	[dreg:$0x10] =	wrdreg s7  }
0x16: {  	s10 =	sadd.s32 s3, s8;
	[dreg:$0x11] =	wrdreg s9;
	s11 =	sor.u32 $0xC000, s5  }
0x17: {  	[dreg:$0x12] =	wrdreg s10;
	s14 =	sor.u32 $0xD800, s5;
	s17 =	sor.u32 $0xF000, s5  }
0x18: {  	s5 =	sshrl.u32 s0, $0x3;
	s0 =	rddreg [dreg:$0x3];
	s12 =	sadd.s32 s1, s11  }
0x19: {  	s13 =	sadd.s32 s3, s11;
	[dreg:$0x13] =	wrdreg s12  }
0x1a: {  	s15 =	sadd.s32 s1, s14;
	[dreg:$0x14] =	wrdreg s13  }
0x1b: {  	s16 =	sadd.s32 s3, s14;
	[dreg:$0x15] =	wrdreg s15  }
0x1c: {  	s18 =	sadd.s32 s1, s17;
	[dreg:$0x16] =	wrdreg s16  }
0x1d: {  	s19 =	sadd.s32 s3, s17;
	s20 =	sadd.s32 $0x10800, s5;
	[dreg:$0x17] =	wrdreg s18  }
0x1e: {  	[dreg:$0x18] =	wrdreg s19;
	s21 =	sadd.s32 s1, s20  }
0x1f: {  	s23 =	sadd.s32 $0x12000, s5;
	s22 =	sadd.s32 s3, s20;
	[dreg:$0x19] =	wrdreg s21  }
0x20: {  	p0 =	por $0x0, $0x0;
	s24 =	sadd.s32 s1, s23;
	[dreg:$0x1a] =	wrdreg s22  }
0x21: {  	s26 =	sadd.s32 $0x13800, s5;
	s25 =	sadd.s32 s3, s23;
	[dreg:$0x1b] =	wrdreg s24  }
0x22: {  	s4 =	ssub.s32 $0x2, s4;
	s7 =	sadd.s32 s1, s26;
	[dreg:$0x1c] =	wrdreg s25  }
0x23: {  	s9 =	sadd.s32 $0x15000, s5;
	s8 =	sadd.s32 s3, s26;
	[dreg:$0x1d] =	wrdreg s7  }
0x24: {  	s10 =	sadd.s32 s1, s9;
	s11 =	sadd.s32 s3, s9;
	[dreg:$0x1e] =	wrdreg s8  }
0x25: {  	s12 =	sadd.s32 $0x16800, s5;
	s15 =	sadd.s32 $0x18000, s5;
	[dreg:$0x1f] =	wrdreg s10  }
0x26: {  	s18 =	sadd.s32 $0x19800, s5;
	[smem:$0x7F2] =	sst s11;
	s13 =	sadd.s32 s1, s12  }
0x27: {  	s14 =	sadd.s32 s3, s12;
	s16 =	sadd.s32 s1, s15;
	s17 =	sadd.s32 s3, s15  }
0x28: {  	s19 =	sadd.s32 s1, s18;
	s20 =	sadd.s32 s3, s18;
	[smem:$0x7F3] =	sst s13  }
0x29: {  	s21 =	sadd.s32 $0x1B000, s5;
	s24 =	sadd.s32 $0x1C800, s5;
	[smem:$0x7F4] =	sst s14  }
0x2a: {  	s25 =	sshrl.u32 s4, $0x1;
	s8 =	sadd.s32 $0x1E000, s5;
	[smem:$0x7F5] =	sst s16  }
0x2b: {  	s10 =	sadd.s32 $0x1F800, s5;
	s11 =	sadd.s32 $0x21000, s5;
	[smem:$0x7F6] =	sst s17  }
0x2c: {  	s12 =	sadd.s32 $0x22800, s5;
	s15 =	sadd.s32 $0x27000, s5;
	[smem:$0x7F7] =	sst s19  }
0x2d: {  	[smem:$0x7F8] =	sst s20;
	s22 =	sadd.s32 s1, s21;
	s23 =	sadd.s32 s3, s21  }
0x2e: {  	s26 =	sadd.s32 s1, s24;
	s6 =	sadd.s32 s3, s24;
	s7 =	ssub.s32 s4, s25  }
0x2f: {  	s9 =	sadd.s32 s1, s8;
	s31 =	sadd.s32 s3, s8;
	s30 =	sadd.s32 s1, s10  }
0x30: {  	s29 =	sadd.s32 s3, s10;
	s28 =	sadd.s32 s1, s11;
	s25 =	sadd.s32 s1, s12  }
0x31: {  	s24 =	sadd.s32 s3, s12;
	s13 =	sadd.s32 $0x24000, s5;
	[smem:$0x7F9] =	sst s22  }
0x32: {  	s14 =	sadd.s32 $0x25800, s5;
	s19 =	sadd.s32 s1, s15;
	[smem:$0x7FA] =	sst s23  }
0x33: {  	s18 =	sadd.s32 s3, s15;
	s16 =	sadd.s32 $0x28800, s5;
	[smem:$0x7FB] =	sst s26  }
0x34: {  	s4 =	sadd.s32 $0x2A000, s5;
	s8 =	sadd.s32 $0x2D000, s5;
	[smem:$0x7FC] =	sst s6  }
0x35: {  	s10 =	sadd.s32 $0x2E800, s5;
	[smem:$0x7FD] =	sst s9;
	s26 =	sadd.s32 s3, s11  }
0x36: {  	s23 =	sadd.s32 s1, s13;
	s22 =	sadd.s32 s3, s13;
	s21 =	sadd.s32 s1, s14  }
0x37: {  	s20 =	sadd.s32 s3, s14;
	s17 =	sadd.s32 s1, s16;
	s13 =	smax.u32 s7, $0x1  }
0x38: {  	s16 =	sadd.s32 s3, s16;
	s15 =	sadd.s32 s1, s4;
	p1 =	sne.s32 s13, $0x1  }
.Ltmp0:
0x39: {  	s14 =	sadd.s32 s3, s4;
	s6 =	sadd.s32 $0x2B800, s5;
	(pc) =	sbr.rel @!p1 .LBB2_3-.Ltmp0, $4  }
0x3a: {  	s9 =	sadd.s32 s1, s8;
	s4 =	sadd.s32 s1, s10;
	s7 =	simm.s32 $0x3  }
0x3b: {  	s5 =	simm.s32 $0x4;
	s12 =	sadd.s32 s1, s6;
	s11 =	sadd.s32 s3, s6  }
0x3c: {  	s6 =	sadd.s32 s3, s8;
	s3 =	sadd.s32 s3, s10;
	s1 =	sadd.s32 $0xFFFFFFFF, s13  }
0x3d: {  	s13 =	simm.s32 $0x1;
	s8 =	simm.s32 $0xC000;
	s10 =	simm.s32 $0x2  }
0x3e: {  	[tilespmem:s2], [sflag:$0x1] =	stream.linear.gather [hbm4b:s0+s2], $0xC000, $0x38;
	[tilespmem:$0x18000] =	vst v63  }
0x3f: {  	_ =	swait.ge [sflag:s13], $0xC000  }
0x40: {  	s0 =	rddreg [dreg:$0x4];
	[sflag:s13] =	ssyncset.done $0x0  }
0x41: {  	[smem:$0x7F1] =	sst s1;
	[sflag:s13] =	ssyncadd.s32 $0xFFFF4000  }
0x42: {  	[hbm4b:s0+s2] =	stream.linear.scatter [tilespmem:s2], [sflag:$0x3], $0xC000, $0x38;
	[tilespmem:$0x18000] =	vst v63  }
0x43: {  	s1 =	rddreg [dreg:$0x5]  }
0x44: {  	[tilespmem:s8], [sflag:$0x2] =	stream.linear.gather [hbm4b:s1+s2], $0xC000, $0x38;
	[tilespmem:$0x18000] =	vst v63  }
0x45: {  	_ =	swait.ge [sflag:s10], $0xC000  }
0x46: {  	[sflag:s10] =	ssyncset.done $0x0  }
0x47: {  	s1 =	rddreg [dreg:$0x6];
	[sflag:s10] =	ssyncadd.s32 $0xFFFF4000  }
0x48: {  	[hbm4b:s1+s2] =	stream.linear.scatter [tilespmem:s8], [sflag:$0x4], $0xC000, $0x38;
	[tilespmem:$0x18000] =	vst v63  }
0x49: {  	_ =	swait.ge [sflag:s7], $0xC000  }
0x4a: {  	[sflag:s7] =	ssyncset.done $0x0  }
0x4b: {  	s1 =	rddreg [dreg:$0x7];
	[sflag:s7] =	ssyncadd.s32 $0xFFFF4000  }
0x4c: {  	[tilespmem:s2], [sflag:$0x1] =	stream.linear.gather [hbm4b:s1+s2], $0xC000, $0x38;
	[tilespmem:$0x18000] =	vst v63  }
0x4d: {  	_ =	swait.ge [sflag:s13], $0xC000  }
0x4e: {  	[sflag:s13] =	ssyncset.done $0x0  }
0x4f: {  	s1 =	rddreg [dreg:$0x8];
	[sflag:s13] =	ssyncadd.s32 $0xFFFF4000  }
0x50: {  	[hbm4b:s1+s2] =	stream.linear.scatter [tilespmem:s2], [sflag:$0x3], $0xC000, $0x38;
	[tilespmem:$0x18000] =	vst v63  }
0x51: {  	_ =	swait.ge [sflag:s5], $0xC000  }
0x52: {  	[sflag:s5] =	ssyncset.done $0x0  }
0x53: {  	s1 =	rddreg [dreg:$0x9];
	[sflag:s5] =	ssyncadd.s32 $0xFFFF4000  }
0x54: {  	[tilespmem:s8], [sflag:$0x2] =	stream.linear.gather [hbm4b:s1+s2], $0xC000, $0x38;
	[tilespmem:$0x18000] =	vst v63  }
0x55: {  	_ =	swait.ge [sflag:s10], $0xC000  }
0x56: {  	[sflag:s10] =	ssyncset.done $0x0  }
0x57: {  	s1 =	rddreg [dreg:$0xa];
	[sflag:s10] =	ssyncadd.s32 $0xFFFF4000  }
0x58: {  	[hbm4b:s1+s2] =	stream.linear.scatter [tilespmem:s8], [sflag:$0x4], $0xC000, $0x38;
	[tilespmem:$0x18000] =	vst v63  }
0x59: {  	_ =	swait.ge [sflag:s7], $0xC000  }
0x5a: {  	[sflag:s7] =	ssyncset.done $0x0  }
0x5b: {  	s1 =	rddreg [dreg:$0xb];
	[sflag:s7] =	ssyncadd.s32 $0xFFFF4000  }
0x5c: {  	[tilespmem:s2], [sflag:$0x1] =	stream.linear.gather [hbm4b:s1+s2], $0xC000, $0x38;
	[tilespmem:$0x18000] =	vst v63  }
0x5d: {  	_ =	swait.ge [sflag:s13], $0xC000  }
0x5e: {  	[sflag:s13] =	ssyncset.done $0x0  }
0x5f: {  	s1 =	rddreg [dreg:$0xc];
	[sflag:s13] =	ssyncadd.s32 $0xFFFF4000  }
0x60: {  	[hbm4b:s1+s2] =	stream.linear.scatter [tilespmem:s2], [sflag:$0x3], $0xC000, $0x38;
	[tilespmem:$0x18000] =	vst v63  }
0x61: {  	_ =	swait.ge [sflag:s5], $0xC000  }
0x62: {  	[sflag:s5] =	ssyncset.done $0x0  }
0x63: {  	s1 =	rddreg [dreg:$0xd];
	[sflag:s5] =	ssyncadd.s32 $0xFFFF4000  }
0x64: {  	[tilespmem:s8], [sflag:$0x2] =	stream.linear.gather [hbm4b:s1+s2], $0xC000, $0x38;
	[tilespmem:$0x18000] =	vst v63  }
0x65: {  	_ =	swait.ge [sflag:s10], $0xC000  }
0x66: {  	[sflag:s10] =	ssyncset.done $0x0  }
0x67: {  	s1 =	rddreg [dreg:$0xe];
	[sflag:s10] =	ssyncadd.s32 $0xFFFF4000  }
0x68: {  	[hbm4b:s1+s2] =	stream.linear.scatter [tilespmem:s8], [sflag:$0x4], $0xC000, $0x38;
	[tilespmem:$0x18000] =	vst v63  }
0x69: {  	_ =	swait.ge [sflag:s7], $0xC000  }
0x6a: {  	[sflag:s7] =	ssyncset.done $0x0  }
0x6b: {  	s1 =	rddreg [dreg:$0xf];
	[sflag:s7] =	ssyncadd.s32 $0xFFFF4000  }
0x6c: {  	[tilespmem:s2], [sflag:$0x1] =	stream.linear.gather [hbm4b:s1+s2], $0xC000, $0x38;
	[tilespmem:$0x18000] =	vst v63  }
0x6d: {  	_ =	swait.ge [sflag:s13], $0xC000  }
0x6e: {  	[sflag:s13] =	ssyncset.done $0x0  }
0x6f: {  	s1 =	rddreg [dreg:$0x10];
	[sflag:s13] =	ssyncadd.s32 $0xFFFF4000  }
0x70: {  	[hbm4b:s1+s2] =	stream.linear.scatter [tilespmem:s2], [sflag:$0x3], $0xC000, $0x38;
	[tilespmem:$0x18000] =	vst v63  }
0x71: {  	_ =	swait.ge [sflag:s5], $0xC000  }
0x72: {  	[sflag:s5] =	ssyncset.done $0x0  }
0x73: {  	s1 =	rddreg [dreg:$0x11];
	[sflag:s5] =	ssyncadd.s32 $0xFFFF4000  }
0x74: {  	[tilespmem:s8], [sflag:$0x2] =	stream.linear.gather [hbm4b:s1+s2], $0xC000, $0x38;
	[tilespmem:$0x18000] =	vst v63  }
0x75: {  	_ =	swait.ge [sflag:s10], $0xC000  }
0x76: {  	[sflag:s10] =	ssyncset.done $0x0  }
0x77: {  	s1 =	rddreg [dreg:$0x12];
	[sflag:s10] =	ssyncadd.s32 $0xFFFF4000  }
0x78: {  	[hbm4b:s1+s2] =	stream.linear.scatter [tilespmem:s8], [sflag:$0x4], $0xC000, $0x38;
	[tilespmem:$0x18000] =	vst v63  }
0x79: {  	_ =	swait.ge [sflag:s7], $0xC000  }
0x7a: {  	[sflag:s7] =	ssyncset.done $0x0  }
0x7b: {  	s1 =	rddreg [dreg:$0x13];
	[sflag:s7] =	ssyncadd.s32 $0xFFFF4000  }
0x7c: {  	[tilespmem:s2], [sflag:$0x1] =	stream.linear.gather [hbm4b:s1+s2], $0xC000, $0x38;
	[tilespmem:$0x18000] =	vst v63  }
0x7d: {  	_ =	swait.ge [sflag:s13], $0xC000  }
0x7e: {  	[sflag:s13] =	ssyncset.done $0x0  }
0x7f: {  	s1 =	rddreg [dreg:$0x14];
	[sflag:s13] =	ssyncadd.s32 $0xFFFF4000  }
0x80: {  	[hbm4b:s1+s2] =	stream.linear.scatter [tilespmem:s2], [sflag:$0x3], $0xC000, $0x38;
	[tilespmem:$0x18000] =	vst v63  }
0x81: {  	_ =	swait.ge [sflag:s5], $0xC000  }
0x82: {  	[sflag:s5] =	ssyncset.done $0x0  }
0x83: {  	s1 =	rddreg [dreg:$0x15];
	[sflag:s5] =	ssyncadd.s32 $0xFFFF4000  }
0x84: {  	[tilespmem:s8], [sflag:$0x2] =	stream.linear.gather [hbm4b:s1+s2], $0xC000, $0x38;
	[tilespmem:$0x18000] =	vst v63  }
0x85: {  	_ =	swait.ge [sflag:s10], $0xC000  }
0x86: {  	[sflag:s10] =	ssyncset.done $0x0  }
0x87: {  	s1 =	rddreg [dreg:$0x16];
	[sflag:s10] =	ssyncadd.s32 $0xFFFF4000  }
0x88: {  	[hbm4b:s1+s2] =	stream.linear.scatter [tilespmem:s8], [sflag:$0x4], $0xC000, $0x38;
	[tilespmem:$0x18000] =	vst v63  }
0x89: {  	_ =	swait.ge [sflag:s7], $0xC000  }
0x8a: {  	[sflag:s7] =	ssyncset.done $0x0  }
0x8b: {  	s1 =	rddreg [dreg:$0x17];
	[sflag:s7] =	ssyncadd.s32 $0xFFFF4000  }
0x8c: {  	[tilespmem:s2], [sflag:$0x1] =	stream.linear.gather [hbm4b:s1+s2], $0xC000, $0x38;
	[tilespmem:$0x18000] =	vst v63  }
0x8d: {  	_ =	swait.ge [sflag:s13], $0xC000  }
0x8e: {  	[sflag:s13] =	ssyncset.done $0x0  }
0x8f: {  	s1 =	rddreg [dreg:$0x18];
	[sflag:s13] =	ssyncadd.s32 $0xFFFF4000  }
0x90: {  	[hbm4b:s1+s2] =	stream.linear.scatter [tilespmem:s2], [sflag:$0x3], $0xC000, $0x38;
	[tilespmem:$0x18000] =	vst v63  }
0x91: {  	_ =	swait.ge [sflag:s5], $0xC000  }
0x92: {  	[sflag:s5] =	ssyncset.done $0x0  }
0x93: {  	s1 =	rddreg [dreg:$0x19];
	[sflag:s5] =	ssyncadd.s32 $0xFFFF4000  }
0x94: {  	[tilespmem:s8], [sflag:$0x2] =	stream.linear.gather [hbm4b:s1+s2], $0xC000, $0x38;
	[tilespmem:$0x18000] =	vst v63  }
0x95: {  	_ =	swait.ge [sflag:s10], $0xC000  }
0x96: {  	[sflag:s10] =	ssyncset.done $0x0  }
0x97: {  	s1 =	rddreg [dreg:$0x1a];
	[sflag:s10] =	ssyncadd.s32 $0xFFFF4000  }
0x98: {  	[hbm4b:s1+s2] =	stream.linear.scatter [tilespmem:s8], [sflag:$0x4], $0xC000, $0x38;
	[tilespmem:$0x18000] =	vst v63  }
0x99: {  	_ =	swait.ge [sflag:s7], $0xC000  }
0x9a: {  	[sflag:s7] =	ssyncset.done $0x0  }
0x9b: {  	s1 =	rddreg [dreg:$0x1b];
	[sflag:s7] =	ssyncadd.s32 $0xFFFF4000  }
0x9c: {  	[tilespmem:s2], [sflag:$0x1] =	stream.linear.gather [hbm4b:s1+s2], $0xC000, $0x38;
	[tilespmem:$0x18000] =	vst v63  }
0x9d: {  	_ =	swait.ge [sflag:s13], $0xC000  }
0x9e: {  	[sflag:s13] =	ssyncset.done $0x0  }
0x9f: {  	s1 =	rddreg [dreg:$0x1c];
	[sflag:s13] =	ssyncadd.s32 $0xFFFF4000  }
0xa0: {  	[hbm4b:s1+s2] =	stream.linear.scatter [tilespmem:s2], [sflag:$0x3], $0xC000, $0x38;
	[tilespmem:$0x18000] =	vst v63  }
0xa1: {  	_ =	swait.ge [sflag:s5], $0xC000  }
0xa2: {  	[sflag:s5] =	ssyncset.done $0x0  }
0xa3: {  	s1 =	rddreg [dreg:$0x1d];
	[sflag:s5] =	ssyncadd.s32 $0xFFFF4000  }
0xa4: {  	[tilespmem:s8], [sflag:$0x2] =	stream.linear.gather [hbm4b:s1+s2], $0xC000, $0x38;
	[tilespmem:$0x18000] =	vst v63  }
0xa5: {  	_ =	swait.ge [sflag:s10], $0xC000  }
0xa6: {  	[sflag:s10] =	ssyncset.done $0x0  }
0xa7: {  	s1 =	rddreg [dreg:$0x1e];
	[sflag:s10] =	ssyncadd.s32 $0xFFFF4000  }
0xa8: {  	[hbm4b:s1+s2] =	stream.linear.scatter [tilespmem:s8], [sflag:$0x4], $0xC000, $0x38;
	[tilespmem:$0x18000] =	vst v63  }
0xa9: {  	_ =	swait.ge [sflag:s7], $0xC000  }
0xaa: {  	[sflag:s7] =	ssyncset.done $0x0  }
0xab: {  	s1 =	rddreg [dreg:$0x1f];
	[sflag:s7] =	ssyncadd.s32 $0xFFFF4000  }
0xac: {  	[tilespmem:s2], [sflag:$0x1] =	stream.linear.gather [hbm4b:s1+s2], $0xC000, $0x38;
	[tilespmem:$0x18000] =	vst v63  }
0xad: {  	_ =	swait.ge [sflag:s13], $0xC000  }
0xae: {  	s1 =	sld [smem:$0x7F2]  }
0xaf: {  	[sflag:s13] =	ssyncset.done $0x0  }
0xb0: {  	[sflag:s13] =	ssyncadd.s32 $0xFFFF4000  }
0xb1: {  	[hbm4b:s1+s2] =	stream.linear.scatter [tilespmem:s2], [sflag:$0x3], $0xC000, $0x38;
	[tilespmem:$0x18000] =	vst v63  }
0xb2: {  	_ =	swait.ge [sflag:s5], $0xC000  }
0xb3: {  	s1 =	sld [smem:$0x7F3]  }
0xb4: {  	[sflag:s5] =	ssyncset.done $0x0  }
0xb5: {  	[sflag:s5] =	ssyncadd.s32 $0xFFFF4000  }
0xb6: {  	[tilespmem:s8], [sflag:$0x2] =	stream.linear.gather [hbm4b:s1+s2], $0xC000, $0x38;
	[tilespmem:$0x18000] =	vst v63  }
0xb7: {  	_ =	swait.ge [sflag:s10], $0xC000  }
0xb8: {  	s1 =	sld [smem:$0x7F4]  }
0xb9: {  	[sflag:s10] =	ssyncset.done $0x0  }
0xba: {  	[sflag:s10] =	ssyncadd.s32 $0xFFFF4000  }
0xbb: {  	[hbm4b:s1+s2] =	stream.linear.scatter [tilespmem:s8], [sflag:$0x4], $0xC000, $0x38;
	[tilespmem:$0x18000] =	vst v63  }
0xbc: {  	_ =	swait.ge [sflag:s7], $0xC000  }
0xbd: {  	s1 =	sld [smem:$0x7F5]  }
0xbe: {  	[sflag:s7] =	ssyncset.done $0x0  }
0xbf: {  	[sflag:s7] =	ssyncadd.s32 $0xFFFF4000  }
0xc0: {  	[tilespmem:s2], [sflag:$0x1] =	stream.linear.gather [hbm4b:s1+s2], $0xC000, $0x38;
	[tilespmem:$0x18000] =	vst v63  }
0xc1: {  	_ =	swait.ge [sflag:s13], $0xC000  }
0xc2: {  	s1 =	sld [smem:$0x7F6]  }
0xc3: {  	[sflag:s13] =	ssyncset.done $0x0  }
0xc4: {  	[sflag:s13] =	ssyncadd.s32 $0xFFFF4000  }
0xc5: {  	[hbm4b:s1+s2] =	stream.linear.scatter [tilespmem:s2], [sflag:$0x3], $0xC000, $0x38;
	[tilespmem:$0x18000] =	vst v63  }
0xc6: {  	_ =	swait.ge [sflag:s5], $0xC000  }
0xc7: {  	s1 =	sld [smem:$0x7F7]  }
0xc8: {  	[sflag:s5] =	ssyncset.done $0x0  }
0xc9: {  	[sflag:s5] =	ssyncadd.s32 $0xFFFF4000  }
0xca: {  	[tilespmem:s8], [sflag:$0x2] =	stream.linear.gather [hbm4b:s1+s2], $0xC000, $0x38;
	[tilespmem:$0x18000] =	vst v63  }
0xcb: {  	_ =	swait.ge [sflag:s10], $0xC000  }
0xcc: {  	s1 =	sld [smem:$0x7F8]  }
0xcd: {  	[sflag:s10] =	ssyncset.done $0x0  }
0xce: {  	[sflag:s10] =	ssyncadd.s32 $0xFFFF4000  }
0xcf: {  	[hbm4b:s1+s2] =	stream.linear.scatter [tilespmem:s8], [sflag:$0x4], $0xC000, $0x38;
	[tilespmem:$0x18000] =	vst v63  }
0xd0: {  	_ =	swait.ge [sflag:s7], $0xC000  }
0xd1: {  	s1 =	sld [smem:$0x7F9]  }
0xd2: {  	[sflag:s7] =	ssyncset.done $0x0  }
0xd3: {  	[sflag:s7] =	ssyncadd.s32 $0xFFFF4000  }
0xd4: {  	[tilespmem:s2], [sflag:$0x1] =	stream.linear.gather [hbm4b:s1+s2], $0xC000, $0x38;
	[tilespmem:$0x18000] =	vst v63  }
0xd5: {  	_ =	swait.ge [sflag:s13], $0xC000  }
0xd6: {  	s1 =	sld [smem:$0x7FA]  }
0xd7: {  	[sflag:s13] =	ssyncset.done $0x0  }
0xd8: {  	[sflag:s13] =	ssyncadd.s32 $0xFFFF4000  }
0xd9: {  	[hbm4b:s1+s2] =	stream.linear.scatter [tilespmem:s2], [sflag:$0x3], $0xC000, $0x38;
	[tilespmem:$0x18000] =	vst v63  }
0xda: {  	_ =	swait.ge [sflag:s5], $0xC000  }
0xdb: {  	s1 =	sld [smem:$0x7FB]  }
0xdc: {  	[sflag:s5] =	ssyncset.done $0x0  }
0xdd: {  	[sflag:s5] =	ssyncadd.s32 $0xFFFF4000  }
0xde: {  	[tilespmem:s8], [sflag:$0x2] =	stream.linear.gather [hbm4b:s1+s2], $0xC000, $0x38;
	[tilespmem:$0x18000] =	vst v63  }
0xdf: {  	_ =	swait.ge [sflag:s10], $0xC000  }
0xe0: {  	s1 =	sld [smem:$0x7FC]  }
0xe1: {  	[sflag:s10] =	ssyncset.done $0x0  }
0xe2: {  	[sflag:s10] =	ssyncadd.s32 $0xFFFF4000  }
0xe3: {  	[hbm4b:s1+s2] =	stream.linear.scatter [tilespmem:s8], [sflag:$0x4], $0xC000, $0x38;
	[tilespmem:$0x18000] =	vst v63  }
0xe4: {  	_ =	swait.ge [sflag:s7], $0xC000  }
0xe5: {  	s1 =	sld [smem:$0x7FD]  }
0xe6: {  	[sflag:s7] =	ssyncset.done $0x0  }
0xe7: {  	[sflag:s7] =	ssyncadd.s32 $0xFFFF4000  }
0xe8: {  	[tilespmem:s2], [sflag:$0x1] =	stream.linear.gather [hbm4b:s1+s2], $0xC000, $0x38;
	[tilespmem:$0x18000] =	vst v63  }
0xe9: {  	_ =	swait.ge [sflag:s13], $0xC000  }
0xea: {  	[sflag:s13] =	ssyncset.done $0x0  }
0xeb: {  	[sflag:s13] =	ssyncadd.s32 $0xFFFF4000  }
0xec: {  	[hbm4b:s31+s2] =	stream.linear.scatter [tilespmem:s2], [sflag:$0x3], $0xC000, $0x38;
	[tilespmem:$0x18000] =	vst v63  }
0xed: {  	_ =	swait.ge [sflag:s5], $0xC000  }
0xee: {  	[sflag:s5] =	ssyncset.done $0x0  }
0xef: {  	[sflag:s5] =	ssyncadd.s32 $0xFFFF4000  }
0xf0: {  	[tilespmem:s8], [sflag:$0x2] =	stream.linear.gather [hbm4b:s30+s2], $0xC000, $0x38;
	[tilespmem:$0x18000] =	vst v63  }
0xf1: {  	_ =	swait.ge [sflag:s10], $0xC000  }
0xf2: {  	[sflag:s10] =	ssyncset.done $0x0  }
0xf3: {  	[sflag:s10] =	ssyncadd.s32 $0xFFFF4000  }
0xf4: {  	[hbm4b:s29+s2] =	stream.linear.scatter [tilespmem:s8], [sflag:$0x4], $0xC000, $0x38;
	[tilespmem:$0x18000] =	vst v63  }
0xf5: {  	_ =	swait.ge [sflag:s7], $0xC000  }
0xf6: {  	[sflag:s7] =	ssyncset.done $0x0  }
0xf7: {  	[sflag:s7] =	ssyncadd.s32 $0xFFFF4000  }
0xf8: {  	[tilespmem:s2], [sflag:$0x1] =	stream.linear.gather [hbm4b:s28+s2], $0xC000, $0x38;
	[tilespmem:$0x18000] =	vst v63  }
0xf9: {  	_ =	swait.ge [sflag:s13], $0xC000  }
0xfa: {  	[sflag:s13] =	ssyncset.done $0x0  }
0xfb: {  	[sflag:s13] =	ssyncadd.s32 $0xFFFF4000  }
0xfc: {  	[hbm4b:s26+s2] =	stream.linear.scatter [tilespmem:s2], [sflag:$0x3], $0xC000, $0x38;
	[tilespmem:$0x18000] =	vst v63  }
0xfd: {  	_ =	swait.ge [sflag:s5], $0xC000  }
0xfe: {  	[sflag:s5] =	ssyncset.done $0x0  }
0xff: {  	[sflag:s5] =	ssyncadd.s32 $0xFFFF4000  }
0x100: {  	[tilespmem:s8], [sflag:$0x2] =	stream.linear.gather [hbm4b:s25+s2], $0xC000, $0x38;
	[tilespmem:$0x18000] =	vst v63  }
0x101: {  	_ =	swait.ge [sflag:s10], $0xC000  }
0x102: {  	[sflag:s10] =	ssyncset.done $0x0  }
0x103: {  	[sflag:s10] =	ssyncadd.s32 $0xFFFF4000  }
0x104: {  	[hbm4b:s24+s2] =	stream.linear.scatter [tilespmem:s8], [sflag:$0x4], $0xC000, $0x38;
	[tilespmem:$0x18000] =	vst v63  }
0x105: {  	_ =	swait.ge [sflag:s7], $0xC000  }
0x106: {  	[sflag:s7] =	ssyncset.done $0x0  }
0x107: {  	[sflag:s7] =	ssyncadd.s32 $0xFFFF4000  }
0x108: {  	[tilespmem:s2], [sflag:$0x1] =	stream.linear.gather [hbm4b:s23+s2], $0xC000, $0x38;
	[tilespmem:$0x18000] =	vst v63  }
0x109: {  	_ =	swait.ge [sflag:s13], $0xC000  }
0x10a: {  	[sflag:s13] =	ssyncset.done $0x0  }
0x10b: {  	[sflag:s13] =	ssyncadd.s32 $0xFFFF4000  }
0x10c: {  	[hbm4b:s22+s2] =	stream.linear.scatter [tilespmem:s2], [sflag:$0x3], $0xC000, $0x38;
	[tilespmem:$0x18000] =	vst v63  }
0x10d: {  	_ =	swait.ge [sflag:s5], $0xC000  }
0x10e: {  	[sflag:s5] =	ssyncset.done $0x0  }
0x10f: {  	[sflag:s5] =	ssyncadd.s32 $0xFFFF4000  }
0x110: {  	[tilespmem:s8], [sflag:$0x2] =	stream.linear.gather [hbm4b:s21+s2], $0xC000, $0x38;
	[tilespmem:$0x18000] =	vst v63  }
0x111: {  	_ =	swait.ge [sflag:s10], $0xC000  }
0x112: {  	[sflag:s10] =	ssyncset.done $0x0  }
0x113: {  	[sflag:s10] =	ssyncadd.s32 $0xFFFF4000  }
0x114: {  	[hbm4b:s20+s2] =	stream.linear.scatter [tilespmem:s8], [sflag:$0x4], $0xC000, $0x38;
	[tilespmem:$0x18000] =	vst v63  }
0x115: {  	_ =	swait.ge [sflag:s7], $0xC000  }
0x116: {  	[sflag:s7] =	ssyncset.done $0x0  }
0x117: {  	[sflag:s7] =	ssyncadd.s32 $0xFFFF4000  }
0x118: {  	[tilespmem:s2], [sflag:$0x1] =	stream.linear.gather [hbm4b:s19+s2], $0xC000, $0x38;
	[tilespmem:$0x18000] =	vst v63  }
0x119: {  	_ =	swait.ge [sflag:s13], $0xC000  }
0x11a: {  	[sflag:s13] =	ssyncset.done $0x0  }
0x11b: {  	[sflag:s13] =	ssyncadd.s32 $0xFFFF4000  }
0x11c: {  	[hbm4b:s18+s2] =	stream.linear.scatter [tilespmem:s2], [sflag:$0x3], $0xC000, $0x38;
	[tilespmem:$0x18000] =	vst v63  }
0x11d: {  	_ =	swait.ge [sflag:s5], $0xC000  }
0x11e: {  	[sflag:s5] =	ssyncset.done $0x0  }
0x11f: {  	[sflag:s5] =	ssyncadd.s32 $0xFFFF4000  }
0x120: {  	[tilespmem:s8], [sflag:$0x2] =	stream.linear.gather [hbm4b:s17+s2], $0xC000, $0x38;
	[tilespmem:$0x18000] =	vst v63  }
0x121: {  	_ =	swait.ge [sflag:s10], $0xC000  }
0x122: {  	[sflag:s10] =	ssyncset.done $0x0  }
0x123: {  	[sflag:s10] =	ssyncadd.s32 $0xFFFF4000  }
0x124: {  	[hbm4b:s16+s2] =	stream.linear.scatter [tilespmem:s8], [sflag:$0x4], $0xC000, $0x38;
	[tilespmem:$0x18000] =	vst v63  }
0x125: {  	_ =	swait.ge [sflag:s7], $0xC000  }
0x126: {  	[sflag:s7] =	ssyncset.done $0x0  }
0x127: {  	[sflag:s7] =	ssyncadd.s32 $0xFFFF4000  }
0x128: {  	[tilespmem:s2], [sflag:$0x1] =	stream.linear.gather [hbm4b:s15+s2], $0xC000, $0x38;
	[tilespmem:$0x18000] =	vst v63  }
0x129: {  	_ =	swait.ge [sflag:s13], $0xC000  }
0x12a: {  	[sflag:s13] =	ssyncset.done $0x0  }
0x12b: {  	[sflag:s13] =	ssyncadd.s32 $0xFFFF4000  }
0x12c: {  	[hbm4b:s14+s2] =	stream.linear.scatter [tilespmem:s2], [sflag:$0x3], $0xC000, $0x38;
	[tilespmem:$0x18000] =	vst v63  }
0x12d: {  	_ =	swait.ge [sflag:s5], $0xC000  }
0x12e: {  	[sflag:s5] =	ssyncset.done $0x0  }
0x12f: {  	[sflag:s5] =	ssyncadd.s32 $0xFFFF4000  }
0x130: {  	[tilespmem:s8], [sflag:$0x2] =	stream.linear.gather [hbm4b:s12+s2], $0xC000, $0x38;
	[tilespmem:$0x18000] =	vst v63  }
0x131: {  	_ =	swait.ge [sflag:s10], $0xC000  }
0x132: {  	[sflag:s10] =	ssyncset.done $0x0  }
0x133: {  	[sflag:s10] =	ssyncadd.s32 $0xFFFF4000  }
0x134: {  	[hbm4b:s11+s2] =	stream.linear.scatter [tilespmem:s8], [sflag:$0x4], $0xC000, $0x38;
	[tilespmem:$0x18000] =	vst v63  }
0x135: {  	_ =	swait.ge [sflag:s7], $0xC000  }
0x136: {  	[sflag:s7] =	ssyncset.done $0x0  }
0x137: {  	[sflag:s7] =	ssyncadd.s32 $0xFFFF4000  }
0x138: {  	[tilespmem:s2], [sflag:$0x1] =	stream.linear.gather [hbm4b:s9+s2], $0xC000, $0x38;
	[tilespmem:$0x18000] =	vst v63  }
0x139: {  	_ =	swait.ge [sflag:s13], $0xC000  }
0x13a: {  	[sflag:s13] =	ssyncset.done $0x0  }
0x13b: {  	[sflag:s13] =	ssyncadd.s32 $0xFFFF4000  }
0x13c: {  	[hbm4b:s6+s2] =	stream.linear.scatter [tilespmem:s2], [sflag:$0x3], $0xC000, $0x38;
	[tilespmem:$0x18000] =	vst v63  }
0x13d: {  	_ =	swait.ge [sflag:s5], $0xC000  }
0x13e: {  	[sflag:s5] =	ssyncset.done $0x0  }
0x13f: {  	[sflag:s5] =	ssyncadd.s32 $0xFFFF4000  }
0x140: {  	[tilespmem:s8], [sflag:$0x2] =	stream.linear.gather [hbm4b:s4+s2], $0xC000, $0x38;
	[tilespmem:$0x18000] =	vst v63  }
0x141: {  	_ =	swait.ge [sflag:s10], $0xC000  }
0x142: {  	[sflag:s10] =	ssyncset.done $0x0  }
0x143: {  	[sflag:s10] =	ssyncadd.s32 $0xFFFF4000  }
0x144: {  	[hbm4b:s3+s2] =	stream.linear.scatter [tilespmem:s8], [sflag:$0x4], $0xC000, $0x38;
	[tilespmem:$0x18000] =	vst v63  }
0x145: {  	_ =	swait.ge [sflag:s7], $0xC000  }
0x146: {  	s1 =	sld [smem:$0x7F1];
	_ =	sdelay $0x2  }
0x147: {  	p1 =	sne.s32 s1, $0x1  }
.Ltmp1:
0x148: {  	_ = 	snop;
	(pc) =	sbr.rel @!p1 .LBB2_3-.Ltmp1, $4  }
0x149: {  	[sflag:s7] =	ssyncset.done $0x0  }
0x14a: {  	[sflag:s7] =	ssyncadd.s32 $0xFFFF4000  }
0x14b: {  	p0 =	por $0x1, $0x1;
	_ =	swait.ge [sflag:s5], $0xC000  }
0x14c: {  	s1 =	sadd.s32 $0xFFFFFFFF, s1;
	s0 =	rddreg [dreg:$0x3];
	[sflag:s5] =	ssyncset.done $0x0  }
.LBB2_2:
0x14d: {  	p1 =	sne.s32 s1, $0x1;
	s8 =	sadd.s32 $0xFFFFFFFF, s1  }
0x14e: {  	[sflag:s5] =	ssyncadd.s32 $0xFFFF4000;
	s5 =	simm.s32 $0xC000;
	s1 =	smov.u32 s31  }
0x14f: {  	s31 =	smov.u32 s30;
	s30 =	smov.u32 s29;
	s29 =	smov.u32 s28  }
0x150: {  	s28 =	smov.u32 s26;
	s26 =	smov.u32 s25;
	s25 =	smov.u32 s24  }
0x151: {  	s24 =	smov.u32 s23;
	s23 =	smov.u32 s22;
	s22 =	smov.u32 s21  }
0x152: {  	s21 =	smov.u32 s20;
	s20 =	smov.u32 s19;
	s19 =	smov.u32 s18  }
0x153: {  	s18 =	smov.u32 s17;
	s17 =	smov.u32 s16;
	s16 =	smov.u32 s15  }
0x154: {  	[tilespmem:s2], [sflag:$0x1] =	stream.linear.gather [hbm4b:s0+s2], $0xC000, $0x38;
	[tilespmem:$0x18000] =	vst v63  }
0x155: {  	s15 =	smov.u32 s14;
	s14 =	smov.u32 s12;
	_ =	swait.ge [sflag:s13], $0xC000  }
0x156: {  	s12 =	smov.u32 s11;
	s11 =	smov.u32 s9;
	[sflag:s13] =	ssyncset.done $0x0  }
0x157: {  	s9 =	smov.u32 s6;
	s0 =	rddreg [dreg:$0x4];
	[sflag:s13] =	ssyncadd.s32 $0xFFFF4000  }
0x158: {  	[hbm4b:s0+s2] =	stream.linear.scatter [tilespmem:s2], [sflag:$0x3], $0xC000, $0x38;
	[tilespmem:$0x18000] =	vst v63  }
0x159: {  	s6 =	smov.u32 s4;
	s4 =	smov.u32 s3;
	s3 =	rddreg [dreg:$0x5]  }
0x15a: {  	[tilespmem:s5], [sflag:$0x2] =	stream.linear.gather [hbm4b:s3+s2], $0xC000, $0x38;
	[tilespmem:$0x18000] =	vst v63  }
0x15b: {  	s3 =	smov.u32 s4;
	s4 =	smov.u32 s6  }
0x15c: {  	s6 =	smov.u32 s9;
	s9 =	smov.u32 s11;
	s11 =	smov.u32 s12  }
0x15d: {  	s12 =	smov.u32 s14;
	s14 =	smov.u32 s15;
	s15 =	smov.u32 s16  }
0x15e: {  	s16 =	smov.u32 s17;
	s17 =	smov.u32 s18;
	s18 =	smov.u32 s19  }
0x15f: {  	s19 =	smov.u32 s20;
	s20 =	smov.u32 s21;
	s21 =	smov.u32 s22  }
0x160: {  	s22 =	smov.u32 s23;
	s23 =	smov.u32 s24;
	s24 =	smov.u32 s25  }
0x161: {  	s25 =	smov.u32 s26;
	s26 =	smov.u32 s28;
	s28 =	smov.u32 s29  }
0x162: {  	s29 =	smov.u32 s30;
	s30 =	smov.u32 s31;
	_ =	swait.ge [sflag:s10], $0xC000  }
0x163: {  	s31 =	smov.u32 s1;
	s1 =	smov.u32 s8;
	[sflag:s10] =	ssyncset.done $0x0  }
0x164: {  	s8 =	simm.s32 $0xC000;
	s0 =	rddreg [dreg:$0x6];
	[sflag:s10] =	ssyncadd.s32 $0xFFFF4000  }
0x165: {  	[hbm4b:s0+s2] =	stream.linear.scatter [tilespmem:s8], [sflag:$0x4], $0xC000, $0x38;
	[tilespmem:$0x18000] =	vst v63  }
0x166: {  	_ =	swait.ge [sflag:s7], $0xC000  }
0x167: {  	[sflag:s7] =	ssyncset.done $0x0  }
0x168: {  	s0 =	rddreg [dreg:$0x7];
	[sflag:s7] =	ssyncadd.s32 $0xFFFF4000  }
0x169: {  	[tilespmem:s2], [sflag:$0x1] =	stream.linear.gather [hbm4b:s0+s2], $0xC000, $0x38;
	[tilespmem:$0x18000] =	vst v63  }
0x16a: {  	_ =	swait.ge [sflag:s13], $0xC000  }
0x16b: {  	[sflag:s13] =	ssyncset.done $0x0  }
0x16c: {  	s5 =	simm.s32 $0x4;
	s0 =	rddreg [dreg:$0x8];
	[sflag:s13] =	ssyncadd.s32 $0xFFFF4000  }
0x16d: {  	[hbm4b:s0+s2] =	stream.linear.scatter [tilespmem:s2], [sflag:$0x3], $0xC000, $0x38;
	[tilespmem:$0x18000] =	vst v63  }
0x16e: {  	_ =	swait.ge [sflag:s5], $0xC000  }
0x16f: {  	[sflag:s5] =	ssyncset.done $0x0  }
0x170: {  	s0 =	rddreg [dreg:$0x9];
	[sflag:s5] =	ssyncadd.s32 $0xFFFF4000  }
0x171: {  	[tilespmem:s8], [sflag:$0x2] =	stream.linear.gather [hbm4b:s0+s2], $0xC000, $0x38;
	[tilespmem:$0x18000] =	vst v63  }
0x172: {  	_ =	swait.ge [sflag:s10], $0xC000  }
0x173: {  	[sflag:s10] =	ssyncset.done $0x0  }
0x174: {  	s0 =	rddreg [dreg:$0xa];
	[sflag:s10] =	ssyncadd.s32 $0xFFFF4000  }
0x175: {  	[hbm4b:s0+s2] =	stream.linear.scatter [tilespmem:s8], [sflag:$0x4], $0xC000, $0x38;
	[tilespmem:$0x18000] =	vst v63  }
0x176: {  	_ =	swait.ge [sflag:s7], $0xC000  }
0x177: {  	[sflag:s7] =	ssyncset.done $0x0  }
0x178: {  	s0 =	rddreg [dreg:$0xb];
	[sflag:s7] =	ssyncadd.s32 $0xFFFF4000  }
0x179: {  	[tilespmem:s2], [sflag:$0x1] =	stream.linear.gather [hbm4b:s0+s2], $0xC000, $0x38;
	[tilespmem:$0x18000] =	vst v63  }
0x17a: {  	_ =	swait.ge [sflag:s13], $0xC000  }
0x17b: {  	[sflag:s13] =	ssyncset.done $0x0  }
0x17c: {  	s0 =	rddreg [dreg:$0xc];
	[sflag:s13] =	ssyncadd.s32 $0xFFFF4000  }
0x17d: {  	[hbm4b:s0+s2] =	stream.linear.scatter [tilespmem:s2], [sflag:$0x3], $0xC000, $0x38;
	[tilespmem:$0x18000] =	vst v63  }
0x17e: {  	_ =	swait.ge [sflag:s5], $0xC000  }
0x17f: {  	[sflag:s5] =	ssyncset.done $0x0  }
0x180: {  	s0 =	rddreg [dreg:$0xd];
	[sflag:s5] =	ssyncadd.s32 $0xFFFF4000  }
0x181: {  	[tilespmem:s8], [sflag:$0x2] =	stream.linear.gather [hbm4b:s0+s2], $0xC000, $0x38;
	[tilespmem:$0x18000] =	vst v63  }
0x182: {  	_ =	swait.ge [sflag:s10], $0xC000  }
0x183: {  	[sflag:s10] =	ssyncset.done $0x0  }
0x184: {  	s0 =	rddreg [dreg:$0xe];
	[sflag:s10] =	ssyncadd.s32 $0xFFFF4000  }
0x185: {  	[hbm4b:s0+s2] =	stream.linear.scatter [tilespmem:s8], [sflag:$0x4], $0xC000, $0x38;
	[tilespmem:$0x18000] =	vst v63  }
0x186: {  	_ =	swait.ge [sflag:s7], $0xC000  }
0x187: {  	[sflag:s7] =	ssyncset.done $0x0  }
0x188: {  	s0 =	rddreg [dreg:$0xf];
	[sflag:s7] =	ssyncadd.s32 $0xFFFF4000  }
0x189: {  	[tilespmem:s2], [sflag:$0x1] =	stream.linear.gather [hbm4b:s0+s2], $0xC000, $0x38;
	[tilespmem:$0x18000] =	vst v63  }
0x18a: {  	_ =	swait.ge [sflag:s13], $0xC000  }
0x18b: {  	[sflag:s13] =	ssyncset.done $0x0  }
0x18c: {  	s0 =	rddreg [dreg:$0x10];
	[sflag:s13] =	ssyncadd.s32 $0xFFFF4000  }
0x18d: {  	[hbm4b:s0+s2] =	stream.linear.scatter [tilespmem:s2], [sflag:$0x3], $0xC000, $0x38;
	[tilespmem:$0x18000] =	vst v63  }
0x18e: {  	_ =	swait.ge [sflag:s5], $0xC000  }
0x18f: {  	[sflag:s5] =	ssyncset.done $0x0  }
0x190: {  	s0 =	rddreg [dreg:$0x11];
	[sflag:s5] =	ssyncadd.s32 $0xFFFF4000  }
0x191: {  	[tilespmem:s8], [sflag:$0x2] =	stream.linear.gather [hbm4b:s0+s2], $0xC000, $0x38;
	[tilespmem:$0x18000] =	vst v63  }
0x192: {  	_ =	swait.ge [sflag:s10], $0xC000  }
0x193: {  	[sflag:s10] =	ssyncset.done $0x0  }
0x194: {  	s0 =	rddreg [dreg:$0x12];
	[sflag:s10] =	ssyncadd.s32 $0xFFFF4000  }
0x195: {  	[hbm4b:s0+s2] =	stream.linear.scatter [tilespmem:s8], [sflag:$0x4], $0xC000, $0x38;
	[tilespmem:$0x18000] =	vst v63  }
0x196: {  	_ =	swait.ge [sflag:s7], $0xC000  }
0x197: {  	[sflag:s7] =	ssyncset.done $0x0  }
0x198: {  	s0 =	rddreg [dreg:$0x13];
	[sflag:s7] =	ssyncadd.s32 $0xFFFF4000  }
0x199: {  	[tilespmem:s2], [sflag:$0x1] =	stream.linear.gather [hbm4b:s0+s2], $0xC000, $0x38;
	[tilespmem:$0x18000] =	vst v63  }
0x19a: {  	_ =	swait.ge [sflag:s13], $0xC000  }
0x19b: {  	[sflag:s13] =	ssyncset.done $0x0  }
0x19c: {  	s0 =	rddreg [dreg:$0x14];
	[sflag:s13] =	ssyncadd.s32 $0xFFFF4000  }
0x19d: {  	[hbm4b:s0+s2] =	stream.linear.scatter [tilespmem:s2], [sflag:$0x3], $0xC000, $0x38;
	[tilespmem:$0x18000] =	vst v63  }
0x19e: {  	_ =	swait.ge [sflag:s5], $0xC000  }
0x19f: {  	[sflag:s5] =	ssyncset.done $0x0  }
0x1a0: {  	s0 =	rddreg [dreg:$0x15];
	[sflag:s5] =	ssyncadd.s32 $0xFFFF4000  }
0x1a1: {  	[tilespmem:s8], [sflag:$0x2] =	stream.linear.gather [hbm4b:s0+s2], $0xC000, $0x38;
	[tilespmem:$0x18000] =	vst v63  }
0x1a2: {  	_ =	swait.ge [sflag:s10], $0xC000  }
0x1a3: {  	[sflag:s10] =	ssyncset.done $0x0  }
0x1a4: {  	s0 =	rddreg [dreg:$0x16];
	[sflag:s10] =	ssyncadd.s32 $0xFFFF4000  }
0x1a5: {  	[hbm4b:s0+s2] =	stream.linear.scatter [tilespmem:s8], [sflag:$0x4], $0xC000, $0x38;
	[tilespmem:$0x18000] =	vst v63  }
0x1a6: {  	_ =	swait.ge [sflag:s7], $0xC000  }
0x1a7: {  	[sflag:s7] =	ssyncset.done $0x0  }
0x1a8: {  	s0 =	rddreg [dreg:$0x17];
	[sflag:s7] =	ssyncadd.s32 $0xFFFF4000  }
0x1a9: {  	[tilespmem:s2], [sflag:$0x1] =	stream.linear.gather [hbm4b:s0+s2], $0xC000, $0x38;
	[tilespmem:$0x18000] =	vst v63  }
0x1aa: {  	_ =	swait.ge [sflag:s13], $0xC000  }
0x1ab: {  	[sflag:s13] =	ssyncset.done $0x0  }
0x1ac: {  	s0 =	rddreg [dreg:$0x18];
	[sflag:s13] =	ssyncadd.s32 $0xFFFF4000  }
0x1ad: {  	[hbm4b:s0+s2] =	stream.linear.scatter [tilespmem:s2], [sflag:$0x3], $0xC000, $0x38;
	[tilespmem:$0x18000] =	vst v63  }
0x1ae: {  	_ =	swait.ge [sflag:s5], $0xC000  }
0x1af: {  	[sflag:s5] =	ssyncset.done $0x0  }
0x1b0: {  	s0 =	rddreg [dreg:$0x19];
	[sflag:s5] =	ssyncadd.s32 $0xFFFF4000  }
0x1b1: {  	[tilespmem:s8], [sflag:$0x2] =	stream.linear.gather [hbm4b:s0+s2], $0xC000, $0x38;
	[tilespmem:$0x18000] =	vst v63  }
0x1b2: {  	_ =	swait.ge [sflag:s10], $0xC000  }
0x1b3: {  	[sflag:s10] =	ssyncset.done $0x0  }
0x1b4: {  	s0 =	rddreg [dreg:$0x1a];
	[sflag:s10] =	ssyncadd.s32 $0xFFFF4000  }
0x1b5: {  	[hbm4b:s0+s2] =	stream.linear.scatter [tilespmem:s8], [sflag:$0x4], $0xC000, $0x38;
	[tilespmem:$0x18000] =	vst v63  }
0x1b6: {  	_ =	swait.ge [sflag:s7], $0xC000  }
0x1b7: {  	[sflag:s7] =	ssyncset.done $0x0  }
0x1b8: {  	s0 =	rddreg [dreg:$0x1b];
	[sflag:s7] =	ssyncadd.s32 $0xFFFF4000  }
0x1b9: {  	[tilespmem:s2], [sflag:$0x1] =	stream.linear.gather [hbm4b:s0+s2], $0xC000, $0x38;
	[tilespmem:$0x18000] =	vst v63  }
0x1ba: {  	_ =	swait.ge [sflag:s13], $0xC000  }
0x1bb: {  	[sflag:s13] =	ssyncset.done $0x0  }
0x1bc: {  	s0 =	rddreg [dreg:$0x1c];
	[sflag:s13] =	ssyncadd.s32 $0xFFFF4000  }
0x1bd: {  	[hbm4b:s0+s2] =	stream.linear.scatter [tilespmem:s2], [sflag:$0x3], $0xC000, $0x38;
	[tilespmem:$0x18000] =	vst v63  }
0x1be: {  	_ =	swait.ge [sflag:s5], $0xC000  }
0x1bf: {  	[sflag:s5] =	ssyncset.done $0x0  }
0x1c0: {  	s0 =	rddreg [dreg:$0x1d];
	[sflag:s5] =	ssyncadd.s32 $0xFFFF4000  }
0x1c1: {  	[tilespmem:s8], [sflag:$0x2] =	stream.linear.gather [hbm4b:s0+s2], $0xC000, $0x38;
	[tilespmem:$0x18000] =	vst v63  }
0x1c2: {  	_ =	swait.ge [sflag:s10], $0xC000  }
0x1c3: {  	[sflag:s10] =	ssyncset.done $0x0  }
0x1c4: {  	s0 =	rddreg [dreg:$0x1e];
	[sflag:s10] =	ssyncadd.s32 $0xFFFF4000  }
0x1c5: {  	[hbm4b:s0+s2] =	stream.linear.scatter [tilespmem:s8], [sflag:$0x4], $0xC000, $0x38;
	[tilespmem:$0x18000] =	vst v63  }
0x1c6: {  	_ =	swait.ge [sflag:s7], $0xC000  }
0x1c7: {  	[sflag:s7] =	ssyncset.done $0x0  }
0x1c8: {  	s0 =	rddreg [dreg:$0x1f];
	[sflag:s7] =	ssyncadd.s32 $0xFFFF4000  }
0x1c9: {  	[tilespmem:s2], [sflag:$0x1] =	stream.linear.gather [hbm4b:s0+s2], $0xC000, $0x38;
	[tilespmem:$0x18000] =	vst v63  }
0x1ca: {  	_ =	swait.ge [sflag:s13], $0xC000  }
0x1cb: {  	s0 =	sld [smem:$0x7F2]  }
0x1cc: {  	[sflag:s13] =	ssyncset.done $0x0  }
0x1cd: {  	[sflag:s13] =	ssyncadd.s32 $0xFFFF4000  }
0x1ce: {  	[hbm4b:s0+s2] =	stream.linear.scatter [tilespmem:s2], [sflag:$0x3], $0xC000, $0x38;
	[tilespmem:$0x18000] =	vst v63  }
0x1cf: {  	_ =	swait.ge [sflag:s5], $0xC000  }
0x1d0: {  	s0 =	sld [smem:$0x7F3]  }
0x1d1: {  	[sflag:s5] =	ssyncset.done $0x0  }
0x1d2: {  	[sflag:s5] =	ssyncadd.s32 $0xFFFF4000  }
0x1d3: {  	[tilespmem:s8], [sflag:$0x2] =	stream.linear.gather [hbm4b:s0+s2], $0xC000, $0x38;
	[tilespmem:$0x18000] =	vst v63  }
0x1d4: {  	_ =	swait.ge [sflag:s10], $0xC000  }
0x1d5: {  	s0 =	sld [smem:$0x7F4]  }
0x1d6: {  	[sflag:s10] =	ssyncset.done $0x0  }
0x1d7: {  	[sflag:s10] =	ssyncadd.s32 $0xFFFF4000  }
0x1d8: {  	[hbm4b:s0+s2] =	stream.linear.scatter [tilespmem:s8], [sflag:$0x4], $0xC000, $0x38;
	[tilespmem:$0x18000] =	vst v63  }
0x1d9: {  	_ =	swait.ge [sflag:s7], $0xC000  }
0x1da: {  	s0 =	sld [smem:$0x7F5]  }
0x1db: {  	[sflag:s7] =	ssyncset.done $0x0  }
0x1dc: {  	[sflag:s7] =	ssyncadd.s32 $0xFFFF4000  }
0x1dd: {  	[tilespmem:s2], [sflag:$0x1] =	stream.linear.gather [hbm4b:s0+s2], $0xC000, $0x38;
	[tilespmem:$0x18000] =	vst v63  }
0x1de: {  	_ =	swait.ge [sflag:s13], $0xC000  }
0x1df: {  	s0 =	sld [smem:$0x7F6]  }
0x1e0: {  	[sflag:s13] =	ssyncset.done $0x0  }
0x1e1: {  	[sflag:s13] =	ssyncadd.s32 $0xFFFF4000  }
0x1e2: {  	[hbm4b:s0+s2] =	stream.linear.scatter [tilespmem:s2], [sflag:$0x3], $0xC000, $0x38;
	[tilespmem:$0x18000] =	vst v63  }
0x1e3: {  	_ =	swait.ge [sflag:s5], $0xC000  }
0x1e4: {  	s0 =	sld [smem:$0x7F7]  }
0x1e5: {  	[sflag:s5] =	ssyncset.done $0x0  }
0x1e6: {  	[sflag:s5] =	ssyncadd.s32 $0xFFFF4000  }
0x1e7: {  	[tilespmem:s8], [sflag:$0x2] =	stream.linear.gather [hbm4b:s0+s2], $0xC000, $0x38;
	[tilespmem:$0x18000] =	vst v63  }
0x1e8: {  	_ =	swait.ge [sflag:s10], $0xC000  }
0x1e9: {  	s0 =	sld [smem:$0x7F8]  }
0x1ea: {  	[sflag:s10] =	ssyncset.done $0x0  }
0x1eb: {  	[sflag:s10] =	ssyncadd.s32 $0xFFFF4000  }
0x1ec: {  	[hbm4b:s0+s2] =	stream.linear.scatter [tilespmem:s8], [sflag:$0x4], $0xC000, $0x38;
	[tilespmem:$0x18000] =	vst v63  }
0x1ed: {  	_ =	swait.ge [sflag:s7], $0xC000  }
0x1ee: {  	s0 =	sld [smem:$0x7F9]  }
0x1ef: {  	[sflag:s7] =	ssyncset.done $0x0  }
0x1f0: {  	[sflag:s7] =	ssyncadd.s32 $0xFFFF4000  }
0x1f1: {  	[tilespmem:s2], [sflag:$0x1] =	stream.linear.gather [hbm4b:s0+s2], $0xC000, $0x38;
	[tilespmem:$0x18000] =	vst v63  }
0x1f2: {  	_ =	swait.ge [sflag:s13], $0xC000  }
0x1f3: {  	s0 =	sld [smem:$0x7FA]  }
0x1f4: {  	[sflag:s13] =	ssyncset.done $0x0  }
0x1f5: {  	[sflag:s13] =	ssyncadd.s32 $0xFFFF4000  }
0x1f6: {  	[hbm4b:s0+s2] =	stream.linear.scatter [tilespmem:s2], [sflag:$0x3], $0xC000, $0x38;
	[tilespmem:$0x18000] =	vst v63  }
0x1f7: {  	_ =	swait.ge [sflag:s5], $0xC000  }
0x1f8: {  	s0 =	sld [smem:$0x7FB]  }
0x1f9: {  	[sflag:s5] =	ssyncset.done $0x0  }
0x1fa: {  	[sflag:s5] =	ssyncadd.s32 $0xFFFF4000  }
0x1fb: {  	[tilespmem:s8], [sflag:$0x2] =	stream.linear.gather [hbm4b:s0+s2], $0xC000, $0x38;
	[tilespmem:$0x18000] =	vst v63  }
0x1fc: {  	_ =	swait.ge [sflag:s10], $0xC000  }
0x1fd: {  	s0 =	sld [smem:$0x7FC]  }
0x1fe: {  	[sflag:s10] =	ssyncset.done $0x0  }
0x1ff: {  	[sflag:s10] =	ssyncadd.s32 $0xFFFF4000  }
0x200: {  	[hbm4b:s0+s2] =	stream.linear.scatter [tilespmem:s8], [sflag:$0x4], $0xC000, $0x38;
	[tilespmem:$0x18000] =	vst v63  }
0x201: {  	_ =	swait.ge [sflag:s7], $0xC000  }
0x202: {  	s0 =	sld [smem:$0x7FD]  }
0x203: {  	[sflag:s7] =	ssyncset.done $0x0  }
0x204: {  	[sflag:s7] =	ssyncadd.s32 $0xFFFF4000  }
0x205: {  	[tilespmem:s2], [sflag:$0x1] =	stream.linear.gather [hbm4b:s0+s2], $0xC000, $0x38;
	[tilespmem:$0x18000] =	vst v63  }
0x206: {  	_ =	swait.ge [sflag:s13], $0xC000  }
0x207: {  	[sflag:s13] =	ssyncset.done $0x0  }
0x208: {  	[sflag:s13] =	ssyncadd.s32 $0xFFFF4000  }
0x209: {  	[hbm4b:s31+s2] =	stream.linear.scatter [tilespmem:s2], [sflag:$0x3], $0xC000, $0x38;
	[tilespmem:$0x18000] =	vst v63  }
0x20a: {  	_ =	swait.ge [sflag:s5], $0xC000  }
0x20b: {  	[sflag:s5] =	ssyncset.done $0x0  }
0x20c: {  	[sflag:s5] =	ssyncadd.s32 $0xFFFF4000  }
0x20d: {  	[tilespmem:s8], [sflag:$0x2] =	stream.linear.gather [hbm4b:s30+s2], $0xC000, $0x38;
	[tilespmem:$0x18000] =	vst v63  }
0x20e: {  	_ =	swait.ge [sflag:s10], $0xC000  }
0x20f: {  	[sflag:s10] =	ssyncset.done $0x0  }
0x210: {  	[sflag:s10] =	ssyncadd.s32 $0xFFFF4000  }
0x211: {  	[hbm4b:s29+s2] =	stream.linear.scatter [tilespmem:s8], [sflag:$0x4], $0xC000, $0x38;
	[tilespmem:$0x18000] =	vst v63  }
0x212: {  	_ =	swait.ge [sflag:s7], $0xC000  }
0x213: {  	[sflag:s7] =	ssyncset.done $0x0  }
0x214: {  	[sflag:s7] =	ssyncadd.s32 $0xFFFF4000  }
0x215: {  	[tilespmem:s2], [sflag:$0x1] =	stream.linear.gather [hbm4b:s28+s2], $0xC000, $0x38;
	[tilespmem:$0x18000] =	vst v63  }
0x216: {  	_ =	swait.ge [sflag:s13], $0xC000  }
0x217: {  	[sflag:s13] =	ssyncset.done $0x0  }
0x218: {  	[sflag:s13] =	ssyncadd.s32 $0xFFFF4000  }
0x219: {  	[hbm4b:s26+s2] =	stream.linear.scatter [tilespmem:s2], [sflag:$0x3], $0xC000, $0x38;
	[tilespmem:$0x18000] =	vst v63  }
0x21a: {  	_ =	swait.ge [sflag:s5], $0xC000  }
0x21b: {  	[sflag:s5] =	ssyncset.done $0x0  }
0x21c: {  	[sflag:s5] =	ssyncadd.s32 $0xFFFF4000  }
0x21d: {  	[tilespmem:s8], [sflag:$0x2] =	stream.linear.gather [hbm4b:s25+s2], $0xC000, $0x38;
	[tilespmem:$0x18000] =	vst v63  }
0x21e: {  	_ =	swait.ge [sflag:s10], $0xC000  }
0x21f: {  	[sflag:s10] =	ssyncset.done $0x0  }
0x220: {  	[sflag:s10] =	ssyncadd.s32 $0xFFFF4000  }
0x221: {  	[hbm4b:s24+s2] =	stream.linear.scatter [tilespmem:s8], [sflag:$0x4], $0xC000, $0x38;
	[tilespmem:$0x18000] =	vst v63  }
0x222: {  	_ =	swait.ge [sflag:s7], $0xC000  }
0x223: {  	[sflag:s7] =	ssyncset.done $0x0  }
0x224: {  	[sflag:s7] =	ssyncadd.s32 $0xFFFF4000  }
0x225: {  	[tilespmem:s2], [sflag:$0x1] =	stream.linear.gather [hbm4b:s23+s2], $0xC000, $0x38;
	[tilespmem:$0x18000] =	vst v63  }
0x226: {  	_ =	swait.ge [sflag:s13], $0xC000  }
0x227: {  	[sflag:s13] =	ssyncset.done $0x0  }
0x228: {  	[sflag:s13] =	ssyncadd.s32 $0xFFFF4000  }
0x229: {  	[hbm4b:s22+s2] =	stream.linear.scatter [tilespmem:s2], [sflag:$0x3], $0xC000, $0x38;
	[tilespmem:$0x18000] =	vst v63  }
0x22a: {  	_ =	swait.ge [sflag:s5], $0xC000  }
0x22b: {  	[sflag:s5] =	ssyncset.done $0x0  }
0x22c: {  	[sflag:s5] =	ssyncadd.s32 $0xFFFF4000  }
0x22d: {  	[tilespmem:s8], [sflag:$0x2] =	stream.linear.gather [hbm4b:s21+s2], $0xC000, $0x38;
	[tilespmem:$0x18000] =	vst v63  }
0x22e: {  	_ =	swait.ge [sflag:s10], $0xC000  }
0x22f: {  	[sflag:s10] =	ssyncset.done $0x0  }
0x230: {  	[sflag:s10] =	ssyncadd.s32 $0xFFFF4000  }
0x231: {  	[hbm4b:s20+s2] =	stream.linear.scatter [tilespmem:s8], [sflag:$0x4], $0xC000, $0x38;
	[tilespmem:$0x18000] =	vst v63  }
0x232: {  	_ =	swait.ge [sflag:s7], $0xC000  }
0x233: {  	[sflag:s7] =	ssyncset.done $0x0  }
0x234: {  	[sflag:s7] =	ssyncadd.s32 $0xFFFF4000  }
0x235: {  	[tilespmem:s2], [sflag:$0x1] =	stream.linear.gather [hbm4b:s19+s2], $0xC000, $0x38;
	[tilespmem:$0x18000] =	vst v63  }
0x236: {  	_ =	swait.ge [sflag:s13], $0xC000  }
0x237: {  	[sflag:s13] =	ssyncset.done $0x0  }
0x238: {  	[sflag:s13] =	ssyncadd.s32 $0xFFFF4000  }
0x239: {  	[hbm4b:s18+s2] =	stream.linear.scatter [tilespmem:s2], [sflag:$0x3], $0xC000, $0x38;
	[tilespmem:$0x18000] =	vst v63  }
0x23a: {  	_ =	swait.ge [sflag:s5], $0xC000  }
0x23b: {  	[sflag:s5] =	ssyncset.done $0x0  }
0x23c: {  	[sflag:s5] =	ssyncadd.s32 $0xFFFF4000  }
0x23d: {  	[tilespmem:s8], [sflag:$0x2] =	stream.linear.gather [hbm4b:s17+s2], $0xC000, $0x38;
	[tilespmem:$0x18000] =	vst v63  }
0x23e: {  	_ =	swait.ge [sflag:s10], $0xC000  }
0x23f: {  	[sflag:s10] =	ssyncset.done $0x0  }
0x240: {  	[sflag:s10] =	ssyncadd.s32 $0xFFFF4000  }
0x241: {  	[hbm4b:s16+s2] =	stream.linear.scatter [tilespmem:s8], [sflag:$0x4], $0xC000, $0x38;
	[tilespmem:$0x18000] =	vst v63  }
0x242: {  	_ =	swait.ge [sflag:s7], $0xC000  }
0x243: {  	[sflag:s7] =	ssyncset.done $0x0  }
0x244: {  	[sflag:s7] =	ssyncadd.s32 $0xFFFF4000  }
0x245: {  	[tilespmem:s2], [sflag:$0x1] =	stream.linear.gather [hbm4b:s15+s2], $0xC000, $0x38;
	[tilespmem:$0x18000] =	vst v63  }
0x246: {  	_ =	swait.ge [sflag:s13], $0xC000  }
0x247: {  	[sflag:s13] =	ssyncset.done $0x0  }
0x248: {  	[sflag:s13] =	ssyncadd.s32 $0xFFFF4000  }
0x249: {  	[hbm4b:s14+s2] =	stream.linear.scatter [tilespmem:s2], [sflag:$0x3], $0xC000, $0x38;
	[tilespmem:$0x18000] =	vst v63  }
0x24a: {  	_ =	swait.ge [sflag:s5], $0xC000  }
0x24b: {  	[sflag:s5] =	ssyncset.done $0x0  }
0x24c: {  	[sflag:s5] =	ssyncadd.s32 $0xFFFF4000  }
0x24d: {  	[tilespmem:s8], [sflag:$0x2] =	stream.linear.gather [hbm4b:s12+s2], $0xC000, $0x38;
	[tilespmem:$0x18000] =	vst v63  }
0x24e: {  	_ =	swait.ge [sflag:s10], $0xC000  }
0x24f: {  	[sflag:s10] =	ssyncset.done $0x0  }
0x250: {  	[sflag:s10] =	ssyncadd.s32 $0xFFFF4000  }
0x251: {  	[hbm4b:s11+s2] =	stream.linear.scatter [tilespmem:s8], [sflag:$0x4], $0xC000, $0x38;
	[tilespmem:$0x18000] =	vst v63  }
0x252: {  	_ =	swait.ge [sflag:s7], $0xC000  }
0x253: {  	[sflag:s7] =	ssyncset.done $0x0  }
0x254: {  	[sflag:s7] =	ssyncadd.s32 $0xFFFF4000  }
0x255: {  	[tilespmem:s2], [sflag:$0x1] =	stream.linear.gather [hbm4b:s9+s2], $0xC000, $0x38;
	[tilespmem:$0x18000] =	vst v63  }
0x256: {  	_ =	swait.ge [sflag:s13], $0xC000  }
0x257: {  	[sflag:s13] =	ssyncset.done $0x0  }
0x258: {  	[sflag:s13] =	ssyncadd.s32 $0xFFFF4000  }
0x259: {  	[hbm4b:s6+s2] =	stream.linear.scatter [tilespmem:s2], [sflag:$0x3], $0xC000, $0x38;
	[tilespmem:$0x18000] =	vst v63  }
0x25a: {  	_ =	swait.ge [sflag:s5], $0xC000  }
0x25b: {  	[sflag:s5] =	ssyncset.done $0x0  }
0x25c: {  	[sflag:s5] =	ssyncadd.s32 $0xFFFF4000  }
0x25d: {  	[tilespmem:s8], [sflag:$0x2] =	stream.linear.gather [hbm4b:s4+s2], $0xC000, $0x38;
	[tilespmem:$0x18000] =	vst v63  }
0x25e: {  	_ =	swait.ge [sflag:s10], $0xC000  }
0x25f: {  	[sflag:s10] =	ssyncset.done $0x0  }
0x260: {  	[sflag:s10] =	ssyncadd.s32 $0xFFFF4000  }
0x261: {  	[hbm4b:s3+s2] =	stream.linear.scatter [tilespmem:s8], [sflag:$0x4], $0xC000, $0x38;
	[tilespmem:$0x18000] =	vst v63  }
.Ltmp2:
0x262: {  	_ =	swait.ge [sflag:s7], $0xC000;
	(pc) =	sbr.rel @p1 .LBB2_2-.Ltmp2, $4  }
0x263: {  	[sflag:s7] =	ssyncset.done $0x0  }
0x264: {  	[sflag:s7] =	ssyncadd.s32 $0xFFFF4000  }
0x265: {  	_ =	swait.ge [sflag:s5], $0xC000  }
0x266: {  	s0 =	rddreg [dreg:$0x3];
	[sflag:s5] =	ssyncset.done $0x0  }
.LBB2_3:
0x267: {  	[sflag:s5] =	ssyncadd.s32 @p0 $0xFFFF4000  }
0x268: {  	[tilespmem:s2], [sflag:$0x1] =	stream.linear.gather [hbm4b:s0+s2], $0xC000, $0x38;
	[tilespmem:$0x18000] =	vst v63  }
0x269: {  	_ =	swait.ge [sflag:s13], $0xC000  }
0x26a: {  	[sflag:s13] =	ssyncset.done $0x0  }
0x26b: {  	s0 =	rddreg [dreg:$0x4];
	[sflag:s13] =	ssyncadd.s32 $0xFFFF4000  }
0x26c: {  	[hbm4b:s0+s2] =	stream.linear.scatter [tilespmem:s2], [sflag:$0x3], $0xC000, $0x38;
	[tilespmem:$0x18000] =	vst v63  }
0x26d: {  	s1 =	rddreg [dreg:$0x5]  }
0x26e: {  	[tilespmem:s8], [sflag:$0x2] =	stream.linear.gather [hbm4b:s1+s2], $0xC000, $0x38;
	[tilespmem:$0x18000] =	vst v63  }
0x26f: {  	_ =	swait.ge [sflag:s10], $0xC000  }
0x270: {  	[sflag:s10] =	ssyncset.done $0x0  }
0x271: {  	s1 =	rddreg [dreg:$0x6];
	[sflag:s10] =	ssyncadd.s32 $0xFFFF4000  }
0x272: {  	[hbm4b:s1+s2] =	stream.linear.scatter [tilespmem:s8], [sflag:$0x4], $0xC000, $0x38;
	[tilespmem:$0x18000] =	vst v63  }
0x273: {  	_ =	swait.ge [sflag:s7], $0xC000  }
0x274: {  	[sflag:s7] =	ssyncset.done $0x0  }
0x275: {  	s1 =	rddreg [dreg:$0x7];
	[sflag:s7] =	ssyncadd.s32 $0xFFFF4000  }
0x276: {  	[tilespmem:s2], [sflag:$0x1] =	stream.linear.gather [hbm4b:s1+s2], $0xC000, $0x38;
	[tilespmem:$0x18000] =	vst v63  }
0x277: {  	_ =	swait.ge [sflag:s13], $0xC000  }
0x278: {  	[sflag:s13] =	ssyncset.done $0x0  }
0x279: {  	s1 =	rddreg [dreg:$0x8];
	[sflag:s13] =	ssyncadd.s32 $0xFFFF4000  }
0x27a: {  	[hbm4b:s1+s2] =	stream.linear.scatter [tilespmem:s2], [sflag:$0x3], $0xC000, $0x38;
	[tilespmem:$0x18000] =	vst v63  }
0x27b: {  	_ =	swait.ge [sflag:s5], $0xC000  }
0x27c: {  	[sflag:s5] =	ssyncset.done $0x0  }
0x27d: {  	s1 =	rddreg [dreg:$0x9];
	[sflag:s5] =	ssyncadd.s32 $0xFFFF4000  }
0x27e: {  	[tilespmem:s8], [sflag:$0x2] =	stream.linear.gather [hbm4b:s1+s2], $0xC000, $0x38;
	[tilespmem:$0x18000] =	vst v63  }
0x27f: {  	_ =	swait.ge [sflag:s10], $0xC000  }
0x280: {  	[sflag:s10] =	ssyncset.done $0x0  }
0x281: {  	s1 =	rddreg [dreg:$0xa];
	[sflag:s10] =	ssyncadd.s32 $0xFFFF4000  }
0x282: {  	[hbm4b:s1+s2] =	stream.linear.scatter [tilespmem:s8], [sflag:$0x4], $0xC000, $0x38;
	[tilespmem:$0x18000] =	vst v63  }
0x283: {  	_ =	swait.ge [sflag:s7], $0xC000  }
0x284: {  	[sflag:s7] =	ssyncset.done $0x0  }
0x285: {  	s1 =	rddreg [dreg:$0xb];
	[sflag:s7] =	ssyncadd.s32 $0xFFFF4000  }
0x286: {  	[tilespmem:s2], [sflag:$0x1] =	stream.linear.gather [hbm4b:s1+s2], $0xC000, $0x38;
	[tilespmem:$0x18000] =	vst v63  }
0x287: {  	_ =	swait.ge [sflag:s13], $0xC000  }
0x288: {  	[sflag:s13] =	ssyncset.done $0x0  }
0x289: {  	s1 =	rddreg [dreg:$0xc];
	[sflag:s13] =	ssyncadd.s32 $0xFFFF4000  }
0x28a: {  	[hbm4b:s1+s2] =	stream.linear.scatter [tilespmem:s2], [sflag:$0x3], $0xC000, $0x38;
	[tilespmem:$0x18000] =	vst v63  }
0x28b: {  	_ =	swait.ge [sflag:s5], $0xC000  }
0x28c: {  	[sflag:s5] =	ssyncset.done $0x0  }
0x28d: {  	s1 =	rddreg [dreg:$0xd];
	[sflag:s5] =	ssyncadd.s32 $0xFFFF4000  }
0x28e: {  	[tilespmem:s8], [sflag:$0x2] =	stream.linear.gather [hbm4b:s1+s2], $0xC000, $0x38;
	[tilespmem:$0x18000] =	vst v63  }
0x28f: {  	_ =	swait.ge [sflag:s10], $0xC000  }
0x290: {  	[sflag:s10] =	ssyncset.done $0x0  }
0x291: {  	s1 =	rddreg [dreg:$0xe];
	[sflag:s10] =	ssyncadd.s32 $0xFFFF4000  }
0x292: {  	[hbm4b:s1+s2] =	stream.linear.scatter [tilespmem:s8], [sflag:$0x4], $0xC000, $0x38;
	[tilespmem:$0x18000] =	vst v63  }
0x293: {  	_ =	swait.ge [sflag:s7], $0xC000  }
0x294: {  	[sflag:s7] =	ssyncset.done $0x0  }
0x295: {  	s1 =	rddreg [dreg:$0xf];
	[sflag:s7] =	ssyncadd.s32 $0xFFFF4000  }
0x296: {  	[tilespmem:s2], [sflag:$0x1] =	stream.linear.gather [hbm4b:s1+s2], $0xC000, $0x38;
	[tilespmem:$0x18000] =	vst v63  }
0x297: {  	_ =	swait.ge [sflag:s13], $0xC000  }
0x298: {  	[sflag:s13] =	ssyncset.done $0x0  }
0x299: {  	s1 =	rddreg [dreg:$0x10];
	[sflag:s13] =	ssyncadd.s32 $0xFFFF4000  }
0x29a: {  	[hbm4b:s1+s2] =	stream.linear.scatter [tilespmem:s2], [sflag:$0x3], $0xC000, $0x38;
	[tilespmem:$0x18000] =	vst v63  }
0x29b: {  	_ =	swait.ge [sflag:s5], $0xC000  }
0x29c: {  	[sflag:s5] =	ssyncset.done $0x0  }
0x29d: {  	s1 =	rddreg [dreg:$0x11];
	[sflag:s5] =	ssyncadd.s32 $0xFFFF4000  }
0x29e: {  	[tilespmem:s8], [sflag:$0x2] =	stream.linear.gather [hbm4b:s1+s2], $0xC000, $0x38;
	[tilespmem:$0x18000] =	vst v63  }
0x29f: {  	_ =	swait.ge [sflag:s10], $0xC000  }
0x2a0: {  	[sflag:s10] =	ssyncset.done $0x0  }
0x2a1: {  	s1 =	rddreg [dreg:$0x12];
	[sflag:s10] =	ssyncadd.s32 $0xFFFF4000  }
0x2a2: {  	[hbm4b:s1+s2] =	stream.linear.scatter [tilespmem:s8], [sflag:$0x4], $0xC000, $0x38;
	[tilespmem:$0x18000] =	vst v63  }
0x2a3: {  	_ =	swait.ge [sflag:s7], $0xC000  }
0x2a4: {  	[sflag:s7] =	ssyncset.done $0x0  }
0x2a5: {  	s1 =	rddreg [dreg:$0x13];
	[sflag:s7] =	ssyncadd.s32 $0xFFFF4000  }
0x2a6: {  	[tilespmem:s2], [sflag:$0x1] =	stream.linear.gather [hbm4b:s1+s2], $0xC000, $0x38;
	[tilespmem:$0x18000] =	vst v63  }
0x2a7: {  	_ =	swait.ge [sflag:s13], $0xC000  }
0x2a8: {  	[sflag:s13] =	ssyncset.done $0x0  }
0x2a9: {  	s1 =	rddreg [dreg:$0x14];
	[sflag:s13] =	ssyncadd.s32 $0xFFFF4000  }
0x2aa: {  	[hbm4b:s1+s2] =	stream.linear.scatter [tilespmem:s2], [sflag:$0x3], $0xC000, $0x38;
	[tilespmem:$0x18000] =	vst v63  }
0x2ab: {  	_ =	swait.ge [sflag:s5], $0xC000  }
0x2ac: {  	[sflag:s5] =	ssyncset.done $0x0  }
0x2ad: {  	s1 =	rddreg [dreg:$0x15];
	[sflag:s5] =	ssyncadd.s32 $0xFFFF4000  }
0x2ae: {  	[tilespmem:s8], [sflag:$0x2] =	stream.linear.gather [hbm4b:s1+s2], $0xC000, $0x38;
	[tilespmem:$0x18000] =	vst v63  }
0x2af: {  	_ =	swait.ge [sflag:s10], $0xC000  }
0x2b0: {  	[sflag:s10] =	ssyncset.done $0x0  }
0x2b1: {  	s1 =	rddreg [dreg:$0x16];
	[sflag:s10] =	ssyncadd.s32 $0xFFFF4000  }
0x2b2: {  	[hbm4b:s1+s2] =	stream.linear.scatter [tilespmem:s8], [sflag:$0x4], $0xC000, $0x38;
	[tilespmem:$0x18000] =	vst v63  }
0x2b3: {  	_ =	swait.ge [sflag:s7], $0xC000  }
0x2b4: {  	[sflag:s7] =	ssyncset.done $0x0  }
0x2b5: {  	s1 =	rddreg [dreg:$0x17];
	[sflag:s7] =	ssyncadd.s32 $0xFFFF4000  }
0x2b6: {  	[tilespmem:s2], [sflag:$0x1] =	stream.linear.gather [hbm4b:s1+s2], $0xC000, $0x38;
	[tilespmem:$0x18000] =	vst v63  }
0x2b7: {  	_ =	swait.ge [sflag:s13], $0xC000  }
0x2b8: {  	[sflag:s13] =	ssyncset.done $0x0  }
0x2b9: {  	s1 =	rddreg [dreg:$0x18];
	[sflag:s13] =	ssyncadd.s32 $0xFFFF4000  }
0x2ba: {  	[hbm4b:s1+s2] =	stream.linear.scatter [tilespmem:s2], [sflag:$0x3], $0xC000, $0x38;
	[tilespmem:$0x18000] =	vst v63  }
0x2bb: {  	_ =	swait.ge [sflag:s5], $0xC000  }
0x2bc: {  	[sflag:s5] =	ssyncset.done $0x0  }
0x2bd: {  	s1 =	rddreg [dreg:$0x19];
	[sflag:s5] =	ssyncadd.s32 $0xFFFF4000  }
0x2be: {  	[tilespmem:s8], [sflag:$0x2] =	stream.linear.gather [hbm4b:s1+s2], $0xC000, $0x38;
	[tilespmem:$0x18000] =	vst v63  }
0x2bf: {  	_ =	swait.ge [sflag:s10], $0xC000  }
0x2c0: {  	[sflag:s10] =	ssyncset.done $0x0  }
0x2c1: {  	s1 =	rddreg [dreg:$0x1a];
	[sflag:s10] =	ssyncadd.s32 $0xFFFF4000  }
0x2c2: {  	[hbm4b:s1+s2] =	stream.linear.scatter [tilespmem:s8], [sflag:$0x4], $0xC000, $0x38;
	[tilespmem:$0x18000] =	vst v63  }
0x2c3: {  	_ =	swait.ge [sflag:s7], $0xC000  }
0x2c4: {  	[sflag:s7] =	ssyncset.done $0x0  }
0x2c5: {  	s1 =	rddreg [dreg:$0x1b];
	[sflag:s7] =	ssyncadd.s32 $0xFFFF4000  }
0x2c6: {  	[tilespmem:s2], [sflag:$0x1] =	stream.linear.gather [hbm4b:s1+s2], $0xC000, $0x38;
	[tilespmem:$0x18000] =	vst v63  }
0x2c7: {  	_ =	swait.ge [sflag:s13], $0xC000  }
0x2c8: {  	[sflag:s13] =	ssyncset.done $0x0  }
0x2c9: {  	s1 =	rddreg [dreg:$0x1c];
	[sflag:s13] =	ssyncadd.s32 $0xFFFF4000  }
0x2ca: {  	[hbm4b:s1+s2] =	stream.linear.scatter [tilespmem:s2], [sflag:$0x3], $0xC000, $0x38;
	[tilespmem:$0x18000] =	vst v63  }
0x2cb: {  	_ =	swait.ge [sflag:s5], $0xC000  }
0x2cc: {  	[sflag:s5] =	ssyncset.done $0x0  }
0x2cd: {  	s1 =	rddreg [dreg:$0x1d];
	[sflag:s5] =	ssyncadd.s32 $0xFFFF4000  }
0x2ce: {  	[tilespmem:s8], [sflag:$0x2] =	stream.linear.gather [hbm4b:s1+s2], $0xC000, $0x38;
	[tilespmem:$0x18000] =	vst v63  }
0x2cf: {  	_ =	swait.ge [sflag:s10], $0xC000  }
0x2d0: {  	[sflag:s10] =	ssyncset.done $0x0  }
0x2d1: {  	s1 =	rddreg [dreg:$0x1e];
	[sflag:s10] =	ssyncadd.s32 $0xFFFF4000  }
0x2d2: {  	[hbm4b:s1+s2] =	stream.linear.scatter [tilespmem:s8], [sflag:$0x4], $0xC000, $0x38;
	[tilespmem:$0x18000] =	vst v63  }
0x2d3: {  	_ =	swait.ge [sflag:s7], $0xC000  }
0x2d4: {  	[sflag:s7] =	ssyncset.done $0x0  }
0x2d5: {  	s1 =	rddreg [dreg:$0x1f];
	[sflag:s7] =	ssyncadd.s32 $0xFFFF4000  }
0x2d6: {  	[tilespmem:s2], [sflag:$0x1] =	stream.linear.gather [hbm4b:s1+s2], $0xC000, $0x38;
	[tilespmem:$0x18000] =	vst v63  }
0x2d7: {  	_ =	swait.ge [sflag:s13], $0xC000  }
0x2d8: {  	s1 =	sld [smem:$0x7F2]  }
0x2d9: {  	[sflag:s13] =	ssyncset.done $0x0  }
0x2da: {  	[sflag:s13] =	ssyncadd.s32 $0xFFFF4000  }
0x2db: {  	[hbm4b:s1+s2] =	stream.linear.scatter [tilespmem:s2], [sflag:$0x3], $0xC000, $0x38;
	[tilespmem:$0x18000] =	vst v63  }
0x2dc: {  	_ =	swait.ge [sflag:s5], $0xC000  }
0x2dd: {  	s1 =	sld [smem:$0x7F3]  }
0x2de: {  	[sflag:s5] =	ssyncset.done $0x0  }
0x2df: {  	[sflag:s5] =	ssyncadd.s32 $0xFFFF4000  }
0x2e0: {  	[tilespmem:s8], [sflag:$0x2] =	stream.linear.gather [hbm4b:s1+s2], $0xC000, $0x38;
	[tilespmem:$0x18000] =	vst v63  }
0x2e1: {  	_ =	swait.ge [sflag:s10], $0xC000  }
0x2e2: {  	s1 =	sld [smem:$0x7F4]  }
0x2e3: {  	[sflag:s10] =	ssyncset.done $0x0  }
0x2e4: {  	[sflag:s10] =	ssyncadd.s32 $0xFFFF4000  }
0x2e5: {  	[hbm4b:s1+s2] =	stream.linear.scatter [tilespmem:s8], [sflag:$0x4], $0xC000, $0x38;
	[tilespmem:$0x18000] =	vst v63  }
0x2e6: {  	_ =	swait.ge [sflag:s7], $0xC000  }
0x2e7: {  	s1 =	sld [smem:$0x7F5]  }
0x2e8: {  	[sflag:s7] =	ssyncset.done $0x0  }
0x2e9: {  	[sflag:s7] =	ssyncadd.s32 $0xFFFF4000  }
0x2ea: {  	[tilespmem:s2], [sflag:$0x1] =	stream.linear.gather [hbm4b:s1+s2], $0xC000, $0x38;
	[tilespmem:$0x18000] =	vst v63  }
0x2eb: {  	_ =	swait.ge [sflag:s13], $0xC000  }
0x2ec: {  	s1 =	sld [smem:$0x7F6]  }
0x2ed: {  	[sflag:s13] =	ssyncset.done $0x0  }
0x2ee: {  	[sflag:s13] =	ssyncadd.s32 $0xFFFF4000  }
0x2ef: {  	[hbm4b:s1+s2] =	stream.linear.scatter [tilespmem:s2], [sflag:$0x3], $0xC000, $0x38;
	[tilespmem:$0x18000] =	vst v63  }
0x2f0: {  	_ =	swait.ge [sflag:s5], $0xC000  }
0x2f1: {  	s1 =	sld [smem:$0x7F7]  }
0x2f2: {  	[sflag:s5] =	ssyncset.done $0x0  }
0x2f3: {  	[sflag:s5] =	ssyncadd.s32 $0xFFFF4000  }
0x2f4: {  	[tilespmem:s8], [sflag:$0x2] =	stream.linear.gather [hbm4b:s1+s2], $0xC000, $0x38;
	[tilespmem:$0x18000] =	vst v63  }
0x2f5: {  	_ =	swait.ge [sflag:s10], $0xC000  }
0x2f6: {  	s1 =	sld [smem:$0x7F8]  }
0x2f7: {  	[sflag:s10] =	ssyncset.done $0x0  }
0x2f8: {  	[sflag:s10] =	ssyncadd.s32 $0xFFFF4000  }
0x2f9: {  	[hbm4b:s1+s2] =	stream.linear.scatter [tilespmem:s8], [sflag:$0x4], $0xC000, $0x38;
	[tilespmem:$0x18000] =	vst v63  }
0x2fa: {  	_ =	swait.ge [sflag:s7], $0xC000  }
0x2fb: {  	s1 =	sld [smem:$0x7F9]  }
0x2fc: {  	[sflag:s7] =	ssyncset.done $0x0  }
0x2fd: {  	[sflag:s7] =	ssyncadd.s32 $0xFFFF4000  }
0x2fe: {  	[tilespmem:s2], [sflag:$0x1] =	stream.linear.gather [hbm4b:s1+s2], $0xC000, $0x38;
	[tilespmem:$0x18000] =	vst v63  }
0x2ff: {  	_ =	swait.ge [sflag:s13], $0xC000  }
0x300: {  	s1 =	sld [smem:$0x7FA]  }
0x301: {  	[sflag:s13] =	ssyncset.done $0x0  }
0x302: {  	[sflag:s13] =	ssyncadd.s32 $0xFFFF4000  }
0x303: {  	[hbm4b:s1+s2] =	stream.linear.scatter [tilespmem:s2], [sflag:$0x3], $0xC000, $0x38;
	[tilespmem:$0x18000] =	vst v63  }
0x304: {  	_ =	swait.ge [sflag:s5], $0xC000  }
0x305: {  	s1 =	sld [smem:$0x7FB]  }
0x306: {  	[sflag:s5] =	ssyncset.done $0x0  }
0x307: {  	[sflag:s5] =	ssyncadd.s32 $0xFFFF4000  }
0x308: {  	[tilespmem:s8], [sflag:$0x2] =	stream.linear.gather [hbm4b:s1+s2], $0xC000, $0x38;
	[tilespmem:$0x18000] =	vst v63  }
0x309: {  	_ =	swait.ge [sflag:s10], $0xC000  }
0x30a: {  	s1 =	sld [smem:$0x7FC]  }
0x30b: {  	[sflag:s10] =	ssyncset.done $0x0  }
0x30c: {  	[sflag:s10] =	ssyncadd.s32 $0xFFFF4000  }
0x30d: {  	[hbm4b:s1+s2] =	stream.linear.scatter [tilespmem:s8], [sflag:$0x4], $0xC000, $0x38;
	[tilespmem:$0x18000] =	vst v63  }
0x30e: {  	_ =	swait.ge [sflag:s7], $0xC000  }
0x30f: {  	s1 =	sld [smem:$0x7FD]  }
0x310: {  	[sflag:s7] =	ssyncset.done $0x0  }
0x311: {  	[sflag:s7] =	ssyncadd.s32 $0xFFFF4000  }
0x312: {  	[tilespmem:s2], [sflag:$0x1] =	stream.linear.gather [hbm4b:s1+s2], $0xC000, $0x38;
	[tilespmem:$0x18000] =	vst v63  }
0x313: {  	_ =	swait.ge [sflag:s13], $0xC000  }
0x314: {  	[sflag:s13] =	ssyncset.done $0x0  }
0x315: {  	[sflag:s13] =	ssyncadd.s32 $0xFFFF4000  }
0x316: {  	[hbm4b:s31+s2] =	stream.linear.scatter [tilespmem:s2], [sflag:$0x3], $0xC000, $0x38;
	[tilespmem:$0x18000] =	vst v63  }
0x317: {  	_ =	swait.ge [sflag:s5], $0xC000  }
0x318: {  	[sflag:s5] =	ssyncset.done $0x0  }
0x319: {  	[sflag:s5] =	ssyncadd.s32 $0xFFFF4000  }
0x31a: {  	[tilespmem:s8], [sflag:$0x2] =	stream.linear.gather [hbm4b:s30+s2], $0xC000, $0x38;
	[tilespmem:$0x18000] =	vst v63  }
0x31b: {  	_ =	swait.ge [sflag:s10], $0xC000  }
0x31c: {  	[sflag:s10] =	ssyncset.done $0x0  }
0x31d: {  	[sflag:s10] =	ssyncadd.s32 $0xFFFF4000  }
0x31e: {  	[hbm4b:s29+s2] =	stream.linear.scatter [tilespmem:s8], [sflag:$0x4], $0xC000, $0x38;
	[tilespmem:$0x18000] =	vst v63  }
0x31f: {  	_ =	swait.ge [sflag:s7], $0xC000  }
0x320: {  	[sflag:s7] =	ssyncset.done $0x0  }
0x321: {  	[sflag:s7] =	ssyncadd.s32 $0xFFFF4000  }
0x322: {  	[tilespmem:s2], [sflag:$0x1] =	stream.linear.gather [hbm4b:s28+s2], $0xC000, $0x38;
	[tilespmem:$0x18000] =	vst v63  }
0x323: {  	_ =	swait.ge [sflag:s13], $0xC000  }
0x324: {  	[sflag:s13] =	ssyncset.done $0x0  }
0x325: {  	[sflag:s13] =	ssyncadd.s32 $0xFFFF4000  }
0x326: {  	[hbm4b:s26+s2] =	stream.linear.scatter [tilespmem:s2], [sflag:$0x3], $0xC000, $0x38;
	[tilespmem:$0x18000] =	vst v63  }
0x327: {  	_ =	swait.ge [sflag:s5], $0xC000  }
0x328: {  	[sflag:s5] =	ssyncset.done $0x0  }
0x329: {  	[sflag:s5] =	ssyncadd.s32 $0xFFFF4000  }
0x32a: {  	[tilespmem:s8], [sflag:$0x2] =	stream.linear.gather [hbm4b:s25+s2], $0xC000, $0x38;
	[tilespmem:$0x18000] =	vst v63  }
0x32b: {  	_ =	swait.ge [sflag:s10], $0xC000  }
0x32c: {  	[sflag:s10] =	ssyncset.done $0x0  }
0x32d: {  	[sflag:s10] =	ssyncadd.s32 $0xFFFF4000  }
0x32e: {  	[hbm4b:s24+s2] =	stream.linear.scatter [tilespmem:s8], [sflag:$0x4], $0xC000, $0x38;
	[tilespmem:$0x18000] =	vst v63  }
0x32f: {  	_ =	swait.ge [sflag:s7], $0xC000  }
0x330: {  	[sflag:s7] =	ssyncset.done $0x0  }
0x331: {  	[sflag:s7] =	ssyncadd.s32 $0xFFFF4000  }
0x332: {  	[tilespmem:s2], [sflag:$0x1] =	stream.linear.gather [hbm4b:s23+s2], $0xC000, $0x38;
	[tilespmem:$0x18000] =	vst v63  }
0x333: {  	_ =	swait.ge [sflag:s13], $0xC000  }
0x334: {  	[sflag:s13] =	ssyncset.done $0x0  }
0x335: {  	[sflag:s13] =	ssyncadd.s32 $0xFFFF4000  }
0x336: {  	[hbm4b:s22+s2] =	stream.linear.scatter [tilespmem:s2], [sflag:$0x3], $0xC000, $0x38;
	[tilespmem:$0x18000] =	vst v63  }
0x337: {  	_ =	swait.ge [sflag:s5], $0xC000  }
0x338: {  	[sflag:s5] =	ssyncset.done $0x0  }
0x339: {  	[sflag:s5] =	ssyncadd.s32 $0xFFFF4000  }
0x33a: {  	[tilespmem:s8], [sflag:$0x2] =	stream.linear.gather [hbm4b:s21+s2], $0xC000, $0x38;
	[tilespmem:$0x18000] =	vst v63  }
0x33b: {  	_ =	swait.ge [sflag:s10], $0xC000  }
0x33c: {  	[sflag:s10] =	ssyncset.done $0x0  }
0x33d: {  	[sflag:s10] =	ssyncadd.s32 $0xFFFF4000  }
0x33e: {  	[hbm4b:s20+s2] =	stream.linear.scatter [tilespmem:s8], [sflag:$0x4], $0xC000, $0x38;
	[tilespmem:$0x18000] =	vst v63  }
0x33f: {  	_ =	swait.ge [sflag:s7], $0xC000  }
0x340: {  	[sflag:s7] =	ssyncset.done $0x0  }
0x341: {  	[sflag:s7] =	ssyncadd.s32 $0xFFFF4000  }
0x342: {  	[tilespmem:s2], [sflag:$0x1] =	stream.linear.gather [hbm4b:s19+s2], $0xC000, $0x38;
	[tilespmem:$0x18000] =	vst v63  }
0x343: {  	_ =	swait.ge [sflag:s13], $0xC000  }
0x344: {  	[sflag:s13] =	ssyncset.done $0x0  }
0x345: {  	[sflag:s13] =	ssyncadd.s32 $0xFFFF4000  }
0x346: {  	[hbm4b:s18+s2] =	stream.linear.scatter [tilespmem:s2], [sflag:$0x3], $0xC000, $0x38;
	[tilespmem:$0x18000] =	vst v63  }
0x347: {  	_ =	swait.ge [sflag:s5], $0xC000  }
0x348: {  	[sflag:s5] =	ssyncset.done $0x0  }
0x349: {  	[sflag:s5] =	ssyncadd.s32 $0xFFFF4000  }
0x34a: {  	[tilespmem:s8], [sflag:$0x2] =	stream.linear.gather [hbm4b:s17+s2], $0xC000, $0x38;
	[tilespmem:$0x18000] =	vst v63  }
0x34b: {  	_ =	swait.ge [sflag:s10], $0xC000  }
0x34c: {  	[sflag:s10] =	ssyncset.done $0x0  }
0x34d: {  	[sflag:s10] =	ssyncadd.s32 $0xFFFF4000  }
0x34e: {  	[hbm4b:s16+s2] =	stream.linear.scatter [tilespmem:s8], [sflag:$0x4], $0xC000, $0x38;
	[tilespmem:$0x18000] =	vst v63  }
0x34f: {  	_ =	swait.ge [sflag:s7], $0xC000  }
0x350: {  	[sflag:s7] =	ssyncset.done $0x0  }
0x351: {  	[sflag:s7] =	ssyncadd.s32 $0xFFFF4000  }
0x352: {  	[tilespmem:s2], [sflag:$0x1] =	stream.linear.gather [hbm4b:s15+s2], $0xC000, $0x38;
	[tilespmem:$0x18000] =	vst v63  }
0x353: {  	_ =	swait.ge [sflag:s13], $0xC000  }
0x354: {  	[sflag:s13] =	ssyncset.done $0x0  }
0x355: {  	[sflag:s13] =	ssyncadd.s32 $0xFFFF4000  }
0x356: {  	[hbm4b:s14+s2] =	stream.linear.scatter [tilespmem:s2], [sflag:$0x3], $0xC000, $0x38;
	[tilespmem:$0x18000] =	vst v63  }
0x357: {  	_ =	swait.ge [sflag:s5], $0xC000  }
0x358: {  	[sflag:s5] =	ssyncset.done $0x0  }
0x359: {  	[sflag:s5] =	ssyncadd.s32 $0xFFFF4000  }
0x35a: {  	[tilespmem:s8], [sflag:$0x2] =	stream.linear.gather [hbm4b:s12+s2], $0xC000, $0x38;
	[tilespmem:$0x18000] =	vst v63  }
0x35b: {  	_ =	swait.ge [sflag:s10], $0xC000  }
0x35c: {  	[sflag:s10] =	ssyncset.done $0x0  }
0x35d: {  	[sflag:s10] =	ssyncadd.s32 $0xFFFF4000  }
0x35e: {  	[hbm4b:s11+s2] =	stream.linear.scatter [tilespmem:s8], [sflag:$0x4], $0xC000, $0x38;
	[tilespmem:$0x18000] =	vst v63  }
0x35f: {  	_ =	swait.ge [sflag:s7], $0xC000  }
0x360: {  	[sflag:s7] =	ssyncset.done $0x0  }
0x361: {  	[sflag:s7] =	ssyncadd.s32 $0xFFFF4000  }
0x362: {  	[tilespmem:s2], [sflag:$0x1] =	stream.linear.gather [hbm4b:s9+s2], $0xC000, $0x38;
	[tilespmem:$0x18000] =	vst v63  }
0x363: {  	_ =	swait.ge [sflag:s13], $0xC000  }
0x364: {  	[sflag:s13] =	ssyncset.done $0x0  }
0x365: {  	[sflag:s13] =	ssyncadd.s32 $0xFFFF4000  }
0x366: {  	[hbm4b:s6+s2] =	stream.linear.scatter [tilespmem:s2], [sflag:$0x3], $0xC000, $0x38;
	[tilespmem:$0x18000] =	vst v63  }
0x367: {  	_ =	swait.ge [sflag:s5], $0xC000  }
0x368: {  	[sflag:s5] =	ssyncset.done $0x0  }
0x369: {  	[sflag:s5] =	ssyncadd.s32 $0xFFFF4000  }
0x36a: {  	[tilespmem:s8], [sflag:$0x2] =	stream.linear.gather [hbm4b:s4+s2], $0xC000, $0x38;
	[tilespmem:$0x18000] =	vst v63  }
0x36b: {  	_ =	swait.ge [sflag:s10], $0xC000  }
0x36c: {  	[sflag:s10] =	ssyncset.done $0x0  }
0x36d: {  	[sflag:s10] =	ssyncadd.s32 $0xFFFF4000  }
0x36e: {  	[hbm4b:s3+s2] =	stream.linear.scatter [tilespmem:s8], [sflag:$0x4], $0xC000, $0x38;
	[tilespmem:$0x18000] =	vst v63  }
0x36f: {  	_ =	swait.ge [sflag:s7], $0xC000  }
0x370: {  	[sflag:s7] =	ssyncset.done $0x0  }
0x371: {  	[sflag:s7] =	ssyncadd.s32 $0xFFFF4000  }
0x372: {  	_ =	swait.ge [sflag:s5], $0xC000  }
0x373: {  	[sflag:s5] =	ssyncset.done $0x0  }
0x374: {  	[sflag:s5] =	ssyncadd.s32 $0xFFFF4000  }
0x375: {  	_ =	sfence.sel $0x180000  }
0x376: {  	[bflag:$0x0] =	sbarrier.arrive $0xFFFF  }
0x377: {  	_ =	strace $0x90000047  }
0x378: {  	s31 =	stileid.u32;
	[bflag:$0x2] =	sbarrier.arrive $0xFFFF  }
0x379: {  	p0 =	sne.s32 s31, $0x0;
	s0 =	rddreg [dreg:$0x2]  }
0x37a: {  	s0 =	sadd.s32 @!p0 $0x100000, s0  }
0x37b: {  	[sflag:s0] =	ssyncadd.tile.s32 @!p0 $0x1;
	_ =	shalt  }
.Lfunc_end2:
_tile_overlayer_lowered:
.L_overlay_start_2:
0x37c: {  	(tag) =	ssettag $0x2  }
0x37d: {  	s0 =	rddreg [dreg:$0x0];
	s2 =	stileid.u32  }
0x37e: {  	s1 =	rddreg [dreg:$0x1];
	p0 =	sne.s32 s2, $0x0  }
0x37f: {  	s3 =	rddreg [dreg:$0x2];
	[bflag:$0x3] =	sbarrier.arrive $0xFFFF;
	s2 =	simm.s32 @!p0 $0x1C05  }
0x380: {  	[timem:s3], [sflag:s2] =	dma.local @!p0 [hbm:s0], s1  }
0x381: {  	s0 =	simm.s32 @!p0 $0x5  }
0x382: {  	_ =	swait.ge @!p0 [sflag:s0], s1  }
0x383: {  	s1 =	ssub.s32 @!p0 $0x0, s1;
	[sflag:s0] =	ssyncset.done @!p0 $0x0  }
0x384: {  	[sflag:s0] =	ssyncadd.s32 @!p0 s1  }
0x385: {  	[bflag:$0x3] =	sbarrier.arrive $0xFFFF  }
0x386: {  	_ =	shalt  }

</sc_bundles>
